<compile_context>
chip_gen: v7x
topology: tpu7x:2x2x1
jax: 0.10.2.dev20260603
libtpu: 0.0.44.dev20260713+nightly
codegen_flags: <defaults>
</compile_context>

<pallas_src>
import jax
import jax.numpy as jnp
import numpy as np
from jax import lax

_HI = jax.lax.Precision.HIGHEST
from jax.experimental import pallas as pl
from jax.experimental.pallas import tpu as pltpu
from jax.experimental.pallas import tpu_sc as plsc

N_NODES = 100000
N_EDGES = 6400000
K = 8
NC, NS, L = 2, 16, 16
NPAD = 100352
RPT = NPAD // NS
CHUNK = 128
SB = 8
NSB = N_EDGES // (CHUNK * SB)

DEG_BASE = NSB // NS
DEG_EXTRA = NSB - DEG_BASE * NS

SC_SB = NSB // NC
MAIN_BASE = SC_SB // NS
MAIN_EXTRA = SC_SB - MAIN_BASE * NS


def _mesh():
    return plsc.VectorSubcoreMesh(
        core_axis_name="c", subcore_axis_name="s",
        num_cores=NC, num_subcores=NS)


_SC_PARAMS = pltpu.CompilerParams(needs_layout_passes=False,
                                  use_tc_tiling_on_sc=False)


def _deg_body(e_row, e_col, deg, idxbuf, hist, dsem):
    cid = lax.axis_index("c")
    sid = lax.axis_index("s")
    ones = jnp.full((L,), 1.0, jnp.float32)
    zeros = jnp.zeros((L,), jnp.float32)

    def zbody(i, c):
        hist[pl.ds(i * L, L)] = zeros
        return c
    lax.fori_loop(0, NPAD // L, zbody, 0)

    def accumulate(src):
        base = sid * DEG_BASE + jnp.minimum(sid, DEG_EXTRA)
        cnt = DEG_BASE + jnp.where(sid < DEG_EXTRA, 1, 0)
        pltpu.async_copy(src.at[pl.ds(base * SB, SB)], idxbuf.at[0], dsem)

        def trip(t, c):
            p = t & 1
            pltpu.make_async_copy(src.at[pl.ds(0, SB)], idxbuf.at[p],
                                  dsem).wait()

            @pl.when(t + 1 < cnt)
            def _():
                pltpu.async_copy(src.at[pl.ds((base + t + 1) * SB, SB)],
                                 idxbuf.at[1 - p], dsem)
            for j in range(SB):
                for v in range(CHUNK // L):
                    idx = idxbuf[p, j, pl.ds(v * L, L)]
                    plsc.addupdate_scatter(hist, [idx], ones)
            return c
        lax.fori_loop(0, cnt, trip, 0)

    @pl.when(cid == 0)
    def _():
        accumulate(e_col)

    @pl.when(cid == 1)
    def _():
        accumulate(e_row)

    pltpu.sync_copy(hist, deg.at[pl.ds((cid * NS + sid) * NPAD, NPAD)])


def _deg_call(e_row, e_col):
    return pl.kernel(
        _deg_body,
        out_type=jax.ShapeDtypeStruct((NC * NS * NPAD,), jnp.float32),
        mesh=_mesh(),
        compiler_params=_SC_PARAMS,
        scratch_types=[
            pltpu.VMEM((2, SB, CHUNK), jnp.int32),
            pltpu.VMEM((NPAD,), jnp.float32),
            pltpu.SemaphoreType.DMA,
        ],
    )(e_row, e_col)


RPK = NPAD * K // 128
R128 = NPAD // 128

_REP = np.zeros((128, 1024), np.float32)
for _b in range(128):
    _REP[_b, 8 * _b:8 * _b + 8] = 1.0

_AIL = np.zeros((2, 128, 128), np.float32)
_BIL = np.zeros((2, 128, 128), np.float32)
for _e in range(2):
    for _m in range(8):
        for _j in range(8):
            _AIL[_e, 64 * _e + 8 * _m + _j, 16 * _m + _j] = 1.0
            _BIL[_e, 64 * _e + 8 * _m + _j, 16 * _m + 8 + _j] = 1.0

_BPX = RPK // 8


def _mm_body(x_ref, bdin_ref, bdout_ref, xwin_ref, xwout_ref):
    xr = jnp.maximum(x_ref[...], 0.0)
    xwin_ref[...] = jnp.dot(xr, bdin_ref[...], precision=_HI,
                            preferred_element_type=jnp.float32)
    xwout_ref[...] = jnp.dot(xr, bdout_ref[...], precision=_HI,
                             preferred_element_type=jnp.float32)


def _mm_call(xpk, bd_in, bd_out):
    return pl.pallas_call(
        _mm_body,
        grid=(8,),
        in_specs=[
            pl.BlockSpec((_BPX, 128), lambda i: (i, 0)),
            pl.BlockSpec((128, 128), lambda i: (0, 0)),
            pl.BlockSpec((128, 128), lambda i: (0, 0)),
        ],
        out_specs=(
            pl.BlockSpec((_BPX, 128), lambda i: (i, 0)),
            pl.BlockSpec((_BPX, 128), lambda i: (i, 0)),
        ),
        out_shape=(
            jax.ShapeDtypeStruct((RPK, 128), jnp.float32),
            jax.ShapeDtypeStruct((RPK, 128), jnp.float32),
        ),
    )(xpk, bd_in, bd_out)


_BRD = 112
_GPD = R128 // _BRD
_BPY = _BRD * 8


def _point_body(deg_ref, xwin_ref, xwout_ref, rep_ref,
                yin_ref, yout_ref, dpk_ref):
    deg = jnp.sum(deg_ref[...], axis=1)
    dinv = lax.rsqrt(deg + 1.0)
    rep = rep_ref[...]
    dpk = []
    for d in range(NC):
        e = jnp.dot(dinv[d], rep, precision=_HI,
                    preferred_element_type=jnp.float32)
        dpk.append(e.reshape(_BRD, 8, 128).reshape(_BPY, 128))
    dpk_ref[...] = jnp.stack(dpk, axis=0)
    yin_ref[...] = xwin_ref[...] * dpk[0]
    yout_ref[...] = xwout_ref[...] * dpk[1]


def _point_call(deg4, xwin, xwout):
    rep = jnp.asarray(_REP)
    return pl.pallas_call(
        _point_body,
        grid=(_GPD,),
        in_specs=[
            pl.BlockSpec((NC, NS, _BRD, 128), lambda i: (0, 0, i, 0)),
            pl.BlockSpec((_BPY, 128), lambda i: (i, 0)),
            pl.BlockSpec((_BPY, 128), lambda i: (i, 0)),
            pl.BlockSpec((128, 1024), lambda i: (0, 0)),
        ],
        out_specs=(
            pl.BlockSpec((_BPY, 128), lambda i: (i, 0)),
            pl.BlockSpec((_BPY, 128), lambda i: (i, 0)),
            pl.BlockSpec((NC, _BPY, 128), lambda i: (0, i, 0)),
        ),
        out_shape=(
            jax.ShapeDtypeStruct((RPK, 128), jnp.float32),
            jax.ShapeDtypeStruct((RPK, 128), jnp.float32),
            jax.ShapeDtypeStruct((NC, RPK, 128), jnp.float32),
        ),
    )(deg4, xwin, xwout, rep)


def _main_body(e_row, e_col, e_row1, e_col1, yin, yout, zrows, accs,
               idx_g, idx_s, gbuf, stage, acc, gsem, ssem, lsem):
    cid = lax.axis_index("c")
    sid = lax.axis_index("s")
    myslice = pl.ds(sid * RPT, RPT)

    pltpu.sync_copy(zrows.at[myslice], stage)
    pltpu.sync_copy(stage, acc.at[myslice])
    plsc.subcore_barrier()

    base = sid * DEG_BASE + jnp.minimum(sid, DEG_EXTRA)
    cnt = DEG_BASE + jnp.where(sid < DEG_EXTRA, 1, 0)

    def refill(s, slot, eg, es):
        pltpu.async_copy(eg.at[pl.ds(base + s, 1)], idx_g.at[slot], lsem)
        pltpu.async_copy(es.at[pl.ds((base + s) * SB, SB)], idx_s.at[slot],
                         lsem)

    def run(table, eg, es):
        refill(0, 0, eg, es)

        def trip(s, c):
            p = s & 1
            pltpu.make_async_copy(eg.at[pl.ds(0, 1)], idx_g.at[p],
                                  lsem).wait()
            pltpu.make_async_copy(es.at[pl.ds(0, SB)], idx_s.at[p],
                                  lsem).wait()
            gh = pltpu.async_copy(table.at[idx_g.at[p, 0]], gbuf.at[p],
                                  gsem)

            @pl.when(s + 1 < cnt)
            def _():
                refill(s + 1, 1 - p, eg, es)

            @pl.when(s > 0)
            def _():
                for h in range(SB):
                    pltpu.make_async_copy(zrows.at[pl.ds(0, CHUNK)],
                                          gbuf.at[p, pl.ds(0, CHUNK)],
                                          ssem).wait()
            gh.wait()
            for h in range(SB):
                pltpu.async_copy(gbuf.at[p, pl.ds(h * CHUNK, CHUNK)],
                                 acc.at[idx_s.at[p, h]], ssem, add=True)
            return c
        lax.fori_loop(0, cnt, trip, 0)

        def fdrain(h, c):
            pltpu.make_async_copy(zrows.at[pl.ds(0, CHUNK)],
                                  gbuf.at[0, pl.ds(0, CHUNK)], ssem).wait()
            return c
        lax.fori_loop(0, SB, fdrain, 0)

    @pl.when(cid == 0)
    def _():
        run(yin, e_row1, e_col)

    @pl.when(cid == 1)
    def _():
        run(yout, e_col1, e_row)

    plsc.subcore_barrier()
    pltpu.sync_copy(acc.at[myslice], stage)
    pltpu.sync_copy(stage, accs.at[cid, myslice])


def _main_call(e_row, e_col, e_row1, e_col1, yin, yout, zrows):
    return pl.kernel(
        _main_body,
        out_type=jax.ShapeDtypeStruct((NC, NPAD, K), jnp.float32),
        mesh=_mesh(),
        compiler_params=_SC_PARAMS,
        scratch_types=[
            pltpu.VMEM((2, 1, SB * CHUNK), jnp.int32),
            pltpu.VMEM((2, SB, CHUNK), jnp.int32),
            pltpu.VMEM((2, SB * CHUNK, K), jnp.float32),
            pltpu.VMEM((RPT, K), jnp.float32),
            pltpu.VMEM_SHARED((NPAD, K), jnp.float32),
            pltpu.SemaphoreType.DMA,
            pltpu.SemaphoreType.DMA,
            pltpu.SemaphoreType.DMA,
        ],
    )(e_row, e_col, e_row1, e_col1, yin, yout, zrows)


def _final_body(part_ref, yin_ref, yout_ref, dpk_ref, bin_ref, bout_ref,
                ail_ref, bil_ref, out_ref):
    in_x = dpk_ref[0] * (part_ref[0] + yin_ref[...]) + bin_ref[...]
    out_x = dpk_ref[1] * (part_ref[1] + yout_ref[...]) + bout_ref[...]
    rows = []
    for e in range(2):
        rows.append(
            jnp.dot(in_x, ail_ref[e], precision=_HI,
                    preferred_element_type=jnp.float32)
            + jnp.dot(out_x, bil_ref[e], precision=_HI,
                      preferred_element_type=jnp.float32))
    out_ref[...] = jnp.stack(rows, axis=1).reshape(2 * _BPX, 128)


def _final_call(part, yin, yout, dpk, b_in, b_out):
    bin_t = jnp.tile(b_in, 16).reshape(1, 128)
    bout_t = jnp.tile(b_out, 16).reshape(1, 128)
    return pl.pallas_call(
        _final_body,
        grid=(8,),
        in_specs=[
            pl.BlockSpec((NC, _BPX, 128), lambda i: (0, i, 0)),
            pl.BlockSpec((_BPX, 128), lambda i: (i, 0)),
            pl.BlockSpec((_BPX, 128), lambda i: (i, 0)),
            pl.BlockSpec((NC, _BPX, 128), lambda i: (0, i, 0)),
            pl.BlockSpec((1, 128), lambda i: (0, 0)),
            pl.BlockSpec((1, 128), lambda i: (0, 0)),
            pl.BlockSpec((2, 128, 128), lambda i: (0, 0, 0)),
            pl.BlockSpec((2, 128, 128), lambda i: (0, 0, 0)),
        ],
        out_specs=pl.BlockSpec((2 * _BPX, 128), lambda i: (i, 0)),
        out_shape=jax.ShapeDtypeStruct((2 * RPK, 128), jnp.float32),
    )(part, yin, yout, dpk, bin_t, bout_t,
      jnp.asarray(_AIL), jnp.asarray(_BIL))


def kernel(x, edge_index, W_in, b_in, W_out, b_out):
    e = edge_index.astype(jnp.int32)
    e_row = e[0].reshape(N_EDGES // CHUNK, CHUNK)
    e_col = e[1].reshape(N_EDGES // CHUNK, CHUNK)
    xpk = jnp.pad(x.reshape(N_NODES * K // 128, 128),
                  ((0, RPK - N_NODES * K // 128), (0, 0)))
    eye = jnp.eye(16, dtype=jnp.float32)
    xwin, xwout = _mm_call(xpk, jnp.kron(eye, W_in), jnp.kron(eye, W_out))
    deg4 = _deg_call(e_row, e_col).reshape(NC, NS, R128, 128)
    yin_pk, yout_pk, dpk = _point_call(deg4, xwin, xwout)
    zrows = jnp.zeros((NPAD, K), jnp.float32)
    e2 = jax.lax.optimization_barrier(e)
    e_row1 = e2[0].reshape(NSB, SB * CHUNK)
    e_col1 = e2[1].reshape(NSB, SB * CHUNK)
    part = _main_call(e_row, e_col, e_row1, e_col1,
                      yin_pk.reshape(NPAD, K), yout_pk.reshape(NPAD, K),
                      zrows)
    out_pk = _final_call(part.reshape(NC, RPK, 128), yin_pk, yout_pk, dpk,
                         b_in, b_out)
    return out_pk.reshape(NPAD, 2 * K)[:N_NODES]

# --- scband reference (transcript-rebuilt; emitter-appended) ---
"""Pipeline reference for scband-conv-layer-43774306680963 (READ-ONLY COPY).

The authoritative reference and input builder live on the scoring server;
editing this copy changes nothing except your own understanding.
"""

import jax, jax.numpy as jnp
import numpy as np

K = 8
N_NODES = 100000
N_EDGES = 6400000


def _gcn_conv(x, edge_index, W, b, flow_source_to_target):
    # Faithful port of torch_geometric.nn.GCNConv with add_self_loops=True,
    # normalize=True, improved=False, edge_weight=None.
    N = x.shape[0]
    loop = jnp.arange(N, dtype=edge_index.dtype)
    row = jnp.concatenate([edge_index[0], loop])
    col = jnp.concatenate([edge_index[1], loop])
    ew = jnp.ones(row.shape[0], dtype=x.dtype)
    # gcn_norm: degree computed on the aggregation index
    idx = col if flow_source_to_target else row
    deg = jnp.zeros(N, dtype=x.dtype).at[idx].add(ew)
    deg_inv_sqrt = jnp.where(deg > 0, 1.0 / jnp.sqrt(deg), 0.0)
    norm = deg_inv_sqrt[row] * deg_inv_sqrt[col]
    xw = x @ W
    if flow_source_to_target:
        # messages flow source (row) -> target (col); aggregate at col
        msgs = norm[:, None] * jnp.take(xw, row, axis=0)
        out = jnp.zeros((N, W.shape[1]), dtype=x.dtype).at[col].add(msgs)
    else:
        # flow='target_to_source': aggregate at row from col
        msgs = norm[:, None] * jnp.take(xw, col, axis=0)
        out = jnp.zeros((N, W.shape[1]), dtype=x.dtype).at[row].add(msgs)
    return out + b


def setup_inputs(seed: int = 0) -> dict:
    key = jax.random.key(seed)
    k1, k2, k3, k4 = jax.random.split(key, 4)
    x = jax.random.normal(k1, (N_NODES, K), dtype=jnp.float32)
    edge_index = jax.random.randint(k2, (2, N_EDGES), 0, N_NODES, dtype=jnp.int64)
    # GCNConv weights: W [in, out] (glorot), bias [out] (zeros in PyG; use small random)
    scale = float(np.sqrt(6.0 / (K + K)))
    W_in = jax.random.uniform(k3, (K, K), dtype=jnp.float32, minval=-scale, maxval=scale)
    W_out = jax.random.uniform(k4, (K, K), dtype=jnp.float32, minval=-scale, maxval=scale)
    b_in = jnp.zeros((K,), dtype=jnp.float32)
    b_out = jnp.zeros((K,), dtype=jnp.float32)
    return {"x": x, "edge_index": edge_index, "W_in": W_in, "b_in": b_in, "W_out": W_out, "b_out": b_out}


def reference(x, edge_index, W_in, b_in, W_out, b_out):
    x = jax.nn.relu(x)
    in_x = _gcn_conv(x, edge_index, W_in, b_in, flow_source_to_target=True)
    out_x = _gcn_conv(x, edge_index, W_out, b_out, flow_source_to_target=False)
    return jnp.concatenate((in_x, out_x), axis=1)

if __name__ == "__main__":
    import jax
    _d = setup_inputs()
    print(jax.jit(kernel)(*tuple(_d.values())))

</pallas_src>

<mosaic_0001>
#map = affine_map<(d0, d1) -> (0, 0)>
#map1 = affine_map<(d0, d1) -> (0)>
module attributes {stable_mosaic.version = 14 : i64} {
  func.func @_deg_body(%arg0: i32, %arg1: i32, %arg2: memref<50000x128xi32, #tpu.memory_space<hbm>>, %arg3: memref<50000x128xi32, #tpu.memory_space<hbm>>, %arg4: memref<3211264xf32, #tpu.memory_space<hbm>>, %arg5: memref<2x8x128xi32, #tpu.memory_space<vmem>>, %arg6: memref<100352xf32, #tpu.memory_space<vmem>>, %arg7: memref<!tpu.dma_semaphore, #tpu.memory_space<semaphore_mem>>) attributes {dimension_semantics = [#tpu.dimension_semantics<core_parallel>, #tpu.dimension_semantics<subcore_parallel>], iteration_bounds = array<i64: 2, 16>, scalar_prefetch = 0 : i64, scratch_operands = 3 : i64, tpu.core_type = #tpu.core_type<sc_vector_subcore>, window_params = [{transform_indices = #map}, {transform_indices = #map}, {transform_indices = #map1}]} {
    %broadcast_in_dim3A = arith.constant 1.000000e+00 : f32
    %broadcast_in_dim3A_0 = vector.broadcast %broadcast_in_dim3A : f32 to vector<16xf32>
    %broadcast_in_dim3A_1 = arith.constant 0.000000e+00 : f32
    %broadcast_in_dim3A_2 = vector.broadcast %broadcast_in_dim3A_1 : f32 to vector<16xf32>
    %scan3A = arith.constant 0 : i32
    %scan3A_3 = arith.constant 0 : i32
    %scan3A_4 = arith.constant 6272 : i32
    %scan3A_5 = arith.addi %scan3A_3, %scan3A_4 : i32
    %scan3A_6 = arith.constant 1 : i32
    scf.for %scan3A_18 = %scan3A_3 to %scan3A_5 step %scan3A_6  : i32 {
      %mul3A_19 = arith.constant 16 : i32
      %mul3A_20 = arith.muli %scan3A_18, %mul3A_19 : i32
      %swap3A = arith.index_cast %mul3A_20 : i32 to index
      %swap3A_21 = tpu.vector_load %arg6[%swap3A] {strides = array<i32>} : memref<100352xf32, #tpu.memory_space<vmem>>, vector<16xf32>,
      tpu.vector_store %arg6[%swap3A], %broadcast_in_dim3A_2 {strides = array<i32>} : memref<100352xf32, #tpu.memory_space<vmem>>, vector<16xf32>,
    }
    %scan3A_7 = arith.constant 6272 : i32
    %eq3A = arith.constant 0 : i32
    %eq3A_8 = arith.cmpi eq, %arg0, %eq3A : i32
    %convert_element_type3A = arith.extui %eq3A_8 : i1 to i32
    %cond3A = arith.constant 0 : i32
    %cond3A_9 = arith.cmpi ne, %convert_element_type3A, %cond3A : i32
    scf.if %cond3A_9 {
      %mul3A_18 = arith.constant 390 : i32
      %mul3A_19 = arith.muli %arg1, %mul3A_18 : i32
      %min3A = arith.constant 10 : i32
      %min3A_20 = arith.minsi %arg1, %min3A : i32
      %add3A_21 = arith.addi %mul3A_19, %min3A_20 : i32
      %lt3A = arith.constant 10 : i32
      %lt3A_22 = arith.cmpi slt, %arg1, %lt3A : i32
      %jit3A = arith.constant 1 : i32
      %jit3A_23 = arith.constant 0 : i32
      %select_n3A = arith.select %lt3A_22, %jit3A, %jit3A_23 : i32
      %add3A_24 = arith.constant 390 : i32
      %add3A_25 = arith.addi %add3A_24, %select_n3A : i32
      %mul3A_26 = arith.constant 8 : i32
      %mul3A_27 = arith.muli %add3A_21, %mul3A_26 : i32
      %dma_start3A = arith.constant 0 : i32
      %dma_start3A_28 = arith.constant 0 : i32
      %dma_start3A_29 = arith.constant 0 : i32
      %dma_start3A_30 = tpu.memref_slice %arg5[%dma_start3A, %dma_start3A_28, %dma_start3A_29] : memref<2x8x128xi32, #tpu.memory_space<vmem>> -> memref<1x8x128xi32, #tpu.memory_space<vmem>>
      %dma_start3A_31 = tpu.memref_squeeze %dma_start3A_30 : memref<1x8x128xi32, #tpu.memory_space<vmem>> -> memref<8x128xi32, #tpu.memory_space<vmem>>
      %dma_start3A_32 = arith.constant 0 : i32
      %dma_start3A_33 = tpu.memref_slice %arg3[%mul3A_27, %dma_start3A_32] : memref<50000x128xi32, #tpu.memory_space<hbm>> -> memref<8x128xi32, #tpu.memory_space<hbm>>
      %dma_start3A_34 = arith.constant 0 : i32
      %dma_start3A_35 = arith.constant 0 : i32
      %dma_start3A_36 = tpu.memref_slice %arg5[%dma_start3A, %dma_start3A_34, %dma_start3A_35] : memref<2x8x128xi32, #tpu.memory_space<vmem>> -> memref<1x8x128xi32, #tpu.memory_space<vmem>>
      %dma_start3A_37 = tpu.memref_squeeze %dma_start3A_36 : memref<1x8x128xi32, #tpu.memory_space<vmem>> -> memref<8x128xi32, #tpu.memory_space<vmem>>
      %dma_start3A_38 = arith.constant 0 : i32
      %dma_start3A_39 = tpu.memref_slice %arg3[%mul3A_27, %dma_start3A_38] : memref<50000x128xi32, #tpu.memory_space<hbm>> -> memref<8x128xi32, #tpu.memory_space<hbm>>
      tpu.enqueue_dma source(%dma_start3A_39 : memref<8x128xi32, #tpu.memory_space<hbm>>) target(%dma_start3A_37 : memref<8x128xi32, #tpu.memory_space<vmem>>) target_semaphore(%arg7 : memref<!tpu.dma_semaphore, #tpu.memory_space<semaphore_mem>>)
      %while3A = arith.constant 0 : i32
      %while3A_40 = arith.constant 0 : i32
      %while3A_41 = arith.subi %add3A_25, %while3A_40 : i32
      %while3A_42 = arith.addi %while3A_40, %while3A_41 : i32
      %while3A_43 = arith.constant 1 : i32
      %while3A_44 = arith.divsi %while3A_41, %while3A_43 : i32
      %while3A_45 = arith.muli %while3A_44, %while3A_43 : i32
      %while3A_46 = arith.addi %while3A_40, %while3A_45 : i32
      %while3A_47 = arith.constant 1 : i32
      scf.for %while3A_49 = %while3A_40 to %while3A_46 step %while3A_47  : i32 {
        %and3A = arith.constant 1 : i32
        %and3A_50 = arith.andi %while3A_49, %and3A : i32
        %dma_wait3A = arith.constant 0 : i32
        %dma_wait3A_51 = arith.constant 0 : i32
        %dma_wait3A_52 = tpu.memref_slice %arg5[%and3A_50, %dma_wait3A, %dma_wait3A_51] : memref<2x8x128xi32, #tpu.memory_space<vmem>> -> memref<1x8x128xi32, #tpu.memory_space<vmem>>
        %dma_wait3A_53 = tpu.memref_squeeze %dma_wait3A_52 : memref<1x8x128xi32, #tpu.memory_space<vmem>> -> memref<8x128xi32, #tpu.memory_space<vmem>>
        %dma_wait3A_54 = arith.constant 0 : i32
        %dma_wait3A_55 = arith.constant 0 : i32
        %dma_wait3A_56 = tpu.memref_slice %arg3[%dma_wait3A_54, %dma_wait3A_55] : memref<50000x128xi32, #tpu.memory_space<hbm>> -> memref<8x128xi32, #tpu.memory_space<hbm>>
        %dma_wait3A_57 = arith.constant 0 : i32
        %dma_wait3A_58 = arith.constant 0 : i32
        %dma_wait3A_59 = tpu.memref_slice %arg5[%and3A_50, %dma_wait3A_57, %dma_wait3A_58] : memref<2x8x128xi32, #tpu.memory_space<vmem>> -> memref<1x8x128xi32, #tpu.memory_space<vmem>>
        %dma_wait3A_60 = tpu.memref_squeeze %dma_wait3A_59 : memref<1x8x128xi32, #tpu.memory_space<vmem>> -> memref<8x128xi32, #tpu.memory_space<vmem>>
        %dma_wait3A_61 = arith.constant 0 : i32
        %dma_wait3A_62 = arith.constant 0 : i32
        %dma_wait3A_63 = tpu.memref_slice %arg3[%dma_wait3A_61, %dma_wait3A_62] : memref<50000x128xi32, #tpu.memory_space<hbm>> -> memref<8x128xi32, #tpu.memory_space<hbm>>
        tpu.wait_dma2 semaphore(%arg7 : memref<!tpu.dma_semaphore, #tpu.memory_space<semaphore_mem>>) src(%dma_wait3A_63 : memref<8x128xi32, #tpu.memory_space<hbm>>) dst(%dma_wait3A_60 : memref<8x128xi32, #tpu.memory_space<vmem>>)
        %add3A_64 = arith.constant 1 : i32
        %add3A_65 = arith.addi %while3A_49, %add3A_64 : i32
        %lt3A_66 = arith.cmpi slt, %add3A_65, %add3A_25 : i32
        %convert_element_type3A_67 = arith.extui %lt3A_66 : i1 to i32
        %cond3A_68 = arith.constant 0 : i32
        %cond3A_69 = arith.cmpi ne, %convert_element_type3A_67, %cond3A_68 : i32
        scf.if %cond3A_69 {
          %add3A_389 = arith.addi %add3A_21, %while3A_49 : i32
          %add3A_390 = arith.constant 1 : i32
          %add3A_391 = arith.addi %add3A_389, %add3A_390 : i32
          %mul3A_392 = arith.constant 8 : i32
          %mul3A_393 = arith.muli %add3A_391, %mul3A_392 : i32
          %sub3A = arith.constant 1 : i32
          %sub3A_394 = arith.subi %sub3A, %and3A_50 : i32
          %dma_start3A_395 = arith.constant 0 : i32
          %dma_start3A_396 = arith.constant 0 : i32
          %dma_start3A_397 = tpu.memref_slice %arg5[%sub3A_394, %dma_start3A_395, %dma_start3A_396] : memref<2x8x128xi32, #tpu.memory_space<vmem>> -> memref<1x8x128xi32, #tpu.memory_space<vmem>>
          %dma_start3A_398 = tpu.memref_squeeze %dma_start3A_397 : memref<1x8x128xi32, #tpu.memory_space<vmem>> -> memref<8x128xi32, #tpu.memory_space<vmem>>
          %dma_start3A_399 = arith.constant 0 : i32
          %dma_start3A_400 = tpu.memref_slice %arg3[%mul3A_393, %dma_start3A_399] : memref<50000x128xi32, #tpu.memory_space<hbm>> -> memref<8x128xi32, #tpu.memory_space<hbm>>
          %dma_start3A_401 = arith.constant 0 : i32
          %dma_start3A_402 = arith.constant 0 : i32
          %dma_start3A_403 = tpu.memref_slice %arg5[%sub3A_394, %dma_start3A_401, %dma_start3A_402] : memref<2x8x128xi32, #tpu.memory_space<vmem>> -> memref<1x8x128xi32, #tpu.memory_space<vmem>>
          %dma_start3A_404 = tpu.memref_squeeze %dma_start3A_403 : memref<1x8x128xi32, #tpu.memory_space<vmem>> -> memref<8x128xi32, #tpu.memory_space<vmem>>
          %dma_start3A_405 = arith.constant 0 : i32
          %dma_start3A_406 = tpu.memref_slice %arg3[%mul3A_393, %dma_start3A_405] : memref<50000x128xi32, #tpu.memory_space<hbm>> -> memref<8x128xi32, #tpu.memory_space<hbm>>
          tpu.enqueue_dma source(%dma_start3A_406 : memref<8x128xi32, #tpu.memory_space<hbm>>) target(%dma_start3A_404 : memref<8x128xi32, #tpu.memory_space<vmem>>) target_semaphore(%arg7 : memref<!tpu.dma_semaphore, #tpu.memory_space<semaphore_mem>>)
        } else {
        }
        %get3A = arith.constant 0 : i32
        %get3A_70 = arith.index_cast %and3A_50 : i32 to index
        %get3A_71 = arith.index_cast %get3A : i32 to index
        %get3A_72 = arith.constant 0 : index
        %get3A_73 = tpu.vector_load %arg5[%get3A_70, %get3A_71, %get3A_72] {strides = array<i32>} : memref<2x8x128xi32, #tpu.memory_space<vmem>>, vector<16xi32>,
        tpu.vector_store_idx %arg6[%get3A_73], %broadcast_in_dim3A_0 {add = true} : memref<100352xf32, #tpu.memory_space<vmem>>[vector<16xi32>], vector<16xf32>,
        %get3A_74 = arith.constant 0 : i32
        %get3A_75 = arith.index_cast %and3A_50 : i32 to index
        %get3A_76 = arith.index_cast %get3A_74 : i32 to index
        %get3A_77 = arith.constant 16 : index
        %get3A_78 = tpu.vector_load %arg5[%get3A_75, %get3A_76, %get3A_77] {strides = array<i32>} : memref<2x8x128xi32, #tpu.memory_space<vmem>>, vector<16xi32>,
        tpu.vector_store_idx %arg6[%get3A_78], %broadcast_in_dim3A_0 {add = true} : memref<100352xf32, #tpu.memory_space<vmem>>[vector<16xi32>], vector<16xf32>,
        %get3A_79 = arith.constant 0 : i32
        %get3A_80 = arith.index_cast %and3A_50 : i32 to index
        %get3A_81 = arith.index_cast %get3A_79 : i32 to index
        %get3A_82 = arith.constant 32 : index
        %get3A_83 = tpu.vector_load %arg5[%get3A_80, %get3A_81, %get3A_82] {strides = array<i32>} : memref<2x8x128xi32, #tpu.memory_space<vmem>>, vector<16xi32>,
        tpu.vector_store_idx %arg6[%get3A_83], %broadcast_in_dim3A_0 {add = true} : memref<100352xf32, #tpu.memory_space<vmem>>[vector<16xi32>], vector<16xf32>,
        %get3A_84 = arith.constant 0 : i32
        %get3A_85 = arith.index_cast %and3A_50 : i32 to index
        %get3A_86 = arith.index_cast %get3A_84 : i32 to index
        %get3A_87 = arith.constant 48 : index
        %get3A_88 = tpu.vector_load %arg5[%get3A_85, %get3A_86, %get3A_87] {strides = array<i32>} : memref<2x8x128xi32, #tpu.memory_space<vmem>>, vector<16xi32>,
        tpu.vector_store_idx %arg6[%get3A_88], %broadcast_in_dim3A_0 {add = true} : memref<100352xf32, #tpu.memory_space<vmem>>[vector<16xi32>], vector<16xf32>,
        %get3A_89 = arith.constant 0 : i32
        %get3A_90 = arith.index_cast %and3A_50 : i32 to index
        %get3A_91 = arith.index_cast %get3A_89 : i32 to index
        %get3A_92 = arith.constant 64 : index
        %get3A_93 = tpu.vector_load %arg5[%get3A_90, %get3A_91, %get3A_92] {strides = array<i32>} : memref<2x8x128xi32, #tpu.memory_space<vmem>>, vector<16xi32>,
        tpu.vector_store_idx %arg6[%get3A_93], %broadcast_in_dim3A_0 {add = true} : memref<100352xf32, #tpu.memory_space<vmem>>[vector<16xi32>], vector<16xf32>,
        %get3A_94 = arith.constant 0 : i32
        %get3A_95 = arith.index_cast %and3A_50 : i32 to index
        %get3A_96 = arith.index_cast %get3A_94 : i32 to index
        %get3A_97 = arith.constant 80 : index
        %get3A_98 = tpu.vector_load %arg5[%get3A_95, %get3A_96, %get3A_97] {strides = array<i32>} : memref<2x8x128xi32, #tpu.memory_space<vmem>>, vector<16xi32>,
        tpu.vector_store_idx %arg6[%get3A_98], %broadcast_in_dim3A_0 {add = true} : memref<100352xf32, #tpu.memory_space<vmem>>[vector<16xi32>], vector<16xf32>,
        %get3A_99 = arith.constant 0 : i32
        %get3A_100 = arith.index_cast %and3A_50 : i32 to index
        %get3A_101 = arith.index_cast %get3A_99 : i32 to index
        %get3A_102 = arith.constant 96 : index
        %get3A_103 = tpu.vector_load %arg5[%get3A_100, %get3A_101, %get3A_102] {strides = array<i32>} : memref<2x8x128xi32, #tpu.memory_space<vmem>>, vector<16xi32>,
        tpu.vector_store_idx %arg6[%get3A_103], %broadcast_in_dim3A_0 {add = true} : memref<100352xf32, #tpu.memory_space<vmem>>[vector<16xi32>], vector<16xf32>,
        %get3A_104 = arith.constant 0 : i32
        %get3A_105 = arith.index_cast %and3A_50 : i32 to index
        %get3A_106 = arith.index_cast %get3A_104 : i32 to index
        %get3A_107 = arith.constant 112 : index
        %get3A_108 = tpu.vector_load %arg5[%get3A_105, %get3A_106, %get3A_107] {strides = array<i32>} : memref<2x8x128xi32, #tpu.memory_space<vmem>>, vector<16xi32>,
        tpu.vector_store_idx %arg6[%get3A_108], %broadcast_in_dim3A_0 {add = true} : memref<100352xf32, #tpu.memory_space<vmem>>[vector<16xi32>], vector<16xf32>,
        %get3A_109 = arith.constant 1 : i32
        %get3A_110 = arith.index_cast %and3A_50 : i32 to index
        %get3A_111 = arith.index_cast %get3A_109 : i32 to index
        %get3A_112 = arith.constant 0 : index
        %get3A_113 = tpu.vector_load %arg5[%get3A_110, %get3A_111, %get3A_112] {strides = array<i32>} : memref<2x8x128xi32, #tpu.memory_space<vmem>>, vector<16xi32>,
        tpu.vector_store_idx %arg6[%get3A_113], %broadcast_in_dim3A_0 {add = true} : memref<100352xf32, #tpu.memory_space<vmem>>[vector<16xi32>], vector<16xf32>,
        %get3A_114 = arith.constant 1 : i32
        %get3A_115 = arith.index_cast %and3A_50 : i32 to index
        %get3A_116 = arith.index_cast %get3A_114 : i32 to index
        %get3A_117 = arith.constant 16 : index
        %get3A_118 = tpu.vector_load %arg5[%get3A_115, %get3A_116, %get3A_117] {strides = array<i32>} : memref<2x8x128xi32, #tpu.memory_space<vmem>>, vector<16xi32>,
        tpu.vector_store_idx %arg6[%get3A_118], %broadcast_in_dim3A_0 {add = true} : memref<100352xf32, #tpu.memory_space<vmem>>[vector<16xi32>], vector<16xf32>,
        %get3A_119 = arith.constant 1 : i32
        %get3A_120 = arith.index_cast %and3A_50 : i32 to index
        %get3A_121 = arith.index_cast %get3A_119 : i32 to index
        %get3A_122 = arith.constant 32 : index
        %get3A_123 = tpu.vector_load %arg5[%get3A_120, %get3A_121, %get3A_122] {strides = array<i32>} : memref<2x8x128xi32, #tpu.memory_space<vmem>>, vector<16xi32>,
        tpu.vector_store_idx %arg6[%get3A_123], %broadcast_in_dim3A_0 {add = true} : memref<100352xf32, #tpu.memory_space<vmem>>[vector<16xi32>], vector<16xf32>,
        %get3A_124 = arith.constant 1 : i32
        %get3A_125 = arith.index_cast %and3A_50 : i32 to index
        %get3A_126 = arith.index_cast %get3A_124 : i32 to index
        %get3A_127 = arith.constant 48 : index
        %get3A_128 = tpu.vector_load %arg5[%get3A_125, %get3A_126, %get3A_127] {strides = array<i32>} : memref<2x8x128xi32, #tpu.memory_space<vmem>>, vector<16xi32>,
        tpu.vector_store_idx %arg6[%get3A_128], %broadcast_in_dim3A_0 {add = true} : memref<100352xf32, #tpu.memory_space<vmem>>[vector<16xi32>], vector<16xf32>,
        %get3A_129 = arith.constant 1 : i32
        %get3A_130 = arith.index_cast %and3A_50 : i32 to index
        %get3A_131 = arith.index_cast %get3A_129 : i32 to index
        %get3A_132 = arith.constant 64 : index
        %get3A_133 = tpu.vector_load %arg5[%get3A_130, %get3A_131, %get3A_132] {strides = array<i32>} : memref<2x8x128xi32, #tpu.memory_space<vmem>>, vector<16xi32>,
        tpu.vector_store_idx %arg6[%get3A_133], %broadcast_in_dim3A_0 {add = true} : memref<100352xf32, #tpu.memory_space<vmem>>[vector<16xi32>], vector<16xf32>,
        %get3A_134 = arith.constant 1 : i32
        %get3A_135 = arith.index_cast %and3A_50 : i32 to index
        %get3A_136 = arith.index_cast %get3A_134 : i32 to index
        %get3A_137 = arith.constant 80 : index
        %get3A_138 = tpu.vector_load %arg5[%get3A_135, %get3A_136, %get3A_137] {strides = array<i32>} : memref<2x8x128xi32, #tpu.memory_space<vmem>>, vector<16xi32>,
        tpu.vector_store_idx %arg6[%get3A_138], %broadcast_in_dim3A_0 {add = true} : memref<100352xf32, #tpu.memory_space<vmem>>[vector<16xi32>], vector<16xf32>,
        %get3A_139 = arith.constant 1 : i32
        %get3A_140 = arith.index_cast %and3A_50 : i32 to index
        %get3A_141 = arith.index_cast %get3A_139 : i32 to index
        %get3A_142 = arith.constant 96 : index
        %get3A_143 = tpu.vector_load %arg5[%get3A_140, %get3A_141, %get3A_142] {strides = array<i32>} : memref<2x8x128xi32, #tpu.memory_space<vmem>>, vector<16xi32>,
        tpu.vector_store_idx %arg6[%get3A_143], %broadcast_in_dim3A_0 {add = true} : memref<100352xf32, #tpu.memory_space<vmem>>[vector<16xi32>], vector<16xf32>,
        %get3A_144 = arith.constant 1 : i32
        %get3A_145 = arith.index_cast %and3A_50 : i32 to index
        %get3A_146 = arith.index_cast %get3A_144 : i32 to index
        %get3A_147 = arith.constant 112 : index
        %get3A_148 = tpu.vector_load %arg5[%get3A_145, %get3A_146, %get3A_147] {strides = array<i32>} : memref<2x8x128xi32, #tpu.memory_space<vmem>>, vector<16xi32>,
        tpu.vector_store_idx %arg6[%get3A_148], %broadcast_in_dim3A_0 {add = true} : memref<100352xf32, #tpu.memory_space<vmem>>[vector<16xi32>], vector<16xf32>,
        %get3A_149 = arith.constant 2 : i32
        %get3A_150 = arith.index_cast %and3A_50 : i32 to index
        %get3A_151 = arith.index_cast %get3A_149 : i32 to index
        %get3A_152 = arith.constant 0 : index
        %get3A_153 = tpu.vector_load %arg5[%get3A_150, %get3A_151, %get3A_152] {strides = array<i32>} : memref<2x8x128xi32, #tpu.memory_space<vmem>>, vector<16xi32>,
        tpu.vector_store_idx %arg6[%get3A_153], %broadcast_in_dim3A_0 {add = true} : memref<100352xf32, #tpu.memory_space<vmem>>[vector<16xi32>], vector<16xf32>,
        %get3A_154 = arith.constant 2 : i32
        %get3A_155 = arith.index_cast %and3A_50 : i32 to index
        %get3A_156 = arith.index_cast %get3A_154 : i32 to index
        %get3A_157 = arith.constant 16 : index
        %get3A_158 = tpu.vector_load %arg5[%get3A_155, %get3A_156, %get3A_157] {strides = array<i32>} : memref<2x8x128xi32, #tpu.memory_space<vmem>>, vector<16xi32>,
        tpu.vector_store_idx %arg6[%get3A_158], %broadcast_in_dim3A_0 {add = true} : memref<100352xf32, #tpu.memory_space<vmem>>[vector<16xi32>], vector<16xf32>,
        %get3A_159 = arith.constant 2 : i32
        %get3A_160 = arith.index_cast %and3A_50 : i32 to index
        %get3A_161 = arith.index_cast %get3A_159 : i32 to index
        %get3A_162 = arith.constant 32 : index
        %get3A_163 = tpu.vector_load %arg5[%get3A_160, %get3A_161, %get3A_162] {strides = array<i32>} : memref<2x8x128xi32, #tpu.memory_space<vmem>>, vector<16xi32>,
        tpu.vector_store_idx %arg6[%get3A_163], %broadcast_in_dim3A_0 {add = true} : memref<100352xf32, #tpu.memory_space<vmem>>[vector<16xi32>], vector<16xf32>,
        %get3A_164 = arith.constant 2 : i32
        %get3A_165 = arith.index_cast %and3A_50 : i32 to index
        %get3A_166 = arith.index_cast %get3A_164 : i32 to index
        %get3A_167 = arith.constant 48 : index
        %get3A_168 = tpu.vector_load %arg5[%get3A_165, %get3A_166, %get3A_167] {strides = array<i32>} : memref<2x8x128xi32, #tpu.memory_space<vmem>>, vector<16xi32>,
        tpu.vector_store_idx %arg6[%get3A_168], %broadcast_in_dim3A_0 {add = true} : memref<100352xf32, #tpu.memory_space<vmem>>[vector<16xi32>], vector<16xf32>,
        %get3A_169 = arith.constant 2 : i32
        %get3A_170 = arith.index_cast %and3A_50 : i32 to index
        %get3A_171 = arith.index_cast %get3A_169 : i32 to index
        %get3A_172 = arith.constant 64 : index
        %get3A_173 = tpu.vector_load %arg5[%get3A_170, %get3A_171, %get3A_172] {strides = array<i32>} : memref<2x8x128xi32, #tpu.memory_space<vmem>>, vector<16xi32>,
        tpu.vector_store_idx %arg6[%get3A_173], %broadcast_in_dim3A_0 {add = true} : memref<100352xf32, #tpu.memory_space<vmem>>[vector<16xi32>], vector<16xf32>,
        %get3A_174 = arith.constant 2 : i32
        %get3A_175 = arith.index_cast %and3A_50 : i32 to index
        %get3A_176 = arith.index_cast %get3A_174 : i32 to index
        %get3A_177 = arith.constant 80 : index
        %get3A_178 = tpu.vector_load %arg5[%get3A_175, %get3A_176, %get3A_177] {strides = array<i32>} : memref<2x8x128xi32, #tpu.memory_space<vmem>>, vector<16xi32>,
        tpu.vector_store_idx %arg6[%get3A_178], %broadcast_in_dim3A_0 {add = true} : memref<100352xf32, #tpu.memory_space<vmem>>[vector<16xi32>], vector<16xf32>,
        %get3A_179 = arith.constant 2 : i32
        %get3A_180 = arith.index_cast %and3A_50 : i32 to index
        %get3A_181 = arith.index_cast %get3A_179 : i32 to index
        %get3A_182 = arith.constant 96 : index
        %get3A_183 = tpu.vector_load %arg5[%get3A_180, %get3A_181, %get3A_182] {strides = array<i32>} : memref<2x8x128xi32, #tpu.memory_space<vmem>>, vector<16xi32>,
        tpu.vector_store_idx %arg6[%get3A_183], %broadcast_in_dim3A_0 {add = true} : memref<100352xf32, #tpu.memory_space<vmem>>[vector<16xi32>], vector<16xf32>,
        %get3A_184 = arith.constant 2 : i32
        %get3A_185 = arith.index_cast %and3A_50 : i32 to index
        %get3A_186 = arith.index_cast %get3A_184 : i32 to index
        %get3A_187 = arith.constant 112 : index
        %get3A_188 = tpu.vector_load %arg5[%get3A_185, %get3A_186, %get3A_187] {strides = array<i32>} : memref<2x8x128xi32, #tpu.memory_space<vmem>>, vector<16xi32>,
        tpu.vector_store_idx %arg6[%get3A_188], %broadcast_in_dim3A_0 {add = true} : memref<100352xf32, #tpu.memory_space<vmem>>[vector<16xi32>], vector<16xf32>,
        %get3A_189 = arith.constant 3 : i32
        %get3A_190 = arith.index_cast %and3A_50 : i32 to index
        %get3A_191 = arith.index_cast %get3A_189 : i32 to index
        %get3A_192 = arith.constant 0 : index
        %get3A_193 = tpu.vector_load %arg5[%get3A_190, %get3A_191, %get3A_192] {strides = array<i32>} : memref<2x8x128xi32, #tpu.memory_space<vmem>>, vector<16xi32>,
        tpu.vector_store_idx %arg6[%get3A_193], %broadcast_in_dim3A_0 {add = true} : memref<100352xf32, #tpu.memory_space<vmem>>[vector<16xi32>], vector<16xf32>,
        %get3A_194 = arith.constant 3 : i32
        %get3A_195 = arith.index_cast %and3A_50 : i32 to index
        %get3A_196 = arith.index_cast %get3A_194 : i32 to index
        %get3A_197 = arith.constant 16 : index
        %get3A_198 = tpu.vector_load %arg5[%get3A_195, %get3A_196, %get3A_197] {strides = array<i32>} : memref<2x8x128xi32, #tpu.memory_space<vmem>>, vector<16xi32>,
        tpu.vector_store_idx %arg6[%get3A_198], %broadcast_in_dim3A_0 {add = true} : memref<100352xf32, #tpu.memory_space<vmem>>[vector<16xi32>], vector<16xf32>,
        %get3A_199 = arith.constant 3 : i32
        %get3A_200 = arith.index_cast %and3A_50 : i32 to index
        %get3A_201 = arith.index_cast %get3A_199 : i32 to index
        %get3A_202 = arith.constant 32 : index
        %get3A_203 = tpu.vector_load %arg5[%get3A_200, %get3A_201, %get3A_202] {strides = array<i32>} : memref<2x8x128xi32, #tpu.memory_space<vmem>>, vector<16xi32>,
        tpu.vector_store_idx %arg6[%get3A_203], %broadcast_in_dim3A_0 {add = true} : memref<100352xf32, #tpu.memory_space<vmem>>[vector<16xi32>], vector<16xf32>,
        %get3A_204 = arith.constant 3 : i32
        %get3A_205 = arith.index_cast %and3A_50 : i32 to index
        %get3A_206 = arith.index_cast %get3A_204 : i32 to index
        %get3A_207 = arith.constant 48 : index
        %get3A_208 = tpu.vector_load %arg5[%get3A_205, %get3A_206, %get3A_207] {strides = array<i32>} : memref<2x8x128xi32, #tpu.memory_space<vmem>>, vector<16xi32>,
        tpu.vector_store_idx %arg6[%get3A_208], %broadcast_in_dim3A_0 {add = true} : memref<100352xf32, #tpu.memory_space<vmem>>[vector<16xi32>], vector<16xf32>,
        %get3A_209 = arith.constant 3 : i32
        %get3A_210 = arith.index_cast %and3A_50 : i32 to index
        %get3A_211 = arith.index_cast %get3A_209 : i32 to index
        %get3A_212 = arith.constant 64 : index
        %get3A_213 = tpu.vector_load %arg5[%get3A_210, %get3A_211, %get3A_212] {strides = array<i32>} : memref<2x8x128xi32, #tpu.memory_space<vmem>>, vector<16xi32>,
        tpu.vector_store_idx %arg6[%get3A_213], %broadcast_in_dim3A_0 {add = true} : memref<100352xf32, #tpu.memory_space<vmem>>[vector<16xi32>], vector<16xf32>,
        %get3A_214 = arith.constant 3 : i32
        %get3A_215 = arith.index_cast %and3A_50 : i32 to index
        %get3A_216 = arith.index_cast %get3A_214 : i32 to index
        %get3A_217 = arith.constant 80 : index
        %get3A_218 = tpu.vector_load %arg5[%get3A_215, %get3A_216, %get3A_217] {strides = array<i32>} : memref<2x8x128xi32, #tpu.memory_space<vmem>>, vector<16xi32>,
        tpu.vector_store_idx %arg6[%get3A_218], %broadcast_in_dim3A_0 {add = true} : memref<100352xf32, #tpu.memory_space<vmem>>[vector<16xi32>], vector<16xf32>,
        %get3A_219 = arith.constant 3 : i32
        %get3A_220 = arith.index_cast %and3A_50 : i32 to index
        %get3A_221 = arith.index_cast %get3A_219 : i32 to index
        %get3A_222 = arith.constant 96 : index
        %get3A_223 = tpu.vector_load %arg5[%get3A_220, %get3A_221, %get3A_222] {strides = array<i32>} : memref<2x8x128xi32, #tpu.memory_space<vmem>>, vector<16xi32>,
        tpu.vector_store_idx %arg6[%get3A_223], %broadcast_in_dim3A_0 {add = true} : memref<100352xf32, #tpu.memory_space<vmem>>[vector<16xi32>], vector<16xf32>,
        %get3A_224 = arith.constant 3 : i32
        %get3A_225 = arith.index_cast %and3A_50 : i32 to index
        %get3A_226 = arith.index_cast %get3A_224 : i32 to index
        %get3A_227 = arith.constant 112 : index
        %get3A_228 = tpu.vector_load %arg5[%get3A_225, %get3A_226, %get3A_227] {strides = array<i32>} : memref<2x8x128xi32, #tpu.memory_space<vmem>>, vector<16xi32>,
        tpu.vector_store_idx %arg6[%get3A_228], %broadcast_in_dim3A_0 {add = true} : memref<100352xf32, #tpu.memory_space<vmem>>[vector<16xi32>], vector<16xf32>,
        %get3A_229 = arith.constant 4 : i32
        %get3A_230 = arith.index_cast %and3A_50 : i32 to index
        %get3A_231 = arith.index_cast %get3A_229 : i32 to index
        %get3A_232 = arith.constant 0 : index
        %get3A_233 = tpu.vector_load %arg5[%get3A_230, %get3A_231, %get3A_232] {strides = array<i32>} : memref<2x8x128xi32, #tpu.memory_space<vmem>>, vector<16xi32>,
        tpu.vector_store_idx %arg6[%get3A_233], %broadcast_in_dim3A_0 {add = true} : memref<100352xf32, #tpu.memory_space<vmem>>[vector<16xi32>], vector<16xf32>,
        %get3A_234 = arith.constant 4 : i32
        %get3A_235 = arith.index_cast %and3A_50 : i32 to index
        %get3A_236 = arith.index_cast %get3A_234 : i32 to index
        %get3A_237 = arith.constant 16 : index
        %get3A_238 = tpu.vector_load %arg5[%get3A_235, %get3A_236, %get3A_237] {strides = array<i32>} : memref<2x8x128xi32, #tpu.memory_space<vmem>>, vector<16xi32>,
        tpu.vector_store_idx %arg6[%get3A_238], %broadcast_in_dim3A_0 {add = true} : memref<100352xf32, #tpu.memory_space<vmem>>[vector<16xi32>], vector<16xf32>,
        %get3A_239 = arith.constant 4 : i32
        %get3A_240 = arith.index_cast %and3A_50 : i32 to index
        %get3A_241 = arith.index_cast %get3A_239 : i32 to index
        %get3A_242 = arith.constant 32 : index
        %get3A_243 = tpu.vector_load %arg5[%get3A_240, %get3A_241, %get3A_242] {strides = array<i32>} : memref<2x8x128xi32, #tpu.memory_space<vmem>>, vector<16xi32>,
        tpu.vector_store_idx %arg6[%get3A_243], %broadcast_in_dim3A_0 {add = true} : memref<100352xf32, #tpu.memory_space<vmem>>[vector<16xi32>], vector<16xf32>,
        %get3A_244 = arith.constant 4 : i32
        %get3A_245 = arith.index_cast %and3A_50 : i32 to index
        %get3A_246 = arith.index_cast %get3A_244 : i32 to index
        %get3A_247 = arith.constant 48 : index
        %get3A_248 = tpu.vector_load %arg5[%get3A_245, %get3A_246, %get3A_247] {strides = array<i32>} : memref<2x8x128xi32, #tpu.memory_space<vmem>>, vector<16xi32>,
        tpu.vector_store_idx %arg6[%get3A_248], %broadcast_in_dim3A_0 {add = true} : memref<100352xf32, #tpu.memory_space<vmem>>[vector<16xi32>], vector<16xf32>,
        %get3A_249 = arith.constant 4 : i32
        %get3A_250 = arith.index_cast %and3A_50 : i32 to index
        %get3A_251 = arith.index_cast %get3A_249 : i32 to index
        %get3A_252 = arith.constant 64 : index
        %get3A_253 = tpu.vector_load %arg5[%get3A_250, %get3A_251, %get3A_252] {strides = array<i32>} : memref<2x8x128xi32, #tpu.memory_space<vmem>>, vector<16xi32>,
        tpu.vector_store_idx %arg6[%get3A_253], %broadcast_in_dim3A_0 {add = true} : memref<100352xf32, #tpu.memory_space<vmem>>[vector<16xi32>], vector<16xf32>,
        %get3A_254 = arith.constant 4 : i32
        %get3A_255 = arith.index_cast %and3A_50 : i32 to index
        %get3A_256 = arith.index_cast %get3A_254 : i32 to index
        %get3A_257 = arith.constant 80 : index
        %get3A_258 = tpu.vector_load %arg5[%get3A_255, %get3A_256, %get3A_257] {strides = array<i32>} : memref<2x8x128xi32, #tpu.memory_space<vmem>>, vector<16xi32>,
        tpu.vector_store_idx %arg6[%get3A_258], %broadcast_in_dim3A_0 {add = true} : memref<100352xf32, #tpu.memory_space<vmem>>[vector<16xi32>], vector<16xf32>,
        %get3A_259 = arith.constant 4 : i32
        %get3A_260 = arith.index_cast %and3A_50 : i32 to index
        %get3A_261 = arith.index_cast %get3A_259 : i32 to index
        %get3A_262 = arith.constant 96 : index
        %get3A_263 = tpu.vector_load %arg5[%get3A_260, %get3A_261, %get3A_262] {strides = array<i32>} : memref<2x8x128xi32, #tpu.memory_space<vmem>>, vector<16xi32>,
        tpu.vector_store_idx %arg6[%get3A_263], %broadcast_in_dim3A_0 {add = true} : memref<100352xf32, #tpu.memory_space<vmem>>[vector<16xi32>], vector<16xf32>,
        %get3A_264 = arith.constant 4 : i32
        %get3A_265 = arith.index_cast %and3A_50 : i32 to index
        %get3A_266 = arith.index_cast %get3A_264 : i32 to index
        %get3A_267 = arith.constant 112 : index
        %get3A_268 = tpu.vector_load %arg5[%get3A_265, %get3A_266, %get3A_267] {strides = array<i32>} : memref<2x8x128xi32, #tpu.memory_space<vmem>>, vector<16xi32>,
        tpu.vector_store_idx %arg6[%get3A_268], %broadcast_in_dim3A_0 {add = true} : memref<100352xf32, #tpu.memory_space<vmem>>[vector<16xi32>], vector<16xf32>,
        %get3A_269 = arith.constant 5 : i32
        %get3A_270 = arith.index_cast %and3A_50 : i32 to index
        %get3A_271 = arith.index_cast %get3A_269 : i32 to index
        %get3A_272 = arith.constant 0 : index
        %get3A_273 = tpu.vector_load %arg5[%get3A_270, %get3A_271, %get3A_272] {strides = array<i32>} : memref<2x8x128xi32, #tpu.memory_space<vmem>>, vector<16xi32>,
        tpu.vector_store_idx %arg6[%get3A_273], %broadcast_in_dim3A_0 {add = true} : memref<100352xf32, #tpu.memory_space<vmem>>[vector<16xi32>], vector<16xf32>,
        %get3A_274 = arith.constant 5 : i32
        %get3A_275 = arith.index_cast %and3A_50 : i32 to index
        %get3A_276 = arith.index_cast %get3A_274 : i32 to index
        %get3A_277 = arith.constant 16 : index
        %get3A_278 = tpu.vector_load %arg5[%get3A_275, %get3A_276, %get3A_277] {strides = array<i32>} : memref<2x8x128xi32, #tpu.memory_space<vmem>>, vector<16xi32>,
        tpu.vector_store_idx %arg6[%get3A_278], %broadcast_in_dim3A_0 {add = true} : memref<100352xf32, #tpu.memory_space<vmem>>[vector<16xi32>], vector<16xf32>,
        %get3A_279 = arith.constant 5 : i32
        %get3A_280 = arith.index_cast %and3A_50 : i32 to index
        %get3A_281 = arith.index_cast %get3A_279 : i32 to index
        %get3A_282 = arith.constant 32 : index
        %get3A_283 = tpu.vector_load %arg5[%get3A_280, %get3A_281, %get3A_282] {strides = array<i32>} : memref<2x8x128xi32, #tpu.memory_space<vmem>>, vector<16xi32>,
        tpu.vector_store_idx %arg6[%get3A_283], %broadcast_in_dim3A_0 {add = true} : memref<100352xf32, #tpu.memory_space<vmem>>[vector<16xi32>], vector<16xf32>,
        %get3A_284 = arith.constant 5 : i32
        %get3A_285 = arith.index_cast %and3A_50 : i32 to index
        %get3A_286 = arith.index_cast %get3A_284 : i32 to index
        %get3A_287 = arith.constant 48 : index
        %get3A_288 = tpu.vector_load %arg5[%get3A_285, %get3A_286, %get3A_287] {strides = array<i32>} : memref<2x8x128xi32, #tpu.memory_space<vmem>>, vector<16xi32>,
        tpu.vector_store_idx %arg6[%get3A_288], %broadcast_in_dim3A_0 {add = true} : memref<100352xf32, #tpu.memory_space<vmem>>[vector<16xi32>], vector<16xf32>,
        %get3A_289 = arith.constant 5 : i32
        %get3A_290 = arith.index_cast %and3A_50 : i32 to index
        %get3A_291 = arith.index_cast %get3A_289 : i32 to index
        %get3A_292 = arith.constant 64 : index
        %get3A_293 = tpu.vector_load %arg5[%get3A_290, %get3A_291, %get3A_292] {strides = array<i32>} : memref<2x8x128xi32, #tpu.memory_space<vmem>>, vector<16xi32>,
        tpu.vector_store_idx %arg6[%get3A_293], %broadcast_in_dim3A_0 {add = true} : memref<100352xf32, #tpu.memory_space<vmem>>[vector<16xi32>], vector<16xf32>,
        %get3A_294 = arith.constant 5 : i32
        %get3A_295 = arith.index_cast %and3A_50 : i32 to index
        %get3A_296 = arith.index_cast %get3A_294 : i32 to index
        %get3A_297 = arith.constant 80 : index
        %get3A_298 = tpu.vector_load %arg5[%get3A_295, %get3A_296, %get3A_297] {strides = array<i32>} : memref<2x8x128xi32, #tpu.memory_space<vmem>>, vector<16xi32>,
        tpu.vector_store_idx %arg6[%get3A_298], %broadcast_in_dim3A_0 {add = true} : memref<100352xf32, #tpu.memory_space<vmem>>[vector<16xi32>], vector<16xf32>,
        %get3A_299 = arith.constant 5 : i32
        %get3A_300 = arith.index_cast %and3A_50 : i32 to index
        %get3A_301 = arith.index_cast %get3A_299 : i32 to index
        %get3A_302 = arith.constant 96 : index
        %get3A_303 = tpu.vector_load %arg5[%get3A_300, %get3A_301, %get3A_302] {strides = array<i32>} : memref<2x8x128xi32, #tpu.memory_space<vmem>>, vector<16xi32>,
        tpu.vector_store_idx %arg6[%get3A_303], %broadcast_in_dim3A_0 {add = true} : memref<100352xf32, #tpu.memory_space<vmem>>[vector<16xi32>], vector<16xf32>,
        %get3A_304 = arith.constant 5 : i32
        %get3A_305 = arith.index_cast %and3A_50 : i32 to index
        %get3A_306 = arith.index_cast %get3A_304 : i32 to index
        %get3A_307 = arith.constant 112 : index
        %get3A_308 = tpu.vector_load %arg5[%get3A_305, %get3A_306, %get3A_307] {strides = array<i32>} : memref<2x8x128xi32, #tpu.memory_space<vmem>>, vector<16xi32>,
        tpu.vector_store_idx %arg6[%get3A_308], %broadcast_in_dim3A_0 {add = true} : memref<100352xf32, #tpu.memory_space<vmem>>[vector<16xi32>], vector<16xf32>,
        %get3A_309 = arith.constant 6 : i32
        %get3A_310 = arith.index_cast %and3A_50 : i32 to index
        %get3A_311 = arith.index_cast %get3A_309 : i32 to index
        %get3A_312 = arith.constant 0 : index
        %get3A_313 = tpu.vector_load %arg5[%get3A_310, %get3A_311, %get3A_312] {strides = array<i32>} : memref<2x8x128xi32, #tpu.memory_space<vmem>>, vector<16xi32>,
        tpu.vector_store_idx %arg6[%get3A_313], %broadcast_in_dim3A_0 {add = true} : memref<100352xf32, #tpu.memory_space<vmem>>[vector<16xi32>], vector<16xf32>,
        %get3A_314 = arith.constant 6 : i32
        %get3A_315 = arith.index_cast %and3A_50 : i32 to index
        %get3A_316 = arith.index_cast %get3A_314 : i32 to index
        %get3A_317 = arith.constant 16 : index
        %get3A_318 = tpu.vector_load %arg5[%get3A_315, %get3A_316, %get3A_317] {strides = array<i32>} : memref<2x8x128xi32, #tpu.memory_space<vmem>>, vector<16xi32>,
        tpu.vector_store_idx %arg6[%get3A_318], %broadcast_in_dim3A_0 {add = true} : memref<100352xf32, #tpu.memory_space<vmem>>[vector<16xi32>], vector<16xf32>,
        %get3A_319 = arith.constant 6 : i32
        %get3A_320 = arith.index_cast %and3A_50 : i32 to index
        %get3A_321 = arith.index_cast %get3A_319 : i32 to index
        %get3A_322 = arith.constant 32 : index
        %get3A_323 = tpu.vector_load %arg5[%get3A_320, %get3A_321, %get3A_322] {strides = array<i32>} : memref<2x8x128xi32, #tpu.memory_space<vmem>>, vector<16xi32>,
        tpu.vector_store_idx %arg6[%get3A_323], %broadcast_in_dim3A_0 {add = true} : memref<100352xf32, #tpu.memory_space<vmem>>[vector<16xi32>], vector<16xf32>,
        %get3A_324 = arith.constant 6 : i32
        %get3A_325 = arith.index_cast %and3A_50 : i32 to index
        %get3A_326 = arith.index_cast %get3A_324 : i32 to index
        %get3A_327 = arith.constant 48 : index
        %get3A_328 = tpu.vector_load %arg5[%get3A_325, %get3A_326, %get3A_327] {strides = array<i32>} : memref<2x8x128xi32, #tpu.memory_space<vmem>>, vector<16xi32>,
        tpu.vector_store_idx %arg6[%get3A_328], %broadcast_in_dim3A_0 {add = true} : memref<100352xf32, #tpu.memory_space<vmem>>[vector<16xi32>], vector<16xf32>,
        %get3A_329 = arith.constant 6 : i32
        %get3A_330 = arith.index_cast %and3A_50 : i32 to index
        %get3A_331 = arith.index_cast %get3A_329 : i32 to index
        %get3A_332 = arith.constant 64 : index
        %get3A_333 = tpu.vector_load %arg5[%get3A_330, %get3A_331, %get3A_332] {strides = array<i32>} : memref<2x8x128xi32, #tpu.memory_space<vmem>>, vector<16xi32>,
        tpu.vector_store_idx %arg6[%get3A_333], %broadcast_in_dim3A_0 {add = true} : memref<100352xf32, #tpu.memory_space<vmem>>[vector<16xi32>], vector<16xf32>,
        %get3A_334 = arith.constant 6 : i32
        %get3A_335 = arith.index_cast %and3A_50 : i32 to index
        %get3A_336 = arith.index_cast %get3A_334 : i32 to index
        %get3A_337 = arith.constant 80 : index
        %get3A_338 = tpu.vector_load %arg5[%get3A_335, %get3A_336, %get3A_337] {strides = array<i32>} : memref<2x8x128xi32, #tpu.memory_space<vmem>>, vector<16xi32>,
        tpu.vector_store_idx %arg6[%get3A_338], %broadcast_in_dim3A_0 {add = true} : memref<100352xf32, #tpu.memory_space<vmem>>[vector<16xi32>], vector<16xf32>,
        %get3A_339 = arith.constant 6 : i32
        %get3A_340 = arith.index_cast %and3A_50 : i32 to index
        %get3A_341 = arith.index_cast %get3A_339 : i32 to index
        %get3A_342 = arith.constant 96 : index
        %get3A_343 = tpu.vector_load %arg5[%get3A_340, %get3A_341, %get3A_342] {strides = array<i32>} : memref<2x8x128xi32, #tpu.memory_space<vmem>>, vector<16xi32>,
        tpu.vector_store_idx %arg6[%get3A_343], %broadcast_in_dim3A_0 {add = true} : memref<100352xf32, #tpu.memory_space<vmem>>[vector<16xi32>], vector<16xf32>,
        %get3A_344 = arith.constant 6 : i32
        %get3A_345 = arith.index_cast %and3A_50 : i32 to index
        %get3A_346 = arith.index_cast %get3A_344 : i32 to index
        %get3A_347 = arith.constant 112 : index
        %get3A_348 = tpu.vector_load %arg5[%get3A_345, %get3A_346, %get3A_347] {strides = array<i32>} : memref<2x8x128xi32, #tpu.memory_space<vmem>>, vector<16xi32>,
        tpu.vector_store_idx %arg6[%get3A_348], %broadcast_in_dim3A_0 {add = true} : memref<100352xf32, #tpu.memory_space<vmem>>[vector<16xi32>], vector<16xf32>,
        %get3A_349 = arith.constant 7 : i32
        %get3A_350 = arith.index_cast %and3A_50 : i32 to index
        %get3A_351 = arith.index_cast %get3A_349 : i32 to index
        %get3A_352 = arith.constant 0 : index
        %get3A_353 = tpu.vector_load %arg5[%get3A_350, %get3A_351, %get3A_352] {strides = array<i32>} : memref<2x8x128xi32, #tpu.memory_space<vmem>>, vector<16xi32>,
        tpu.vector_store_idx %arg6[%get3A_353], %broadcast_in_dim3A_0 {add = true} : memref<100352xf32, #tpu.memory_space<vmem>>[vector<16xi32>], vector<16xf32>,
        %get3A_354 = arith.constant 7 : i32
        %get3A_355 = arith.index_cast %and3A_50 : i32 to index
        %get3A_356 = arith.index_cast %get3A_354 : i32 to index
        %get3A_357 = arith.constant 16 : index
        %get3A_358 = tpu.vector_load %arg5[%get3A_355, %get3A_356, %get3A_357] {strides = array<i32>} : memref<2x8x128xi32, #tpu.memory_space<vmem>>, vector<16xi32>,
        tpu.vector_store_idx %arg6[%get3A_358], %broadcast_in_dim3A_0 {add = true} : memref<100352xf32, #tpu.memory_space<vmem>>[vector<16xi32>], vector<16xf32>,
        %get3A_359 = arith.constant 7 : i32
        %get3A_360 = arith.index_cast %and3A_50 : i32 to index
        %get3A_361 = arith.index_cast %get3A_359 : i32 to index
        %get3A_362 = arith.constant 32 : index
        %get3A_363 = tpu.vector_load %arg5[%get3A_360, %get3A_361, %get3A_362] {strides = array<i32>} : memref<2x8x128xi32, #tpu.memory_space<vmem>>, vector<16xi32>,
        tpu.vector_store_idx %arg6[%get3A_363], %broadcast_in_dim3A_0 {add = true} : memref<100352xf32, #tpu.memory_space<vmem>>[vector<16xi32>], vector<16xf32>,
        %get3A_364 = arith.constant 7 : i32
        %get3A_365 = arith.index_cast %and3A_50 : i32 to index
        %get3A_366 = arith.index_cast %get3A_364 : i32 to index
        %get3A_367 = arith.constant 48 : index
        %get3A_368 = tpu.vector_load %arg5[%get3A_365, %get3A_366, %get3A_367] {strides = array<i32>} : memref<2x8x128xi32, #tpu.memory_space<vmem>>, vector<16xi32>,
        tpu.vector_store_idx %arg6[%get3A_368], %broadcast_in_dim3A_0 {add = true} : memref<100352xf32, #tpu.memory_space<vmem>>[vector<16xi32>], vector<16xf32>,
        %get3A_369 = arith.constant 7 : i32
        %get3A_370 = arith.index_cast %and3A_50 : i32 to index
        %get3A_371 = arith.index_cast %get3A_369 : i32 to index
        %get3A_372 = arith.constant 64 : index
        %get3A_373 = tpu.vector_load %arg5[%get3A_370, %get3A_371, %get3A_372] {strides = array<i32>} : memref<2x8x128xi32, #tpu.memory_space<vmem>>, vector<16xi32>,
        tpu.vector_store_idx %arg6[%get3A_373], %broadcast_in_dim3A_0 {add = true} : memref<100352xf32, #tpu.memory_space<vmem>>[vector<16xi32>], vector<16xf32>,
        %get3A_374 = arith.constant 7 : i32
        %get3A_375 = arith.index_cast %and3A_50 : i32 to index
        %get3A_376 = arith.index_cast %get3A_374 : i32 to index
        %get3A_377 = arith.constant 80 : index
        %get3A_378 = tpu.vector_load %arg5[%get3A_375, %get3A_376, %get3A_377] {strides = array<i32>} : memref<2x8x128xi32, #tpu.memory_space<vmem>>, vector<16xi32>,
        tpu.vector_store_idx %arg6[%get3A_378], %broadcast_in_dim3A_0 {add = true} : memref<100352xf32, #tpu.memory_space<vmem>>[vector<16xi32>], vector<16xf32>,
        %get3A_379 = arith.constant 7 : i32
        %get3A_380 = arith.index_cast %and3A_50 : i32 to index
        %get3A_381 = arith.index_cast %get3A_379 : i32 to index
        %get3A_382 = arith.constant 96 : index
        %get3A_383 = tpu.vector_load %arg5[%get3A_380, %get3A_381, %get3A_382] {strides = array<i32>} : memref<2x8x128xi32, #tpu.memory_space<vmem>>, vector<16xi32>,
        tpu.vector_store_idx %arg6[%get3A_383], %broadcast_in_dim3A_0 {add = true} : memref<100352xf32, #tpu.memory_space<vmem>>[vector<16xi32>], vector<16xf32>,
        %get3A_384 = arith.constant 7 : i32
        %get3A_385 = arith.index_cast %and3A_50 : i32 to index
        %get3A_386 = arith.index_cast %get3A_384 : i32 to index
        %get3A_387 = arith.constant 112 : index
        %get3A_388 = tpu.vector_load %arg5[%get3A_385, %get3A_386, %get3A_387] {strides = array<i32>} : memref<2x8x128xi32, #tpu.memory_space<vmem>>, vector<16xi32>,
        tpu.vector_store_idx %arg6[%get3A_388], %broadcast_in_dim3A_0 {add = true} : memref<100352xf32, #tpu.memory_space<vmem>>[vector<16xi32>], vector<16xf32>,
      }
      %while3A_48 = arith.constant 1 : i32
      scf.for %while3A_49 = %while3A_46 to %while3A_42 step %while3A_48  : i32 {
        %and3A = arith.constant 1 : i32
        %and3A_50 = arith.andi %while3A_49, %and3A : i32
        %dma_wait3A = arith.constant 0 : i32
        %dma_wait3A_51 = arith.constant 0 : i32
        %dma_wait3A_52 = tpu.memref_slice %arg5[%and3A_50, %dma_wait3A, %dma_wait3A_51] : memref<2x8x128xi32, #tpu.memory_space<vmem>> -> memref<1x8x128xi32, #tpu.memory_space<vmem>>
        %dma_wait3A_53 = tpu.memref_squeeze %dma_wait3A_52 : memref<1x8x128xi32, #tpu.memory_space<vmem>> -> memref<8x128xi32, #tpu.memory_space<vmem>>
        %dma_wait3A_54 = arith.constant 0 : i32
        %dma_wait3A_55 = arith.constant 0 : i32
        %dma_wait3A_56 = tpu.memref_slice %arg3[%dma_wait3A_54, %dma_wait3A_55] : memref<50000x128xi32, #tpu.memory_space<hbm>> -> memref<8x128xi32, #tpu.memory_space<hbm>>
        %dma_wait3A_57 = arith.constant 0 : i32
        %dma_wait3A_58 = arith.constant 0 : i32
        %dma_wait3A_59 = tpu.memref_slice %arg5[%and3A_50, %dma_wait3A_57, %dma_wait3A_58] : memref<2x8x128xi32, #tpu.memory_space<vmem>> -> memref<1x8x128xi32, #tpu.memory_space<vmem>>
        %dma_wait3A_60 = tpu.memref_squeeze %dma_wait3A_59 : memref<1x8x128xi32, #tpu.memory_space<vmem>> -> memref<8x128xi32, #tpu.memory_space<vmem>>
        %dma_wait3A_61 = arith.constant 0 : i32
        %dma_wait3A_62 = arith.constant 0 : i32
        %dma_wait3A_63 = tpu.memref_slice %arg3[%dma_wait3A_61, %dma_wait3A_62] : memref<50000x128xi32, #tpu.memory_space<hbm>> -> memref<8x128xi32, #tpu.memory_space<hbm>>
        tpu.wait_dma2 semaphore(%arg7 : memref<!tpu.dma_semaphore, #tpu.memory_space<semaphore_mem>>) src(%dma_wait3A_63 : memref<8x128xi32, #tpu.memory_space<hbm>>) dst(%dma_wait3A_60 : memref<8x128xi32, #tpu.memory_space<vmem>>)
        %add3A_64 = arith.constant 1 : i32
        %add3A_65 = arith.addi %while3A_49, %add3A_64 : i32
        %lt3A_66 = arith.cmpi slt, %add3A_65, %add3A_25 : i32
        %convert_element_type3A_67 = arith.extui %lt3A_66 : i1 to i32
        %cond3A_68 = arith.constant 0 : i32
        %cond3A_69 = arith.cmpi ne, %convert_element_type3A_67, %cond3A_68 : i32
        scf.if %cond3A_69 {
          %add3A_389 = arith.addi %add3A_21, %while3A_49 : i32
          %add3A_390 = arith.constant 1 : i32
          %add3A_391 = arith.addi %add3A_389, %add3A_390 : i32
          %mul3A_392 = arith.constant 8 : i32
          %mul3A_393 = arith.muli %add3A_391, %mul3A_392 : i32
          %sub3A = arith.constant 1 : i32
          %sub3A_394 = arith.subi %sub3A, %and3A_50 : i32
          %dma_start3A_395 = arith.constant 0 : i32
          %dma_start3A_396 = arith.constant 0 : i32
          %dma_start3A_397 = tpu.memref_slice %arg5[%sub3A_394, %dma_start3A_395, %dma_start3A_396] : memref<2x8x128xi32, #tpu.memory_space<vmem>> -> memref<1x8x128xi32, #tpu.memory_space<vmem>>
          %dma_start3A_398 = tpu.memref_squeeze %dma_start3A_397 : memref<1x8x128xi32, #tpu.memory_space<vmem>> -> memref<8x128xi32, #tpu.memory_space<vmem>>
          %dma_start3A_399 = arith.constant 0 : i32
          %dma_start3A_400 = tpu.memref_slice %arg3[%mul3A_393, %dma_start3A_399] : memref<50000x128xi32, #tpu.memory_space<hbm>> -> memref<8x128xi32, #tpu.memory_space<hbm>>
          %dma_start3A_401 = arith.constant 0 : i32
          %dma_start3A_402 = arith.constant 0 : i32
          %dma_start3A_403 = tpu.memref_slice %arg5[%sub3A_394, %dma_start3A_401, %dma_start3A_402] : memref<2x8x128xi32, #tpu.memory_space<vmem>> -> memref<1x8x128xi32, #tpu.memory_space<vmem>>
          %dma_start3A_404 = tpu.memref_squeeze %dma_start3A_403 : memref<1x8x128xi32, #tpu.memory_space<vmem>> -> memref<8x128xi32, #tpu.memory_space<vmem>>
          %dma_start3A_405 = arith.constant 0 : i32
          %dma_start3A_406 = tpu.memref_slice %arg3[%mul3A_393, %dma_start3A_405] : memref<50000x128xi32, #tpu.memory_space<hbm>> -> memref<8x128xi32, #tpu.memory_space<hbm>>
          tpu.enqueue_dma source(%dma_start3A_406 : memref<8x128xi32, #tpu.memory_space<hbm>>) target(%dma_start3A_404 : memref<8x128xi32, #tpu.memory_space<vmem>>) target_semaphore(%arg7 : memref<!tpu.dma_semaphore, #tpu.memory_space<semaphore_mem>>)
        } else {
        }
        %get3A = arith.constant 0 : i32
        %get3A_70 = arith.index_cast %and3A_50 : i32 to index
        %get3A_71 = arith.index_cast %get3A : i32 to index
        %get3A_72 = arith.constant 0 : index
        %get3A_73 = tpu.vector_load %arg5[%get3A_70, %get3A_71, %get3A_72] {strides = array<i32>} : memref<2x8x128xi32, #tpu.memory_space<vmem>>, vector<16xi32>,
        tpu.vector_store_idx %arg6[%get3A_73], %broadcast_in_dim3A_0 {add = true} : memref<100352xf32, #tpu.memory_space<vmem>>[vector<16xi32>], vector<16xf32>,
        %get3A_74 = arith.constant 0 : i32
        %get3A_75 = arith.index_cast %and3A_50 : i32 to index
        %get3A_76 = arith.index_cast %get3A_74 : i32 to index
        %get3A_77 = arith.constant 16 : index
        %get3A_78 = tpu.vector_load %arg5[%get3A_75, %get3A_76, %get3A_77] {strides = array<i32>} : memref<2x8x128xi32, #tpu.memory_space<vmem>>, vector<16xi32>,
        tpu.vector_store_idx %arg6[%get3A_78], %broadcast_in_dim3A_0 {add = true} : memref<100352xf32, #tpu.memory_space<vmem>>[vector<16xi32>], vector<16xf32>,
        %get3A_79 = arith.constant 0 : i32
        %get3A_80 = arith.index_cast %and3A_50 : i32 to index
        %get3A_81 = arith.index_cast %get3A_79 : i32 to index
        %get3A_82 = arith.constant 32 : index
        %get3A_83 = tpu.vector_load %arg5[%get3A_80, %get3A_81, %get3A_82] {strides = array<i32>} : memref<2x8x128xi32, #tpu.memory_space<vmem>>, vector<16xi32>,
        tpu.vector_store_idx %arg6[%get3A_83], %broadcast_in_dim3A_0 {add = true} : memref<100352xf32, #tpu.memory_space<vmem>>[vector<16xi32>], vector<16xf32>,
        %get3A_84 = arith.constant 0 : i32
        %get3A_85 = arith.index_cast %and3A_50 : i32 to index
        %get3A_86 = arith.index_cast %get3A_84 : i32 to index
        %get3A_87 = arith.constant 48 : index
        %get3A_88 = tpu.vector_load %arg5[%get3A_85, %get3A_86, %get3A_87] {strides = array<i32>} : memref<2x8x128xi32, #tpu.memory_space<vmem>>, vector<16xi32>,
        tpu.vector_store_idx %arg6[%get3A_88], %broadcast_in_dim3A_0 {add = true} : memref<100352xf32, #tpu.memory_space<vmem>>[vector<16xi32>], vector<16xf32>,
        %get3A_89 = arith.constant 0 : i32
        %get3A_90 = arith.index_cast %and3A_50 : i32 to index
        %get3A_91 = arith.index_cast %get3A_89 : i32 to index
        %get3A_92 = arith.constant 64 : index
        %get3A_93 = tpu.vector_load %arg5[%get3A_90, %get3A_91, %get3A_92] {strides = array<i32>} : memref<2x8x128xi32, #tpu.memory_space<vmem>>, vector<16xi32>,
        tpu.vector_store_idx %arg6[%get3A_93], %broadcast_in_dim3A_0 {add = true} : memref<100352xf32, #tpu.memory_space<vmem>>[vector<16xi32>], vector<16xf32>,
        %get3A_94 = arith.constant 0 : i32
        %get3A_95 = arith.index_cast %and3A_50 : i32 to index
        %get3A_96 = arith.index_cast %get3A_94 : i32 to index
        %get3A_97 = arith.constant 80 : index
        %get3A_98 = tpu.vector_load %arg5[%get3A_95, %get3A_96, %get3A_97] {strides = array<i32>} : memref<2x8x128xi32, #tpu.memory_space<vmem>>, vector<16xi32>,
        tpu.vector_store_idx %arg6[%get3A_98], %broadcast_in_dim3A_0 {add = true} : memref<100352xf32, #tpu.memory_space<vmem>>[vector<16xi32>], vector<16xf32>,
        %get3A_99 = arith.constant 0 : i32
        %get3A_100 = arith.index_cast %and3A_50 : i32 to index
        %get3A_101 = arith.index_cast %get3A_99 : i32 to index
        %get3A_102 = arith.constant 96 : index
        %get3A_103 = tpu.vector_load %arg5[%get3A_100, %get3A_101, %get3A_102] {strides = array<i32>} : memref<2x8x128xi32, #tpu.memory_space<vmem>>, vector<16xi32>,
        tpu.vector_store_idx %arg6[%get3A_103], %broadcast_in_dim3A_0 {add = true} : memref<100352xf32, #tpu.memory_space<vmem>>[vector<16xi32>], vector<16xf32>,
        %get3A_104 = arith.constant 0 : i32
        %get3A_105 = arith.index_cast %and3A_50 : i32 to index
        %get3A_106 = arith.index_cast %get3A_104 : i32 to index
        %get3A_107 = arith.constant 112 : index
        %get3A_108 = tpu.vector_load %arg5[%get3A_105, %get3A_106, %get3A_107] {strides = array<i32>} : memref<2x8x128xi32, #tpu.memory_space<vmem>>, vector<16xi32>,
        tpu.vector_store_idx %arg6[%get3A_108], %broadcast_in_dim3A_0 {add = true} : memref<100352xf32, #tpu.memory_space<vmem>>[vector<16xi32>], vector<16xf32>,
        %get3A_109 = arith.constant 1 : i32
        %get3A_110 = arith.index_cast %and3A_50 : i32 to index
        %get3A_111 = arith.index_cast %get3A_109 : i32 to index
        %get3A_112 = arith.constant 0 : index
        %get3A_113 = tpu.vector_load %arg5[%get3A_110, %get3A_111, %get3A_112] {strides = array<i32>} : memref<2x8x128xi32, #tpu.memory_space<vmem>>, vector<16xi32>,
        tpu.vector_store_idx %arg6[%get3A_113], %broadcast_in_dim3A_0 {add = true} : memref<100352xf32, #tpu.memory_space<vmem>>[vector<16xi32>], vector<16xf32>,
        %get3A_114 = arith.constant 1 : i32
        %get3A_115 = arith.index_cast %and3A_50 : i32 to index
        %get3A_116 = arith.index_cast %get3A_114 : i32 to index
        %get3A_117 = arith.constant 16 : index
        %get3A_118 = tpu.vector_load %arg5[%get3A_115, %get3A_116, %get3A_117] {strides = array<i32>} : memref<2x8x128xi32, #tpu.memory_space<vmem>>, vector<16xi32>,
        tpu.vector_store_idx %arg6[%get3A_118], %broadcast_in_dim3A_0 {add = true} : memref<100352xf32, #tpu.memory_space<vmem>>[vector<16xi32>], vector<16xf32>,
        %get3A_119 = arith.constant 1 : i32
        %get3A_120 = arith.index_cast %and3A_50 : i32 to index
        %get3A_121 = arith.index_cast %get3A_119 : i32 to index
        %get3A_122 = arith.constant 32 : index
        %get3A_123 = tpu.vector_load %arg5[%get3A_120, %get3A_121, %get3A_122] {strides = array<i32>} : memref<2x8x128xi32, #tpu.memory_space<vmem>>, vector<16xi32>,
        tpu.vector_store_idx %arg6[%get3A_123], %broadcast_in_dim3A_0 {add = true} : memref<100352xf32, #tpu.memory_space<vmem>>[vector<16xi32>], vector<16xf32>,
        %get3A_124 = arith.constant 1 : i32
        %get3A_125 = arith.index_cast %and3A_50 : i32 to index
        %get3A_126 = arith.index_cast %get3A_124 : i32 to index
        %get3A_127 = arith.constant 48 : index
        %get3A_128 = tpu.vector_load %arg5[%get3A_125, %get3A_126, %get3A_127] {strides = array<i32>} : memref<2x8x128xi32, #tpu.memory_space<vmem>>, vector<16xi32>,
        tpu.vector_store_idx %arg6[%get3A_128], %broadcast_in_dim3A_0 {add = true} : memref<100352xf32, #tpu.memory_space<vmem>>[vector<16xi32>], vector<16xf32>,
        %get3A_129 = arith.constant 1 : i32
        %get3A_130 = arith.index_cast %and3A_50 : i32 to index
        %get3A_131 = arith.index_cast %get3A_129 : i32 to index
        %get3A_132 = arith.constant 64 : index
        %get3A_133 = tpu.vector_load %arg5[%get3A_130, %get3A_131, %get3A_132] {strides = array<i32>} : memref<2x8x128xi32, #tpu.memory_space<vmem>>, vector<16xi32>,
        tpu.vector_store_idx %arg6[%get3A_133], %broadcast_in_dim3A_0 {add = true} : memref<100352xf32, #tpu.memory_space<vmem>>[vector<16xi32>], vector<16xf32>,
        %get3A_134 = arith.constant 1 : i32
        %get3A_135 = arith.index_cast %and3A_50 : i32 to index
        %get3A_136 = arith.index_cast %get3A_134 : i32 to index
        %get3A_137 = arith.constant 80 : index
        %get3A_138 = tpu.vector_load %arg5[%get3A_135, %get3A_136, %get3A_137] {strides = array<i32>} : memref<2x8x128xi32, #tpu.memory_space<vmem>>, vector<16xi32>,
        tpu.vector_store_idx %arg6[%get3A_138], %broadcast_in_dim3A_0 {add = true} : memref<100352xf32, #tpu.memory_space<vmem>>[vector<16xi32>], vector<16xf32>,
        %get3A_139 = arith.constant 1 : i32
        %get3A_140 = arith.index_cast %and3A_50 : i32 to index
        %get3A_141 = arith.index_cast %get3A_139 : i32 to index
        %get3A_142 = arith.constant 96 : index
        %get3A_143 = tpu.vector_load %arg5[%get3A_140, %get3A_141, %get3A_142] {strides = array<i32>} : memref<2x8x128xi32, #tpu.memory_space<vmem>>, vector<16xi32>,
        tpu.vector_store_idx %arg6[%get3A_143], %broadcast_in_dim3A_0 {add = true} : memref<100352xf32, #tpu.memory_space<vmem>>[vector<16xi32>], vector<16xf32>,
        %get3A_144 = arith.constant 1 : i32
        %get3A_145 = arith.index_cast %and3A_50 : i32 to index
        %get3A_146 = arith.index_cast %get3A_144 : i32 to index
        %get3A_147 = arith.constant 112 : index
        %get3A_148 = tpu.vector_load %arg5[%get3A_145, %get3A_146, %get3A_147] {strides = array<i32>} : memref<2x8x128xi32, #tpu.memory_space<vmem>>, vector<16xi32>,
        tpu.vector_store_idx %arg6[%get3A_148], %broadcast_in_dim3A_0 {add = true} : memref<100352xf32, #tpu.memory_space<vmem>>[vector<16xi32>], vector<16xf32>,
        %get3A_149 = arith.constant 2 : i32
        %get3A_150 = arith.index_cast %and3A_50 : i32 to index
        %get3A_151 = arith.index_cast %get3A_149 : i32 to index
        %get3A_152 = arith.constant 0 : index
        %get3A_153 = tpu.vector_load %arg5[%get3A_150, %get3A_151, %get3A_152] {strides = array<i32>} : memref<2x8x128xi32, #tpu.memory_space<vmem>>, vector<16xi32>,
        tpu.vector_store_idx %arg6[%get3A_153], %broadcast_in_dim3A_0 {add = true} : memref<100352xf32, #tpu.memory_space<vmem>>[vector<16xi32>], vector<16xf32>,
        %get3A_154 = arith.constant 2 : i32
        %get3A_155 = arith.index_cast %and3A_50 : i32 to index
        %get3A_156 = arith.index_cast %get3A_154 : i32 to index
        %get3A_157 = arith.constant 16 : index
        %get3A_158 = tpu.vector_load %arg5[%get3A_155, %get3A_156, %get3A_157] {strides = array<i32>} : memref<2x8x128xi32, #tpu.memory_space<vmem>>, vector<16xi32>,
        tpu.vector_store_idx %arg6[%get3A_158], %broadcast_in_dim3A_0 {add = true} : memref<100352xf32, #tpu.memory_space<vmem>>[vector<16xi32>], vector<16xf32>,
        %get3A_159 = arith.constant 2 : i32
        %get3A_160 = arith.index_cast %and3A_50 : i32 to index
        %get3A_161 = arith.index_cast %get3A_159 : i32 to index
        %get3A_162 = arith.constant 32 : index
        %get3A_163 = tpu.vector_load %arg5[%get3A_160, %get3A_161, %get3A_162] {strides = array<i32>} : memref<2x8x128xi32, #tpu.memory_space<vmem>>, vector<16xi32>,
        tpu.vector_store_idx %arg6[%get3A_163], %broadcast_in_dim3A_0 {add = true} : memref<100352xf32, #tpu.memory_space<vmem>>[vector<16xi32>], vector<16xf32>,
        %get3A_164 = arith.constant 2 : i32
        %get3A_165 = arith.index_cast %and3A_50 : i32 to index
        %get3A_166 = arith.index_cast %get3A_164 : i32 to index
        %get3A_167 = arith.constant 48 : index
        %get3A_168 = tpu.vector_load %arg5[%get3A_165, %get3A_166, %get3A_167] {strides = array<i32>} : memref<2x8x128xi32, #tpu.memory_space<vmem>>, vector<16xi32>,
        tpu.vector_store_idx %arg6[%get3A_168], %broadcast_in_dim3A_0 {add = true} : memref<100352xf32, #tpu.memory_space<vmem>>[vector<16xi32>], vector<16xf32>,
        %get3A_169 = arith.constant 2 : i32
        %get3A_170 = arith.index_cast %and3A_50 : i32 to index
        %get3A_171 = arith.index_cast %get3A_169 : i32 to index
        %get3A_172 = arith.constant 64 : index
        %get3A_173 = tpu.vector_load %arg5[%get3A_170, %get3A_171, %get3A_172] {strides = array<i32>} : memref<2x8x128xi32, #tpu.memory_space<vmem>>, vector<16xi32>,
        tpu.vector_store_idx %arg6[%get3A_173], %broadcast_in_dim3A_0 {add = true} : memref<100352xf32, #tpu.memory_space<vmem>>[vector<16xi32>], vector<16xf32>,
        %get3A_174 = arith.constant 2 : i32
        %get3A_175 = arith.index_cast %and3A_50 : i32 to index
        %get3A_176 = arith.index_cast %get3A_174 : i32 to index
        %get3A_177 = arith.constant 80 : index
        %get3A_178 = tpu.vector_load %arg5[%get3A_175, %get3A_176, %get3A_177] {strides = array<i32>} : memref<2x8x128xi32, #tpu.memory_space<vmem>>, vector<16xi32>,
        tpu.vector_store_idx %arg6[%get3A_178], %broadcast_in_dim3A_0 {add = true} : memref<100352xf32, #tpu.memory_space<vmem>>[vector<16xi32>], vector<16xf32>,
        %get3A_179 = arith.constant 2 : i32
        %get3A_180 = arith.index_cast %and3A_50 : i32 to index
        %get3A_181 = arith.index_cast %get3A_179 : i32 to index
        %get3A_182 = arith.constant 96 : index
        %get3A_183 = tpu.vector_load %arg5[%get3A_180, %get3A_181, %get3A_182] {strides = array<i32>} : memref<2x8x128xi32, #tpu.memory_space<vmem>>, vector<16xi32>,
        tpu.vector_store_idx %arg6[%get3A_183], %broadcast_in_dim3A_0 {add = true} : memref<100352xf32, #tpu.memory_space<vmem>>[vector<16xi32>], vector<16xf32>,
        %get3A_184 = arith.constant 2 : i32
        %get3A_185 = arith.index_cast %and3A_50 : i32 to index
        %get3A_186 = arith.index_cast %get3A_184 : i32 to index
        %get3A_187 = arith.constant 112 : index
        %get3A_188 = tpu.vector_load %arg5[%get3A_185, %get3A_186, %get3A_187] {strides = array<i32>} : memref<2x8x128xi32, #tpu.memory_space<vmem>>, vector<16xi32>,
        tpu.vector_store_idx %arg6[%get3A_188], %broadcast_in_dim3A_0 {add = true} : memref<100352xf32, #tpu.memory_space<vmem>>[vector<16xi32>], vector<16xf32>,
        %get3A_189 = arith.constant 3 : i32
        %get3A_190 = arith.index_cast %and3A_50 : i32 to index
        %get3A_191 = arith.index_cast %get3A_189 : i32 to index
        %get3A_192 = arith.constant 0 : index
        %get3A_193 = tpu.vector_load %arg5[%get3A_190, %get3A_191, %get3A_192] {strides = array<i32>} : memref<2x8x128xi32, #tpu.memory_space<vmem>>, vector<16xi32>,
        tpu.vector_store_idx %arg6[%get3A_193], %broadcast_in_dim3A_0 {add = true} : memref<100352xf32, #tpu.memory_space<vmem>>[vector<16xi32>], vector<16xf32>,
        %get3A_194 = arith.constant 3 : i32
        %get3A_195 = arith.index_cast %and3A_50 : i32 to index
        %get3A_196 = arith.index_cast %get3A_194 : i32 to index
        %get3A_197 = arith.constant 16 : index
        %get3A_198 = tpu.vector_load %arg5[%get3A_195, %get3A_196, %get3A_197] {strides = array<i32>} : memref<2x8x128xi32, #tpu.memory_space<vmem>>, vector<16xi32>,
        tpu.vector_store_idx %arg6[%get3A_198], %broadcast_in_dim3A_0 {add = true} : memref<100352xf32, #tpu.memory_space<vmem>>[vector<16xi32>], vector<16xf32>,
        %get3A_199 = arith.constant 3 : i32
        %get3A_200 = arith.index_cast %and3A_50 : i32 to index
        %get3A_201 = arith.index_cast %get3A_199 : i32 to index
        %get3A_202 = arith.constant 32 : index
        %get3A_203 = tpu.vector_load %arg5[%get3A_200, %get3A_201, %get3A_202] {strides = array<i32>} : memref<2x8x128xi32, #tpu.memory_space<vmem>>, vector<16xi32>,
        tpu.vector_store_idx %arg6[%get3A_203], %broadcast_in_dim3A_0 {add = true} : memref<100352xf32, #tpu.memory_space<vmem>>[vector<16xi32>], vector<16xf32>,
        %get3A_204 = arith.constant 3 : i32
        %get3A_205 = arith.index_cast %and3A_50 : i32 to index
        %get3A_206 = arith.index_cast %get3A_204 : i32 to index
        %get3A_207 = arith.constant 48 : index
        %get3A_208 = tpu.vector_load %arg5[%get3A_205, %get3A_206, %get3A_207] {strides = array<i32>} : memref<2x8x128xi32, #tpu.memory_space<vmem>>, vector<16xi32>,
        tpu.vector_store_idx %arg6[%get3A_208], %broadcast_in_dim3A_0 {add = true} : memref<100352xf32, #tpu.memory_space<vmem>>[vector<16xi32>], vector<16xf32>,
        %get3A_209 = arith.constant 3 : i32
        %get3A_210 = arith.index_cast %and3A_50 : i32 to index
        %get3A_211 = arith.index_cast %get3A_209 : i32 to index
        %get3A_212 = arith.constant 64 : index
        %get3A_213 = tpu.vector_load %arg5[%get3A_210, %get3A_211, %get3A_212] {strides = array<i32>} : memref<2x8x128xi32, #tpu.memory_space<vmem>>, vector<16xi32>,
        tpu.vector_store_idx %arg6[%get3A_213], %broadcast_in_dim3A_0 {add = true} : memref<100352xf32, #tpu.memory_space<vmem>>[vector<16xi32>], vector<16xf32>,
        %get3A_214 = arith.constant 3 : i32
        %get3A_215 = arith.index_cast %and3A_50 : i32 to index
        %get3A_216 = arith.index_cast %get3A_214 : i32 to index
        %get3A_217 = arith.constant 80 : index
        %get3A_218 = tpu.vector_load %arg5[%get3A_215, %get3A_216, %get3A_217] {strides = array<i32>} : memref<2x8x128xi32, #tpu.memory_space<vmem>>, vector<16xi32>,
        tpu.vector_store_idx %arg6[%get3A_218], %broadcast_in_dim3A_0 {add = true} : memref<100352xf32, #tpu.memory_space<vmem>>[vector<16xi32>], vector<16xf32>,
        %get3A_219 = arith.constant 3 : i32
        %get3A_220 = arith.index_cast %and3A_50 : i32 to index
        %get3A_221 = arith.index_cast %get3A_219 : i32 to index
        %get3A_222 = arith.constant 96 : index
        %get3A_223 = tpu.vector_load %arg5[%get3A_220, %get3A_221, %get3A_222] {strides = array<i32>} : memref<2x8x128xi32, #tpu.memory_space<vmem>>, vector<16xi32>,
        tpu.vector_store_idx %arg6[%get3A_223], %broadcast_in_dim3A_0 {add = true} : memref<100352xf32, #tpu.memory_space<vmem>>[vector<16xi32>], vector<16xf32>,
        %get3A_224 = arith.constant 3 : i32
        %get3A_225 = arith.index_cast %and3A_50 : i32 to index
        %get3A_226 = arith.index_cast %get3A_224 : i32 to index
        %get3A_227 = arith.constant 112 : index
        %get3A_228 = tpu.vector_load %arg5[%get3A_225, %get3A_226, %get3A_227] {strides = array<i32>} : memref<2x8x128xi32, #tpu.memory_space<vmem>>, vector<16xi32>,
        tpu.vector_store_idx %arg6[%get3A_228], %broadcast_in_dim3A_0 {add = true} : memref<100352xf32, #tpu.memory_space<vmem>>[vector<16xi32>], vector<16xf32>,
        %get3A_229 = arith.constant 4 : i32
        %get3A_230 = arith.index_cast %and3A_50 : i32 to index
        %get3A_231 = arith.index_cast %get3A_229 : i32 to index
        %get3A_232 = arith.constant 0 : index
        %get3A_233 = tpu.vector_load %arg5[%get3A_230, %get3A_231, %get3A_232] {strides = array<i32>} : memref<2x8x128xi32, #tpu.memory_space<vmem>>, vector<16xi32>,
        tpu.vector_store_idx %arg6[%get3A_233], %broadcast_in_dim3A_0 {add = true} : memref<100352xf32, #tpu.memory_space<vmem>>[vector<16xi32>], vector<16xf32>,
        %get3A_234 = arith.constant 4 : i32
        %get3A_235 = arith.index_cast %and3A_50 : i32 to index
        %get3A_236 = arith.index_cast %get3A_234 : i32 to index
        %get3A_237 = arith.constant 16 : index
        %get3A_238 = tpu.vector_load %arg5[%get3A_235, %get3A_236, %get3A_237] {strides = array<i32>} : memref<2x8x128xi32, #tpu.memory_space<vmem>>, vector<16xi32>,
        tpu.vector_store_idx %arg6[%get3A_238], %broadcast_in_dim3A_0 {add = true} : memref<100352xf32, #tpu.memory_space<vmem>>[vector<16xi32>], vector<16xf32>,
        %get3A_239 = arith.constant 4 : i32
        %get3A_240 = arith.index_cast %and3A_50 : i32 to index
        %get3A_241 = arith.index_cast %get3A_239 : i32 to index
        %get3A_242 = arith.constant 32 : index
        %get3A_243 = tpu.vector_load %arg5[%get3A_240, %get3A_241, %get3A_242] {strides = array<i32>} : memref<2x8x128xi32, #tpu.memory_space<vmem>>, vector<16xi32>,
        tpu.vector_store_idx %arg6[%get3A_243], %broadcast_in_dim3A_0 {add = true} : memref<100352xf32, #tpu.memory_space<vmem>>[vector<16xi32>], vector<16xf32>,
        %get3A_244 = arith.constant 4 : i32
        %get3A_245 = arith.index_cast %and3A_50 : i32 to index
        %get3A_246 = arith.index_cast %get3A_244 : i32 to index
        %get3A_247 = arith.constant 48 : index
        %get3A_248 = tpu.vector_load %arg5[%get3A_245, %get3A_246, %get3A_247] {strides = array<i32>} : memref<2x8x128xi32, #tpu.memory_space<vmem>>, vector<16xi32>,
        tpu.vector_store_idx %arg6[%get3A_248], %broadcast_in_dim3A_0 {add = true} : memref<100352xf32, #tpu.memory_space<vmem>>[vector<16xi32>], vector<16xf32>,
        %get3A_249 = arith.constant 4 : i32
        %get3A_250 = arith.index_cast %and3A_50 : i32 to index
        %get3A_251 = arith.index_cast %get3A_249 : i32 to index
        %get3A_252 = arith.constant 64 : index
        %get3A_253 = tpu.vector_load %arg5[%get3A_250, %get3A_251, %get3A_252] {strides = array<i32>} : memref<2x8x128xi32, #tpu.memory_space<vmem>>, vector<16xi32>,
        tpu.vector_store_idx %arg6[%get3A_253], %broadcast_in_dim3A_0 {add = true} : memref<100352xf32, #tpu.memory_space<vmem>>[vector<16xi32>], vector<16xf32>,
        %get3A_254 = arith.constant 4 : i32
        %get3A_255 = arith.index_cast %and3A_50 : i32 to index
        %get3A_256 = arith.index_cast %get3A_254 : i32 to index
        %get3A_257 = arith.constant 80 : index
        %get3A_258 = tpu.vector_load %arg5[%get3A_255, %get3A_256, %get3A_257] {strides = array<i32>} : memref<2x8x128xi32, #tpu.memory_space<vmem>>, vector<16xi32>,
        tpu.vector_store_idx %arg6[%get3A_258], %broadcast_in_dim3A_0 {add = true} : memref<100352xf32, #tpu.memory_space<vmem>>[vector<16xi32>], vector<16xf32>,
        %get3A_259 = arith.constant 4 : i32
        %get3A_260 = arith.index_cast %and3A_50 : i32 to index
        %get3A_261 = arith.index_cast %get3A_259 : i32 to index
        %get3A_262 = arith.constant 96 : index
        %get3A_263 = tpu.vector_load %arg5[%get3A_260, %get3A_261, %get3A_262] {strides = array<i32>} : memref<2x8x128xi32, #tpu.memory_space<vmem>>, vector<16xi32>,
        tpu.vector_store_idx %arg6[%get3A_263], %broadcast_in_dim3A_0 {add = true} : memref<100352xf32, #tpu.memory_space<vmem>>[vector<16xi32>], vector<16xf32>,
        %get3A_264 = arith.constant 4 : i32
        %get3A_265 = arith.index_cast %and3A_50 : i32 to index
        %get3A_266 = arith.index_cast %get3A_264 : i32 to index
        %get3A_267 = arith.constant 112 : index
        %get3A_268 = tpu.vector_load %arg5[%get3A_265, %get3A_266, %get3A_267] {strides = array<i32>} : memref<2x8x128xi32, #tpu.memory_space<vmem>>, vector<16xi32>,
        tpu.vector_store_idx %arg6[%get3A_268], %broadcast_in_dim3A_0 {add = true} : memref<100352xf32, #tpu.memory_space<vmem>>[vector<16xi32>], vector<16xf32>,
        %get3A_269 = arith.constant 5 : i32
        %get3A_270 = arith.index_cast %and3A_50 : i32 to index
        %get3A_271 = arith.index_cast %get3A_269 : i32 to index
        %get3A_272 = arith.constant 0 : index
        %get3A_273 = tpu.vector_load %arg5[%get3A_270, %get3A_271, %get3A_272] {strides = array<i32>} : memref<2x8x128xi32, #tpu.memory_space<vmem>>, vector<16xi32>,
        tpu.vector_store_idx %arg6[%get3A_273], %broadcast_in_dim3A_0 {add = true} : memref<100352xf32, #tpu.memory_space<vmem>>[vector<16xi32>], vector<16xf32>,
        %get3A_274 = arith.constant 5 : i32
        %get3A_275 = arith.index_cast %and3A_50 : i32 to index
        %get3A_276 = arith.index_cast %get3A_274 : i32 to index
        %get3A_277 = arith.constant 16 : index
        %get3A_278 = tpu.vector_load %arg5[%get3A_275, %get3A_276, %get3A_277] {strides = array<i32>} : memref<2x8x128xi32, #tpu.memory_space<vmem>>, vector<16xi32>,
        tpu.vector_store_idx %arg6[%get3A_278], %broadcast_in_dim3A_0 {add = true} : memref<100352xf32, #tpu.memory_space<vmem>>[vector<16xi32>], vector<16xf32>,
        %get3A_279 = arith.constant 5 : i32
        %get3A_280 = arith.index_cast %and3A_50 : i32 to index
        %get3A_281 = arith.index_cast %get3A_279 : i32 to index
        %get3A_282 = arith.constant 32 : index
        %get3A_283 = tpu.vector_load %arg5[%get3A_280, %get3A_281, %get3A_282] {strides = array<i32>} : memref<2x8x128xi32, #tpu.memory_space<vmem>>, vector<16xi32>,
        tpu.vector_store_idx %arg6[%get3A_283], %broadcast_in_dim3A_0 {add = true} : memref<100352xf32, #tpu.memory_space<vmem>>[vector<16xi32>], vector<16xf32>,
        %get3A_284 = arith.constant 5 : i32
        %get3A_285 = arith.index_cast %and3A_50 : i32 to index
        %get3A_286 = arith.index_cast %get3A_284 : i32 to index
        %get3A_287 = arith.constant 48 : index
        %get3A_288 = tpu.vector_load %arg5[%get3A_285, %get3A_286, %get3A_287] {strides = array<i32>} : memref<2x8x128xi32, #tpu.memory_space<vmem>>, vector<16xi32>,
        tpu.vector_store_idx %arg6[%get3A_288], %broadcast_in_dim3A_0 {add = true} : memref<100352xf32, #tpu.memory_space<vmem>>[vector<16xi32>], vector<16xf32>,
        %get3A_289 = arith.constant 5 : i32
        %get3A_290 = arith.index_cast %and3A_50 : i32 to index
        %get3A_291 = arith.index_cast %get3A_289 : i32 to index
        %get3A_292 = arith.constant 64 : index
        %get3A_293 = tpu.vector_load %arg5[%get3A_290, %get3A_291, %get3A_292] {strides = array<i32>} : memref<2x8x128xi32, #tpu.memory_space<vmem>>, vector<16xi32>,
        tpu.vector_store_idx %arg6[%get3A_293], %broadcast_in_dim3A_0 {add = true} : memref<100352xf32, #tpu.memory_space<vmem>>[vector<16xi32>], vector<16xf32>,
        %get3A_294 = arith.constant 5 : i32
        %get3A_295 = arith.index_cast %and3A_50 : i32 to index
        %get3A_296 = arith.index_cast %get3A_294 : i32 to index
        %get3A_297 = arith.constant 80 : index
        %get3A_298 = tpu.vector_load %arg5[%get3A_295, %get3A_296, %get3A_297] {strides = array<i32>} : memref<2x8x128xi32, #tpu.memory_space<vmem>>, vector<16xi32>,
        tpu.vector_store_idx %arg6[%get3A_298], %broadcast_in_dim3A_0 {add = true} : memref<100352xf32, #tpu.memory_space<vmem>>[vector<16xi32>], vector<16xf32>,
        %get3A_299 = arith.constant 5 : i32
        %get3A_300 = arith.index_cast %and3A_50 : i32 to index
        %get3A_301 = arith.index_cast %get3A_299 : i32 to index
        %get3A_302 = arith.constant 96 : index
        %get3A_303 = tpu.vector_load %arg5[%get3A_300, %get3A_301, %get3A_302] {strides = array<i32>} : memref<2x8x128xi32, #tpu.memory_space<vmem>>, vector<16xi32>,
        tpu.vector_store_idx %arg6[%get3A_303], %broadcast_in_dim3A_0 {add = true} : memref<100352xf32, #tpu.memory_space<vmem>>[vector<16xi32>], vector<16xf32>,
        %get3A_304 = arith.constant 5 : i32
        %get3A_305 = arith.index_cast %and3A_50 : i32 to index
        %get3A_306 = arith.index_cast %get3A_304 : i32 to index
        %get3A_307 = arith.constant 112 : index
        %get3A_308 = tpu.vector_load %arg5[%get3A_305, %get3A_306, %get3A_307] {strides = array<i32>} : memref<2x8x128xi32, #tpu.memory_space<vmem>>, vector<16xi32>,
        tpu.vector_store_idx %arg6[%get3A_308], %broadcast_in_dim3A_0 {add = true} : memref<100352xf32, #tpu.memory_space<vmem>>[vector<16xi32>], vector<16xf32>,
        %get3A_309 = arith.constant 6 : i32
        %get3A_310 = arith.index_cast %and3A_50 : i32 to index
        %get3A_311 = arith.index_cast %get3A_309 : i32 to index
        %get3A_312 = arith.constant 0 : index
        %get3A_313 = tpu.vector_load %arg5[%get3A_310, %get3A_311, %get3A_312] {strides = array<i32>} : memref<2x8x128xi32, #tpu.memory_space<vmem>>, vector<16xi32>,
        tpu.vector_store_idx %arg6[%get3A_313], %broadcast_in_dim3A_0 {add = true} : memref<100352xf32, #tpu.memory_space<vmem>>[vector<16xi32>], vector<16xf32>,
        %get3A_314 = arith.constant 6 : i32
        %get3A_315 = arith.index_cast %and3A_50 : i32 to index
        %get3A_316 = arith.index_cast %get3A_314 : i32 to index
        %get3A_317 = arith.constant 16 : index
        %get3A_318 = tpu.vector_load %arg5[%get3A_315, %get3A_316, %get3A_317] {strides = array<i32>} : memref<2x8x128xi32, #tpu.memory_space<vmem>>, vector<16xi32>,
        tpu.vector_store_idx %arg6[%get3A_318], %broadcast_in_dim3A_0 {add = true} : memref<100352xf32, #tpu.memory_space<vmem>>[vector<16xi32>], vector<16xf32>,
        %get3A_319 = arith.constant 6 : i32
        %get3A_320 = arith.index_cast %and3A_50 : i32 to index
        %get3A_321 = arith.index_cast %get3A_319 : i32 to index
        %get3A_322 = arith.constant 32 : index
        %get3A_323 = tpu.vector_load %arg5[%get3A_320, %get3A_321, %get3A_322] {strides = array<i32>} : memref<2x8x128xi32, #tpu.memory_space<vmem>>, vector<16xi32>,
        tpu.vector_store_idx %arg6[%get3A_323], %broadcast_in_dim3A_0 {add = true} : memref<100352xf32, #tpu.memory_space<vmem>>[vector<16xi32>], vector<16xf32>,
        %get3A_324 = arith.constant 6 : i32
        %get3A_325 = arith.index_cast %and3A_50 : i32 to index
        %get3A_326 = arith.index_cast %get3A_324 : i32 to index
        %get3A_327 = arith.constant 48 : index
        %get3A_328 = tpu.vector_load %arg5[%get3A_325, %get3A_326, %get3A_327] {strides = array<i32>} : memref<2x8x128xi32, #tpu.memory_space<vmem>>, vector<16xi32>,
        tpu.vector_store_idx %arg6[%get3A_328], %broadcast_in_dim3A_0 {add = true} : memref<100352xf32, #tpu.memory_space<vmem>>[vector<16xi32>], vector<16xf32>,
        %get3A_329 = arith.constant 6 : i32
        %get3A_330 = arith.index_cast %and3A_50 : i32 to index
        %get3A_331 = arith.index_cast %get3A_329 : i32 to index
        %get3A_332 = arith.constant 64 : index
        %get3A_333 = tpu.vector_load %arg5[%get3A_330, %get3A_331, %get3A_332] {strides = array<i32>} : memref<2x8x128xi32, #tpu.memory_space<vmem>>, vector<16xi32>,
        tpu.vector_store_idx %arg6[%get3A_333], %broadcast_in_dim3A_0 {add = true} : memref<100352xf32, #tpu.memory_space<vmem>>[vector<16xi32>], vector<16xf32>,
        %get3A_334 = arith.constant 6 : i32
        %get3A_335 = arith.index_cast %and3A_50 : i32 to index
        %get3A_336 = arith.index_cast %get3A_334 : i32 to index
        %get3A_337 = arith.constant 80 : index
        %get3A_338 = tpu.vector_load %arg5[%get3A_335, %get3A_336, %get3A_337] {strides = array<i32>} : memref<2x8x128xi32, #tpu.memory_space<vmem>>, vector<16xi32>,
        tpu.vector_store_idx %arg6[%get3A_338], %broadcast_in_dim3A_0 {add = true} : memref<100352xf32, #tpu.memory_space<vmem>>[vector<16xi32>], vector<16xf32>,
        %get3A_339 = arith.constant 6 : i32
        %get3A_340 = arith.index_cast %and3A_50 : i32 to index
        %get3A_341 = arith.index_cast %get3A_339 : i32 to index
        %get3A_342 = arith.constant 96 : index
        %get3A_343 = tpu.vector_load %arg5[%get3A_340, %get3A_341, %get3A_342] {strides = array<i32>} : memref<2x8x128xi32, #tpu.memory_space<vmem>>, vector<16xi32>,
        tpu.vector_store_idx %arg6[%get3A_343], %broadcast_in_dim3A_0 {add = true} : memref<100352xf32, #tpu.memory_space<vmem>>[vector<16xi32>], vector<16xf32>,
        %get3A_344 = arith.constant 6 : i32
        %get3A_345 = arith.index_cast %and3A_50 : i32 to index
        %get3A_346 = arith.index_cast %get3A_344 : i32 to index
        %get3A_347 = arith.constant 112 : index
        %get3A_348 = tpu.vector_load %arg5[%get3A_345, %get3A_346, %get3A_347] {strides = array<i32>} : memref<2x8x128xi32, #tpu.memory_space<vmem>>, vector<16xi32>,
        tpu.vector_store_idx %arg6[%get3A_348], %broadcast_in_dim3A_0 {add = true} : memref<100352xf32, #tpu.memory_space<vmem>>[vector<16xi32>], vector<16xf32>,
        %get3A_349 = arith.constant 7 : i32
        %get3A_350 = arith.index_cast %and3A_50 : i32 to index
        %get3A_351 = arith.index_cast %get3A_349 : i32 to index
        %get3A_352 = arith.constant 0 : index
        %get3A_353 = tpu.vector_load %arg5[%get3A_350, %get3A_351, %get3A_352] {strides = array<i32>} : memref<2x8x128xi32, #tpu.memory_space<vmem>>, vector<16xi32>,
        tpu.vector_store_idx %arg6[%get3A_353], %broadcast_in_dim3A_0 {add = true} : memref<100352xf32, #tpu.memory_space<vmem>>[vector<16xi32>], vector<16xf32>,
        %get3A_354 = arith.constant 7 : i32
        %get3A_355 = arith.index_cast %and3A_50 : i32 to index
        %get3A_356 = arith.index_cast %get3A_354 : i32 to index
        %get3A_357 = arith.constant 16 : index
        %get3A_358 = tpu.vector_load %arg5[%get3A_355, %get3A_356, %get3A_357] {strides = array<i32>} : memref<2x8x128xi32, #tpu.memory_space<vmem>>, vector<16xi32>,
        tpu.vector_store_idx %arg6[%get3A_358], %broadcast_in_dim3A_0 {add = true} : memref<100352xf32, #tpu.memory_space<vmem>>[vector<16xi32>], vector<16xf32>,
        %get3A_359 = arith.constant 7 : i32
        %get3A_360 = arith.index_cast %and3A_50 : i32 to index
        %get3A_361 = arith.index_cast %get3A_359 : i32 to index
        %get3A_362 = arith.constant 32 : index
        %get3A_363 = tpu.vector_load %arg5[%get3A_360, %get3A_361, %get3A_362] {strides = array<i32>} : memref<2x8x128xi32, #tpu.memory_space<vmem>>, vector<16xi32>,
        tpu.vector_store_idx %arg6[%get3A_363], %broadcast_in_dim3A_0 {add = true} : memref<100352xf32, #tpu.memory_space<vmem>>[vector<16xi32>], vector<16xf32>,
        %get3A_364 = arith.constant 7 : i32
        %get3A_365 = arith.index_cast %and3A_50 : i32 to index
        %get3A_366 = arith.index_cast %get3A_364 : i32 to index
        %get3A_367 = arith.constant 48 : index
        %get3A_368 = tpu.vector_load %arg5[%get3A_365, %get3A_366, %get3A_367] {strides = array<i32>} : memref<2x8x128xi32, #tpu.memory_space<vmem>>, vector<16xi32>,
        tpu.vector_store_idx %arg6[%get3A_368], %broadcast_in_dim3A_0 {add = true} : memref<100352xf32, #tpu.memory_space<vmem>>[vector<16xi32>], vector<16xf32>,
        %get3A_369 = arith.constant 7 : i32
        %get3A_370 = arith.index_cast %and3A_50 : i32 to index
        %get3A_371 = arith.index_cast %get3A_369 : i32 to index
        %get3A_372 = arith.constant 64 : index
        %get3A_373 = tpu.vector_load %arg5[%get3A_370, %get3A_371, %get3A_372] {strides = array<i32>} : memref<2x8x128xi32, #tpu.memory_space<vmem>>, vector<16xi32>,
        tpu.vector_store_idx %arg6[%get3A_373], %broadcast_in_dim3A_0 {add = true} : memref<100352xf32, #tpu.memory_space<vmem>>[vector<16xi32>], vector<16xf32>,
        %get3A_374 = arith.constant 7 : i32
        %get3A_375 = arith.index_cast %and3A_50 : i32 to index
        %get3A_376 = arith.index_cast %get3A_374 : i32 to index
        %get3A_377 = arith.constant 80 : index
        %get3A_378 = tpu.vector_load %arg5[%get3A_375, %get3A_376, %get3A_377] {strides = array<i32>} : memref<2x8x128xi32, #tpu.memory_space<vmem>>, vector<16xi32>,
        tpu.vector_store_idx %arg6[%get3A_378], %broadcast_in_dim3A_0 {add = true} : memref<100352xf32, #tpu.memory_space<vmem>>[vector<16xi32>], vector<16xf32>,
        %get3A_379 = arith.constant 7 : i32
        %get3A_380 = arith.index_cast %and3A_50 : i32 to index
        %get3A_381 = arith.index_cast %get3A_379 : i32 to index
        %get3A_382 = arith.constant 96 : index
        %get3A_383 = tpu.vector_load %arg5[%get3A_380, %get3A_381, %get3A_382] {strides = array<i32>} : memref<2x8x128xi32, #tpu.memory_space<vmem>>, vector<16xi32>,
        tpu.vector_store_idx %arg6[%get3A_383], %broadcast_in_dim3A_0 {add = true} : memref<100352xf32, #tpu.memory_space<vmem>>[vector<16xi32>], vector<16xf32>,
        %get3A_384 = arith.constant 7 : i32
        %get3A_385 = arith.index_cast %and3A_50 : i32 to index
        %get3A_386 = arith.index_cast %get3A_384 : i32 to index
        %get3A_387 = arith.constant 112 : index
        %get3A_388 = tpu.vector_load %arg5[%get3A_385, %get3A_386, %get3A_387] {strides = array<i32>} : memref<2x8x128xi32, #tpu.memory_space<vmem>>, vector<16xi32>,
        tpu.vector_store_idx %arg6[%get3A_388], %broadcast_in_dim3A_0 {add = true} : memref<100352xf32, #tpu.memory_space<vmem>>[vector<16xi32>], vector<16xf32>,
      }
    } else {
    }
    %eq3A_10 = arith.constant 1 : i32
    %eq3A_11 = arith.cmpi eq, %arg0, %eq3A_10 : i32
    %convert_element_type3A_12 = arith.extui %eq3A_11 : i1 to i32
    %cond3A_13 = arith.constant 0 : i32
    %cond3A_14 = arith.cmpi ne, %convert_element_type3A_12, %cond3A_13 : i32
    scf.if %cond3A_14 {
      %mul3A_18 = arith.constant 390 : i32
      %mul3A_19 = arith.muli %arg1, %mul3A_18 : i32
      %min3A = arith.constant 10 : i32
      %min3A_20 = arith.minsi %arg1, %min3A : i32
      %add3A_21 = arith.addi %mul3A_19, %min3A_20 : i32
      %lt3A = arith.constant 10 : i32
      %lt3A_22 = arith.cmpi slt, %arg1, %lt3A : i32
      %jit3A = arith.constant 1 : i32
      %jit3A_23 = arith.constant 0 : i32
      %select_n3A = arith.select %lt3A_22, %jit3A, %jit3A_23 : i32
      %add3A_24 = arith.constant 390 : i32
      %add3A_25 = arith.addi %add3A_24, %select_n3A : i32
      %mul3A_26 = arith.constant 8 : i32
      %mul3A_27 = arith.muli %add3A_21, %mul3A_26 : i32
      %dma_start3A = arith.constant 0 : i32
      %dma_start3A_28 = arith.constant 0 : i32
      %dma_start3A_29 = arith.constant 0 : i32
      %dma_start3A_30 = tpu.memref_slice %arg5[%dma_start3A, %dma_start3A_28, %dma_start3A_29] : memref<2x8x128xi32, #tpu.memory_space<vmem>> -> memref<1x8x128xi32, #tpu.memory_space<vmem>>
      %dma_start3A_31 = tpu.memref_squeeze %dma_start3A_30 : memref<1x8x128xi32, #tpu.memory_space<vmem>> -> memref<8x128xi32, #tpu.memory_space<vmem>>
      %dma_start3A_32 = arith.constant 0 : i32
      %dma_start3A_33 = tpu.memref_slice %arg2[%mul3A_27, %dma_start3A_32] : memref<50000x128xi32, #tpu.memory_space<hbm>> -> memref<8x128xi32, #tpu.memory_space<hbm>>
      %dma_start3A_34 = arith.constant 0 : i32
      %dma_start3A_35 = arith.constant 0 : i32
      %dma_start3A_36 = tpu.memref_slice %arg5[%dma_start3A, %dma_start3A_34, %dma_start3A_35] : memref<2x8x128xi32, #tpu.memory_space<vmem>> -> memref<1x8x128xi32, #tpu.memory_space<vmem>>
      %dma_start3A_37 = tpu.memref_squeeze %dma_start3A_36 : memref<1x8x128xi32, #tpu.memory_space<vmem>> -> memref<8x128xi32, #tpu.memory_space<vmem>>
      %dma_start3A_38 = arith.constant 0 : i32
      %dma_start3A_39 = tpu.memref_slice %arg2[%mul3A_27, %dma_start3A_38] : memref<50000x128xi32, #tpu.memory_space<hbm>> -> memref<8x128xi32, #tpu.memory_space<hbm>>
      tpu.enqueue_dma source(%dma_start3A_39 : memref<8x128xi32, #tpu.memory_space<hbm>>) target(%dma_start3A_37 : memref<8x128xi32, #tpu.memory_space<vmem>>) target_semaphore(%arg7 : memref<!tpu.dma_semaphore, #tpu.memory_space<semaphore_mem>>)
      %while3A = arith.constant 0 : i32
      %while3A_40 = arith.constant 0 : i32
      %while3A_41 = arith.subi %add3A_25, %while3A_40 : i32
      %while3A_42 = arith.addi %while3A_40, %while3A_41 : i32
      %while3A_43 = arith.constant 1 : i32
      %while3A_44 = arith.divsi %while3A_41, %while3A_43 : i32
      %while3A_45 = arith.muli %while3A_44, %while3A_43 : i32
      %while3A_46 = arith.addi %while3A_40, %while3A_45 : i32
      %while3A_47 = arith.constant 1 : i32
      scf.for %while3A_49 = %while3A_40 to %while3A_46 step %while3A_47  : i32 {
        %and3A = arith.constant 1 : i32
        %and3A_50 = arith.andi %while3A_49, %and3A : i32
        %dma_wait3A = arith.constant 0 : i32
        %dma_wait3A_51 = arith.constant 0 : i32
        %dma_wait3A_52 = tpu.memref_slice %arg5[%and3A_50, %dma_wait3A, %dma_wait3A_51] : memref<2x8x128xi32, #tpu.memory_space<vmem>> -> memref<1x8x128xi32, #tpu.memory_space<vmem>>
        %dma_wait3A_53 = tpu.memref_squeeze %dma_wait3A_52 : memref<1x8x128xi32, #tpu.memory_space<vmem>> -> memref<8x128xi32, #tpu.memory_space<vmem>>
        %dma_wait3A_54 = arith.constant 0 : i32
        %dma_wait3A_55 = arith.constant 0 : i32
        %dma_wait3A_56 = tpu.memref_slice %arg2[%dma_wait3A_54, %dma_wait3A_55] : memref<50000x128xi32, #tpu.memory_space<hbm>> -> memref<8x128xi32, #tpu.memory_space<hbm>>
        %dma_wait3A_57 = arith.constant 0 : i32
        %dma_wait3A_58 = arith.constant 0 : i32
        %dma_wait3A_59 = tpu.memref_slice %arg5[%and3A_50, %dma_wait3A_57, %dma_wait3A_58] : memref<2x8x128xi32, #tpu.memory_space<vmem>> -> memref<1x8x128xi32, #tpu.memory_space<vmem>>
        %dma_wait3A_60 = tpu.memref_squeeze %dma_wait3A_59 : memref<1x8x128xi32, #tpu.memory_space<vmem>> -> memref<8x128xi32, #tpu.memory_space<vmem>>
        %dma_wait3A_61 = arith.constant 0 : i32
        %dma_wait3A_62 = arith.constant 0 : i32
        %dma_wait3A_63 = tpu.memref_slice %arg2[%dma_wait3A_61, %dma_wait3A_62] : memref<50000x128xi32, #tpu.memory_space<hbm>> -> memref<8x128xi32, #tpu.memory_space<hbm>>
        tpu.wait_dma2 semaphore(%arg7 : memref<!tpu.dma_semaphore, #tpu.memory_space<semaphore_mem>>) src(%dma_wait3A_63 : memref<8x128xi32, #tpu.memory_space<hbm>>) dst(%dma_wait3A_60 : memref<8x128xi32, #tpu.memory_space<vmem>>)
        %add3A_64 = arith.constant 1 : i32
        %add3A_65 = arith.addi %while3A_49, %add3A_64 : i32
        %lt3A_66 = arith.cmpi slt, %add3A_65, %add3A_25 : i32
        %convert_element_type3A_67 = arith.extui %lt3A_66 : i1 to i32
        %cond3A_68 = arith.constant 0 : i32
        %cond3A_69 = arith.cmpi ne, %convert_element_type3A_67, %cond3A_68 : i32
        scf.if %cond3A_69 {
          %add3A_389 = arith.addi %add3A_21, %while3A_49 : i32
          %add3A_390 = arith.constant 1 : i32
          %add3A_391 = arith.addi %add3A_389, %add3A_390 : i32
          %mul3A_392 = arith.constant 8 : i32
          %mul3A_393 = arith.muli %add3A_391, %mul3A_392 : i32
          %sub3A = arith.constant 1 : i32
          %sub3A_394 = arith.subi %sub3A, %and3A_50 : i32
          %dma_start3A_395 = arith.constant 0 : i32
          %dma_start3A_396 = arith.constant 0 : i32
          %dma_start3A_397 = tpu.memref_slice %arg5[%sub3A_394, %dma_start3A_395, %dma_start3A_396] : memref<2x8x128xi32, #tpu.memory_space<vmem>> -> memref<1x8x128xi32, #tpu.memory_space<vmem>>
          %dma_start3A_398 = tpu.memref_squeeze %dma_start3A_397 : memref<1x8x128xi32, #tpu.memory_space<vmem>> -> memref<8x128xi32, #tpu.memory_space<vmem>>
          %dma_start3A_399 = arith.constant 0 : i32
          %dma_start3A_400 = tpu.memref_slice %arg2[%mul3A_393, %dma_start3A_399] : memref<50000x128xi32, #tpu.memory_space<hbm>> -> memref<8x128xi32, #tpu.memory_space<hbm>>
          %dma_start3A_401 = arith.constant 0 : i32
          %dma_start3A_402 = arith.constant 0 : i32
          %dma_start3A_403 = tpu.memref_slice %arg5[%sub3A_394, %dma_start3A_401, %dma_start3A_402] : memref<2x8x128xi32, #tpu.memory_space<vmem>> -> memref<1x8x128xi32, #tpu.memory_space<vmem>>
          %dma_start3A_404 = tpu.memref_squeeze %dma_start3A_403 : memref<1x8x128xi32, #tpu.memory_space<vmem>> -> memref<8x128xi32, #tpu.memory_space<vmem>>
          %dma_start3A_405 = arith.constant 0 : i32
          %dma_start3A_406 = tpu.memref_slice %arg2[%mul3A_393, %dma_start3A_405] : memref<50000x128xi32, #tpu.memory_space<hbm>> -> memref<8x128xi32, #tpu.memory_space<hbm>>
          tpu.enqueue_dma source(%dma_start3A_406 : memref<8x128xi32, #tpu.memory_space<hbm>>) target(%dma_start3A_404 : memref<8x128xi32, #tpu.memory_space<vmem>>) target_semaphore(%arg7 : memref<!tpu.dma_semaphore, #tpu.memory_space<semaphore_mem>>)
        } else {
        }
        %get3A = arith.constant 0 : i32
        %get3A_70 = arith.index_cast %and3A_50 : i32 to index
        %get3A_71 = arith.index_cast %get3A : i32 to index
        %get3A_72 = arith.constant 0 : index
        %get3A_73 = tpu.vector_load %arg5[%get3A_70, %get3A_71, %get3A_72] {strides = array<i32>} : memref<2x8x128xi32, #tpu.memory_space<vmem>>, vector<16xi32>,
        tpu.vector_store_idx %arg6[%get3A_73], %broadcast_in_dim3A_0 {add = true} : memref<100352xf32, #tpu.memory_space<vmem>>[vector<16xi32>], vector<16xf32>,
        %get3A_74 = arith.constant 0 : i32
        %get3A_75 = arith.index_cast %and3A_50 : i32 to index
        %get3A_76 = arith.index_cast %get3A_74 : i32 to index
        %get3A_77 = arith.constant 16 : index
        %get3A_78 = tpu.vector_load %arg5[%get3A_75, %get3A_76, %get3A_77] {strides = array<i32>} : memref<2x8x128xi32, #tpu.memory_space<vmem>>, vector<16xi32>,
        tpu.vector_store_idx %arg6[%get3A_78], %broadcast_in_dim3A_0 {add = true} : memref<100352xf32, #tpu.memory_space<vmem>>[vector<16xi32>], vector<16xf32>,
        %get3A_79 = arith.constant 0 : i32
        %get3A_80 = arith.index_cast %and3A_50 : i32 to index
        %get3A_81 = arith.index_cast %get3A_79 : i32 to index
        %get3A_82 = arith.constant 32 : index
        %get3A_83 = tpu.vector_load %arg5[%get3A_80, %get3A_81, %get3A_82] {strides = array<i32>} : memref<2x8x128xi32, #tpu.memory_space<vmem>>, vector<16xi32>,
        tpu.vector_store_idx %arg6[%get3A_83], %broadcast_in_dim3A_0 {add = true} : memref<100352xf32, #tpu.memory_space<vmem>>[vector<16xi32>], vector<16xf32>,
        %get3A_84 = arith.constant 0 : i32
        %get3A_85 = arith.index_cast %and3A_50 : i32 to index
        %get3A_86 = arith.index_cast %get3A_84 : i32 to index
        %get3A_87 = arith.constant 48 : index
        %get3A_88 = tpu.vector_load %arg5[%get3A_85, %get3A_86, %get3A_87] {strides = array<i32>} : memref<2x8x128xi32, #tpu.memory_space<vmem>>, vector<16xi32>,
        tpu.vector_store_idx %arg6[%get3A_88], %broadcast_in_dim3A_0 {add = true} : memref<100352xf32, #tpu.memory_space<vmem>>[vector<16xi32>], vector<16xf32>,
        %get3A_89 = arith.constant 0 : i32
        %get3A_90 = arith.index_cast %and3A_50 : i32 to index
        %get3A_91 = arith.index_cast %get3A_89 : i32 to index
        %get3A_92 = arith.constant 64 : index
        %get3A_93 = tpu.vector_load %arg5[%get3A_90, %get3A_91, %get3A_92] {strides = array<i32>} : memref<2x8x128xi32, #tpu.memory_space<vmem>>, vector<16xi32>,
        tpu.vector_store_idx %arg6[%get3A_93], %broadcast_in_dim3A_0 {add = true} : memref<100352xf32, #tpu.memory_space<vmem>>[vector<16xi32>], vector<16xf32>,
        %get3A_94 = arith.constant 0 : i32
        %get3A_95 = arith.index_cast %and3A_50 : i32 to index
        %get3A_96 = arith.index_cast %get3A_94 : i32 to index
        %get3A_97 = arith.constant 80 : index
        %get3A_98 = tpu.vector_load %arg5[%get3A_95, %get3A_96, %get3A_97] {strides = array<i32>} : memref<2x8x128xi32, #tpu.memory_space<vmem>>, vector<16xi32>,
        tpu.vector_store_idx %arg6[%get3A_98], %broadcast_in_dim3A_0 {add = true} : memref<100352xf32, #tpu.memory_space<vmem>>[vector<16xi32>], vector<16xf32>,
        %get3A_99 = arith.constant 0 : i32
        %get3A_100 = arith.index_cast %and3A_50 : i32 to index
        %get3A_101 = arith.index_cast %get3A_99 : i32 to index
        %get3A_102 = arith.constant 96 : index
        %get3A_103 = tpu.vector_load %arg5[%get3A_100, %get3A_101, %get3A_102] {strides = array<i32>} : memref<2x8x128xi32, #tpu.memory_space<vmem>>, vector<16xi32>,
        tpu.vector_store_idx %arg6[%get3A_103], %broadcast_in_dim3A_0 {add = true} : memref<100352xf32, #tpu.memory_space<vmem>>[vector<16xi32>], vector<16xf32>,
        %get3A_104 = arith.constant 0 : i32
        %get3A_105 = arith.index_cast %and3A_50 : i32 to index
        %get3A_106 = arith.index_cast %get3A_104 : i32 to index
        %get3A_107 = arith.constant 112 : index
        %get3A_108 = tpu.vector_load %arg5[%get3A_105, %get3A_106, %get3A_107] {strides = array<i32>} : memref<2x8x128xi32, #tpu.memory_space<vmem>>, vector<16xi32>,
        tpu.vector_store_idx %arg6[%get3A_108], %broadcast_in_dim3A_0 {add = true} : memref<100352xf32, #tpu.memory_space<vmem>>[vector<16xi32>], vector<16xf32>,
        %get3A_109 = arith.constant 1 : i32
        %get3A_110 = arith.index_cast %and3A_50 : i32 to index
        %get3A_111 = arith.index_cast %get3A_109 : i32 to index
        %get3A_112 = arith.constant 0 : index
        %get3A_113 = tpu.vector_load %arg5[%get3A_110, %get3A_111, %get3A_112] {strides = array<i32>} : memref<2x8x128xi32, #tpu.memory_space<vmem>>, vector<16xi32>,
        tpu.vector_store_idx %arg6[%get3A_113], %broadcast_in_dim3A_0 {add = true} : memref<100352xf32, #tpu.memory_space<vmem>>[vector<16xi32>], vector<16xf32>,
        %get3A_114 = arith.constant 1 : i32
        %get3A_115 = arith.index_cast %and3A_50 : i32 to index
        %get3A_116 = arith.index_cast %get3A_114 : i32 to index
        %get3A_117 = arith.constant 16 : index
        %get3A_118 = tpu.vector_load %arg5[%get3A_115, %get3A_116, %get3A_117] {strides = array<i32>} : memref<2x8x128xi32, #tpu.memory_space<vmem>>, vector<16xi32>,
        tpu.vector_store_idx %arg6[%get3A_118], %broadcast_in_dim3A_0 {add = true} : memref<100352xf32, #tpu.memory_space<vmem>>[vector<16xi32>], vector<16xf32>,
        %get3A_119 = arith.constant 1 : i32
        %get3A_120 = arith.index_cast %and3A_50 : i32 to index
        %get3A_121 = arith.index_cast %get3A_119 : i32 to index
        %get3A_122 = arith.constant 32 : index
        %get3A_123 = tpu.vector_load %arg5[%get3A_120, %get3A_121, %get3A_122] {strides = array<i32>} : memref<2x8x128xi32, #tpu.memory_space<vmem>>, vector<16xi32>,
        tpu.vector_store_idx %arg6[%get3A_123], %broadcast_in_dim3A_0 {add = true} : memref<100352xf32, #tpu.memory_space<vmem>>[vector<16xi32>], vector<16xf32>,
        %get3A_124 = arith.constant 1 : i32
        %get3A_125 = arith.index_cast %and3A_50 : i32 to index
        %get3A_126 = arith.index_cast %get3A_124 : i32 to index
        %get3A_127 = arith.constant 48 : index
        %get3A_128 = tpu.vector_load %arg5[%get3A_125, %get3A_126, %get3A_127] {strides = array<i32>} : memref<2x8x128xi32, #tpu.memory_space<vmem>>, vector<16xi32>,
        tpu.vector_store_idx %arg6[%get3A_128], %broadcast_in_dim3A_0 {add = true} : memref<100352xf32, #tpu.memory_space<vmem>>[vector<16xi32>], vector<16xf32>,
        %get3A_129 = arith.constant 1 : i32
        %get3A_130 = arith.index_cast %and3A_50 : i32 to index
        %get3A_131 = arith.index_cast %get3A_129 : i32 to index
        %get3A_132 = arith.constant 64 : index
        %get3A_133 = tpu.vector_load %arg5[%get3A_130, %get3A_131, %get3A_132] {strides = array<i32>} : memref<2x8x128xi32, #tpu.memory_space<vmem>>, vector<16xi32>,
        tpu.vector_store_idx %arg6[%get3A_133], %broadcast_in_dim3A_0 {add = true} : memref<100352xf32, #tpu.memory_space<vmem>>[vector<16xi32>], vector<16xf32>,
        %get3A_134 = arith.constant 1 : i32
        %get3A_135 = arith.index_cast %and3A_50 : i32 to index
        %get3A_136 = arith.index_cast %get3A_134 : i32 to index
        %get3A_137 = arith.constant 80 : index
        %get3A_138 = tpu.vector_load %arg5[%get3A_135, %get3A_136, %get3A_137] {strides = array<i32>} : memref<2x8x128xi32, #tpu.memory_space<vmem>>, vector<16xi32>,
        tpu.vector_store_idx %arg6[%get3A_138], %broadcast_in_dim3A_0 {add = true} : memref<100352xf32, #tpu.memory_space<vmem>>[vector<16xi32>], vector<16xf32>,
        %get3A_139 = arith.constant 1 : i32
        %get3A_140 = arith.index_cast %and3A_50 : i32 to index
        %get3A_141 = arith.index_cast %get3A_139 : i32 to index
        %get3A_142 = arith.constant 96 : index
        %get3A_143 = tpu.vector_load %arg5[%get3A_140, %get3A_141, %get3A_142] {strides = array<i32>} : memref<2x8x128xi32, #tpu.memory_space<vmem>>, vector<16xi32>,
        tpu.vector_store_idx %arg6[%get3A_143], %broadcast_in_dim3A_0 {add = true} : memref<100352xf32, #tpu.memory_space<vmem>>[vector<16xi32>], vector<16xf32>,
        %get3A_144 = arith.constant 1 : i32
        %get3A_145 = arith.index_cast %and3A_50 : i32 to index
        %get3A_146 = arith.index_cast %get3A_144 : i32 to index
        %get3A_147 = arith.constant 112 : index
        %get3A_148 = tpu.vector_load %arg5[%get3A_145, %get3A_146, %get3A_147] {strides = array<i32>} : memref<2x8x128xi32, #tpu.memory_space<vmem>>, vector<16xi32>,
        tpu.vector_store_idx %arg6[%get3A_148], %broadcast_in_dim3A_0 {add = true} : memref<100352xf32, #tpu.memory_space<vmem>>[vector<16xi32>], vector<16xf32>,
        %get3A_149 = arith.constant 2 : i32
        %get3A_150 = arith.index_cast %and3A_50 : i32 to index
        %get3A_151 = arith.index_cast %get3A_149 : i32 to index
        %get3A_152 = arith.constant 0 : index
        %get3A_153 = tpu.vector_load %arg5[%get3A_150, %get3A_151, %get3A_152] {strides = array<i32>} : memref<2x8x128xi32, #tpu.memory_space<vmem>>, vector<16xi32>,
        tpu.vector_store_idx %arg6[%get3A_153], %broadcast_in_dim3A_0 {add = true} : memref<100352xf32, #tpu.memory_space<vmem>>[vector<16xi32>], vector<16xf32>,
        %get3A_154 = arith.constant 2 : i32
        %get3A_155 = arith.index_cast %and3A_50 : i32 to index
        %get3A_156 = arith.index_cast %get3A_154 : i32 to index
        %get3A_157 = arith.constant 16 : index
        %get3A_158 = tpu.vector_load %arg5[%get3A_155, %get3A_156, %get3A_157] {strides = array<i32>} : memref<2x8x128xi32, #tpu.memory_space<vmem>>, vector<16xi32>,
        tpu.vector_store_idx %arg6[%get3A_158], %broadcast_in_dim3A_0 {add = true} : memref<100352xf32, #tpu.memory_space<vmem>>[vector<16xi32>], vector<16xf32>,
        %get3A_159 = arith.constant 2 : i32
        %get3A_160 = arith.index_cast %and3A_50 : i32 to index
        %get3A_161 = arith.index_cast %get3A_159 : i32 to index
        %get3A_162 = arith.constant 32 : index
        %get3A_163 = tpu.vector_load %arg5[%get3A_160, %get3A_161, %get3A_162] {strides = array<i32>} : memref<2x8x128xi32, #tpu.memory_space<vmem>>, vector<16xi32>,
        tpu.vector_store_idx %arg6[%get3A_163], %broadcast_in_dim3A_0 {add = true} : memref<100352xf32, #tpu.memory_space<vmem>>[vector<16xi32>], vector<16xf32>,
        %get3A_164 = arith.constant 2 : i32
        %get3A_165 = arith.index_cast %and3A_50 : i32 to index
        %get3A_166 = arith.index_cast %get3A_164 : i32 to index
        %get3A_167 = arith.constant 48 : index
        %get3A_168 = tpu.vector_load %arg5[%get3A_165, %get3A_166, %get3A_167] {strides = array<i32>} : memref<2x8x128xi32, #tpu.memory_space<vmem>>, vector<16xi32>,
        tpu.vector_store_idx %arg6[%get3A_168], %broadcast_in_dim3A_0 {add = true} : memref<100352xf32, #tpu.memory_space<vmem>>[vector<16xi32>], vector<16xf32>,
        %get3A_169 = arith.constant 2 : i32
        %get3A_170 = arith.index_cast %and3A_50 : i32 to index
        %get3A_171 = arith.index_cast %get3A_169 : i32 to index
        %get3A_172 = arith.constant 64 : index
        %get3A_173 = tpu.vector_load %arg5[%get3A_170, %get3A_171, %get3A_172] {strides = array<i32>} : memref<2x8x128xi32, #tpu.memory_space<vmem>>, vector<16xi32>,
        tpu.vector_store_idx %arg6[%get3A_173], %broadcast_in_dim3A_0 {add = true} : memref<100352xf32, #tpu.memory_space<vmem>>[vector<16xi32>], vector<16xf32>,
        %get3A_174 = arith.constant 2 : i32
        %get3A_175 = arith.index_cast %and3A_50 : i32 to index
        %get3A_176 = arith.index_cast %get3A_174 : i32 to index
        %get3A_177 = arith.constant 80 : index
        %get3A_178 = tpu.vector_load %arg5[%get3A_175, %get3A_176, %get3A_177] {strides = array<i32>} : memref<2x8x128xi32, #tpu.memory_space<vmem>>, vector<16xi32>,
        tpu.vector_store_idx %arg6[%get3A_178], %broadcast_in_dim3A_0 {add = true} : memref<100352xf32, #tpu.memory_space<vmem>>[vector<16xi32>], vector<16xf32>,
        %get3A_179 = arith.constant 2 : i32
        %get3A_180 = arith.index_cast %and3A_50 : i32 to index
        %get3A_181 = arith.index_cast %get3A_179 : i32 to index
        %get3A_182 = arith.constant 96 : index
        %get3A_183 = tpu.vector_load %arg5[%get3A_180, %get3A_181, %get3A_182] {strides = array<i32>} : memref<2x8x128xi32, #tpu.memory_space<vmem>>, vector<16xi32>,
        tpu.vector_store_idx %arg6[%get3A_183], %broadcast_in_dim3A_0 {add = true} : memref<100352xf32, #tpu.memory_space<vmem>>[vector<16xi32>], vector<16xf32>,
        %get3A_184 = arith.constant 2 : i32
        %get3A_185 = arith.index_cast %and3A_50 : i32 to index
        %get3A_186 = arith.index_cast %get3A_184 : i32 to index
        %get3A_187 = arith.constant 112 : index
        %get3A_188 = tpu.vector_load %arg5[%get3A_185, %get3A_186, %get3A_187] {strides = array<i32>} : memref<2x8x128xi32, #tpu.memory_space<vmem>>, vector<16xi32>,
        tpu.vector_store_idx %arg6[%get3A_188], %broadcast_in_dim3A_0 {add = true} : memref<100352xf32, #tpu.memory_space<vmem>>[vector<16xi32>], vector<16xf32>,
        %get3A_189 = arith.constant 3 : i32
        %get3A_190 = arith.index_cast %and3A_50 : i32 to index
        %get3A_191 = arith.index_cast %get3A_189 : i32 to index
        %get3A_192 = arith.constant 0 : index
        %get3A_193 = tpu.vector_load %arg5[%get3A_190, %get3A_191, %get3A_192] {strides = array<i32>} : memref<2x8x128xi32, #tpu.memory_space<vmem>>, vector<16xi32>,
        tpu.vector_store_idx %arg6[%get3A_193], %broadcast_in_dim3A_0 {add = true} : memref<100352xf32, #tpu.memory_space<vmem>>[vector<16xi32>], vector<16xf32>,
        %get3A_194 = arith.constant 3 : i32
        %get3A_195 = arith.index_cast %and3A_50 : i32 to index
        %get3A_196 = arith.index_cast %get3A_194 : i32 to index
        %get3A_197 = arith.constant 16 : index
        %get3A_198 = tpu.vector_load %arg5[%get3A_195, %get3A_196, %get3A_197] {strides = array<i32>} : memref<2x8x128xi32, #tpu.memory_space<vmem>>, vector<16xi32>,
        tpu.vector_store_idx %arg6[%get3A_198], %broadcast_in_dim3A_0 {add = true} : memref<100352xf32, #tpu.memory_space<vmem>>[vector<16xi32>], vector<16xf32>,
        %get3A_199 = arith.constant 3 : i32
        %get3A_200 = arith.index_cast %and3A_50 : i32 to index
        %get3A_201 = arith.index_cast %get3A_199 : i32 to index
        %get3A_202 = arith.constant 32 : index
        %get3A_203 = tpu.vector_load %arg5[%get3A_200, %get3A_201, %get3A_202] {strides = array<i32>} : memref<2x8x128xi32, #tpu.memory_space<vmem>>, vector<16xi32>,
        tpu.vector_store_idx %arg6[%get3A_203], %broadcast_in_dim3A_0 {add = true} : memref<100352xf32, #tpu.memory_space<vmem>>[vector<16xi32>], vector<16xf32>,
        %get3A_204 = arith.constant 3 : i32
        %get3A_205 = arith.index_cast %and3A_50 : i32 to index
        %get3A_206 = arith.index_cast %get3A_204 : i32 to index
        %get3A_207 = arith.constant 48 : index
        %get3A_208 = tpu.vector_load %arg5[%get3A_205, %get3A_206, %get3A_207] {strides = array<i32>} : memref<2x8x128xi32, #tpu.memory_space<vmem>>, vector<16xi32>,
        tpu.vector_store_idx %arg6[%get3A_208], %broadcast_in_dim3A_0 {add = true} : memref<100352xf32, #tpu.memory_space<vmem>>[vector<16xi32>], vector<16xf32>,
        %get3A_209 = arith.constant 3 : i32
        %get3A_210 = arith.index_cast %and3A_50 : i32 to index
        %get3A_211 = arith.index_cast %get3A_209 : i32 to index
        %get3A_212 = arith.constant 64 : index
        %get3A_213 = tpu.vector_load %arg5[%get3A_210, %get3A_211, %get3A_212] {strides = array<i32>} : memref<2x8x128xi32, #tpu.memory_space<vmem>>, vector<16xi32>,
        tpu.vector_store_idx %arg6[%get3A_213], %broadcast_in_dim3A_0 {add = true} : memref<100352xf32, #tpu.memory_space<vmem>>[vector<16xi32>], vector<16xf32>,
        %get3A_214 = arith.constant 3 : i32
        %get3A_215 = arith.index_cast %and3A_50 : i32 to index
        %get3A_216 = arith.index_cast %get3A_214 : i32 to index
        %get3A_217 = arith.constant 80 : index
        %get3A_218 = tpu.vector_load %arg5[%get3A_215, %get3A_216, %get3A_217] {strides = array<i32>} : memref<2x8x128xi32, #tpu.memory_space<vmem>>, vector<16xi32>,
        tpu.vector_store_idx %arg6[%get3A_218], %broadcast_in_dim3A_0 {add = true} : memref<100352xf32, #tpu.memory_space<vmem>>[vector<16xi32>], vector<16xf32>,
        %get3A_219 = arith.constant 3 : i32
        %get3A_220 = arith.index_cast %and3A_50 : i32 to index
        %get3A_221 = arith.index_cast %get3A_219 : i32 to index
        %get3A_222 = arith.constant 96 : index
        %get3A_223 = tpu.vector_load %arg5[%get3A_220, %get3A_221, %get3A_222] {strides = array<i32>} : memref<2x8x128xi32, #tpu.memory_space<vmem>>, vector<16xi32>,
        tpu.vector_store_idx %arg6[%get3A_223], %broadcast_in_dim3A_0 {add = true} : memref<100352xf32, #tpu.memory_space<vmem>>[vector<16xi32>], vector<16xf32>,
        %get3A_224 = arith.constant 3 : i32
        %get3A_225 = arith.index_cast %and3A_50 : i32 to index
        %get3A_226 = arith.index_cast %get3A_224 : i32 to index
        %get3A_227 = arith.constant 112 : index
        %get3A_228 = tpu.vector_load %arg5[%get3A_225, %get3A_226, %get3A_227] {strides = array<i32>} : memref<2x8x128xi32, #tpu.memory_space<vmem>>, vector<16xi32>,
        tpu.vector_store_idx %arg6[%get3A_228], %broadcast_in_dim3A_0 {add = true} : memref<100352xf32, #tpu.memory_space<vmem>>[vector<16xi32>], vector<16xf32>,
        %get3A_229 = arith.constant 4 : i32
        %get3A_230 = arith.index_cast %and3A_50 : i32 to index
        %get3A_231 = arith.index_cast %get3A_229 : i32 to index
        %get3A_232 = arith.constant 0 : index
        %get3A_233 = tpu.vector_load %arg5[%get3A_230, %get3A_231, %get3A_232] {strides = array<i32>} : memref<2x8x128xi32, #tpu.memory_space<vmem>>, vector<16xi32>,
        tpu.vector_store_idx %arg6[%get3A_233], %broadcast_in_dim3A_0 {add = true} : memref<100352xf32, #tpu.memory_space<vmem>>[vector<16xi32>], vector<16xf32>,
        %get3A_234 = arith.constant 4 : i32
        %get3A_235 = arith.index_cast %and3A_50 : i32 to index
        %get3A_236 = arith.index_cast %get3A_234 : i32 to index
        %get3A_237 = arith.constant 16 : index
        %get3A_238 = tpu.vector_load %arg5[%get3A_235, %get3A_236, %get3A_237] {strides = array<i32>} : memref<2x8x128xi32, #tpu.memory_space<vmem>>, vector<16xi32>,
        tpu.vector_store_idx %arg6[%get3A_238], %broadcast_in_dim3A_0 {add = true} : memref<100352xf32, #tpu.memory_space<vmem>>[vector<16xi32>], vector<16xf32>,
        %get3A_239 = arith.constant 4 : i32
        %get3A_240 = arith.index_cast %and3A_50 : i32 to index
        %get3A_241 = arith.index_cast %get3A_239 : i32 to index
        %get3A_242 = arith.constant 32 : index
        %get3A_243 = tpu.vector_load %arg5[%get3A_240, %get3A_241, %get3A_242] {strides = array<i32>} : memref<2x8x128xi32, #tpu.memory_space<vmem>>, vector<16xi32>,
        tpu.vector_store_idx %arg6[%get3A_243], %broadcast_in_dim3A_0 {add = true} : memref<100352xf32, #tpu.memory_space<vmem>>[vector<16xi32>], vector<16xf32>,
        %get3A_244 = arith.constant 4 : i32
        %get3A_245 = arith.index_cast %and3A_50 : i32 to index
        %get3A_246 = arith.index_cast %get3A_244 : i32 to index
        %get3A_247 = arith.constant 48 : index
        %get3A_248 = tpu.vector_load %arg5[%get3A_245, %get3A_246, %get3A_247] {strides = array<i32>} : memref<2x8x128xi32, #tpu.memory_space<vmem>>, vector<16xi32>,
        tpu.vector_store_idx %arg6[%get3A_248], %broadcast_in_dim3A_0 {add = true} : memref<100352xf32, #tpu.memory_space<vmem>>[vector<16xi32>], vector<16xf32>,
        %get3A_249 = arith.constant 4 : i32
        %get3A_250 = arith.index_cast %and3A_50 : i32 to index
        %get3A_251 = arith.index_cast %get3A_249 : i32 to index
        %get3A_252 = arith.constant 64 : index
        %get3A_253 = tpu.vector_load %arg5[%get3A_250, %get3A_251, %get3A_252] {strides = array<i32>} : memref<2x8x128xi32, #tpu.memory_space<vmem>>, vector<16xi32>,
        tpu.vector_store_idx %arg6[%get3A_253], %broadcast_in_dim3A_0 {add = true} : memref<100352xf32, #tpu.memory_space<vmem>>[vector<16xi32>], vector<16xf32>,
        %get3A_254 = arith.constant 4 : i32
        %get3A_255 = arith.index_cast %and3A_50 : i32 to index
        %get3A_256 = arith.index_cast %get3A_254 : i32 to index
        %get3A_257 = arith.constant 80 : index
        %get3A_258 = tpu.vector_load %arg5[%get3A_255, %get3A_256, %get3A_257] {strides = array<i32>} : memref<2x8x128xi32, #tpu.memory_space<vmem>>, vector<16xi32>,
        tpu.vector_store_idx %arg6[%get3A_258], %broadcast_in_dim3A_0 {add = true} : memref<100352xf32, #tpu.memory_space<vmem>>[vector<16xi32>], vector<16xf32>,
        %get3A_259 = arith.constant 4 : i32
        %get3A_260 = arith.index_cast %and3A_50 : i32 to index
        %get3A_261 = arith.index_cast %get3A_259 : i32 to index
        %get3A_262 = arith.constant 96 : index
        %get3A_263 = tpu.vector_load %arg5[%get3A_260, %get3A_261, %get3A_262] {strides = array<i32>} : memref<2x8x128xi32, #tpu.memory_space<vmem>>, vector<16xi32>,
        tpu.vector_store_idx %arg6[%get3A_263], %broadcast_in_dim3A_0 {add = true} : memref<100352xf32, #tpu.memory_space<vmem>>[vector<16xi32>], vector<16xf32>,
        %get3A_264 = arith.constant 4 : i32
        %get3A_265 = arith.index_cast %and3A_50 : i32 to index
        %get3A_266 = arith.index_cast %get3A_264 : i32 to index
        %get3A_267 = arith.constant 112 : index
        %get3A_268 = tpu.vector_load %arg5[%get3A_265, %get3A_266, %get3A_267] {strides = array<i32>} : memref<2x8x128xi32, #tpu.memory_space<vmem>>, vector<16xi32>,
        tpu.vector_store_idx %arg6[%get3A_268], %broadcast_in_dim3A_0 {add = true} : memref<100352xf32, #tpu.memory_space<vmem>>[vector<16xi32>], vector<16xf32>,
        %get3A_269 = arith.constant 5 : i32
        %get3A_270 = arith.index_cast %and3A_50 : i32 to index
        %get3A_271 = arith.index_cast %get3A_269 : i32 to index
        %get3A_272 = arith.constant 0 : index
        %get3A_273 = tpu.vector_load %arg5[%get3A_270, %get3A_271, %get3A_272] {strides = array<i32>} : memref<2x8x128xi32, #tpu.memory_space<vmem>>, vector<16xi32>,
        tpu.vector_store_idx %arg6[%get3A_273], %broadcast_in_dim3A_0 {add = true} : memref<100352xf32, #tpu.memory_space<vmem>>[vector<16xi32>], vector<16xf32>,
        %get3A_274 = arith.constant 5 : i32
        %get3A_275 = arith.index_cast %and3A_50 : i32 to index
        %get3A_276 = arith.index_cast %get3A_274 : i32 to index
        %get3A_277 = arith.constant 16 : index
        %get3A_278 = tpu.vector_load %arg5[%get3A_275, %get3A_276, %get3A_277] {strides = array<i32>} : memref<2x8x128xi32, #tpu.memory_space<vmem>>, vector<16xi32>,
        tpu.vector_store_idx %arg6[%get3A_278], %broadcast_in_dim3A_0 {add = true} : memref<100352xf32, #tpu.memory_space<vmem>>[vector<16xi32>], vector<16xf32>,
        %get3A_279 = arith.constant 5 : i32
        %get3A_280 = arith.index_cast %and3A_50 : i32 to index
        %get3A_281 = arith.index_cast %get3A_279 : i32 to index
        %get3A_282 = arith.constant 32 : index
        %get3A_283 = tpu.vector_load %arg5[%get3A_280, %get3A_281, %get3A_282] {strides = array<i32>} : memref<2x8x128xi32, #tpu.memory_space<vmem>>, vector<16xi32>,
        tpu.vector_store_idx %arg6[%get3A_283], %broadcast_in_dim3A_0 {add = true} : memref<100352xf32, #tpu.memory_space<vmem>>[vector<16xi32>], vector<16xf32>,
        %get3A_284 = arith.constant 5 : i32
        %get3A_285 = arith.index_cast %and3A_50 : i32 to index
        %get3A_286 = arith.index_cast %get3A_284 : i32 to index
        %get3A_287 = arith.constant 48 : index
        %get3A_288 = tpu.vector_load %arg5[%get3A_285, %get3A_286, %get3A_287] {strides = array<i32>} : memref<2x8x128xi32, #tpu.memory_space<vmem>>, vector<16xi32>,
        tpu.vector_store_idx %arg6[%get3A_288], %broadcast_in_dim3A_0 {add = true} : memref<100352xf32, #tpu.memory_space<vmem>>[vector<16xi32>], vector<16xf32>,
        %get3A_289 = arith.constant 5 : i32
        %get3A_290 = arith.index_cast %and3A_50 : i32 to index
        %get3A_291 = arith.index_cast %get3A_289 : i32 to index
        %get3A_292 = arith.constant 64 : index
        %get3A_293 = tpu.vector_load %arg5[%get3A_290, %get3A_291, %get3A_292] {strides = array<i32>} : memref<2x8x128xi32, #tpu.memory_space<vmem>>, vector<16xi32>,
        tpu.vector_store_idx %arg6[%get3A_293], %broadcast_in_dim3A_0 {add = true} : memref<100352xf32, #tpu.memory_space<vmem>>[vector<16xi32>], vector<16xf32>,
        %get3A_294 = arith.constant 5 : i32
        %get3A_295 = arith.index_cast %and3A_50 : i32 to index
        %get3A_296 = arith.index_cast %get3A_294 : i32 to index
        %get3A_297 = arith.constant 80 : index
        %get3A_298 = tpu.vector_load %arg5[%get3A_295, %get3A_296, %get3A_297] {strides = array<i32>} : memref<2x8x128xi32, #tpu.memory_space<vmem>>, vector<16xi32>,
        tpu.vector_store_idx %arg6[%get3A_298], %broadcast_in_dim3A_0 {add = true} : memref<100352xf32, #tpu.memory_space<vmem>>[vector<16xi32>], vector<16xf32>,
        %get3A_299 = arith.constant 5 : i32
        %get3A_300 = arith.index_cast %and3A_50 : i32 to index
        %get3A_301 = arith.index_cast %get3A_299 : i32 to index
        %get3A_302 = arith.constant 96 : index
        %get3A_303 = tpu.vector_load %arg5[%get3A_300, %get3A_301, %get3A_302] {strides = array<i32>} : memref<2x8x128xi32, #tpu.memory_space<vmem>>, vector<16xi32>,
        tpu.vector_store_idx %arg6[%get3A_303], %broadcast_in_dim3A_0 {add = true} : memref<100352xf32, #tpu.memory_space<vmem>>[vector<16xi32>], vector<16xf32>,
        %get3A_304 = arith.constant 5 : i32
        %get3A_305 = arith.index_cast %and3A_50 : i32 to index
        %get3A_306 = arith.index_cast %get3A_304 : i32 to index
        %get3A_307 = arith.constant 112 : index
        %get3A_308 = tpu.vector_load %arg5[%get3A_305, %get3A_306, %get3A_307] {strides = array<i32>} : memref<2x8x128xi32, #tpu.memory_space<vmem>>, vector<16xi32>,
        tpu.vector_store_idx %arg6[%get3A_308], %broadcast_in_dim3A_0 {add = true} : memref<100352xf32, #tpu.memory_space<vmem>>[vector<16xi32>], vector<16xf32>,
        %get3A_309 = arith.constant 6 : i32
        %get3A_310 = arith.index_cast %and3A_50 : i32 to index
        %get3A_311 = arith.index_cast %get3A_309 : i32 to index
        %get3A_312 = arith.constant 0 : index
        %get3A_313 = tpu.vector_load %arg5[%get3A_310, %get3A_311, %get3A_312] {strides = array<i32>} : memref<2x8x128xi32, #tpu.memory_space<vmem>>, vector<16xi32>,
        tpu.vector_store_idx %arg6[%get3A_313], %broadcast_in_dim3A_0 {add = true} : memref<100352xf32, #tpu.memory_space<vmem>>[vector<16xi32>], vector<16xf32>,
        %get3A_314 = arith.constant 6 : i32
        %get3A_315 = arith.index_cast %and3A_50 : i32 to index
        %get3A_316 = arith.index_cast %get3A_314 : i32 to index
        %get3A_317 = arith.constant 16 : index
        %get3A_318 = tpu.vector_load %arg5[%get3A_315, %get3A_316, %get3A_317] {strides = array<i32>} : memref<2x8x128xi32, #tpu.memory_space<vmem>>, vector<16xi32>,
        tpu.vector_store_idx %arg6[%get3A_318], %broadcast_in_dim3A_0 {add = true} : memref<100352xf32, #tpu.memory_space<vmem>>[vector<16xi32>], vector<16xf32>,
        %get3A_319 = arith.constant 6 : i32
        %get3A_320 = arith.index_cast %and3A_50 : i32 to index
        %get3A_321 = arith.index_cast %get3A_319 : i32 to index
        %get3A_322 = arith.constant 32 : index
        %get3A_323 = tpu.vector_load %arg5[%get3A_320, %get3A_321, %get3A_322] {strides = array<i32>} : memref<2x8x128xi32, #tpu.memory_space<vmem>>, vector<16xi32>,
        tpu.vector_store_idx %arg6[%get3A_323], %broadcast_in_dim3A_0 {add = true} : memref<100352xf32, #tpu.memory_space<vmem>>[vector<16xi32>], vector<16xf32>,
        %get3A_324 = arith.constant 6 : i32
        %get3A_325 = arith.index_cast %and3A_50 : i32 to index
        %get3A_326 = arith.index_cast %get3A_324 : i32 to index
        %get3A_327 = arith.constant 48 : index
        %get3A_328 = tpu.vector_load %arg5[%get3A_325, %get3A_326, %get3A_327] {strides = array<i32>} : memref<2x8x128xi32, #tpu.memory_space<vmem>>, vector<16xi32>,
        tpu.vector_store_idx %arg6[%get3A_328], %broadcast_in_dim3A_0 {add = true} : memref<100352xf32, #tpu.memory_space<vmem>>[vector<16xi32>], vector<16xf32>,
        %get3A_329 = arith.constant 6 : i32
        %get3A_330 = arith.index_cast %and3A_50 : i32 to index
        %get3A_331 = arith.index_cast %get3A_329 : i32 to index
        %get3A_332 = arith.constant 64 : index
        %get3A_333 = tpu.vector_load %arg5[%get3A_330, %get3A_331, %get3A_332] {strides = array<i32>} : memref<2x8x128xi32, #tpu.memory_space<vmem>>, vector<16xi32>,
        tpu.vector_store_idx %arg6[%get3A_333], %broadcast_in_dim3A_0 {add = true} : memref<100352xf32, #tpu.memory_space<vmem>>[vector<16xi32>], vector<16xf32>,
        %get3A_334 = arith.constant 6 : i32
        %get3A_335 = arith.index_cast %and3A_50 : i32 to index
        %get3A_336 = arith.index_cast %get3A_334 : i32 to index
        %get3A_337 = arith.constant 80 : index
        %get3A_338 = tpu.vector_load %arg5[%get3A_335, %get3A_336, %get3A_337] {strides = array<i32>} : memref<2x8x128xi32, #tpu.memory_space<vmem>>, vector<16xi32>,
        tpu.vector_store_idx %arg6[%get3A_338], %broadcast_in_dim3A_0 {add = true} : memref<100352xf32, #tpu.memory_space<vmem>>[vector<16xi32>], vector<16xf32>,
        %get3A_339 = arith.constant 6 : i32
        %get3A_340 = arith.index_cast %and3A_50 : i32 to index
        %get3A_341 = arith.index_cast %get3A_339 : i32 to index
        %get3A_342 = arith.constant 96 : index
        %get3A_343 = tpu.vector_load %arg5[%get3A_340, %get3A_341, %get3A_342] {strides = array<i32>} : memref<2x8x128xi32, #tpu.memory_space<vmem>>, vector<16xi32>,
        tpu.vector_store_idx %arg6[%get3A_343], %broadcast_in_dim3A_0 {add = true} : memref<100352xf32, #tpu.memory_space<vmem>>[vector<16xi32>], vector<16xf32>,
        %get3A_344 = arith.constant 6 : i32
        %get3A_345 = arith.index_cast %and3A_50 : i32 to index
        %get3A_346 = arith.index_cast %get3A_344 : i32 to index
        %get3A_347 = arith.constant 112 : index
        %get3A_348 = tpu.vector_load %arg5[%get3A_345, %get3A_346, %get3A_347] {strides = array<i32>} : memref<2x8x128xi32, #tpu.memory_space<vmem>>, vector<16xi32>,
        tpu.vector_store_idx %arg6[%get3A_348], %broadcast_in_dim3A_0 {add = true} : memref<100352xf32, #tpu.memory_space<vmem>>[vector<16xi32>], vector<16xf32>,
        %get3A_349 = arith.constant 7 : i32
        %get3A_350 = arith.index_cast %and3A_50 : i32 to index
        %get3A_351 = arith.index_cast %get3A_349 : i32 to index
        %get3A_352 = arith.constant 0 : index
        %get3A_353 = tpu.vector_load %arg5[%get3A_350, %get3A_351, %get3A_352] {strides = array<i32>} : memref<2x8x128xi32, #tpu.memory_space<vmem>>, vector<16xi32>,
        tpu.vector_store_idx %arg6[%get3A_353], %broadcast_in_dim3A_0 {add = true} : memref<100352xf32, #tpu.memory_space<vmem>>[vector<16xi32>], vector<16xf32>,
        %get3A_354 = arith.constant 7 : i32
        %get3A_355 = arith.index_cast %and3A_50 : i32 to index
        %get3A_356 = arith.index_cast %get3A_354 : i32 to index
        %get3A_357 = arith.constant 16 : index
        %get3A_358 = tpu.vector_load %arg5[%get3A_355, %get3A_356, %get3A_357] {strides = array<i32>} : memref<2x8x128xi32, #tpu.memory_space<vmem>>, vector<16xi32>,
        tpu.vector_store_idx %arg6[%get3A_358], %broadcast_in_dim3A_0 {add = true} : memref<100352xf32, #tpu.memory_space<vmem>>[vector<16xi32>], vector<16xf32>,
        %get3A_359 = arith.constant 7 : i32
        %get3A_360 = arith.index_cast %and3A_50 : i32 to index
        %get3A_361 = arith.index_cast %get3A_359 : i32 to index
        %get3A_362 = arith.constant 32 : index
        %get3A_363 = tpu.vector_load %arg5[%get3A_360, %get3A_361, %get3A_362] {strides = array<i32>} : memref<2x8x128xi32, #tpu.memory_space<vmem>>, vector<16xi32>,
        tpu.vector_store_idx %arg6[%get3A_363], %broadcast_in_dim3A_0 {add = true} : memref<100352xf32, #tpu.memory_space<vmem>>[vector<16xi32>], vector<16xf32>,
        %get3A_364 = arith.constant 7 : i32
        %get3A_365 = arith.index_cast %and3A_50 : i32 to index
        %get3A_366 = arith.index_cast %get3A_364 : i32 to index
        %get3A_367 = arith.constant 48 : index
        %get3A_368 = tpu.vector_load %arg5[%get3A_365, %get3A_366, %get3A_367] {strides = array<i32>} : memref<2x8x128xi32, #tpu.memory_space<vmem>>, vector<16xi32>,
        tpu.vector_store_idx %arg6[%get3A_368], %broadcast_in_dim3A_0 {add = true} : memref<100352xf32, #tpu.memory_space<vmem>>[vector<16xi32>], vector<16xf32>,
        %get3A_369 = arith.constant 7 : i32
        %get3A_370 = arith.index_cast %and3A_50 : i32 to index
        %get3A_371 = arith.index_cast %get3A_369 : i32 to index
        %get3A_372 = arith.constant 64 : index
        %get3A_373 = tpu.vector_load %arg5[%get3A_370, %get3A_371, %get3A_372] {strides = array<i32>} : memref<2x8x128xi32, #tpu.memory_space<vmem>>, vector<16xi32>,
        tpu.vector_store_idx %arg6[%get3A_373], %broadcast_in_dim3A_0 {add = true} : memref<100352xf32, #tpu.memory_space<vmem>>[vector<16xi32>], vector<16xf32>,
        %get3A_374 = arith.constant 7 : i32
        %get3A_375 = arith.index_cast %and3A_50 : i32 to index
        %get3A_376 = arith.index_cast %get3A_374 : i32 to index
        %get3A_377 = arith.constant 80 : index
        %get3A_378 = tpu.vector_load %arg5[%get3A_375, %get3A_376, %get3A_377] {strides = array<i32>} : memref<2x8x128xi32, #tpu.memory_space<vmem>>, vector<16xi32>,
        tpu.vector_store_idx %arg6[%get3A_378], %broadcast_in_dim3A_0 {add = true} : memref<100352xf32, #tpu.memory_space<vmem>>[vector<16xi32>], vector<16xf32>,
        %get3A_379 = arith.constant 7 : i32
        %get3A_380 = arith.index_cast %and3A_50 : i32 to index
        %get3A_381 = arith.index_cast %get3A_379 : i32 to index
        %get3A_382 = arith.constant 96 : index
        %get3A_383 = tpu.vector_load %arg5[%get3A_380, %get3A_381, %get3A_382] {strides = array<i32>} : memref<2x8x128xi32, #tpu.memory_space<vmem>>, vector<16xi32>,
        tpu.vector_store_idx %arg6[%get3A_383], %broadcast_in_dim3A_0 {add = true} : memref<100352xf32, #tpu.memory_space<vmem>>[vector<16xi32>], vector<16xf32>,
        %get3A_384 = arith.constant 7 : i32
        %get3A_385 = arith.index_cast %and3A_50 : i32 to index
        %get3A_386 = arith.index_cast %get3A_384 : i32 to index
        %get3A_387 = arith.constant 112 : index
        %get3A_388 = tpu.vector_load %arg5[%get3A_385, %get3A_386, %get3A_387] {strides = array<i32>} : memref<2x8x128xi32, #tpu.memory_space<vmem>>, vector<16xi32>,
        tpu.vector_store_idx %arg6[%get3A_388], %broadcast_in_dim3A_0 {add = true} : memref<100352xf32, #tpu.memory_space<vmem>>[vector<16xi32>], vector<16xf32>,
      }
      %while3A_48 = arith.constant 1 : i32
      scf.for %while3A_49 = %while3A_46 to %while3A_42 step %while3A_48  : i32 {
        %and3A = arith.constant 1 : i32
        %and3A_50 = arith.andi %while3A_49, %and3A : i32
        %dma_wait3A = arith.constant 0 : i32
        %dma_wait3A_51 = arith.constant 0 : i32
        %dma_wait3A_52 = tpu.memref_slice %arg5[%and3A_50, %dma_wait3A, %dma_wait3A_51] : memref<2x8x128xi32, #tpu.memory_space<vmem>> -> memref<1x8x128xi32, #tpu.memory_space<vmem>>
        %dma_wait3A_53 = tpu.memref_squeeze %dma_wait3A_52 : memref<1x8x128xi32, #tpu.memory_space<vmem>> -> memref<8x128xi32, #tpu.memory_space<vmem>>
        %dma_wait3A_54 = arith.constant 0 : i32
        %dma_wait3A_55 = arith.constant 0 : i32
        %dma_wait3A_56 = tpu.memref_slice %arg2[%dma_wait3A_54, %dma_wait3A_55] : memref<50000x128xi32, #tpu.memory_space<hbm>> -> memref<8x128xi32, #tpu.memory_space<hbm>>
        %dma_wait3A_57 = arith.constant 0 : i32
        %dma_wait3A_58 = arith.constant 0 : i32
        %dma_wait3A_59 = tpu.memref_slice %arg5[%and3A_50, %dma_wait3A_57, %dma_wait3A_58] : memref<2x8x128xi32, #tpu.memory_space<vmem>> -> memref<1x8x128xi32, #tpu.memory_space<vmem>>
        %dma_wait3A_60 = tpu.memref_squeeze %dma_wait3A_59 : memref<1x8x128xi32, #tpu.memory_space<vmem>> -> memref<8x128xi32, #tpu.memory_space<vmem>>
        %dma_wait3A_61 = arith.constant 0 : i32
        %dma_wait3A_62 = arith.constant 0 : i32
        %dma_wait3A_63 = tpu.memref_slice %arg2[%dma_wait3A_61, %dma_wait3A_62] : memref<50000x128xi32, #tpu.memory_space<hbm>> -> memref<8x128xi32, #tpu.memory_space<hbm>>
        tpu.wait_dma2 semaphore(%arg7 : memref<!tpu.dma_semaphore, #tpu.memory_space<semaphore_mem>>) src(%dma_wait3A_63 : memref<8x128xi32, #tpu.memory_space<hbm>>) dst(%dma_wait3A_60 : memref<8x128xi32, #tpu.memory_space<vmem>>)
        %add3A_64 = arith.constant 1 : i32
        %add3A_65 = arith.addi %while3A_49, %add3A_64 : i32
        %lt3A_66 = arith.cmpi slt, %add3A_65, %add3A_25 : i32
        %convert_element_type3A_67 = arith.extui %lt3A_66 : i1 to i32
        %cond3A_68 = arith.constant 0 : i32
        %cond3A_69 = arith.cmpi ne, %convert_element_type3A_67, %cond3A_68 : i32
        scf.if %cond3A_69 {
          %add3A_389 = arith.addi %add3A_21, %while3A_49 : i32
          %add3A_390 = arith.constant 1 : i32
          %add3A_391 = arith.addi %add3A_389, %add3A_390 : i32
          %mul3A_392 = arith.constant 8 : i32
          %mul3A_393 = arith.muli %add3A_391, %mul3A_392 : i32
          %sub3A = arith.constant 1 : i32
          %sub3A_394 = arith.subi %sub3A, %and3A_50 : i32
          %dma_start3A_395 = arith.constant 0 : i32
          %dma_start3A_396 = arith.constant 0 : i32
          %dma_start3A_397 = tpu.memref_slice %arg5[%sub3A_394, %dma_start3A_395, %dma_start3A_396] : memref<2x8x128xi32, #tpu.memory_space<vmem>> -> memref<1x8x128xi32, #tpu.memory_space<vmem>>
          %dma_start3A_398 = tpu.memref_squeeze %dma_start3A_397 : memref<1x8x128xi32, #tpu.memory_space<vmem>> -> memref<8x128xi32, #tpu.memory_space<vmem>>
          %dma_start3A_399 = arith.constant 0 : i32
          %dma_start3A_400 = tpu.memref_slice %arg2[%mul3A_393, %dma_start3A_399] : memref<50000x128xi32, #tpu.memory_space<hbm>> -> memref<8x128xi32, #tpu.memory_space<hbm>>
          %dma_start3A_401 = arith.constant 0 : i32
          %dma_start3A_402 = arith.constant 0 : i32
          %dma_start3A_403 = tpu.memref_slice %arg5[%sub3A_394, %dma_start3A_401, %dma_start3A_402] : memref<2x8x128xi32, #tpu.memory_space<vmem>> -> memref<1x8x128xi32, #tpu.memory_space<vmem>>
          %dma_start3A_404 = tpu.memref_squeeze %dma_start3A_403 : memref<1x8x128xi32, #tpu.memory_space<vmem>> -> memref<8x128xi32, #tpu.memory_space<vmem>>
          %dma_start3A_405 = arith.constant 0 : i32
          %dma_start3A_406 = tpu.memref_slice %arg2[%mul3A_393, %dma_start3A_405] : memref<50000x128xi32, #tpu.memory_space<hbm>> -> memref<8x128xi32, #tpu.memory_space<hbm>>
          tpu.enqueue_dma source(%dma_start3A_406 : memref<8x128xi32, #tpu.memory_space<hbm>>) target(%dma_start3A_404 : memref<8x128xi32, #tpu.memory_space<vmem>>) target_semaphore(%arg7 : memref<!tpu.dma_semaphore, #tpu.memory_space<semaphore_mem>>)
        } else {
        }
        %get3A = arith.constant 0 : i32
        %get3A_70 = arith.index_cast %and3A_50 : i32 to index
        %get3A_71 = arith.index_cast %get3A : i32 to index
        %get3A_72 = arith.constant 0 : index
        %get3A_73 = tpu.vector_load %arg5[%get3A_70, %get3A_71, %get3A_72] {strides = array<i32>} : memref<2x8x128xi32, #tpu.memory_space<vmem>>, vector<16xi32>,
        tpu.vector_store_idx %arg6[%get3A_73], %broadcast_in_dim3A_0 {add = true} : memref<100352xf32, #tpu.memory_space<vmem>>[vector<16xi32>], vector<16xf32>,
        %get3A_74 = arith.constant 0 : i32
        %get3A_75 = arith.index_cast %and3A_50 : i32 to index
        %get3A_76 = arith.index_cast %get3A_74 : i32 to index
        %get3A_77 = arith.constant 16 : index
        %get3A_78 = tpu.vector_load %arg5[%get3A_75, %get3A_76, %get3A_77] {strides = array<i32>} : memref<2x8x128xi32, #tpu.memory_space<vmem>>, vector<16xi32>,
        tpu.vector_store_idx %arg6[%get3A_78], %broadcast_in_dim3A_0 {add = true} : memref<100352xf32, #tpu.memory_space<vmem>>[vector<16xi32>], vector<16xf32>,
        %get3A_79 = arith.constant 0 : i32
        %get3A_80 = arith.index_cast %and3A_50 : i32 to index
        %get3A_81 = arith.index_cast %get3A_79 : i32 to index
        %get3A_82 = arith.constant 32 : index
        %get3A_83 = tpu.vector_load %arg5[%get3A_80, %get3A_81, %get3A_82] {strides = array<i32>} : memref<2x8x128xi32, #tpu.memory_space<vmem>>, vector<16xi32>,
        tpu.vector_store_idx %arg6[%get3A_83], %broadcast_in_dim3A_0 {add = true} : memref<100352xf32, #tpu.memory_space<vmem>>[vector<16xi32>], vector<16xf32>,
        %get3A_84 = arith.constant 0 : i32
        %get3A_85 = arith.index_cast %and3A_50 : i32 to index
        %get3A_86 = arith.index_cast %get3A_84 : i32 to index
        %get3A_87 = arith.constant 48 : index
        %get3A_88 = tpu.vector_load %arg5[%get3A_85, %get3A_86, %get3A_87] {strides = array<i32>} : memref<2x8x128xi32, #tpu.memory_space<vmem>>, vector<16xi32>,
        tpu.vector_store_idx %arg6[%get3A_88], %broadcast_in_dim3A_0 {add = true} : memref<100352xf32, #tpu.memory_space<vmem>>[vector<16xi32>], vector<16xf32>,
        %get3A_89 = arith.constant 0 : i32
        %get3A_90 = arith.index_cast %and3A_50 : i32 to index
        %get3A_91 = arith.index_cast %get3A_89 : i32 to index
        %get3A_92 = arith.constant 64 : index
        %get3A_93 = tpu.vector_load %arg5[%get3A_90, %get3A_91, %get3A_92] {strides = array<i32>} : memref<2x8x128xi32, #tpu.memory_space<vmem>>, vector<16xi32>,
        tpu.vector_store_idx %arg6[%get3A_93], %broadcast_in_dim3A_0 {add = true} : memref<100352xf32, #tpu.memory_space<vmem>>[vector<16xi32>], vector<16xf32>,
        %get3A_94 = arith.constant 0 : i32
        %get3A_95 = arith.index_cast %and3A_50 : i32 to index
        %get3A_96 = arith.index_cast %get3A_94 : i32 to index
        %get3A_97 = arith.constant 80 : index
        %get3A_98 = tpu.vector_load %arg5[%get3A_95, %get3A_96, %get3A_97] {strides = array<i32>} : memref<2x8x128xi32, #tpu.memory_space<vmem>>, vector<16xi32>,
        tpu.vector_store_idx %arg6[%get3A_98], %broadcast_in_dim3A_0 {add = true} : memref<100352xf32, #tpu.memory_space<vmem>>[vector<16xi32>], vector<16xf32>,
        %get3A_99 = arith.constant 0 : i32
        %get3A_100 = arith.index_cast %and3A_50 : i32 to index
        %get3A_101 = arith.index_cast %get3A_99 : i32 to index
        %get3A_102 = arith.constant 96 : index
        %get3A_103 = tpu.vector_load %arg5[%get3A_100, %get3A_101, %get3A_102] {strides = array<i32>} : memref<2x8x128xi32, #tpu.memory_space<vmem>>, vector<16xi32>,
        tpu.vector_store_idx %arg6[%get3A_103], %broadcast_in_dim3A_0 {add = true} : memref<100352xf32, #tpu.memory_space<vmem>>[vector<16xi32>], vector<16xf32>,
        %get3A_104 = arith.constant 0 : i32
        %get3A_105 = arith.index_cast %and3A_50 : i32 to index
        %get3A_106 = arith.index_cast %get3A_104 : i32 to index
        %get3A_107 = arith.constant 112 : index
        %get3A_108 = tpu.vector_load %arg5[%get3A_105, %get3A_106, %get3A_107] {strides = array<i32>} : memref<2x8x128xi32, #tpu.memory_space<vmem>>, vector<16xi32>,
        tpu.vector_store_idx %arg6[%get3A_108], %broadcast_in_dim3A_0 {add = true} : memref<100352xf32, #tpu.memory_space<vmem>>[vector<16xi32>], vector<16xf32>,
        %get3A_109 = arith.constant 1 : i32
        %get3A_110 = arith.index_cast %and3A_50 : i32 to index
        %get3A_111 = arith.index_cast %get3A_109 : i32 to index
        %get3A_112 = arith.constant 0 : index
        %get3A_113 = tpu.vector_load %arg5[%get3A_110, %get3A_111, %get3A_112] {strides = array<i32>} : memref<2x8x128xi32, #tpu.memory_space<vmem>>, vector<16xi32>,
        tpu.vector_store_idx %arg6[%get3A_113], %broadcast_in_dim3A_0 {add = true} : memref<100352xf32, #tpu.memory_space<vmem>>[vector<16xi32>], vector<16xf32>,
        %get3A_114 = arith.constant 1 : i32
        %get3A_115 = arith.index_cast %and3A_50 : i32 to index
        %get3A_116 = arith.index_cast %get3A_114 : i32 to index
        %get3A_117 = arith.constant 16 : index
        %get3A_118 = tpu.vector_load %arg5[%get3A_115, %get3A_116, %get3A_117] {strides = array<i32>} : memref<2x8x128xi32, #tpu.memory_space<vmem>>, vector<16xi32>,
        tpu.vector_store_idx %arg6[%get3A_118], %broadcast_in_dim3A_0 {add = true} : memref<100352xf32, #tpu.memory_space<vmem>>[vector<16xi32>], vector<16xf32>,
        %get3A_119 = arith.constant 1 : i32
        %get3A_120 = arith.index_cast %and3A_50 : i32 to index
        %get3A_121 = arith.index_cast %get3A_119 : i32 to index
        %get3A_122 = arith.constant 32 : index
        %get3A_123 = tpu.vector_load %arg5[%get3A_120, %get3A_121, %get3A_122] {strides = array<i32>} : memref<2x8x128xi32, #tpu.memory_space<vmem>>, vector<16xi32>,
        tpu.vector_store_idx %arg6[%get3A_123], %broadcast_in_dim3A_0 {add = true} : memref<100352xf32, #tpu.memory_space<vmem>>[vector<16xi32>], vector<16xf32>,
        %get3A_124 = arith.constant 1 : i32
        %get3A_125 = arith.index_cast %and3A_50 : i32 to index
        %get3A_126 = arith.index_cast %get3A_124 : i32 to index
        %get3A_127 = arith.constant 48 : index
        %get3A_128 = tpu.vector_load %arg5[%get3A_125, %get3A_126, %get3A_127] {strides = array<i32>} : memref<2x8x128xi32, #tpu.memory_space<vmem>>, vector<16xi32>,
        tpu.vector_store_idx %arg6[%get3A_128], %broadcast_in_dim3A_0 {add = true} : memref<100352xf32, #tpu.memory_space<vmem>>[vector<16xi32>], vector<16xf32>,
        %get3A_129 = arith.constant 1 : i32
        %get3A_130 = arith.index_cast %and3A_50 : i32 to index
        %get3A_131 = arith.index_cast %get3A_129 : i32 to index
        %get3A_132 = arith.constant 64 : index
        %get3A_133 = tpu.vector_load %arg5[%get3A_130, %get3A_131, %get3A_132] {strides = array<i32>} : memref<2x8x128xi32, #tpu.memory_space<vmem>>, vector<16xi32>,
        tpu.vector_store_idx %arg6[%get3A_133], %broadcast_in_dim3A_0 {add = true} : memref<100352xf32, #tpu.memory_space<vmem>>[vector<16xi32>], vector<16xf32>,
        %get3A_134 = arith.constant 1 : i32
        %get3A_135 = arith.index_cast %and3A_50 : i32 to index
        %get3A_136 = arith.index_cast %get3A_134 : i32 to index
        %get3A_137 = arith.constant 80 : index
        %get3A_138 = tpu.vector_load %arg5[%get3A_135, %get3A_136, %get3A_137] {strides = array<i32>} : memref<2x8x128xi32, #tpu.memory_space<vmem>>, vector<16xi32>,
        tpu.vector_store_idx %arg6[%get3A_138], %broadcast_in_dim3A_0 {add = true} : memref<100352xf32, #tpu.memory_space<vmem>>[vector<16xi32>], vector<16xf32>,
        %get3A_139 = arith.constant 1 : i32
        %get3A_140 = arith.index_cast %and3A_50 : i32 to index
        %get3A_141 = arith.index_cast %get3A_139 : i32 to index
        %get3A_142 = arith.constant 96 : index
        %get3A_143 = tpu.vector_load %arg5[%get3A_140, %get3A_141, %get3A_142] {strides = array<i32>} : memref<2x8x128xi32, #tpu.memory_space<vmem>>, vector<16xi32>,
        tpu.vector_store_idx %arg6[%get3A_143], %broadcast_in_dim3A_0 {add = true} : memref<100352xf32, #tpu.memory_space<vmem>>[vector<16xi32>], vector<16xf32>,
        %get3A_144 = arith.constant 1 : i32
        %get3A_145 = arith.index_cast %and3A_50 : i32 to index
        %get3A_146 = arith.index_cast %get3A_144 : i32 to index
        %get3A_147 = arith.constant 112 : index
        %get3A_148 = tpu.vector_load %arg5[%get3A_145, %get3A_146, %get3A_147] {strides = array<i32>} : memref<2x8x128xi32, #tpu.memory_space<vmem>>, vector<16xi32>,
        tpu.vector_store_idx %arg6[%get3A_148], %broadcast_in_dim3A_0 {add = true} : memref<100352xf32, #tpu.memory_space<vmem>>[vector<16xi32>], vector<16xf32>,
        %get3A_149 = arith.constant 2 : i32
        %get3A_150 = arith.index_cast %and3A_50 : i32 to index
        %get3A_151 = arith.index_cast %get3A_149 : i32 to index
        %get3A_152 = arith.constant 0 : index
        %get3A_153 = tpu.vector_load %arg5[%get3A_150, %get3A_151, %get3A_152] {strides = array<i32>} : memref<2x8x128xi32, #tpu.memory_space<vmem>>, vector<16xi32>,
        tpu.vector_store_idx %arg6[%get3A_153], %broadcast_in_dim3A_0 {add = true} : memref<100352xf32, #tpu.memory_space<vmem>>[vector<16xi32>], vector<16xf32>,
        %get3A_154 = arith.constant 2 : i32
        %get3A_155 = arith.index_cast %and3A_50 : i32 to index
        %get3A_156 = arith.index_cast %get3A_154 : i32 to index
        %get3A_157 = arith.constant 16 : index
        %get3A_158 = tpu.vector_load %arg5[%get3A_155, %get3A_156, %get3A_157] {strides = array<i32>} : memref<2x8x128xi32, #tpu.memory_space<vmem>>, vector<16xi32>,
        tpu.vector_store_idx %arg6[%get3A_158], %broadcast_in_dim3A_0 {add = true} : memref<100352xf32, #tpu.memory_space<vmem>>[vector<16xi32>], vector<16xf32>,
        %get3A_159 = arith.constant 2 : i32
        %get3A_160 = arith.index_cast %and3A_50 : i32 to index
        %get3A_161 = arith.index_cast %get3A_159 : i32 to index
        %get3A_162 = arith.constant 32 : index
        %get3A_163 = tpu.vector_load %arg5[%get3A_160, %get3A_161, %get3A_162] {strides = array<i32>} : memref<2x8x128xi32, #tpu.memory_space<vmem>>, vector<16xi32>,
        tpu.vector_store_idx %arg6[%get3A_163], %broadcast_in_dim3A_0 {add = true} : memref<100352xf32, #tpu.memory_space<vmem>>[vector<16xi32>], vector<16xf32>,
        %get3A_164 = arith.constant 2 : i32
        %get3A_165 = arith.index_cast %and3A_50 : i32 to index
        %get3A_166 = arith.index_cast %get3A_164 : i32 to index
        %get3A_167 = arith.constant 48 : index
        %get3A_168 = tpu.vector_load %arg5[%get3A_165, %get3A_166, %get3A_167] {strides = array<i32>} : memref<2x8x128xi32, #tpu.memory_space<vmem>>, vector<16xi32>,
        tpu.vector_store_idx %arg6[%get3A_168], %broadcast_in_dim3A_0 {add = true} : memref<100352xf32, #tpu.memory_space<vmem>>[vector<16xi32>], vector<16xf32>,
        %get3A_169 = arith.constant 2 : i32
        %get3A_170 = arith.index_cast %and3A_50 : i32 to index
        %get3A_171 = arith.index_cast %get3A_169 : i32 to index
        %get3A_172 = arith.constant 64 : index
        %get3A_173 = tpu.vector_load %arg5[%get3A_170, %get3A_171, %get3A_172] {strides = array<i32>} : memref<2x8x128xi32, #tpu.memory_space<vmem>>, vector<16xi32>,
        tpu.vector_store_idx %arg6[%get3A_173], %broadcast_in_dim3A_0 {add = true} : memref<100352xf32, #tpu.memory_space<vmem>>[vector<16xi32>], vector<16xf32>,
        %get3A_174 = arith.constant 2 : i32
        %get3A_175 = arith.index_cast %and3A_50 : i32 to index
        %get3A_176 = arith.index_cast %get3A_174 : i32 to index
        %get3A_177 = arith.constant 80 : index
        %get3A_178 = tpu.vector_load %arg5[%get3A_175, %get3A_176, %get3A_177] {strides = array<i32>} : memref<2x8x128xi32, #tpu.memory_space<vmem>>, vector<16xi32>,
        tpu.vector_store_idx %arg6[%get3A_178], %broadcast_in_dim3A_0 {add = true} : memref<100352xf32, #tpu.memory_space<vmem>>[vector<16xi32>], vector<16xf32>,
        %get3A_179 = arith.constant 2 : i32
        %get3A_180 = arith.index_cast %and3A_50 : i32 to index
        %get3A_181 = arith.index_cast %get3A_179 : i32 to index
        %get3A_182 = arith.constant 96 : index
        %get3A_183 = tpu.vector_load %arg5[%get3A_180, %get3A_181, %get3A_182] {strides = array<i32>} : memref<2x8x128xi32, #tpu.memory_space<vmem>>, vector<16xi32>,
        tpu.vector_store_idx %arg6[%get3A_183], %broadcast_in_dim3A_0 {add = true} : memref<100352xf32, #tpu.memory_space<vmem>>[vector<16xi32>], vector<16xf32>,
        %get3A_184 = arith.constant 2 : i32
        %get3A_185 = arith.index_cast %and3A_50 : i32 to index
        %get3A_186 = arith.index_cast %get3A_184 : i32 to index
        %get3A_187 = arith.constant 112 : index
        %get3A_188 = tpu.vector_load %arg5[%get3A_185, %get3A_186, %get3A_187] {strides = array<i32>} : memref<2x8x128xi32, #tpu.memory_space<vmem>>, vector<16xi32>,
        tpu.vector_store_idx %arg6[%get3A_188], %broadcast_in_dim3A_0 {add = true} : memref<100352xf32, #tpu.memory_space<vmem>>[vector<16xi32>], vector<16xf32>,
        %get3A_189 = arith.constant 3 : i32
        %get3A_190 = arith.index_cast %and3A_50 : i32 to index
        %get3A_191 = arith.index_cast %get3A_189 : i32 to index
        %get3A_192 = arith.constant 0 : index
        %get3A_193 = tpu.vector_load %arg5[%get3A_190, %get3A_191, %get3A_192] {strides = array<i32>} : memref<2x8x128xi32, #tpu.memory_space<vmem>>, vector<16xi32>,
        tpu.vector_store_idx %arg6[%get3A_193], %broadcast_in_dim3A_0 {add = true} : memref<100352xf32, #tpu.memory_space<vmem>>[vector<16xi32>], vector<16xf32>,
        %get3A_194 = arith.constant 3 : i32
        %get3A_195 = arith.index_cast %and3A_50 : i32 to index
        %get3A_196 = arith.index_cast %get3A_194 : i32 to index
        %get3A_197 = arith.constant 16 : index
        %get3A_198 = tpu.vector_load %arg5[%get3A_195, %get3A_196, %get3A_197] {strides = array<i32>} : memref<2x8x128xi32, #tpu.memory_space<vmem>>, vector<16xi32>,
        tpu.vector_store_idx %arg6[%get3A_198], %broadcast_in_dim3A_0 {add = true} : memref<100352xf32, #tpu.memory_space<vmem>>[vector<16xi32>], vector<16xf32>,
        %get3A_199 = arith.constant 3 : i32
        %get3A_200 = arith.index_cast %and3A_50 : i32 to index
        %get3A_201 = arith.index_cast %get3A_199 : i32 to index
        %get3A_202 = arith.constant 32 : index
        %get3A_203 = tpu.vector_load %arg5[%get3A_200, %get3A_201, %get3A_202] {strides = array<i32>} : memref<2x8x128xi32, #tpu.memory_space<vmem>>, vector<16xi32>,
        tpu.vector_store_idx %arg6[%get3A_203], %broadcast_in_dim3A_0 {add = true} : memref<100352xf32, #tpu.memory_space<vmem>>[vector<16xi32>], vector<16xf32>,
        %get3A_204 = arith.constant 3 : i32
        %get3A_205 = arith.index_cast %and3A_50 : i32 to index
        %get3A_206 = arith.index_cast %get3A_204 : i32 to index
        %get3A_207 = arith.constant 48 : index
        %get3A_208 = tpu.vector_load %arg5[%get3A_205, %get3A_206, %get3A_207] {strides = array<i32>} : memref<2x8x128xi32, #tpu.memory_space<vmem>>, vector<16xi32>,
        tpu.vector_store_idx %arg6[%get3A_208], %broadcast_in_dim3A_0 {add = true} : memref<100352xf32, #tpu.memory_space<vmem>>[vector<16xi32>], vector<16xf32>,
        %get3A_209 = arith.constant 3 : i32
        %get3A_210 = arith.index_cast %and3A_50 : i32 to index
        %get3A_211 = arith.index_cast %get3A_209 : i32 to index
        %get3A_212 = arith.constant 64 : index
        %get3A_213 = tpu.vector_load %arg5[%get3A_210, %get3A_211, %get3A_212] {strides = array<i32>} : memref<2x8x128xi32, #tpu.memory_space<vmem>>, vector<16xi32>,
        tpu.vector_store_idx %arg6[%get3A_213], %broadcast_in_dim3A_0 {add = true} : memref<100352xf32, #tpu.memory_space<vmem>>[vector<16xi32>], vector<16xf32>,
        %get3A_214 = arith.constant 3 : i32
        %get3A_215 = arith.index_cast %and3A_50 : i32 to index
        %get3A_216 = arith.index_cast %get3A_214 : i32 to index
        %get3A_217 = arith.constant 80 : index
        %get3A_218 = tpu.vector_load %arg5[%get3A_215, %get3A_216, %get3A_217] {strides = array<i32>} : memref<2x8x128xi32, #tpu.memory_space<vmem>>, vector<16xi32>,
        tpu.vector_store_idx %arg6[%get3A_218], %broadcast_in_dim3A_0 {add = true} : memref<100352xf32, #tpu.memory_space<vmem>>[vector<16xi32>], vector<16xf32>,
        %get3A_219 = arith.constant 3 : i32
        %get3A_220 = arith.index_cast %and3A_50 : i32 to index
        %get3A_221 = arith.index_cast %get3A_219 : i32 to index
        %get3A_222 = arith.constant 96 : index
        %get3A_223 = tpu.vector_load %arg5[%get3A_220, %get3A_221, %get3A_222] {strides = array<i32>} : memref<2x8x128xi32, #tpu.memory_space<vmem>>, vector<16xi32>,
        tpu.vector_store_idx %arg6[%get3A_223], %broadcast_in_dim3A_0 {add = true} : memref<100352xf32, #tpu.memory_space<vmem>>[vector<16xi32>], vector<16xf32>,
        %get3A_224 = arith.constant 3 : i32
        %get3A_225 = arith.index_cast %and3A_50 : i32 to index
        %get3A_226 = arith.index_cast %get3A_224 : i32 to index
        %get3A_227 = arith.constant 112 : index
        %get3A_228 = tpu.vector_load %arg5[%get3A_225, %get3A_226, %get3A_227] {strides = array<i32>} : memref<2x8x128xi32, #tpu.memory_space<vmem>>, vector<16xi32>,
        tpu.vector_store_idx %arg6[%get3A_228], %broadcast_in_dim3A_0 {add = true} : memref<100352xf32, #tpu.memory_space<vmem>>[vector<16xi32>], vector<16xf32>,
        %get3A_229 = arith.constant 4 : i32
        %get3A_230 = arith.index_cast %and3A_50 : i32 to index
        %get3A_231 = arith.index_cast %get3A_229 : i32 to index
        %get3A_232 = arith.constant 0 : index
        %get3A_233 = tpu.vector_load %arg5[%get3A_230, %get3A_231, %get3A_232] {strides = array<i32>} : memref<2x8x128xi32, #tpu.memory_space<vmem>>, vector<16xi32>,
        tpu.vector_store_idx %arg6[%get3A_233], %broadcast_in_dim3A_0 {add = true} : memref<100352xf32, #tpu.memory_space<vmem>>[vector<16xi32>], vector<16xf32>,
        %get3A_234 = arith.constant 4 : i32
        %get3A_235 = arith.index_cast %and3A_50 : i32 to index
        %get3A_236 = arith.index_cast %get3A_234 : i32 to index
        %get3A_237 = arith.constant 16 : index
        %get3A_238 = tpu.vector_load %arg5[%get3A_235, %get3A_236, %get3A_237] {strides = array<i32>} : memref<2x8x128xi32, #tpu.memory_space<vmem>>, vector<16xi32>,
        tpu.vector_store_idx %arg6[%get3A_238], %broadcast_in_dim3A_0 {add = true} : memref<100352xf32, #tpu.memory_space<vmem>>[vector<16xi32>], vector<16xf32>,
        %get3A_239 = arith.constant 4 : i32
        %get3A_240 = arith.index_cast %and3A_50 : i32 to index
        %get3A_241 = arith.index_cast %get3A_239 : i32 to index
        %get3A_242 = arith.constant 32 : index
        %get3A_243 = tpu.vector_load %arg5[%get3A_240, %get3A_241, %get3A_242] {strides = array<i32>} : memref<2x8x128xi32, #tpu.memory_space<vmem>>, vector<16xi32>,
        tpu.vector_store_idx %arg6[%get3A_243], %broadcast_in_dim3A_0 {add = true} : memref<100352xf32, #tpu.memory_space<vmem>>[vector<16xi32>], vector<16xf32>,
        %get3A_244 = arith.constant 4 : i32
        %get3A_245 = arith.index_cast %and3A_50 : i32 to index
        %get3A_246 = arith.index_cast %get3A_244 : i32 to index
        %get3A_247 = arith.constant 48 : index
        %get3A_248 = tpu.vector_load %arg5[%get3A_245, %get3A_246, %get3A_247] {strides = array<i32>} : memref<2x8x128xi32, #tpu.memory_space<vmem>>, vector<16xi32>,
        tpu.vector_store_idx %arg6[%get3A_248], %broadcast_in_dim3A_0 {add = true} : memref<100352xf32, #tpu.memory_space<vmem>>[vector<16xi32>], vector<16xf32>,
        %get3A_249 = arith.constant 4 : i32
        %get3A_250 = arith.index_cast %and3A_50 : i32 to index
        %get3A_251 = arith.index_cast %get3A_249 : i32 to index
        %get3A_252 = arith.constant 64 : index
        %get3A_253 = tpu.vector_load %arg5[%get3A_250, %get3A_251, %get3A_252] {strides = array<i32>} : memref<2x8x128xi32, #tpu.memory_space<vmem>>, vector<16xi32>,
        tpu.vector_store_idx %arg6[%get3A_253], %broadcast_in_dim3A_0 {add = true} : memref<100352xf32, #tpu.memory_space<vmem>>[vector<16xi32>], vector<16xf32>,
        %get3A_254 = arith.constant 4 : i32
        %get3A_255 = arith.index_cast %and3A_50 : i32 to index
        %get3A_256 = arith.index_cast %get3A_254 : i32 to index
        %get3A_257 = arith.constant 80 : index
        %get3A_258 = tpu.vector_load %arg5[%get3A_255, %get3A_256, %get3A_257] {strides = array<i32>} : memref<2x8x128xi32, #tpu.memory_space<vmem>>, vector<16xi32>,
        tpu.vector_store_idx %arg6[%get3A_258], %broadcast_in_dim3A_0 {add = true} : memref<100352xf32, #tpu.memory_space<vmem>>[vector<16xi32>], vector<16xf32>,
        %get3A_259 = arith.constant 4 : i32
        %get3A_260 = arith.index_cast %and3A_50 : i32 to index
        %get3A_261 = arith.index_cast %get3A_259 : i32 to index
        %get3A_262 = arith.constant 96 : index
        %get3A_263 = tpu.vector_load %arg5[%get3A_260, %get3A_261, %get3A_262] {strides = array<i32>} : memref<2x8x128xi32, #tpu.memory_space<vmem>>, vector<16xi32>,
        tpu.vector_store_idx %arg6[%get3A_263], %broadcast_in_dim3A_0 {add = true} : memref<100352xf32, #tpu.memory_space<vmem>>[vector<16xi32>], vector<16xf32>,
        %get3A_264 = arith.constant 4 : i32
        %get3A_265 = arith.index_cast %and3A_50 : i32 to index
        %get3A_266 = arith.index_cast %get3A_264 : i32 to index
        %get3A_267 = arith.constant 112 : index
        %get3A_268 = tpu.vector_load %arg5[%get3A_265, %get3A_266, %get3A_267] {strides = array<i32>} : memref<2x8x128xi32, #tpu.memory_space<vmem>>, vector<16xi32>,
        tpu.vector_store_idx %arg6[%get3A_268], %broadcast_in_dim3A_0 {add = true} : memref<100352xf32, #tpu.memory_space<vmem>>[vector<16xi32>], vector<16xf32>,
        %get3A_269 = arith.constant 5 : i32
        %get3A_270 = arith.index_cast %and3A_50 : i32 to index
        %get3A_271 = arith.index_cast %get3A_269 : i32 to index
        %get3A_272 = arith.constant 0 : index
        %get3A_273 = tpu.vector_load %arg5[%get3A_270, %get3A_271, %get3A_272] {strides = array<i32>} : memref<2x8x128xi32, #tpu.memory_space<vmem>>, vector<16xi32>,
        tpu.vector_store_idx %arg6[%get3A_273], %broadcast_in_dim3A_0 {add = true} : memref<100352xf32, #tpu.memory_space<vmem>>[vector<16xi32>], vector<16xf32>,
        %get3A_274 = arith.constant 5 : i32
        %get3A_275 = arith.index_cast %and3A_50 : i32 to index
        %get3A_276 = arith.index_cast %get3A_274 : i32 to index
        %get3A_277 = arith.constant 16 : index
        %get3A_278 = tpu.vector_load %arg5[%get3A_275, %get3A_276, %get3A_277] {strides = array<i32>} : memref<2x8x128xi32, #tpu.memory_space<vmem>>, vector<16xi32>,
        tpu.vector_store_idx %arg6[%get3A_278], %broadcast_in_dim3A_0 {add = true} : memref<100352xf32, #tpu.memory_space<vmem>>[vector<16xi32>], vector<16xf32>,
        %get3A_279 = arith.constant 5 : i32
        %get3A_280 = arith.index_cast %and3A_50 : i32 to index
        %get3A_281 = arith.index_cast %get3A_279 : i32 to index
        %get3A_282 = arith.constant 32 : index
        %get3A_283 = tpu.vector_load %arg5[%get3A_280, %get3A_281, %get3A_282] {strides = array<i32>} : memref<2x8x128xi32, #tpu.memory_space<vmem>>, vector<16xi32>,
        tpu.vector_store_idx %arg6[%get3A_283], %broadcast_in_dim3A_0 {add = true} : memref<100352xf32, #tpu.memory_space<vmem>>[vector<16xi32>], vector<16xf32>,
        %get3A_284 = arith.constant 5 : i32
        %get3A_285 = arith.index_cast %and3A_50 : i32 to index
        %get3A_286 = arith.index_cast %get3A_284 : i32 to index
        %get3A_287 = arith.constant 48 : index
        %get3A_288 = tpu.vector_load %arg5[%get3A_285, %get3A_286, %get3A_287] {strides = array<i32>} : memref<2x8x128xi32, #tpu.memory_space<vmem>>, vector<16xi32>,
        tpu.vector_store_idx %arg6[%get3A_288], %broadcast_in_dim3A_0 {add = true} : memref<100352xf32, #tpu.memory_space<vmem>>[vector<16xi32>], vector<16xf32>,
        %get3A_289 = arith.constant 5 : i32
        %get3A_290 = arith.index_cast %and3A_50 : i32 to index
        %get3A_291 = arith.index_cast %get3A_289 : i32 to index
        %get3A_292 = arith.constant 64 : index
        %get3A_293 = tpu.vector_load %arg5[%get3A_290, %get3A_291, %get3A_292] {strides = array<i32>} : memref<2x8x128xi32, #tpu.memory_space<vmem>>, vector<16xi32>,
        tpu.vector_store_idx %arg6[%get3A_293], %broadcast_in_dim3A_0 {add = true} : memref<100352xf32, #tpu.memory_space<vmem>>[vector<16xi32>], vector<16xf32>,
        %get3A_294 = arith.constant 5 : i32
        %get3A_295 = arith.index_cast %and3A_50 : i32 to index
        %get3A_296 = arith.index_cast %get3A_294 : i32 to index
        %get3A_297 = arith.constant 80 : index
        %get3A_298 = tpu.vector_load %arg5[%get3A_295, %get3A_296, %get3A_297] {strides = array<i32>} : memref<2x8x128xi32, #tpu.memory_space<vmem>>, vector<16xi32>,
        tpu.vector_store_idx %arg6[%get3A_298], %broadcast_in_dim3A_0 {add = true} : memref<100352xf32, #tpu.memory_space<vmem>>[vector<16xi32>], vector<16xf32>,
        %get3A_299 = arith.constant 5 : i32
        %get3A_300 = arith.index_cast %and3A_50 : i32 to index
        %get3A_301 = arith.index_cast %get3A_299 : i32 to index
        %get3A_302 = arith.constant 96 : index
        %get3A_303 = tpu.vector_load %arg5[%get3A_300, %get3A_301, %get3A_302] {strides = array<i32>} : memref<2x8x128xi32, #tpu.memory_space<vmem>>, vector<16xi32>,
        tpu.vector_store_idx %arg6[%get3A_303], %broadcast_in_dim3A_0 {add = true} : memref<100352xf32, #tpu.memory_space<vmem>>[vector<16xi32>], vector<16xf32>,
        %get3A_304 = arith.constant 5 : i32
        %get3A_305 = arith.index_cast %and3A_50 : i32 to index
        %get3A_306 = arith.index_cast %get3A_304 : i32 to index
        %get3A_307 = arith.constant 112 : index
        %get3A_308 = tpu.vector_load %arg5[%get3A_305, %get3A_306, %get3A_307] {strides = array<i32>} : memref<2x8x128xi32, #tpu.memory_space<vmem>>, vector<16xi32>,
        tpu.vector_store_idx %arg6[%get3A_308], %broadcast_in_dim3A_0 {add = true} : memref<100352xf32, #tpu.memory_space<vmem>>[vector<16xi32>], vector<16xf32>,
        %get3A_309 = arith.constant 6 : i32
        %get3A_310 = arith.index_cast %and3A_50 : i32 to index
        %get3A_311 = arith.index_cast %get3A_309 : i32 to index
        %get3A_312 = arith.constant 0 : index
        %get3A_313 = tpu.vector_load %arg5[%get3A_310, %get3A_311, %get3A_312] {strides = array<i32>} : memref<2x8x128xi32, #tpu.memory_space<vmem>>, vector<16xi32>,
        tpu.vector_store_idx %arg6[%get3A_313], %broadcast_in_dim3A_0 {add = true} : memref<100352xf32, #tpu.memory_space<vmem>>[vector<16xi32>], vector<16xf32>,
        %get3A_314 = arith.constant 6 : i32
        %get3A_315 = arith.index_cast %and3A_50 : i32 to index
        %get3A_316 = arith.index_cast %get3A_314 : i32 to index
        %get3A_317 = arith.constant 16 : index
        %get3A_318 = tpu.vector_load %arg5[%get3A_315, %get3A_316, %get3A_317] {strides = array<i32>} : memref<2x8x128xi32, #tpu.memory_space<vmem>>, vector<16xi32>,
        tpu.vector_store_idx %arg6[%get3A_318], %broadcast_in_dim3A_0 {add = true} : memref<100352xf32, #tpu.memory_space<vmem>>[vector<16xi32>], vector<16xf32>,
        %get3A_319 = arith.constant 6 : i32
        %get3A_320 = arith.index_cast %and3A_50 : i32 to index
        %get3A_321 = arith.index_cast %get3A_319 : i32 to index
        %get3A_322 = arith.constant 32 : index
        %get3A_323 = tpu.vector_load %arg5[%get3A_320, %get3A_321, %get3A_322] {strides = array<i32>} : memref<2x8x128xi32, #tpu.memory_space<vmem>>, vector<16xi32>,
        tpu.vector_store_idx %arg6[%get3A_323], %broadcast_in_dim3A_0 {add = true} : memref<100352xf32, #tpu.memory_space<vmem>>[vector<16xi32>], vector<16xf32>,
        %get3A_324 = arith.constant 6 : i32
        %get3A_325 = arith.index_cast %and3A_50 : i32 to index
        %get3A_326 = arith.index_cast %get3A_324 : i32 to index
        %get3A_327 = arith.constant 48 : index
        %get3A_328 = tpu.vector_load %arg5[%get3A_325, %get3A_326, %get3A_327] {strides = array<i32>} : memref<2x8x128xi32, #tpu.memory_space<vmem>>, vector<16xi32>,
        tpu.vector_store_idx %arg6[%get3A_328], %broadcast_in_dim3A_0 {add = true} : memref<100352xf32, #tpu.memory_space<vmem>>[vector<16xi32>], vector<16xf32>,
        %get3A_329 = arith.constant 6 : i32
        %get3A_330 = arith.index_cast %and3A_50 : i32 to index
        %get3A_331 = arith.index_cast %get3A_329 : i32 to index
        %get3A_332 = arith.constant 64 : index
        %get3A_333 = tpu.vector_load %arg5[%get3A_330, %get3A_331, %get3A_332] {strides = array<i32>} : memref<2x8x128xi32, #tpu.memory_space<vmem>>, vector<16xi32>,
        tpu.vector_store_idx %arg6[%get3A_333], %broadcast_in_dim3A_0 {add = true} : memref<100352xf32, #tpu.memory_space<vmem>>[vector<16xi32>], vector<16xf32>,
        %get3A_334 = arith.constant 6 : i32
        %get3A_335 = arith.index_cast %and3A_50 : i32 to index
        %get3A_336 = arith.index_cast %get3A_334 : i32 to index
        %get3A_337 = arith.constant 80 : index
        %get3A_338 = tpu.vector_load %arg5[%get3A_335, %get3A_336, %get3A_337] {strides = array<i32>} : memref<2x8x128xi32, #tpu.memory_space<vmem>>, vector<16xi32>,
        tpu.vector_store_idx %arg6[%get3A_338], %broadcast_in_dim3A_0 {add = true} : memref<100352xf32, #tpu.memory_space<vmem>>[vector<16xi32>], vector<16xf32>,
        %get3A_339 = arith.constant 6 : i32
        %get3A_340 = arith.index_cast %and3A_50 : i32 to index
        %get3A_341 = arith.index_cast %get3A_339 : i32 to index
        %get3A_342 = arith.constant 96 : index
        %get3A_343 = tpu.vector_load %arg5[%get3A_340, %get3A_341, %get3A_342] {strides = array<i32>} : memref<2x8x128xi32, #tpu.memory_space<vmem>>, vector<16xi32>,
        tpu.vector_store_idx %arg6[%get3A_343], %broadcast_in_dim3A_0 {add = true} : memref<100352xf32, #tpu.memory_space<vmem>>[vector<16xi32>], vector<16xf32>,
        %get3A_344 = arith.constant 6 : i32
        %get3A_345 = arith.index_cast %and3A_50 : i32 to index
        %get3A_346 = arith.index_cast %get3A_344 : i32 to index
        %get3A_347 = arith.constant 112 : index
        %get3A_348 = tpu.vector_load %arg5[%get3A_345, %get3A_346, %get3A_347] {strides = array<i32>} : memref<2x8x128xi32, #tpu.memory_space<vmem>>, vector<16xi32>,
        tpu.vector_store_idx %arg6[%get3A_348], %broadcast_in_dim3A_0 {add = true} : memref<100352xf32, #tpu.memory_space<vmem>>[vector<16xi32>], vector<16xf32>,
        %get3A_349 = arith.constant 7 : i32
        %get3A_350 = arith.index_cast %and3A_50 : i32 to index
        %get3A_351 = arith.index_cast %get3A_349 : i32 to index
        %get3A_352 = arith.constant 0 : index
        %get3A_353 = tpu.vector_load %arg5[%get3A_350, %get3A_351, %get3A_352] {strides = array<i32>} : memref<2x8x128xi32, #tpu.memory_space<vmem>>, vector<16xi32>,
        tpu.vector_store_idx %arg6[%get3A_353], %broadcast_in_dim3A_0 {add = true} : memref<100352xf32, #tpu.memory_space<vmem>>[vector<16xi32>], vector<16xf32>,
        %get3A_354 = arith.constant 7 : i32
        %get3A_355 = arith.index_cast %and3A_50 : i32 to index
        %get3A_356 = arith.index_cast %get3A_354 : i32 to index
        %get3A_357 = arith.constant 16 : index
        %get3A_358 = tpu.vector_load %arg5[%get3A_355, %get3A_356, %get3A_357] {strides = array<i32>} : memref<2x8x128xi32, #tpu.memory_space<vmem>>, vector<16xi32>,
        tpu.vector_store_idx %arg6[%get3A_358], %broadcast_in_dim3A_0 {add = true} : memref<100352xf32, #tpu.memory_space<vmem>>[vector<16xi32>], vector<16xf32>,
        %get3A_359 = arith.constant 7 : i32
        %get3A_360 = arith.index_cast %and3A_50 : i32 to index
        %get3A_361 = arith.index_cast %get3A_359 : i32 to index
        %get3A_362 = arith.constant 32 : index
        %get3A_363 = tpu.vector_load %arg5[%get3A_360, %get3A_361, %get3A_362] {strides = array<i32>} : memref<2x8x128xi32, #tpu.memory_space<vmem>>, vector<16xi32>,
        tpu.vector_store_idx %arg6[%get3A_363], %broadcast_in_dim3A_0 {add = true} : memref<100352xf32, #tpu.memory_space<vmem>>[vector<16xi32>], vector<16xf32>,
        %get3A_364 = arith.constant 7 : i32
        %get3A_365 = arith.index_cast %and3A_50 : i32 to index
        %get3A_366 = arith.index_cast %get3A_364 : i32 to index
        %get3A_367 = arith.constant 48 : index
        %get3A_368 = tpu.vector_load %arg5[%get3A_365, %get3A_366, %get3A_367] {strides = array<i32>} : memref<2x8x128xi32, #tpu.memory_space<vmem>>, vector<16xi32>,
        tpu.vector_store_idx %arg6[%get3A_368], %broadcast_in_dim3A_0 {add = true} : memref<100352xf32, #tpu.memory_space<vmem>>[vector<16xi32>], vector<16xf32>,
        %get3A_369 = arith.constant 7 : i32
        %get3A_370 = arith.index_cast %and3A_50 : i32 to index
        %get3A_371 = arith.index_cast %get3A_369 : i32 to index
        %get3A_372 = arith.constant 64 : index
        %get3A_373 = tpu.vector_load %arg5[%get3A_370, %get3A_371, %get3A_372] {strides = array<i32>} : memref<2x8x128xi32, #tpu.memory_space<vmem>>, vector<16xi32>,
        tpu.vector_store_idx %arg6[%get3A_373], %broadcast_in_dim3A_0 {add = true} : memref<100352xf32, #tpu.memory_space<vmem>>[vector<16xi32>], vector<16xf32>,
        %get3A_374 = arith.constant 7 : i32
        %get3A_375 = arith.index_cast %and3A_50 : i32 to index
        %get3A_376 = arith.index_cast %get3A_374 : i32 to index
        %get3A_377 = arith.constant 80 : index
        %get3A_378 = tpu.vector_load %arg5[%get3A_375, %get3A_376, %get3A_377] {strides = array<i32>} : memref<2x8x128xi32, #tpu.memory_space<vmem>>, vector<16xi32>,
        tpu.vector_store_idx %arg6[%get3A_378], %broadcast_in_dim3A_0 {add = true} : memref<100352xf32, #tpu.memory_space<vmem>>[vector<16xi32>], vector<16xf32>,
        %get3A_379 = arith.constant 7 : i32
        %get3A_380 = arith.index_cast %and3A_50 : i32 to index
        %get3A_381 = arith.index_cast %get3A_379 : i32 to index
        %get3A_382 = arith.constant 96 : index
        %get3A_383 = tpu.vector_load %arg5[%get3A_380, %get3A_381, %get3A_382] {strides = array<i32>} : memref<2x8x128xi32, #tpu.memory_space<vmem>>, vector<16xi32>,
        tpu.vector_store_idx %arg6[%get3A_383], %broadcast_in_dim3A_0 {add = true} : memref<100352xf32, #tpu.memory_space<vmem>>[vector<16xi32>], vector<16xf32>,
        %get3A_384 = arith.constant 7 : i32
        %get3A_385 = arith.index_cast %and3A_50 : i32 to index
        %get3A_386 = arith.index_cast %get3A_384 : i32 to index
        %get3A_387 = arith.constant 112 : index
        %get3A_388 = tpu.vector_load %arg5[%get3A_385, %get3A_386, %get3A_387] {strides = array<i32>} : memref<2x8x128xi32, #tpu.memory_space<vmem>>, vector<16xi32>,
        tpu.vector_store_idx %arg6[%get3A_388], %broadcast_in_dim3A_0 {add = true} : memref<100352xf32, #tpu.memory_space<vmem>>[vector<16xi32>], vector<16xf32>,
      }
    } else {
    }
    %mul3A = arith.constant 16 : i32
    %mul3A_15 = arith.muli %arg0, %mul3A : i32
    %add3A = arith.addi %mul3A_15, %arg1 : i32
    %mul3A_16 = arith.constant 100352 : i32
    %mul3A_17 = arith.muli %add3A, %mul3A_16 : i32
    "tpu.region"() ({
      %run_scoped3A = tpu.sem_alloc : memref<!tpu.dma_semaphore, #tpu.memory_space<semaphore_mem>>
      %dma_start3A = tpu.memref_slice %arg4[%mul3A_17] : memref<3211264xf32, #tpu.memory_space<hbm>> -> memref<100352xf32, #tpu.memory_space<hbm>>
      %dma_start3A_18 = tpu.memref_slice %arg4[%mul3A_17] : memref<3211264xf32, #tpu.memory_space<hbm>> -> memref<100352xf32, #tpu.memory_space<hbm>>
      tpu.enqueue_dma source(%arg6 : memref<100352xf32, #tpu.memory_space<vmem>>) target(%dma_start3A_18 : memref<100352xf32, #tpu.memory_space<hbm>>) target_semaphore(%run_scoped3A : memref<!tpu.dma_semaphore, #tpu.memory_space<semaphore_mem>>)
      %dma_wait3A = tpu.memref_slice %arg4[%mul3A_17] : memref<3211264xf32, #tpu.memory_space<hbm>> -> memref<100352xf32, #tpu.memory_space<hbm>>
      %dma_wait3A_19 = tpu.memref_slice %arg4[%mul3A_17] : memref<3211264xf32, #tpu.memory_space<hbm>> -> memref<100352xf32, #tpu.memory_space<hbm>>
      tpu.wait_dma2 semaphore(%run_scoped3A : memref<!tpu.dma_semaphore, #tpu.memory_space<semaphore_mem>>) src(%arg6 : memref<100352xf32, #tpu.memory_space<vmem>>) dst(%dma_wait3A_19 : memref<100352xf32, #tpu.memory_space<hbm>>)
      tpu.yield
    }) : () -> ()
    return
  }
}

#map = affine_map<(d0, d1) -> (0, 0)>
#map1 = affine_map<(d0, d1) -> (0, 0, 0)>
module attributes {stable_mosaic.version = 14 : i64} {
  func.func @_main_body(%arg0: i32, %arg1: i32, %arg2: memref<50000x128xi32, #tpu.memory_space<hbm>>, %arg3: memref<50000x128xi32, #tpu.memory_space<hbm>>, %arg4: memref<6250x1024xi32, #tpu.memory_space<hbm>>, %arg5: memref<6250x1024xi32, #tpu.memory_space<hbm>>, %arg6: memref<100352x8xf32, #tpu.memory_space<hbm>>, %arg7: memref<100352x8xf32, #tpu.memory_space<hbm>>, %arg8: memref<100352x8xf32, #tpu.memory_space<hbm>>, %arg9: memref<2x100352x8xf32, #tpu.memory_space<hbm>>, %arg10: memref<2x1x1024xi32, #tpu.memory_space<vmem>>, %arg11: memref<2x8x128xi32, #tpu.memory_space<vmem>>, %arg12: memref<2x1024x8xf32, #tpu.memory_space<vmem>>, %arg13: memref<6272x8xf32, #tpu.memory_space<vmem>>, %arg14: memref<100352x8xf32, #tpu.memory_space<vmem_shared>>, %arg15: memref<!tpu.dma_semaphore, #tpu.memory_space<semaphore_mem>>, %arg16: memref<!tpu.dma_semaphore, #tpu.memory_space<semaphore_mem>>, %arg17: memref<!tpu.dma_semaphore, #tpu.memory_space<semaphore_mem>>) attributes {dimension_semantics = [#tpu.dimension_semantics<core_parallel>, #tpu.dimension_semantics<subcore_parallel>], iteration_bounds = array<i64: 2, 16>, scalar_prefetch = 0 : i64, scratch_operands = 8 : i64, tpu.core_type = #tpu.core_type<sc_vector_subcore>, window_params = [{transform_indices = #map}, {transform_indices = #map}, {transform_indices = #map}, {transform_indices = #map}, {transform_indices = #map}, {transform_indices = #map}, {transform_indices = #map}, {transform_indices = #map1}]} {
    %mul3A = arith.constant 6272 : i32
    %mul3A_0 = arith.muli %arg1, %mul3A : i32
    "tpu.region"() ({
      %run_scoped3A = tpu.sem_alloc : memref<!tpu.dma_semaphore, #tpu.memory_space<semaphore_mem>>
      %dma_start3A = arith.constant 0 : i32
      %dma_start3A_16 = tpu.memref_slice %arg8[%mul3A_0, %dma_start3A] : memref<100352x8xf32, #tpu.memory_space<hbm>> -> memref<6272x8xf32, #tpu.memory_space<hbm>>
      %dma_start3A_17 = arith.constant 0 : i32
      %dma_start3A_18 = tpu.memref_slice %arg8[%mul3A_0, %dma_start3A_17] : memref<100352x8xf32, #tpu.memory_space<hbm>> -> memref<6272x8xf32, #tpu.memory_space<hbm>>
      tpu.enqueue_dma source(%dma_start3A_18 : memref<6272x8xf32, #tpu.memory_space<hbm>>) target(%arg13 : memref<6272x8xf32, #tpu.memory_space<vmem>>) target_semaphore(%run_scoped3A : memref<!tpu.dma_semaphore, #tpu.memory_space<semaphore_mem>>)
      %dma_wait3A = arith.constant 0 : i32
      %dma_wait3A_19 = tpu.memref_slice %arg8[%mul3A_0, %dma_wait3A] : memref<100352x8xf32, #tpu.memory_space<hbm>> -> memref<6272x8xf32, #tpu.memory_space<hbm>>
      %dma_wait3A_20 = arith.constant 0 : i32
      %dma_wait3A_21 = tpu.memref_slice %arg8[%mul3A_0, %dma_wait3A_20] : memref<100352x8xf32, #tpu.memory_space<hbm>> -> memref<6272x8xf32, #tpu.memory_space<hbm>>
      tpu.wait_dma2 semaphore(%run_scoped3A : memref<!tpu.dma_semaphore, #tpu.memory_space<semaphore_mem>>) src(%dma_wait3A_21 : memref<6272x8xf32, #tpu.memory_space<hbm>>) dst(%arg13 : memref<6272x8xf32, #tpu.memory_space<vmem>>)
      tpu.yield
    }) : () -> ()
    "tpu.region"() ({
      %run_scoped3A = tpu.sem_alloc : memref<!tpu.dma_semaphore, #tpu.memory_space<semaphore_mem>>
      %dma_start3A = arith.constant 0 : i32
      %dma_start3A_16 = tpu.memref_slice %arg14[%mul3A_0, %dma_start3A] : memref<100352x8xf32, #tpu.memory_space<vmem_shared>> -> memref<6272x8xf32, #tpu.memory_space<vmem_shared>>
      %dma_start3A_17 = arith.constant 0 : i32
      %dma_start3A_18 = tpu.memref_slice %arg14[%mul3A_0, %dma_start3A_17] : memref<100352x8xf32, #tpu.memory_space<vmem_shared>> -> memref<6272x8xf32, #tpu.memory_space<vmem_shared>>
      tpu.enqueue_dma source(%arg13 : memref<6272x8xf32, #tpu.memory_space<vmem>>) target(%dma_start3A_18 : memref<6272x8xf32, #tpu.memory_space<vmem_shared>>) target_semaphore(%run_scoped3A : memref<!tpu.dma_semaphore, #tpu.memory_space<semaphore_mem>>)
      %dma_wait3A = arith.constant 0 : i32
      %dma_wait3A_19 = tpu.memref_slice %arg14[%mul3A_0, %dma_wait3A] : memref<100352x8xf32, #tpu.memory_space<vmem_shared>> -> memref<6272x8xf32, #tpu.memory_space<vmem_shared>>
      %dma_wait3A_20 = arith.constant 0 : i32
      %dma_wait3A_21 = tpu.memref_slice %arg14[%mul3A_0, %dma_wait3A_20] : memref<100352x8xf32, #tpu.memory_space<vmem_shared>> -> memref<6272x8xf32, #tpu.memory_space<vmem_shared>>
      tpu.wait_dma2 semaphore(%run_scoped3A : memref<!tpu.dma_semaphore, #tpu.memory_space<semaphore_mem>>) src(%arg13 : memref<6272x8xf32, #tpu.memory_space<vmem>>) dst(%dma_wait3A_21 : memref<6272x8xf32, #tpu.memory_space<vmem_shared>>)
      tpu.yield
    }) : () -> ()
    %barrier3A = arith.constant 0 : index
    tpu.barrier barrier_id(%barrier3A)
    %mul3A_1 = arith.constant 390 : i32
    %mul3A_2 = arith.muli %arg1, %mul3A_1 : i32
    %min3A = arith.constant 10 : i32
    %min3A_3 = arith.minsi %arg1, %min3A : i32
    %add3A = arith.addi %mul3A_2, %min3A_3 : i32
    %lt3A = arith.constant 10 : i32
    %lt3A_4 = arith.cmpi slt, %arg1, %lt3A : i32
    %jit3A = arith.constant 1 : i32
    %jit3A_5 = arith.constant 0 : i32
    %select_n3A = arith.select %lt3A_4, %jit3A, %jit3A_5 : i32
    %add3A_6 = arith.constant 390 : i32
    %add3A_7 = arith.addi %add3A_6, %select_n3A : i32
    %eq3A = arith.constant 0 : i32
    %eq3A_8 = arith.cmpi eq, %arg0, %eq3A : i32
    %convert_element_type3A = arith.extui %eq3A_8 : i1 to i32
    %cond3A = arith.constant 0 : i32
    %cond3A_9 = arith.cmpi ne, %convert_element_type3A, %cond3A : i32
    scf.if %cond3A_9 {
      %add3A_16 = arith.constant 0 : i32
      %add3A_17 = arith.addi %add3A, %add3A_16 : i32
      %dma_start3A = arith.constant 0 : i32
      %dma_start3A_18 = arith.constant 0 : i32
      %dma_start3A_19 = arith.constant 0 : i32
      %dma_start3A_20 = tpu.memref_slice %arg10[%dma_start3A, %dma_start3A_18, %dma_start3A_19] : memref<2x1x1024xi32, #tpu.memory_space<vmem>> -> memref<1x1x1024xi32, #tpu.memory_space<vmem>>
      %dma_start3A_21 = tpu.memref_squeeze %dma_start3A_20 : memref<1x1x1024xi32, #tpu.memory_space<vmem>> -> memref<1x1024xi32, #tpu.memory_space<vmem>>
      %dma_start3A_22 = arith.constant 0 : i32
      %dma_start3A_23 = tpu.memref_slice %arg4[%add3A_17, %dma_start3A_22] : memref<6250x1024xi32, #tpu.memory_space<hbm>> -> memref<1x1024xi32, #tpu.memory_space<hbm>>
      %dma_start3A_24 = arith.constant 0 : i32
      %dma_start3A_25 = arith.constant 0 : i32
      %dma_start3A_26 = tpu.memref_slice %arg10[%dma_start3A, %dma_start3A_24, %dma_start3A_25] : memref<2x1x1024xi32, #tpu.memory_space<vmem>> -> memref<1x1x1024xi32, #tpu.memory_space<vmem>>
      %dma_start3A_27 = tpu.memref_squeeze %dma_start3A_26 : memref<1x1x1024xi32, #tpu.memory_space<vmem>> -> memref<1x1024xi32, #tpu.memory_space<vmem>>
      %dma_start3A_28 = arith.constant 0 : i32
      %dma_start3A_29 = tpu.memref_slice %arg4[%add3A_17, %dma_start3A_28] : memref<6250x1024xi32, #tpu.memory_space<hbm>> -> memref<1x1024xi32, #tpu.memory_space<hbm>>
      tpu.enqueue_dma source(%dma_start3A_29 : memref<1x1024xi32, #tpu.memory_space<hbm>>) target(%dma_start3A_27 : memref<1x1024xi32, #tpu.memory_space<vmem>>) target_semaphore(%arg17 : memref<!tpu.dma_semaphore, #tpu.memory_space<semaphore_mem>>)
      %add3A_30 = arith.constant 0 : i32
      %add3A_31 = arith.addi %add3A, %add3A_30 : i32
      %mul3A_32 = arith.constant 8 : i32
      %mul3A_33 = arith.muli %add3A_31, %mul3A_32 : i32
      %dma_start3A_34 = arith.constant 0 : i32
      %dma_start3A_35 = arith.constant 0 : i32
      %dma_start3A_36 = arith.constant 0 : i32
      %dma_start3A_37 = tpu.memref_slice %arg11[%dma_start3A_34, %dma_start3A_35, %dma_start3A_36] : memref<2x8x128xi32, #tpu.memory_space<vmem>> -> memref<1x8x128xi32, #tpu.memory_space<vmem>>
      %dma_start3A_38 = tpu.memref_squeeze %dma_start3A_37 : memref<1x8x128xi32, #tpu.memory_space<vmem>> -> memref<8x128xi32, #tpu.memory_space<vmem>>
      %dma_start3A_39 = arith.constant 0 : i32
      %dma_start3A_40 = tpu.memref_slice %arg3[%mul3A_33, %dma_start3A_39] : memref<50000x128xi32, #tpu.memory_space<hbm>> -> memref<8x128xi32, #tpu.memory_space<hbm>>
      %dma_start3A_41 = arith.constant 0 : i32
      %dma_start3A_42 = arith.constant 0 : i32
      %dma_start3A_43 = tpu.memref_slice %arg11[%dma_start3A_34, %dma_start3A_41, %dma_start3A_42] : memref<2x8x128xi32, #tpu.memory_space<vmem>> -> memref<1x8x128xi32, #tpu.memory_space<vmem>>
      %dma_start3A_44 = tpu.memref_squeeze %dma_start3A_43 : memref<1x8x128xi32, #tpu.memory_space<vmem>> -> memref<8x128xi32, #tpu.memory_space<vmem>>
      %dma_start3A_45 = arith.constant 0 : i32
      %dma_start3A_46 = tpu.memref_slice %arg3[%mul3A_33, %dma_start3A_45] : memref<50000x128xi32, #tpu.memory_space<hbm>> -> memref<8x128xi32, #tpu.memory_space<hbm>>
      tpu.enqueue_dma source(%dma_start3A_46 : memref<8x128xi32, #tpu.memory_space<hbm>>) target(%dma_start3A_44 : memref<8x128xi32, #tpu.memory_space<vmem>>) target_semaphore(%arg17 : memref<!tpu.dma_semaphore, #tpu.memory_space<semaphore_mem>>)
      %while3A = arith.constant 0 : i32
      %while3A_47 = arith.constant 0 : i32
      %while3A_48 = arith.subi %add3A_7, %while3A_47 : i32
      %while3A_49 = arith.addi %while3A_47, %while3A_48 : i32
      %while3A_50 = arith.constant 1 : i32
      %while3A_51 = arith.divsi %while3A_48, %while3A_50 : i32
      %while3A_52 = arith.muli %while3A_51, %while3A_50 : i32
      %while3A_53 = arith.addi %while3A_47, %while3A_52 : i32
      %while3A_54 = arith.constant 1 : i32
      scf.for %while3A_61 = %while3A_47 to %while3A_53 step %while3A_54  : i32 {
        %and3A = arith.constant 1 : i32
        %and3A_62 = arith.andi %while3A_61, %and3A : i32
        %dma_wait3A = arith.constant 0 : i32
        %dma_wait3A_63 = arith.constant 0 : i32
        %dma_wait3A_64 = tpu.memref_slice %arg10[%and3A_62, %dma_wait3A, %dma_wait3A_63] : memref<2x1x1024xi32, #tpu.memory_space<vmem>> -> memref<1x1x1024xi32, #tpu.memory_space<vmem>>
        %dma_wait3A_65 = tpu.memref_squeeze %dma_wait3A_64 : memref<1x1x1024xi32, #tpu.memory_space<vmem>> -> memref<1x1024xi32, #tpu.memory_space<vmem>>
        %dma_wait3A_66 = arith.constant 0 : i32
        %dma_wait3A_67 = arith.constant 0 : i32
        %dma_wait3A_68 = tpu.memref_slice %arg4[%dma_wait3A_66, %dma_wait3A_67] : memref<6250x1024xi32, #tpu.memory_space<hbm>> -> memref<1x1024xi32, #tpu.memory_space<hbm>>
        %dma_wait3A_69 = arith.constant 0 : i32
        %dma_wait3A_70 = arith.constant 0 : i32
        %dma_wait3A_71 = tpu.memref_slice %arg10[%and3A_62, %dma_wait3A_69, %dma_wait3A_70] : memref<2x1x1024xi32, #tpu.memory_space<vmem>> -> memref<1x1x1024xi32, #tpu.memory_space<vmem>>
        %dma_wait3A_72 = tpu.memref_squeeze %dma_wait3A_71 : memref<1x1x1024xi32, #tpu.memory_space<vmem>> -> memref<1x1024xi32, #tpu.memory_space<vmem>>
        %dma_wait3A_73 = arith.constant 0 : i32
        %dma_wait3A_74 = arith.constant 0 : i32
        %dma_wait3A_75 = tpu.memref_slice %arg4[%dma_wait3A_73, %dma_wait3A_74] : memref<6250x1024xi32, #tpu.memory_space<hbm>> -> memref<1x1024xi32, #tpu.memory_space<hbm>>
        tpu.wait_dma2 semaphore(%arg17 : memref<!tpu.dma_semaphore, #tpu.memory_space<semaphore_mem>>) src(%dma_wait3A_75 : memref<1x1024xi32, #tpu.memory_space<hbm>>) dst(%dma_wait3A_72 : memref<1x1024xi32, #tpu.memory_space<vmem>>)
        %dma_wait3A_76 = arith.constant 0 : i32
        %dma_wait3A_77 = arith.constant 0 : i32
        %dma_wait3A_78 = tpu.memref_slice %arg11[%and3A_62, %dma_wait3A_76, %dma_wait3A_77] : memref<2x8x128xi32, #tpu.memory_space<vmem>> -> memref<1x8x128xi32, #tpu.memory_space<vmem>>
        %dma_wait3A_79 = tpu.memref_squeeze %dma_wait3A_78 : memref<1x8x128xi32, #tpu.memory_space<vmem>> -> memref<8x128xi32, #tpu.memory_space<vmem>>
        %dma_wait3A_80 = arith.constant 0 : i32
        %dma_wait3A_81 = arith.constant 0 : i32
        %dma_wait3A_82 = tpu.memref_slice %arg3[%dma_wait3A_80, %dma_wait3A_81] : memref<50000x128xi32, #tpu.memory_space<hbm>> -> memref<8x128xi32, #tpu.memory_space<hbm>>
        %dma_wait3A_83 = arith.constant 0 : i32
        %dma_wait3A_84 = arith.constant 0 : i32
        %dma_wait3A_85 = tpu.memref_slice %arg11[%and3A_62, %dma_wait3A_83, %dma_wait3A_84] : memref<2x8x128xi32, #tpu.memory_space<vmem>> -> memref<1x8x128xi32, #tpu.memory_space<vmem>>
        %dma_wait3A_86 = tpu.memref_squeeze %dma_wait3A_85 : memref<1x8x128xi32, #tpu.memory_space<vmem>> -> memref<8x128xi32, #tpu.memory_space<vmem>>
        %dma_wait3A_87 = arith.constant 0 : i32
        %dma_wait3A_88 = arith.constant 0 : i32
        %dma_wait3A_89 = tpu.memref_slice %arg3[%dma_wait3A_87, %dma_wait3A_88] : memref<50000x128xi32, #tpu.memory_space<hbm>> -> memref<8x128xi32, #tpu.memory_space<hbm>>
        tpu.wait_dma2 semaphore(%arg17 : memref<!tpu.dma_semaphore, #tpu.memory_space<semaphore_mem>>) src(%dma_wait3A_89 : memref<8x128xi32, #tpu.memory_space<hbm>>) dst(%dma_wait3A_86 : memref<8x128xi32, #tpu.memory_space<vmem>>)
        %dma_start3A_90 = arith.constant 0 : i32
        %dma_start3A_91 = arith.constant 0 : i32
        %dma_start3A_92 = arith.constant 0 : i32
        %dma_start3A_93 = tpu.memref_slice %arg12[%and3A_62, %dma_start3A_91, %dma_start3A_92] : memref<2x1024x8xf32, #tpu.memory_space<vmem>> -> memref<1x1024x8xf32, #tpu.memory_space<vmem>>
        %dma_start3A_94 = tpu.memref_squeeze %dma_start3A_93 : memref<1x1024x8xf32, #tpu.memory_space<vmem>> -> memref<1024x8xf32, #tpu.memory_space<vmem>>
        %dma_start3A_95 = arith.constant 0 : i32
        %dma_start3A_96 = tpu.memref_slice %arg10[%and3A_62, %dma_start3A_90, %dma_start3A_95] : memref<2x1x1024xi32, #tpu.memory_space<vmem>> -> memref<1x1x1024xi32, #tpu.memory_space<vmem>>
        %dma_start3A_97 = tpu.memref_squeeze %dma_start3A_96 : memref<1x1x1024xi32, #tpu.memory_space<vmem>> -> memref<1024xi32, #tpu.memory_space<vmem>>
        %dma_start3A_98 = arith.constant 0 : i32
        %dma_start3A_99 = arith.constant 0 : i32
        %dma_start3A_100 = tpu.memref_slice %arg6[%dma_start3A_98, %dma_start3A_99] : memref<100352x8xf32, #tpu.memory_space<hbm>> -> memref<100352x8xf32, #tpu.memory_space<hbm>>
        tpu.enqueue_indirect_dma source(%dma_start3A_100 : memref<100352x8xf32, #tpu.memory_space<hbm>>) target(%dma_start3A_94 : memref<1024x8xf32, #tpu.memory_space<vmem>>) offsets(%dma_start3A_97 : memref<1024xi32, #tpu.memory_space<vmem>>) semaphore(%arg15 : memref<!tpu.dma_semaphore, #tpu.memory_space<semaphore_mem>>)
        %add3A_101 = arith.constant 1 : i32
        %add3A_102 = arith.addi %while3A_61, %add3A_101 : i32
        %lt3A_103 = arith.cmpi slt, %add3A_102, %add3A_7 : i32
        %convert_element_type3A_104 = arith.extui %lt3A_103 : i1 to i32
        %cond3A_105 = arith.constant 0 : i32
        %cond3A_106 = arith.cmpi ne, %convert_element_type3A_104, %cond3A_105 : i32
        scf.if %cond3A_106 {
          %add3A_210 = arith.constant 1 : i32
          %add3A_211 = arith.addi %while3A_61, %add3A_210 : i32
          %sub3A = arith.constant 1 : i32
          %sub3A_212 = arith.subi %sub3A, %and3A_62 : i32
          %add3A_213 = arith.addi %add3A, %add3A_211 : i32
          %dma_start3A_214 = arith.constant 0 : i32
          %dma_start3A_215 = arith.constant 0 : i32
          %dma_start3A_216 = tpu.memref_slice %arg10[%sub3A_212, %dma_start3A_214, %dma_start3A_215] : memref<2x1x1024xi32, #tpu.memory_space<vmem>> -> memref<1x1x1024xi32, #tpu.memory_space<vmem>>
          %dma_start3A_217 = tpu.memref_squeeze %dma_start3A_216 : memref<1x1x1024xi32, #tpu.memory_space<vmem>> -> memref<1x1024xi32, #tpu.memory_space<vmem>>
          %dma_start3A_218 = arith.constant 0 : i32
          %dma_start3A_219 = tpu.memref_slice %arg4[%add3A_213, %dma_start3A_218] : memref<6250x1024xi32, #tpu.memory_space<hbm>> -> memref<1x1024xi32, #tpu.memory_space<hbm>>
          %dma_start3A_220 = arith.constant 0 : i32
          %dma_start3A_221 = arith.constant 0 : i32
          %dma_start3A_222 = tpu.memref_slice %arg10[%sub3A_212, %dma_start3A_220, %dma_start3A_221] : memref<2x1x1024xi32, #tpu.memory_space<vmem>> -> memref<1x1x1024xi32, #tpu.memory_space<vmem>>
          %dma_start3A_223 = tpu.memref_squeeze %dma_start3A_222 : memref<1x1x1024xi32, #tpu.memory_space<vmem>> -> memref<1x1024xi32, #tpu.memory_space<vmem>>
          %dma_start3A_224 = arith.constant 0 : i32
          %dma_start3A_225 = tpu.memref_slice %arg4[%add3A_213, %dma_start3A_224] : memref<6250x1024xi32, #tpu.memory_space<hbm>> -> memref<1x1024xi32, #tpu.memory_space<hbm>>
          tpu.enqueue_dma source(%dma_start3A_225 : memref<1x1024xi32, #tpu.memory_space<hbm>>) target(%dma_start3A_223 : memref<1x1024xi32, #tpu.memory_space<vmem>>) target_semaphore(%arg17 : memref<!tpu.dma_semaphore, #tpu.memory_space<semaphore_mem>>)
          %add3A_226 = arith.addi %add3A, %add3A_211 : i32
          %mul3A_227 = arith.constant 8 : i32
          %mul3A_228 = arith.muli %add3A_226, %mul3A_227 : i32
          %dma_start3A_229 = arith.constant 0 : i32
          %dma_start3A_230 = arith.constant 0 : i32
          %dma_start3A_231 = tpu.memref_slice %arg11[%sub3A_212, %dma_start3A_229, %dma_start3A_230] : memref<2x8x128xi32, #tpu.memory_space<vmem>> -> memref<1x8x128xi32, #tpu.memory_space<vmem>>
          %dma_start3A_232 = tpu.memref_squeeze %dma_start3A_231 : memref<1x8x128xi32, #tpu.memory_space<vmem>> -> memref<8x128xi32, #tpu.memory_space<vmem>>
          %dma_start3A_233 = arith.constant 0 : i32
          %dma_start3A_234 = tpu.memref_slice %arg3[%mul3A_228, %dma_start3A_233] : memref<50000x128xi32, #tpu.memory_space<hbm>> -> memref<8x128xi32, #tpu.memory_space<hbm>>
          %dma_start3A_235 = arith.constant 0 : i32
          %dma_start3A_236 = arith.constant 0 : i32
          %dma_start3A_237 = tpu.memref_slice %arg11[%sub3A_212, %dma_start3A_235, %dma_start3A_236] : memref<2x8x128xi32, #tpu.memory_space<vmem>> -> memref<1x8x128xi32, #tpu.memory_space<vmem>>
          %dma_start3A_238 = tpu.memref_squeeze %dma_start3A_237 : memref<1x8x128xi32, #tpu.memory_space<vmem>> -> memref<8x128xi32, #tpu.memory_space<vmem>>
          %dma_start3A_239 = arith.constant 0 : i32
          %dma_start3A_240 = tpu.memref_slice %arg3[%mul3A_228, %dma_start3A_239] : memref<50000x128xi32, #tpu.memory_space<hbm>> -> memref<8x128xi32, #tpu.memory_space<hbm>>
          tpu.enqueue_dma source(%dma_start3A_240 : memref<8x128xi32, #tpu.memory_space<hbm>>) target(%dma_start3A_238 : memref<8x128xi32, #tpu.memory_space<vmem>>) target_semaphore(%arg17 : memref<!tpu.dma_semaphore, #tpu.memory_space<semaphore_mem>>)
        } else {
        }
        %gt3A = arith.constant 0 : i32
        %gt3A_107 = arith.cmpi sgt, %while3A_61, %gt3A : i32
        %convert_element_type3A_108 = arith.extui %gt3A_107 : i1 to i32
        %cond3A_109 = arith.constant 0 : i32
        %cond3A_110 = arith.cmpi ne, %convert_element_type3A_108, %cond3A_109 : i32
        scf.if %cond3A_110 {
          %dma_wait3A_210 = arith.constant 0 : i32
          %dma_wait3A_211 = arith.constant 0 : i32
          %dma_wait3A_212 = tpu.memref_slice %arg12[%and3A_62, %dma_wait3A_210, %dma_wait3A_211] : memref<2x1024x8xf32, #tpu.memory_space<vmem>> -> memref<1x128x8xf32, #tpu.memory_space<vmem>>
          %dma_wait3A_213 = tpu.memref_squeeze %dma_wait3A_212 : memref<1x128x8xf32, #tpu.memory_space<vmem>> -> memref<128x8xf32, #tpu.memory_space<vmem>>
          %dma_wait3A_214 = arith.constant 0 : i32
          %dma_wait3A_215 = arith.constant 0 : i32
          %dma_wait3A_216 = tpu.memref_slice %arg8[%dma_wait3A_214, %dma_wait3A_215] : memref<100352x8xf32, #tpu.memory_space<hbm>> -> memref<128x8xf32, #tpu.memory_space<hbm>>
          %dma_wait3A_217 = arith.constant 0 : i32
          %dma_wait3A_218 = arith.constant 0 : i32
          %dma_wait3A_219 = tpu.memref_slice %arg12[%and3A_62, %dma_wait3A_217, %dma_wait3A_218] : memref<2x1024x8xf32, #tpu.memory_space<vmem>> -> memref<1x128x8xf32, #tpu.memory_space<vmem>>
          %dma_wait3A_220 = tpu.memref_squeeze %dma_wait3A_219 : memref<1x128x8xf32, #tpu.memory_space<vmem>> -> memref<128x8xf32, #tpu.memory_space<vmem>>
          %dma_wait3A_221 = arith.constant 0 : i32
          %dma_wait3A_222 = arith.constant 0 : i32
          %dma_wait3A_223 = tpu.memref_slice %arg8[%dma_wait3A_221, %dma_wait3A_222] : memref<100352x8xf32, #tpu.memory_space<hbm>> -> memref<128x8xf32, #tpu.memory_space<hbm>>
          tpu.wait_dma2 semaphore(%arg16 : memref<!tpu.dma_semaphore, #tpu.memory_space<semaphore_mem>>) src(%dma_wait3A_223 : memref<128x8xf32, #tpu.memory_space<hbm>>) dst(%dma_wait3A_220 : memref<128x8xf32, #tpu.memory_space<vmem>>)
          %dma_wait3A_224 = arith.constant 0 : i32
          %dma_wait3A_225 = arith.constant 0 : i32
          %dma_wait3A_226 = tpu.memref_slice %arg12[%and3A_62, %dma_wait3A_224, %dma_wait3A_225] : memref<2x1024x8xf32, #tpu.memory_space<vmem>> -> memref<1x128x8xf32, #tpu.memory_space<vmem>>
          %dma_wait3A_227 = tpu.memref_squeeze %dma_wait3A_226 : memref<1x128x8xf32, #tpu.memory_space<vmem>> -> memref<128x8xf32, #tpu.memory_space<vmem>>
          %dma_wait3A_228 = arith.constant 0 : i32
          %dma_wait3A_229 = arith.constant 0 : i32
          %dma_wait3A_230 = tpu.memref_slice %arg8[%dma_wait3A_228, %dma_wait3A_229] : memref<100352x8xf32, #tpu.memory_space<hbm>> -> memref<128x8xf32, #tpu.memory_space<hbm>>
          %dma_wait3A_231 = arith.constant 0 : i32
          %dma_wait3A_232 = arith.constant 0 : i32
          %dma_wait3A_233 = tpu.memref_slice %arg12[%and3A_62, %dma_wait3A_231, %dma_wait3A_232] : memref<2x1024x8xf32, #tpu.memory_space<vmem>> -> memref<1x128x8xf32, #tpu.memory_space<vmem>>
          %dma_wait3A_234 = tpu.memref_squeeze %dma_wait3A_233 : memref<1x128x8xf32, #tpu.memory_space<vmem>> -> memref<128x8xf32, #tpu.memory_space<vmem>>
          %dma_wait3A_235 = arith.constant 0 : i32
          %dma_wait3A_236 = arith.constant 0 : i32
          %dma_wait3A_237 = tpu.memref_slice %arg8[%dma_wait3A_235, %dma_wait3A_236] : memref<100352x8xf32, #tpu.memory_space<hbm>> -> memref<128x8xf32, #tpu.memory_space<hbm>>
          tpu.wait_dma2 semaphore(%arg16 : memref<!tpu.dma_semaphore, #tpu.memory_space<semaphore_mem>>) src(%dma_wait3A_237 : memref<128x8xf32, #tpu.memory_space<hbm>>) dst(%dma_wait3A_234 : memref<128x8xf32, #tpu.memory_space<vmem>>)
          %dma_wait3A_238 = arith.constant 0 : i32
          %dma_wait3A_239 = arith.constant 0 : i32
          %dma_wait3A_240 = tpu.memref_slice %arg12[%and3A_62, %dma_wait3A_238, %dma_wait3A_239] : memref<2x1024x8xf32, #tpu.memory_space<vmem>> -> memref<1x128x8xf32, #tpu.memory_space<vmem>>
          %dma_wait3A_241 = tpu.memref_squeeze %dma_wait3A_240 : memref<1x128x8xf32, #tpu.memory_space<vmem>> -> memref<128x8xf32, #tpu.memory_space<vmem>>
          %dma_wait3A_242 = arith.constant 0 : i32
          %dma_wait3A_243 = arith.constant 0 : i32
          %dma_wait3A_244 = tpu.memref_slice %arg8[%dma_wait3A_242, %dma_wait3A_243] : memref<100352x8xf32, #tpu.memory_space<hbm>> -> memref<128x8xf32, #tpu.memory_space<hbm>>
          %dma_wait3A_245 = arith.constant 0 : i32
          %dma_wait3A_246 = arith.constant 0 : i32
          %dma_wait3A_247 = tpu.memref_slice %arg12[%and3A_62, %dma_wait3A_245, %dma_wait3A_246] : memref<2x1024x8xf32, #tpu.memory_space<vmem>> -> memref<1x128x8xf32, #tpu.memory_space<vmem>>
          %dma_wait3A_248 = tpu.memref_squeeze %dma_wait3A_247 : memref<1x128x8xf32, #tpu.memory_space<vmem>> -> memref<128x8xf32, #tpu.memory_space<vmem>>
          %dma_wait3A_249 = arith.constant 0 : i32
          %dma_wait3A_250 = arith.constant 0 : i32
          %dma_wait3A_251 = tpu.memref_slice %arg8[%dma_wait3A_249, %dma_wait3A_250] : memref<100352x8xf32, #tpu.memory_space<hbm>> -> memref<128x8xf32, #tpu.memory_space<hbm>>
          tpu.wait_dma2 semaphore(%arg16 : memref<!tpu.dma_semaphore, #tpu.memory_space<semaphore_mem>>) src(%dma_wait3A_251 : memref<128x8xf32, #tpu.memory_space<hbm>>) dst(%dma_wait3A_248 : memref<128x8xf32, #tpu.memory_space<vmem>>)
          %dma_wait3A_252 = arith.constant 0 : i32
          %dma_wait3A_253 = arith.constant 0 : i32
          %dma_wait3A_254 = tpu.memref_slice %arg12[%and3A_62, %dma_wait3A_252, %dma_wait3A_253] : memref<2x1024x8xf32, #tpu.memory_space<vmem>> -> memref<1x128x8xf32, #tpu.memory_space<vmem>>
          %dma_wait3A_255 = tpu.memref_squeeze %dma_wait3A_254 : memref<1x128x8xf32, #tpu.memory_space<vmem>> -> memref<128x8xf32, #tpu.memory_space<vmem>>
          %dma_wait3A_256 = arith.constant 0 : i32
          %dma_wait3A_257 = arith.constant 0 : i32
          %dma_wait3A_258 = tpu.memref_slice %arg8[%dma_wait3A_256, %dma_wait3A_257] : memref<100352x8xf32, #tpu.memory_space<hbm>> -> memref<128x8xf32, #tpu.memory_space<hbm>>
          %dma_wait3A_259 = arith.constant 0 : i32
          %dma_wait3A_260 = arith.constant 0 : i32
          %dma_wait3A_261 = tpu.memref_slice %arg12[%and3A_62, %dma_wait3A_259, %dma_wait3A_260] : memref<2x1024x8xf32, #tpu.memory_space<vmem>> -> memref<1x128x8xf32, #tpu.memory_space<vmem>>
          %dma_wait3A_262 = tpu.memref_squeeze %dma_wait3A_261 : memref<1x128x8xf32, #tpu.memory_space<vmem>> -> memref<128x8xf32, #tpu.memory_space<vmem>>
          %dma_wait3A_263 = arith.constant 0 : i32
          %dma_wait3A_264 = arith.constant 0 : i32
          %dma_wait3A_265 = tpu.memref_slice %arg8[%dma_wait3A_263, %dma_wait3A_264] : memref<100352x8xf32, #tpu.memory_space<hbm>> -> memref<128x8xf32, #tpu.memory_space<hbm>>
          tpu.wait_dma2 semaphore(%arg16 : memref<!tpu.dma_semaphore, #tpu.memory_space<semaphore_mem>>) src(%dma_wait3A_265 : memref<128x8xf32, #tpu.memory_space<hbm>>) dst(%dma_wait3A_262 : memref<128x8xf32, #tpu.memory_space<vmem>>)
          %dma_wait3A_266 = arith.constant 0 : i32
          %dma_wait3A_267 = arith.constant 0 : i32
          %dma_wait3A_268 = tpu.memref_slice %arg12[%and3A_62, %dma_wait3A_266, %dma_wait3A_267] : memref<2x1024x8xf32, #tpu.memory_space<vmem>> -> memref<1x128x8xf32, #tpu.memory_space<vmem>>
          %dma_wait3A_269 = tpu.memref_squeeze %dma_wait3A_268 : memref<1x128x8xf32, #tpu.memory_space<vmem>> -> memref<128x8xf32, #tpu.memory_space<vmem>>
          %dma_wait3A_270 = arith.constant 0 : i32
          %dma_wait3A_271 = arith.constant 0 : i32
          %dma_wait3A_272 = tpu.memref_slice %arg8[%dma_wait3A_270, %dma_wait3A_271] : memref<100352x8xf32, #tpu.memory_space<hbm>> -> memref<128x8xf32, #tpu.memory_space<hbm>>
          %dma_wait3A_273 = arith.constant 0 : i32
          %dma_wait3A_274 = arith.constant 0 : i32
          %dma_wait3A_275 = tpu.memref_slice %arg12[%and3A_62, %dma_wait3A_273, %dma_wait3A_274] : memref<2x1024x8xf32, #tpu.memory_space<vmem>> -> memref<1x128x8xf32, #tpu.memory_space<vmem>>
          %dma_wait3A_276 = tpu.memref_squeeze %dma_wait3A_275 : memref<1x128x8xf32, #tpu.memory_space<vmem>> -> memref<128x8xf32, #tpu.memory_space<vmem>>
          %dma_wait3A_277 = arith.constant 0 : i32
          %dma_wait3A_278 = arith.constant 0 : i32
          %dma_wait3A_279 = tpu.memref_slice %arg8[%dma_wait3A_277, %dma_wait3A_278] : memref<100352x8xf32, #tpu.memory_space<hbm>> -> memref<128x8xf32, #tpu.memory_space<hbm>>
          tpu.wait_dma2 semaphore(%arg16 : memref<!tpu.dma_semaphore, #tpu.memory_space<semaphore_mem>>) src(%dma_wait3A_279 : memref<128x8xf32, #tpu.memory_space<hbm>>) dst(%dma_wait3A_276 : memref<128x8xf32, #tpu.memory_space<vmem>>)
          %dma_wait3A_280 = arith.constant 0 : i32
          %dma_wait3A_281 = arith.constant 0 : i32
          %dma_wait3A_282 = tpu.memref_slice %arg12[%and3A_62, %dma_wait3A_280, %dma_wait3A_281] : memref<2x1024x8xf32, #tpu.memory_space<vmem>> -> memref<1x128x8xf32, #tpu.memory_space<vmem>>
          %dma_wait3A_283 = tpu.memref_squeeze %dma_wait3A_282 : memref<1x128x8xf32, #tpu.memory_space<vmem>> -> memref<128x8xf32, #tpu.memory_space<vmem>>
          %dma_wait3A_284 = arith.constant 0 : i32
          %dma_wait3A_285 = arith.constant 0 : i32
          %dma_wait3A_286 = tpu.memref_slice %arg8[%dma_wait3A_284, %dma_wait3A_285] : memref<100352x8xf32, #tpu.memory_space<hbm>> -> memref<128x8xf32, #tpu.memory_space<hbm>>
          %dma_wait3A_287 = arith.constant 0 : i32
          %dma_wait3A_288 = arith.constant 0 : i32
          %dma_wait3A_289 = tpu.memref_slice %arg12[%and3A_62, %dma_wait3A_287, %dma_wait3A_288] : memref<2x1024x8xf32, #tpu.memory_space<vmem>> -> memref<1x128x8xf32, #tpu.memory_space<vmem>>
          %dma_wait3A_290 = tpu.memref_squeeze %dma_wait3A_289 : memref<1x128x8xf32, #tpu.memory_space<vmem>> -> memref<128x8xf32, #tpu.memory_space<vmem>>
          %dma_wait3A_291 = arith.constant 0 : i32
          %dma_wait3A_292 = arith.constant 0 : i32
          %dma_wait3A_293 = tpu.memref_slice %arg8[%dma_wait3A_291, %dma_wait3A_292] : memref<100352x8xf32, #tpu.memory_space<hbm>> -> memref<128x8xf32, #tpu.memory_space<hbm>>
          tpu.wait_dma2 semaphore(%arg16 : memref<!tpu.dma_semaphore, #tpu.memory_space<semaphore_mem>>) src(%dma_wait3A_293 : memref<128x8xf32, #tpu.memory_space<hbm>>) dst(%dma_wait3A_290 : memref<128x8xf32, #tpu.memory_space<vmem>>)
          %dma_wait3A_294 = arith.constant 0 : i32
          %dma_wait3A_295 = arith.constant 0 : i32
          %dma_wait3A_296 = tpu.memref_slice %arg12[%and3A_62, %dma_wait3A_294, %dma_wait3A_295] : memref<2x1024x8xf32, #tpu.memory_space<vmem>> -> memref<1x128x8xf32, #tpu.memory_space<vmem>>
          %dma_wait3A_297 = tpu.memref_squeeze %dma_wait3A_296 : memref<1x128x8xf32, #tpu.memory_space<vmem>> -> memref<128x8xf32, #tpu.memory_space<vmem>>
          %dma_wait3A_298 = arith.constant 0 : i32
          %dma_wait3A_299 = arith.constant 0 : i32
          %dma_wait3A_300 = tpu.memref_slice %arg8[%dma_wait3A_298, %dma_wait3A_299] : memref<100352x8xf32, #tpu.memory_space<hbm>> -> memref<128x8xf32, #tpu.memory_space<hbm>>
          %dma_wait3A_301 = arith.constant 0 : i32
          %dma_wait3A_302 = arith.constant 0 : i32
          %dma_wait3A_303 = tpu.memref_slice %arg12[%and3A_62, %dma_wait3A_301, %dma_wait3A_302] : memref<2x1024x8xf32, #tpu.memory_space<vmem>> -> memref<1x128x8xf32, #tpu.memory_space<vmem>>
          %dma_wait3A_304 = tpu.memref_squeeze %dma_wait3A_303 : memref<1x128x8xf32, #tpu.memory_space<vmem>> -> memref<128x8xf32, #tpu.memory_space<vmem>>
          %dma_wait3A_305 = arith.constant 0 : i32
          %dma_wait3A_306 = arith.constant 0 : i32
          %dma_wait3A_307 = tpu.memref_slice %arg8[%dma_wait3A_305, %dma_wait3A_306] : memref<100352x8xf32, #tpu.memory_space<hbm>> -> memref<128x8xf32, #tpu.memory_space<hbm>>
          tpu.wait_dma2 semaphore(%arg16 : memref<!tpu.dma_semaphore, #tpu.memory_space<semaphore_mem>>) src(%dma_wait3A_307 : memref<128x8xf32, #tpu.memory_space<hbm>>) dst(%dma_wait3A_304 : memref<128x8xf32, #tpu.memory_space<vmem>>)
          %dma_wait3A_308 = arith.constant 0 : i32
          %dma_wait3A_309 = arith.constant 0 : i32
          %dma_wait3A_310 = tpu.memref_slice %arg12[%and3A_62, %dma_wait3A_308, %dma_wait3A_309] : memref<2x1024x8xf32, #tpu.memory_space<vmem>> -> memref<1x128x8xf32, #tpu.memory_space<vmem>>
          %dma_wait3A_311 = tpu.memref_squeeze %dma_wait3A_310 : memref<1x128x8xf32, #tpu.memory_space<vmem>> -> memref<128x8xf32, #tpu.memory_space<vmem>>
          %dma_wait3A_312 = arith.constant 0 : i32
          %dma_wait3A_313 = arith.constant 0 : i32
          %dma_wait3A_314 = tpu.memref_slice %arg8[%dma_wait3A_312, %dma_wait3A_313] : memref<100352x8xf32, #tpu.memory_space<hbm>> -> memref<128x8xf32, #tpu.memory_space<hbm>>
          %dma_wait3A_315 = arith.constant 0 : i32
          %dma_wait3A_316 = arith.constant 0 : i32
          %dma_wait3A_317 = tpu.memref_slice %arg12[%and3A_62, %dma_wait3A_315, %dma_wait3A_316] : memref<2x1024x8xf32, #tpu.memory_space<vmem>> -> memref<1x128x8xf32, #tpu.memory_space<vmem>>
          %dma_wait3A_318 = tpu.memref_squeeze %dma_wait3A_317 : memref<1x128x8xf32, #tpu.memory_space<vmem>> -> memref<128x8xf32, #tpu.memory_space<vmem>>
          %dma_wait3A_319 = arith.constant 0 : i32
          %dma_wait3A_320 = arith.constant 0 : i32
          %dma_wait3A_321 = tpu.memref_slice %arg8[%dma_wait3A_319, %dma_wait3A_320] : memref<100352x8xf32, #tpu.memory_space<hbm>> -> memref<128x8xf32, #tpu.memory_space<hbm>>
          tpu.wait_dma2 semaphore(%arg16 : memref<!tpu.dma_semaphore, #tpu.memory_space<semaphore_mem>>) src(%dma_wait3A_321 : memref<128x8xf32, #tpu.memory_space<hbm>>) dst(%dma_wait3A_318 : memref<128x8xf32, #tpu.memory_space<vmem>>)
        } else {
        }
        %dma_wait3A_111 = arith.constant 0 : i32
        %dma_wait3A_112 = arith.constant 0 : i32
        %dma_wait3A_113 = arith.constant 0 : i32
        %dma_wait3A_114 = tpu.memref_slice %arg12[%and3A_62, %dma_wait3A_112, %dma_wait3A_113] : memref<2x1024x8xf32, #tpu.memory_space<vmem>> -> memref<1x1024x8xf32, #tpu.memory_space<vmem>>
        %dma_wait3A_115 = tpu.memref_squeeze %dma_wait3A_114 : memref<1x1024x8xf32, #tpu.memory_space<vmem>> -> memref<1024x8xf32, #tpu.memory_space<vmem>>
        %dma_wait3A_116 = arith.constant 0 : i32
        %dma_wait3A_117 = tpu.memref_slice %arg10[%and3A_62, %dma_wait3A_111, %dma_wait3A_116] : memref<2x1x1024xi32, #tpu.memory_space<vmem>> -> memref<1x1x1024xi32, #tpu.memory_space<vmem>>
        %dma_wait3A_118 = tpu.memref_squeeze %dma_wait3A_117 : memref<1x1x1024xi32, #tpu.memory_space<vmem>> -> memref<1024xi32, #tpu.memory_space<vmem>>
        %dma_wait3A_119 = arith.constant 0 : i32
        %dma_wait3A_120 = arith.constant 0 : i32
        %dma_wait3A_121 = tpu.memref_slice %arg6[%dma_wait3A_119, %dma_wait3A_120] : memref<100352x8xf32, #tpu.memory_space<hbm>> -> memref<100352x8xf32, #tpu.memory_space<hbm>>
        tpu.wait_indirect_dma semaphore(%arg15 : memref<!tpu.dma_semaphore, #tpu.memory_space<semaphore_mem>>) src(%dma_wait3A_121 : memref<100352x8xf32, #tpu.memory_space<hbm>>) dst(%dma_wait3A_115 : memref<1024x8xf32, #tpu.memory_space<vmem>>)
        %dma_start3A_122 = arith.constant 0 : i32
        %dma_start3A_123 = arith.constant 0 : i32
        %dma_start3A_124 = arith.constant 0 : i32
        %dma_start3A_125 = tpu.memref_slice %arg12[%and3A_62, %dma_start3A_123, %dma_start3A_124] : memref<2x1024x8xf32, #tpu.memory_space<vmem>> -> memref<1x128x8xf32, #tpu.memory_space<vmem>>
        %dma_start3A_126 = tpu.memref_squeeze %dma_start3A_125 : memref<1x128x8xf32, #tpu.memory_space<vmem>> -> memref<128x8xf32, #tpu.memory_space<vmem>>
        %dma_start3A_127 = arith.constant 0 : i32
        %dma_start3A_128 = tpu.memref_slice %arg11[%and3A_62, %dma_start3A_122, %dma_start3A_127] : memref<2x8x128xi32, #tpu.memory_space<vmem>> -> memref<1x1x128xi32, #tpu.memory_space<vmem>>
        %dma_start3A_129 = tpu.memref_squeeze %dma_start3A_128 : memref<1x1x128xi32, #tpu.memory_space<vmem>> -> memref<128xi32, #tpu.memory_space<vmem>>
        %dma_start3A_130 = arith.constant 0 : i32
        %dma_start3A_131 = arith.constant 0 : i32
        %dma_start3A_132 = tpu.memref_slice %arg14[%dma_start3A_130, %dma_start3A_131] : memref<100352x8xf32, #tpu.memory_space<vmem_shared>> -> memref<100352x8xf32, #tpu.memory_space<vmem_shared>>
        tpu.enqueue_indirect_dma source(%dma_start3A_126 : memref<128x8xf32, #tpu.memory_space<vmem>>) target(%dma_start3A_132 : memref<100352x8xf32, #tpu.memory_space<vmem_shared>>) offsets(%dma_start3A_129 : memref<128xi32, #tpu.memory_space<vmem>>) semaphore(%arg16 : memref<!tpu.dma_semaphore, #tpu.memory_space<semaphore_mem>>) {add = true}
        %dma_start3A_133 = arith.constant 1 : i32
        %dma_start3A_134 = arith.constant 128 : i32
        %dma_start3A_135 = arith.constant 0 : i32
        %dma_start3A_136 = tpu.memref_slice %arg12[%and3A_62, %dma_start3A_134, %dma_start3A_135] : memref<2x1024x8xf32, #tpu.memory_space<vmem>> -> memref<1x128x8xf32, #tpu.memory_space<vmem>>
        %dma_start3A_137 = tpu.memref_squeeze %dma_start3A_136 : memref<1x128x8xf32, #tpu.memory_space<vmem>> -> memref<128x8xf32, #tpu.memory_space<vmem>>
        %dma_start3A_138 = arith.constant 0 : i32
        %dma_start3A_139 = tpu.memref_slice %arg11[%and3A_62, %dma_start3A_133, %dma_start3A_138] : memref<2x8x128xi32, #tpu.memory_space<vmem>> -> memref<1x1x128xi32, #tpu.memory_space<vmem>>
        %dma_start3A_140 = tpu.memref_squeeze %dma_start3A_139 : memref<1x1x128xi32, #tpu.memory_space<vmem>> -> memref<128xi32, #tpu.memory_space<vmem>>
        %dma_start3A_141 = arith.constant 0 : i32
        %dma_start3A_142 = arith.constant 0 : i32
        %dma_start3A_143 = tpu.memref_slice %arg14[%dma_start3A_141, %dma_start3A_142] : memref<100352x8xf32, #tpu.memory_space<vmem_shared>> -> memref<100352x8xf32, #tpu.memory_space<vmem_shared>>
        tpu.enqueue_indirect_dma source(%dma_start3A_137 : memref<128x8xf32, #tpu.memory_space<vmem>>) target(%dma_start3A_143 : memref<100352x8xf32, #tpu.memory_space<vmem_shared>>) offsets(%dma_start3A_140 : memref<128xi32, #tpu.memory_space<vmem>>) semaphore(%arg16 : memref<!tpu.dma_semaphore, #tpu.memory_space<semaphore_mem>>) {add = true}
        %dma_start3A_144 = arith.constant 2 : i32
        %dma_start3A_145 = arith.constant 256 : i32
        %dma_start3A_146 = arith.constant 0 : i32
        %dma_start3A_147 = tpu.memref_slice %arg12[%and3A_62, %dma_start3A_145, %dma_start3A_146] : memref<2x1024x8xf32, #tpu.memory_space<vmem>> -> memref<1x128x8xf32, #tpu.memory_space<vmem>>
        %dma_start3A_148 = tpu.memref_squeeze %dma_start3A_147 : memref<1x128x8xf32, #tpu.memory_space<vmem>> -> memref<128x8xf32, #tpu.memory_space<vmem>>
        %dma_start3A_149 = arith.constant 0 : i32
        %dma_start3A_150 = tpu.memref_slice %arg11[%and3A_62, %dma_start3A_144, %dma_start3A_149] : memref<2x8x128xi32, #tpu.memory_space<vmem>> -> memref<1x1x128xi32, #tpu.memory_space<vmem>>
        %dma_start3A_151 = tpu.memref_squeeze %dma_start3A_150 : memref<1x1x128xi32, #tpu.memory_space<vmem>> -> memref<128xi32, #tpu.memory_space<vmem>>
        %dma_start3A_152 = arith.constant 0 : i32
        %dma_start3A_153 = arith.constant 0 : i32
        %dma_start3A_154 = tpu.memref_slice %arg14[%dma_start3A_152, %dma_start3A_153] : memref<100352x8xf32, #tpu.memory_space<vmem_shared>> -> memref<100352x8xf32, #tpu.memory_space<vmem_shared>>
        tpu.enqueue_indirect_dma source(%dma_start3A_148 : memref<128x8xf32, #tpu.memory_space<vmem>>) target(%dma_start3A_154 : memref<100352x8xf32, #tpu.memory_space<vmem_shared>>) offsets(%dma_start3A_151 : memref<128xi32, #tpu.memory_space<vmem>>) semaphore(%arg16 : memref<!tpu.dma_semaphore, #tpu.memory_space<semaphore_mem>>) {add = true}
        %dma_start3A_155 = arith.constant 3 : i32
        %dma_start3A_156 = arith.constant 384 : i32
        %dma_start3A_157 = arith.constant 0 : i32
        %dma_start3A_158 = tpu.memref_slice %arg12[%and3A_62, %dma_start3A_156, %dma_start3A_157] : memref<2x1024x8xf32, #tpu.memory_space<vmem>> -> memref<1x128x8xf32, #tpu.memory_space<vmem>>
        %dma_start3A_159 = tpu.memref_squeeze %dma_start3A_158 : memref<1x128x8xf32, #tpu.memory_space<vmem>> -> memref<128x8xf32, #tpu.memory_space<vmem>>
        %dma_start3A_160 = arith.constant 0 : i32
        %dma_start3A_161 = tpu.memref_slice %arg11[%and3A_62, %dma_start3A_155, %dma_start3A_160] : memref<2x8x128xi32, #tpu.memory_space<vmem>> -> memref<1x1x128xi32, #tpu.memory_space<vmem>>
        %dma_start3A_162 = tpu.memref_squeeze %dma_start3A_161 : memref<1x1x128xi32, #tpu.memory_space<vmem>> -> memref<128xi32, #tpu.memory_space<vmem>>
        %dma_start3A_163 = arith.constant 0 : i32
        %dma_start3A_164 = arith.constant 0 : i32
        %dma_start3A_165 = tpu.memref_slice %arg14[%dma_start3A_163, %dma_start3A_164] : memref<100352x8xf32, #tpu.memory_space<vmem_shared>> -> memref<100352x8xf32, #tpu.memory_space<vmem_shared>>
        tpu.enqueue_indirect_dma source(%dma_start3A_159 : memref<128x8xf32, #tpu.memory_space<vmem>>) target(%dma_start3A_165 : memref<100352x8xf32, #tpu.memory_space<vmem_shared>>) offsets(%dma_start3A_162 : memref<128xi32, #tpu.memory_space<vmem>>) semaphore(%arg16 : memref<!tpu.dma_semaphore, #tpu.memory_space<semaphore_mem>>) {add = true}
        %dma_start3A_166 = arith.constant 4 : i32
        %dma_start3A_167 = arith.constant 512 : i32
        %dma_start3A_168 = arith.constant 0 : i32
        %dma_start3A_169 = tpu.memref_slice %arg12[%and3A_62, %dma_start3A_167, %dma_start3A_168] : memref<2x1024x8xf32, #tpu.memory_space<vmem>> -> memref<1x128x8xf32, #tpu.memory_space<vmem>>
        %dma_start3A_170 = tpu.memref_squeeze %dma_start3A_169 : memref<1x128x8xf32, #tpu.memory_space<vmem>> -> memref<128x8xf32, #tpu.memory_space<vmem>>
        %dma_start3A_171 = arith.constant 0 : i32
        %dma_start3A_172 = tpu.memref_slice %arg11[%and3A_62, %dma_start3A_166, %dma_start3A_171] : memref<2x8x128xi32, #tpu.memory_space<vmem>> -> memref<1x1x128xi32, #tpu.memory_space<vmem>>
        %dma_start3A_173 = tpu.memref_squeeze %dma_start3A_172 : memref<1x1x128xi32, #tpu.memory_space<vmem>> -> memref<128xi32, #tpu.memory_space<vmem>>
        %dma_start3A_174 = arith.constant 0 : i32
        %dma_start3A_175 = arith.constant 0 : i32
        %dma_start3A_176 = tpu.memref_slice %arg14[%dma_start3A_174, %dma_start3A_175] : memref<100352x8xf32, #tpu.memory_space<vmem_shared>> -> memref<100352x8xf32, #tpu.memory_space<vmem_shared>>
        tpu.enqueue_indirect_dma source(%dma_start3A_170 : memref<128x8xf32, #tpu.memory_space<vmem>>) target(%dma_start3A_176 : memref<100352x8xf32, #tpu.memory_space<vmem_shared>>) offsets(%dma_start3A_173 : memref<128xi32, #tpu.memory_space<vmem>>) semaphore(%arg16 : memref<!tpu.dma_semaphore, #tpu.memory_space<semaphore_mem>>) {add = true}
        %dma_start3A_177 = arith.constant 5 : i32
        %dma_start3A_178 = arith.constant 640 : i32
        %dma_start3A_179 = arith.constant 0 : i32
        %dma_start3A_180 = tpu.memref_slice %arg12[%and3A_62, %dma_start3A_178, %dma_start3A_179] : memref<2x1024x8xf32, #tpu.memory_space<vmem>> -> memref<1x128x8xf32, #tpu.memory_space<vmem>>
        %dma_start3A_181 = tpu.memref_squeeze %dma_start3A_180 : memref<1x128x8xf32, #tpu.memory_space<vmem>> -> memref<128x8xf32, #tpu.memory_space<vmem>>
        %dma_start3A_182 = arith.constant 0 : i32
        %dma_start3A_183 = tpu.memref_slice %arg11[%and3A_62, %dma_start3A_177, %dma_start3A_182] : memref<2x8x128xi32, #tpu.memory_space<vmem>> -> memref<1x1x128xi32, #tpu.memory_space<vmem>>
        %dma_start3A_184 = tpu.memref_squeeze %dma_start3A_183 : memref<1x1x128xi32, #tpu.memory_space<vmem>> -> memref<128xi32, #tpu.memory_space<vmem>>
        %dma_start3A_185 = arith.constant 0 : i32
        %dma_start3A_186 = arith.constant 0 : i32
        %dma_start3A_187 = tpu.memref_slice %arg14[%dma_start3A_185, %dma_start3A_186] : memref<100352x8xf32, #tpu.memory_space<vmem_shared>> -> memref<100352x8xf32, #tpu.memory_space<vmem_shared>>
        tpu.enqueue_indirect_dma source(%dma_start3A_181 : memref<128x8xf32, #tpu.memory_space<vmem>>) target(%dma_start3A_187 : memref<100352x8xf32, #tpu.memory_space<vmem_shared>>) offsets(%dma_start3A_184 : memref<128xi32, #tpu.memory_space<vmem>>) semaphore(%arg16 : memref<!tpu.dma_semaphore, #tpu.memory_space<semaphore_mem>>) {add = true}
        %dma_start3A_188 = arith.constant 6 : i32
        %dma_start3A_189 = arith.constant 768 : i32
        %dma_start3A_190 = arith.constant 0 : i32
        %dma_start3A_191 = tpu.memref_slice %arg12[%and3A_62, %dma_start3A_189, %dma_start3A_190] : memref<2x1024x8xf32, #tpu.memory_space<vmem>> -> memref<1x128x8xf32, #tpu.memory_space<vmem>>
        %dma_start3A_192 = tpu.memref_squeeze %dma_start3A_191 : memref<1x128x8xf32, #tpu.memory_space<vmem>> -> memref<128x8xf32, #tpu.memory_space<vmem>>
        %dma_start3A_193 = arith.constant 0 : i32
        %dma_start3A_194 = tpu.memref_slice %arg11[%and3A_62, %dma_start3A_188, %dma_start3A_193] : memref<2x8x128xi32, #tpu.memory_space<vmem>> -> memref<1x1x128xi32, #tpu.memory_space<vmem>>
        %dma_start3A_195 = tpu.memref_squeeze %dma_start3A_194 : memref<1x1x128xi32, #tpu.memory_space<vmem>> -> memref<128xi32, #tpu.memory_space<vmem>>
        %dma_start3A_196 = arith.constant 0 : i32
        %dma_start3A_197 = arith.constant 0 : i32
        %dma_start3A_198 = tpu.memref_slice %arg14[%dma_start3A_196, %dma_start3A_197] : memref<100352x8xf32, #tpu.memory_space<vmem_shared>> -> memref<100352x8xf32, #tpu.memory_space<vmem_shared>>
        tpu.enqueue_indirect_dma source(%dma_start3A_192 : memref<128x8xf32, #tpu.memory_space<vmem>>) target(%dma_start3A_198 : memref<100352x8xf32, #tpu.memory_space<vmem_shared>>) offsets(%dma_start3A_195 : memref<128xi32, #tpu.memory_space<vmem>>) semaphore(%arg16 : memref<!tpu.dma_semaphore, #tpu.memory_space<semaphore_mem>>) {add = true}
        %dma_start3A_199 = arith.constant 7 : i32
        %dma_start3A_200 = arith.constant 896 : i32
        %dma_start3A_201 = arith.constant 0 : i32
        %dma_start3A_202 = tpu.memref_slice %arg12[%and3A_62, %dma_start3A_200, %dma_start3A_201] : memref<2x1024x8xf32, #tpu.memory_space<vmem>> -> memref<1x128x8xf32, #tpu.memory_space<vmem>>
        %dma_start3A_203 = tpu.memref_squeeze %dma_start3A_202 : memref<1x128x8xf32, #tpu.memory_space<vmem>> -> memref<128x8xf32, #tpu.memory_space<vmem>>
        %dma_start3A_204 = arith.constant 0 : i32
        %dma_start3A_205 = tpu.memref_slice %arg11[%and3A_62, %dma_start3A_199, %dma_start3A_204] : memref<2x8x128xi32, #tpu.memory_space<vmem>> -> memref<1x1x128xi32, #tpu.memory_space<vmem>>
        %dma_start3A_206 = tpu.memref_squeeze %dma_start3A_205 : memref<1x1x128xi32, #tpu.memory_space<vmem>> -> memref<128xi32, #tpu.memory_space<vmem>>
        %dma_start3A_207 = arith.constant 0 : i32
        %dma_start3A_208 = arith.constant 0 : i32
        %dma_start3A_209 = tpu.memref_slice %arg14[%dma_start3A_207, %dma_start3A_208] : memref<100352x8xf32, #tpu.memory_space<vmem_shared>> -> memref<100352x8xf32, #tpu.memory_space<vmem_shared>>
        tpu.enqueue_indirect_dma source(%dma_start3A_203 : memref<128x8xf32, #tpu.memory_space<vmem>>) target(%dma_start3A_209 : memref<100352x8xf32, #tpu.memory_space<vmem_shared>>) offsets(%dma_start3A_206 : memref<128xi32, #tpu.memory_space<vmem>>) semaphore(%arg16 : memref<!tpu.dma_semaphore, #tpu.memory_space<semaphore_mem>>) {add = true}
      }
      %while3A_55 = arith.constant 1 : i32
      scf.for %while3A_61 = %while3A_53 to %while3A_49 step %while3A_55  : i32 {
        %and3A = arith.constant 1 : i32
        %and3A_62 = arith.andi %while3A_61, %and3A : i32
        %dma_wait3A = arith.constant 0 : i32
        %dma_wait3A_63 = arith.constant 0 : i32
        %dma_wait3A_64 = tpu.memref_slice %arg10[%and3A_62, %dma_wait3A, %dma_wait3A_63] : memref<2x1x1024xi32, #tpu.memory_space<vmem>> -> memref<1x1x1024xi32, #tpu.memory_space<vmem>>
        %dma_wait3A_65 = tpu.memref_squeeze %dma_wait3A_64 : memref<1x1x1024xi32, #tpu.memory_space<vmem>> -> memref<1x1024xi32, #tpu.memory_space<vmem>>
        %dma_wait3A_66 = arith.constant 0 : i32
        %dma_wait3A_67 = arith.constant 0 : i32
        %dma_wait3A_68 = tpu.memref_slice %arg4[%dma_wait3A_66, %dma_wait3A_67] : memref<6250x1024xi32, #tpu.memory_space<hbm>> -> memref<1x1024xi32, #tpu.memory_space<hbm>>
        %dma_wait3A_69 = arith.constant 0 : i32
        %dma_wait3A_70 = arith.constant 0 : i32
        %dma_wait3A_71 = tpu.memref_slice %arg10[%and3A_62, %dma_wait3A_69, %dma_wait3A_70] : memref<2x1x1024xi32, #tpu.memory_space<vmem>> -> memref<1x1x1024xi32, #tpu.memory_space<vmem>>
        %dma_wait3A_72 = tpu.memref_squeeze %dma_wait3A_71 : memref<1x1x1024xi32, #tpu.memory_space<vmem>> -> memref<1x1024xi32, #tpu.memory_space<vmem>>
        %dma_wait3A_73 = arith.constant 0 : i32
        %dma_wait3A_74 = arith.constant 0 : i32
        %dma_wait3A_75 = tpu.memref_slice %arg4[%dma_wait3A_73, %dma_wait3A_74] : memref<6250x1024xi32, #tpu.memory_space<hbm>> -> memref<1x1024xi32, #tpu.memory_space<hbm>>
        tpu.wait_dma2 semaphore(%arg17 : memref<!tpu.dma_semaphore, #tpu.memory_space<semaphore_mem>>) src(%dma_wait3A_75 : memref<1x1024xi32, #tpu.memory_space<hbm>>) dst(%dma_wait3A_72 : memref<1x1024xi32, #tpu.memory_space<vmem>>)
        %dma_wait3A_76 = arith.constant 0 : i32
        %dma_wait3A_77 = arith.constant 0 : i32
        %dma_wait3A_78 = tpu.memref_slice %arg11[%and3A_62, %dma_wait3A_76, %dma_wait3A_77] : memref<2x8x128xi32, #tpu.memory_space<vmem>> -> memref<1x8x128xi32, #tpu.memory_space<vmem>>
        %dma_wait3A_79 = tpu.memref_squeeze %dma_wait3A_78 : memref<1x8x128xi32, #tpu.memory_space<vmem>> -> memref<8x128xi32, #tpu.memory_space<vmem>>
        %dma_wait3A_80 = arith.constant 0 : i32
        %dma_wait3A_81 = arith.constant 0 : i32
        %dma_wait3A_82 = tpu.memref_slice %arg3[%dma_wait3A_80, %dma_wait3A_81] : memref<50000x128xi32, #tpu.memory_space<hbm>> -> memref<8x128xi32, #tpu.memory_space<hbm>>
        %dma_wait3A_83 = arith.constant 0 : i32
        %dma_wait3A_84 = arith.constant 0 : i32
        %dma_wait3A_85 = tpu.memref_slice %arg11[%and3A_62, %dma_wait3A_83, %dma_wait3A_84] : memref<2x8x128xi32, #tpu.memory_space<vmem>> -> memref<1x8x128xi32, #tpu.memory_space<vmem>>
        %dma_wait3A_86 = tpu.memref_squeeze %dma_wait3A_85 : memref<1x8x128xi32, #tpu.memory_space<vmem>> -> memref<8x128xi32, #tpu.memory_space<vmem>>
        %dma_wait3A_87 = arith.constant 0 : i32
        %dma_wait3A_88 = arith.constant 0 : i32
        %dma_wait3A_89 = tpu.memref_slice %arg3[%dma_wait3A_87, %dma_wait3A_88] : memref<50000x128xi32, #tpu.memory_space<hbm>> -> memref<8x128xi32, #tpu.memory_space<hbm>>
        tpu.wait_dma2 semaphore(%arg17 : memref<!tpu.dma_semaphore, #tpu.memory_space<semaphore_mem>>) src(%dma_wait3A_89 : memref<8x128xi32, #tpu.memory_space<hbm>>) dst(%dma_wait3A_86 : memref<8x128xi32, #tpu.memory_space<vmem>>)
        %dma_start3A_90 = arith.constant 0 : i32
        %dma_start3A_91 = arith.constant 0 : i32
        %dma_start3A_92 = arith.constant 0 : i32
        %dma_start3A_93 = tpu.memref_slice %arg12[%and3A_62, %dma_start3A_91, %dma_start3A_92] : memref<2x1024x8xf32, #tpu.memory_space<vmem>> -> memref<1x1024x8xf32, #tpu.memory_space<vmem>>
        %dma_start3A_94 = tpu.memref_squeeze %dma_start3A_93 : memref<1x1024x8xf32, #tpu.memory_space<vmem>> -> memref<1024x8xf32, #tpu.memory_space<vmem>>
        %dma_start3A_95 = arith.constant 0 : i32
        %dma_start3A_96 = tpu.memref_slice %arg10[%and3A_62, %dma_start3A_90, %dma_start3A_95] : memref<2x1x1024xi32, #tpu.memory_space<vmem>> -> memref<1x1x1024xi32, #tpu.memory_space<vmem>>
        %dma_start3A_97 = tpu.memref_squeeze %dma_start3A_96 : memref<1x1x1024xi32, #tpu.memory_space<vmem>> -> memref<1024xi32, #tpu.memory_space<vmem>>
        %dma_start3A_98 = arith.constant 0 : i32
        %dma_start3A_99 = arith.constant 0 : i32
        %dma_start3A_100 = tpu.memref_slice %arg6[%dma_start3A_98, %dma_start3A_99] : memref<100352x8xf32, #tpu.memory_space<hbm>> -> memref<100352x8xf32, #tpu.memory_space<hbm>>
        tpu.enqueue_indirect_dma source(%dma_start3A_100 : memref<100352x8xf32, #tpu.memory_space<hbm>>) target(%dma_start3A_94 : memref<1024x8xf32, #tpu.memory_space<vmem>>) offsets(%dma_start3A_97 : memref<1024xi32, #tpu.memory_space<vmem>>) semaphore(%arg15 : memref<!tpu.dma_semaphore, #tpu.memory_space<semaphore_mem>>)
        %add3A_101 = arith.constant 1 : i32
        %add3A_102 = arith.addi %while3A_61, %add3A_101 : i32
        %lt3A_103 = arith.cmpi slt, %add3A_102, %add3A_7 : i32
        %convert_element_type3A_104 = arith.extui %lt3A_103 : i1 to i32
        %cond3A_105 = arith.constant 0 : i32
        %cond3A_106 = arith.cmpi ne, %convert_element_type3A_104, %cond3A_105 : i32
        scf.if %cond3A_106 {
          %add3A_210 = arith.constant 1 : i32
          %add3A_211 = arith.addi %while3A_61, %add3A_210 : i32
          %sub3A = arith.constant 1 : i32
          %sub3A_212 = arith.subi %sub3A, %and3A_62 : i32
          %add3A_213 = arith.addi %add3A, %add3A_211 : i32
          %dma_start3A_214 = arith.constant 0 : i32
          %dma_start3A_215 = arith.constant 0 : i32
          %dma_start3A_216 = tpu.memref_slice %arg10[%sub3A_212, %dma_start3A_214, %dma_start3A_215] : memref<2x1x1024xi32, #tpu.memory_space<vmem>> -> memref<1x1x1024xi32, #tpu.memory_space<vmem>>
          %dma_start3A_217 = tpu.memref_squeeze %dma_start3A_216 : memref<1x1x1024xi32, #tpu.memory_space<vmem>> -> memref<1x1024xi32, #tpu.memory_space<vmem>>
          %dma_start3A_218 = arith.constant 0 : i32
          %dma_start3A_219 = tpu.memref_slice %arg4[%add3A_213, %dma_start3A_218] : memref<6250x1024xi32, #tpu.memory_space<hbm>> -> memref<1x1024xi32, #tpu.memory_space<hbm>>
          %dma_start3A_220 = arith.constant 0 : i32
          %dma_start3A_221 = arith.constant 0 : i32
          %dma_start3A_222 = tpu.memref_slice %arg10[%sub3A_212, %dma_start3A_220, %dma_start3A_221] : memref<2x1x1024xi32, #tpu.memory_space<vmem>> -> memref<1x1x1024xi32, #tpu.memory_space<vmem>>
          %dma_start3A_223 = tpu.memref_squeeze %dma_start3A_222 : memref<1x1x1024xi32, #tpu.memory_space<vmem>> -> memref<1x1024xi32, #tpu.memory_space<vmem>>
          %dma_start3A_224 = arith.constant 0 : i32
          %dma_start3A_225 = tpu.memref_slice %arg4[%add3A_213, %dma_start3A_224] : memref<6250x1024xi32, #tpu.memory_space<hbm>> -> memref<1x1024xi32, #tpu.memory_space<hbm>>
          tpu.enqueue_dma source(%dma_start3A_225 : memref<1x1024xi32, #tpu.memory_space<hbm>>) target(%dma_start3A_223 : memref<1x1024xi32, #tpu.memory_space<vmem>>) target_semaphore(%arg17 : memref<!tpu.dma_semaphore, #tpu.memory_space<semaphore_mem>>)
          %add3A_226 = arith.addi %add3A, %add3A_211 : i32
          %mul3A_227 = arith.constant 8 : i32
          %mul3A_228 = arith.muli %add3A_226, %mul3A_227 : i32
          %dma_start3A_229 = arith.constant 0 : i32
          %dma_start3A_230 = arith.constant 0 : i32
          %dma_start3A_231 = tpu.memref_slice %arg11[%sub3A_212, %dma_start3A_229, %dma_start3A_230] : memref<2x8x128xi32, #tpu.memory_space<vmem>> -> memref<1x8x128xi32, #tpu.memory_space<vmem>>
          %dma_start3A_232 = tpu.memref_squeeze %dma_start3A_231 : memref<1x8x128xi32, #tpu.memory_space<vmem>> -> memref<8x128xi32, #tpu.memory_space<vmem>>
          %dma_start3A_233 = arith.constant 0 : i32
          %dma_start3A_234 = tpu.memref_slice %arg3[%mul3A_228, %dma_start3A_233] : memref<50000x128xi32, #tpu.memory_space<hbm>> -> memref<8x128xi32, #tpu.memory_space<hbm>>
          %dma_start3A_235 = arith.constant 0 : i32
          %dma_start3A_236 = arith.constant 0 : i32
          %dma_start3A_237 = tpu.memref_slice %arg11[%sub3A_212, %dma_start3A_235, %dma_start3A_236] : memref<2x8x128xi32, #tpu.memory_space<vmem>> -> memref<1x8x128xi32, #tpu.memory_space<vmem>>
          %dma_start3A_238 = tpu.memref_squeeze %dma_start3A_237 : memref<1x8x128xi32, #tpu.memory_space<vmem>> -> memref<8x128xi32, #tpu.memory_space<vmem>>
          %dma_start3A_239 = arith.constant 0 : i32
          %dma_start3A_240 = tpu.memref_slice %arg3[%mul3A_228, %dma_start3A_239] : memref<50000x128xi32, #tpu.memory_space<hbm>> -> memref<8x128xi32, #tpu.memory_space<hbm>>
          tpu.enqueue_dma source(%dma_start3A_240 : memref<8x128xi32, #tpu.memory_space<hbm>>) target(%dma_start3A_238 : memref<8x128xi32, #tpu.memory_space<vmem>>) target_semaphore(%arg17 : memref<!tpu.dma_semaphore, #tpu.memory_space<semaphore_mem>>)
        } else {
        }
        %gt3A = arith.constant 0 : i32
        %gt3A_107 = arith.cmpi sgt, %while3A_61, %gt3A : i32
        %convert_element_type3A_108 = arith.extui %gt3A_107 : i1 to i32
        %cond3A_109 = arith.constant 0 : i32
        %cond3A_110 = arith.cmpi ne, %convert_element_type3A_108, %cond3A_109 : i32
        scf.if %cond3A_110 {
          %dma_wait3A_210 = arith.constant 0 : i32
          %dma_wait3A_211 = arith.constant 0 : i32
          %dma_wait3A_212 = tpu.memref_slice %arg12[%and3A_62, %dma_wait3A_210, %dma_wait3A_211] : memref<2x1024x8xf32, #tpu.memory_space<vmem>> -> memref<1x128x8xf32, #tpu.memory_space<vmem>>
          %dma_wait3A_213 = tpu.memref_squeeze %dma_wait3A_212 : memref<1x128x8xf32, #tpu.memory_space<vmem>> -> memref<128x8xf32, #tpu.memory_space<vmem>>
          %dma_wait3A_214 = arith.constant 0 : i32
          %dma_wait3A_215 = arith.constant 0 : i32
          %dma_wait3A_216 = tpu.memref_slice %arg8[%dma_wait3A_214, %dma_wait3A_215] : memref<100352x8xf32, #tpu.memory_space<hbm>> -> memref<128x8xf32, #tpu.memory_space<hbm>>
          %dma_wait3A_217 = arith.constant 0 : i32
          %dma_wait3A_218 = arith.constant 0 : i32
          %dma_wait3A_219 = tpu.memref_slice %arg12[%and3A_62, %dma_wait3A_217, %dma_wait3A_218] : memref<2x1024x8xf32, #tpu.memory_space<vmem>> -> memref<1x128x8xf32, #tpu.memory_space<vmem>>
          %dma_wait3A_220 = tpu.memref_squeeze %dma_wait3A_219 : memref<1x128x8xf32, #tpu.memory_space<vmem>> -> memref<128x8xf32, #tpu.memory_space<vmem>>
          %dma_wait3A_221 = arith.constant 0 : i32
          %dma_wait3A_222 = arith.constant 0 : i32
          %dma_wait3A_223 = tpu.memref_slice %arg8[%dma_wait3A_221, %dma_wait3A_222] : memref<100352x8xf32, #tpu.memory_space<hbm>> -> memref<128x8xf32, #tpu.memory_space<hbm>>
          tpu.wait_dma2 semaphore(%arg16 : memref<!tpu.dma_semaphore, #tpu.memory_space<semaphore_mem>>) src(%dma_wait3A_223 : memref<128x8xf32, #tpu.memory_space<hbm>>) dst(%dma_wait3A_220 : memref<128x8xf32, #tpu.memory_space<vmem>>)
          %dma_wait3A_224 = arith.constant 0 : i32
          %dma_wait3A_225 = arith.constant 0 : i32
          %dma_wait3A_226 = tpu.memref_slice %arg12[%and3A_62, %dma_wait3A_224, %dma_wait3A_225] : memref<2x1024x8xf32, #tpu.memory_space<vmem>> -> memref<1x128x8xf32, #tpu.memory_space<vmem>>
          %dma_wait3A_227 = tpu.memref_squeeze %dma_wait3A_226 : memref<1x128x8xf32, #tpu.memory_space<vmem>> -> memref<128x8xf32, #tpu.memory_space<vmem>>
          %dma_wait3A_228 = arith.constant 0 : i32
          %dma_wait3A_229 = arith.constant 0 : i32
          %dma_wait3A_230 = tpu.memref_slice %arg8[%dma_wait3A_228, %dma_wait3A_229] : memref<100352x8xf32, #tpu.memory_space<hbm>> -> memref<128x8xf32, #tpu.memory_space<hbm>>
          %dma_wait3A_231 = arith.constant 0 : i32
          %dma_wait3A_232 = arith.constant 0 : i32
          %dma_wait3A_233 = tpu.memref_slice %arg12[%and3A_62, %dma_wait3A_231, %dma_wait3A_232] : memref<2x1024x8xf32, #tpu.memory_space<vmem>> -> memref<1x128x8xf32, #tpu.memory_space<vmem>>
          %dma_wait3A_234 = tpu.memref_squeeze %dma_wait3A_233 : memref<1x128x8xf32, #tpu.memory_space<vmem>> -> memref<128x8xf32, #tpu.memory_space<vmem>>
          %dma_wait3A_235 = arith.constant 0 : i32
          %dma_wait3A_236 = arith.constant 0 : i32
          %dma_wait3A_237 = tpu.memref_slice %arg8[%dma_wait3A_235, %dma_wait3A_236] : memref<100352x8xf32, #tpu.memory_space<hbm>> -> memref<128x8xf32, #tpu.memory_space<hbm>>
          tpu.wait_dma2 semaphore(%arg16 : memref<!tpu.dma_semaphore, #tpu.memory_space<semaphore_mem>>) src(%dma_wait3A_237 : memref<128x8xf32, #tpu.memory_space<hbm>>) dst(%dma_wait3A_234 : memref<128x8xf32, #tpu.memory_space<vmem>>)
          %dma_wait3A_238 = arith.constant 0 : i32
          %dma_wait3A_239 = arith.constant 0 : i32
          %dma_wait3A_240 = tpu.memref_slice %arg12[%and3A_62, %dma_wait3A_238, %dma_wait3A_239] : memref<2x1024x8xf32, #tpu.memory_space<vmem>> -> memref<1x128x8xf32, #tpu.memory_space<vmem>>
          %dma_wait3A_241 = tpu.memref_squeeze %dma_wait3A_240 : memref<1x128x8xf32, #tpu.memory_space<vmem>> -> memref<128x8xf32, #tpu.memory_space<vmem>>
          %dma_wait3A_242 = arith.constant 0 : i32
          %dma_wait3A_243 = arith.constant 0 : i32
          %dma_wait3A_244 = tpu.memref_slice %arg8[%dma_wait3A_242, %dma_wait3A_243] : memref<100352x8xf32, #tpu.memory_space<hbm>> -> memref<128x8xf32, #tpu.memory_space<hbm>>
          %dma_wait3A_245 = arith.constant 0 : i32
          %dma_wait3A_246 = arith.constant 0 : i32
          %dma_wait3A_247 = tpu.memref_slice %arg12[%and3A_62, %dma_wait3A_245, %dma_wait3A_246] : memref<2x1024x8xf32, #tpu.memory_space<vmem>> -> memref<1x128x8xf32, #tpu.memory_space<vmem>>
          %dma_wait3A_248 = tpu.memref_squeeze %dma_wait3A_247 : memref<1x128x8xf32, #tpu.memory_space<vmem>> -> memref<128x8xf32, #tpu.memory_space<vmem>>
          %dma_wait3A_249 = arith.constant 0 : i32
          %dma_wait3A_250 = arith.constant 0 : i32
          %dma_wait3A_251 = tpu.memref_slice %arg8[%dma_wait3A_249, %dma_wait3A_250] : memref<100352x8xf32, #tpu.memory_space<hbm>> -> memref<128x8xf32, #tpu.memory_space<hbm>>
          tpu.wait_dma2 semaphore(%arg16 : memref<!tpu.dma_semaphore, #tpu.memory_space<semaphore_mem>>) src(%dma_wait3A_251 : memref<128x8xf32, #tpu.memory_space<hbm>>) dst(%dma_wait3A_248 : memref<128x8xf32, #tpu.memory_space<vmem>>)
          %dma_wait3A_252 = arith.constant 0 : i32
          %dma_wait3A_253 = arith.constant 0 : i32
          %dma_wait3A_254 = tpu.memref_slice %arg12[%and3A_62, %dma_wait3A_252, %dma_wait3A_253] : memref<2x1024x8xf32, #tpu.memory_space<vmem>> -> memref<1x128x8xf32, #tpu.memory_space<vmem>>
          %dma_wait3A_255 = tpu.memref_squeeze %dma_wait3A_254 : memref<1x128x8xf32, #tpu.memory_space<vmem>> -> memref<128x8xf32, #tpu.memory_space<vmem>>
          %dma_wait3A_256 = arith.constant 0 : i32
          %dma_wait3A_257 = arith.constant 0 : i32
          %dma_wait3A_258 = tpu.memref_slice %arg8[%dma_wait3A_256, %dma_wait3A_257] : memref<100352x8xf32, #tpu.memory_space<hbm>> -> memref<128x8xf32, #tpu.memory_space<hbm>>
          %dma_wait3A_259 = arith.constant 0 : i32
          %dma_wait3A_260 = arith.constant 0 : i32
          %dma_wait3A_261 = tpu.memref_slice %arg12[%and3A_62, %dma_wait3A_259, %dma_wait3A_260] : memref<2x1024x8xf32, #tpu.memory_space<vmem>> -> memref<1x128x8xf32, #tpu.memory_space<vmem>>
          %dma_wait3A_262 = tpu.memref_squeeze %dma_wait3A_261 : memref<1x128x8xf32, #tpu.memory_space<vmem>> -> memref<128x8xf32, #tpu.memory_space<vmem>>
          %dma_wait3A_263 = arith.constant 0 : i32
          %dma_wait3A_264 = arith.constant 0 : i32
          %dma_wait3A_265 = tpu.memref_slice %arg8[%dma_wait3A_263, %dma_wait3A_264] : memref<100352x8xf32, #tpu.memory_space<hbm>> -> memref<128x8xf32, #tpu.memory_space<hbm>>
          tpu.wait_dma2 semaphore(%arg16 : memref<!tpu.dma_semaphore, #tpu.memory_space<semaphore_mem>>) src(%dma_wait3A_265 : memref<128x8xf32, #tpu.memory_space<hbm>>) dst(%dma_wait3A_262 : memref<128x8xf32, #tpu.memory_space<vmem>>)
          %dma_wait3A_266 = arith.constant 0 : i32
          %dma_wait3A_267 = arith.constant 0 : i32
          %dma_wait3A_268 = tpu.memref_slice %arg12[%and3A_62, %dma_wait3A_266, %dma_wait3A_267] : memref<2x1024x8xf32, #tpu.memory_space<vmem>> -> memref<1x128x8xf32, #tpu.memory_space<vmem>>
          %dma_wait3A_269 = tpu.memref_squeeze %dma_wait3A_268 : memref<1x128x8xf32, #tpu.memory_space<vmem>> -> memref<128x8xf32, #tpu.memory_space<vmem>>
          %dma_wait3A_270 = arith.constant 0 : i32
          %dma_wait3A_271 = arith.constant 0 : i32
          %dma_wait3A_272 = tpu.memref_slice %arg8[%dma_wait3A_270, %dma_wait3A_271] : memref<100352x8xf32, #tpu.memory_space<hbm>> -> memref<128x8xf32, #tpu.memory_space<hbm>>
          %dma_wait3A_273 = arith.constant 0 : i32
          %dma_wait3A_274 = arith.constant 0 : i32
          %dma_wait3A_275 = tpu.memref_slice %arg12[%and3A_62, %dma_wait3A_273, %dma_wait3A_274] : memref<2x1024x8xf32, #tpu.memory_space<vmem>> -> memref<1x128x8xf32, #tpu.memory_space<vmem>>
          %dma_wait3A_276 = tpu.memref_squeeze %dma_wait3A_275 : memref<1x128x8xf32, #tpu.memory_space<vmem>> -> memref<128x8xf32, #tpu.memory_space<vmem>>
          %dma_wait3A_277 = arith.constant 0 : i32
          %dma_wait3A_278 = arith.constant 0 : i32
          %dma_wait3A_279 = tpu.memref_slice %arg8[%dma_wait3A_277, %dma_wait3A_278] : memref<100352x8xf32, #tpu.memory_space<hbm>> -> memref<128x8xf32, #tpu.memory_space<hbm>>
          tpu.wait_dma2 semaphore(%arg16 : memref<!tpu.dma_semaphore, #tpu.memory_space<semaphore_mem>>) src(%dma_wait3A_279 : memref<128x8xf32, #tpu.memory_space<hbm>>) dst(%dma_wait3A_276 : memref<128x8xf32, #tpu.memory_space<vmem>>)
          %dma_wait3A_280 = arith.constant 0 : i32
          %dma_wait3A_281 = arith.constant 0 : i32
          %dma_wait3A_282 = tpu.memref_slice %arg12[%and3A_62, %dma_wait3A_280, %dma_wait3A_281] : memref<2x1024x8xf32, #tpu.memory_space<vmem>> -> memref<1x128x8xf32, #tpu.memory_space<vmem>>
          %dma_wait3A_283 = tpu.memref_squeeze %dma_wait3A_282 : memref<1x128x8xf32, #tpu.memory_space<vmem>> -> memref<128x8xf32, #tpu.memory_space<vmem>>
          %dma_wait3A_284 = arith.constant 0 : i32
          %dma_wait3A_285 = arith.constant 0 : i32
          %dma_wait3A_286 = tpu.memref_slice %arg8[%dma_wait3A_284, %dma_wait3A_285] : memref<100352x8xf32, #tpu.memory_space<hbm>> -> memref<128x8xf32, #tpu.memory_space<hbm>>
          %dma_wait3A_287 = arith.constant 0 : i32
          %dma_wait3A_288 = arith.constant 0 : i32
          %dma_wait3A_289 = tpu.memref_slice %arg12[%and3A_62, %dma_wait3A_287, %dma_wait3A_288] : memref<2x1024x8xf32, #tpu.memory_space<vmem>> -> memref<1x128x8xf32, #tpu.memory_space<vmem>>
          %dma_wait3A_290 = tpu.memref_squeeze %dma_wait3A_289 : memref<1x128x8xf32, #tpu.memory_space<vmem>> -> memref<128x8xf32, #tpu.memory_space<vmem>>
          %dma_wait3A_291 = arith.constant 0 : i32
          %dma_wait3A_292 = arith.constant 0 : i32
          %dma_wait3A_293 = tpu.memref_slice %arg8[%dma_wait3A_291, %dma_wait3A_292] : memref<100352x8xf32, #tpu.memory_space<hbm>> -> memref<128x8xf32, #tpu.memory_space<hbm>>
          tpu.wait_dma2 semaphore(%arg16 : memref<!tpu.dma_semaphore, #tpu.memory_space<semaphore_mem>>) src(%dma_wait3A_293 : memref<128x8xf32, #tpu.memory_space<hbm>>) dst(%dma_wait3A_290 : memref<128x8xf32, #tpu.memory_space<vmem>>)
          %dma_wait3A_294 = arith.constant 0 : i32
          %dma_wait3A_295 = arith.constant 0 : i32
          %dma_wait3A_296 = tpu.memref_slice %arg12[%and3A_62, %dma_wait3A_294, %dma_wait3A_295] : memref<2x1024x8xf32, #tpu.memory_space<vmem>> -> memref<1x128x8xf32, #tpu.memory_space<vmem>>
          %dma_wait3A_297 = tpu.memref_squeeze %dma_wait3A_296 : memref<1x128x8xf32, #tpu.memory_space<vmem>> -> memref<128x8xf32, #tpu.memory_space<vmem>>
          %dma_wait3A_298 = arith.constant 0 : i32
          %dma_wait3A_299 = arith.constant 0 : i32
          %dma_wait3A_300 = tpu.memref_slice %arg8[%dma_wait3A_298, %dma_wait3A_299] : memref<100352x8xf32, #tpu.memory_space<hbm>> -> memref<128x8xf32, #tpu.memory_space<hbm>>
          %dma_wait3A_301 = arith.constant 0 : i32
          %dma_wait3A_302 = arith.constant 0 : i32
          %dma_wait3A_303 = tpu.memref_slice %arg12[%and3A_62, %dma_wait3A_301, %dma_wait3A_302] : memref<2x1024x8xf32, #tpu.memory_space<vmem>> -> memref<1x128x8xf32, #tpu.memory_space<vmem>>
          %dma_wait3A_304 = tpu.memref_squeeze %dma_wait3A_303 : memref<1x128x8xf32, #tpu.memory_space<vmem>> -> memref<128x8xf32, #tpu.memory_space<vmem>>
          %dma_wait3A_305 = arith.constant 0 : i32
          %dma_wait3A_306 = arith.constant 0 : i32
          %dma_wait3A_307 = tpu.memref_slice %arg8[%dma_wait3A_305, %dma_wait3A_306] : memref<100352x8xf32, #tpu.memory_space<hbm>> -> memref<128x8xf32, #tpu.memory_space<hbm>>
          tpu.wait_dma2 semaphore(%arg16 : memref<!tpu.dma_semaphore, #tpu.memory_space<semaphore_mem>>) src(%dma_wait3A_307 : memref<128x8xf32, #tpu.memory_space<hbm>>) dst(%dma_wait3A_304 : memref<128x8xf32, #tpu.memory_space<vmem>>)
          %dma_wait3A_308 = arith.constant 0 : i32
          %dma_wait3A_309 = arith.constant 0 : i32
          %dma_wait3A_310 = tpu.memref_slice %arg12[%and3A_62, %dma_wait3A_308, %dma_wait3A_309] : memref<2x1024x8xf32, #tpu.memory_space<vmem>> -> memref<1x128x8xf32, #tpu.memory_space<vmem>>
          %dma_wait3A_311 = tpu.memref_squeeze %dma_wait3A_310 : memref<1x128x8xf32, #tpu.memory_space<vmem>> -> memref<128x8xf32, #tpu.memory_space<vmem>>
          %dma_wait3A_312 = arith.constant 0 : i32
          %dma_wait3A_313 = arith.constant 0 : i32
          %dma_wait3A_314 = tpu.memref_slice %arg8[%dma_wait3A_312, %dma_wait3A_313] : memref<100352x8xf32, #tpu.memory_space<hbm>> -> memref<128x8xf32, #tpu.memory_space<hbm>>
          %dma_wait3A_315 = arith.constant 0 : i32
          %dma_wait3A_316 = arith.constant 0 : i32
          %dma_wait3A_317 = tpu.memref_slice %arg12[%and3A_62, %dma_wait3A_315, %dma_wait3A_316] : memref<2x1024x8xf32, #tpu.memory_space<vmem>> -> memref<1x128x8xf32, #tpu.memory_space<vmem>>
          %dma_wait3A_318 = tpu.memref_squeeze %dma_wait3A_317 : memref<1x128x8xf32, #tpu.memory_space<vmem>> -> memref<128x8xf32, #tpu.memory_space<vmem>>
          %dma_wait3A_319 = arith.constant 0 : i32
          %dma_wait3A_320 = arith.constant 0 : i32
          %dma_wait3A_321 = tpu.memref_slice %arg8[%dma_wait3A_319, %dma_wait3A_320] : memref<100352x8xf32, #tpu.memory_space<hbm>> -> memref<128x8xf32, #tpu.memory_space<hbm>>
          tpu.wait_dma2 semaphore(%arg16 : memref<!tpu.dma_semaphore, #tpu.memory_space<semaphore_mem>>) src(%dma_wait3A_321 : memref<128x8xf32, #tpu.memory_space<hbm>>) dst(%dma_wait3A_318 : memref<128x8xf32, #tpu.memory_space<vmem>>)
        } else {
        }
        %dma_wait3A_111 = arith.constant 0 : i32
        %dma_wait3A_112 = arith.constant 0 : i32
        %dma_wait3A_113 = arith.constant 0 : i32
        %dma_wait3A_114 = tpu.memref_slice %arg12[%and3A_62, %dma_wait3A_112, %dma_wait3A_113] : memref<2x1024x8xf32, #tpu.memory_space<vmem>> -> memref<1x1024x8xf32, #tpu.memory_space<vmem>>
        %dma_wait3A_115 = tpu.memref_squeeze %dma_wait3A_114 : memref<1x1024x8xf32, #tpu.memory_space<vmem>> -> memref<1024x8xf32, #tpu.memory_space<vmem>>
        %dma_wait3A_116 = arith.constant 0 : i32
        %dma_wait3A_117 = tpu.memref_slice %arg10[%and3A_62, %dma_wait3A_111, %dma_wait3A_116] : memref<2x1x1024xi32, #tpu.memory_space<vmem>> -> memref<1x1x1024xi32, #tpu.memory_space<vmem>>
        %dma_wait3A_118 = tpu.memref_squeeze %dma_wait3A_117 : memref<1x1x1024xi32, #tpu.memory_space<vmem>> -> memref<1024xi32, #tpu.memory_space<vmem>>
        %dma_wait3A_119 = arith.constant 0 : i32
        %dma_wait3A_120 = arith.constant 0 : i32
        %dma_wait3A_121 = tpu.memref_slice %arg6[%dma_wait3A_119, %dma_wait3A_120] : memref<100352x8xf32, #tpu.memory_space<hbm>> -> memref<100352x8xf32, #tpu.memory_space<hbm>>
        tpu.wait_indirect_dma semaphore(%arg15 : memref<!tpu.dma_semaphore, #tpu.memory_space<semaphore_mem>>) src(%dma_wait3A_121 : memref<100352x8xf32, #tpu.memory_space<hbm>>) dst(%dma_wait3A_115 : memref<1024x8xf32, #tpu.memory_space<vmem>>)
        %dma_start3A_122 = arith.constant 0 : i32
        %dma_start3A_123 = arith.constant 0 : i32
        %dma_start3A_124 = arith.constant 0 : i32
        %dma_start3A_125 = tpu.memref_slice %arg12[%and3A_62, %dma_start3A_123, %dma_start3A_124] : memref<2x1024x8xf32, #tpu.memory_space<vmem>> -> memref<1x128x8xf32, #tpu.memory_space<vmem>>
        %dma_start3A_126 = tpu.memref_squeeze %dma_start3A_125 : memref<1x128x8xf32, #tpu.memory_space<vmem>> -> memref<128x8xf32, #tpu.memory_space<vmem>>
        %dma_start3A_127 = arith.constant 0 : i32
        %dma_start3A_128 = tpu.memref_slice %arg11[%and3A_62, %dma_start3A_122, %dma_start3A_127] : memref<2x8x128xi32, #tpu.memory_space<vmem>> -> memref<1x1x128xi32, #tpu.memory_space<vmem>>
        %dma_start3A_129 = tpu.memref_squeeze %dma_start3A_128 : memref<1x1x128xi32, #tpu.memory_space<vmem>> -> memref<128xi32, #tpu.memory_space<vmem>>
        %dma_start3A_130 = arith.constant 0 : i32
        %dma_start3A_131 = arith.constant 0 : i32
        %dma_start3A_132 = tpu.memref_slice %arg14[%dma_start3A_130, %dma_start3A_131] : memref<100352x8xf32, #tpu.memory_space<vmem_shared>> -> memref<100352x8xf32, #tpu.memory_space<vmem_shared>>
        tpu.enqueue_indirect_dma source(%dma_start3A_126 : memref<128x8xf32, #tpu.memory_space<vmem>>) target(%dma_start3A_132 : memref<100352x8xf32, #tpu.memory_space<vmem_shared>>) offsets(%dma_start3A_129 : memref<128xi32, #tpu.memory_space<vmem>>) semaphore(%arg16 : memref<!tpu.dma_semaphore, #tpu.memory_space<semaphore_mem>>) {add = true}
        %dma_start3A_133 = arith.constant 1 : i32
        %dma_start3A_134 = arith.constant 128 : i32
        %dma_start3A_135 = arith.constant 0 : i32
        %dma_start3A_136 = tpu.memref_slice %arg12[%and3A_62, %dma_start3A_134, %dma_start3A_135] : memref<2x1024x8xf32, #tpu.memory_space<vmem>> -> memref<1x128x8xf32, #tpu.memory_space<vmem>>
        %dma_start3A_137 = tpu.memref_squeeze %dma_start3A_136 : memref<1x128x8xf32, #tpu.memory_space<vmem>> -> memref<128x8xf32, #tpu.memory_space<vmem>>
        %dma_start3A_138 = arith.constant 0 : i32
        %dma_start3A_139 = tpu.memref_slice %arg11[%and3A_62, %dma_start3A_133, %dma_start3A_138] : memref<2x8x128xi32, #tpu.memory_space<vmem>> -> memref<1x1x128xi32, #tpu.memory_space<vmem>>
        %dma_start3A_140 = tpu.memref_squeeze %dma_start3A_139 : memref<1x1x128xi32, #tpu.memory_space<vmem>> -> memref<128xi32, #tpu.memory_space<vmem>>
        %dma_start3A_141 = arith.constant 0 : i32
        %dma_start3A_142 = arith.constant 0 : i32
        %dma_start3A_143 = tpu.memref_slice %arg14[%dma_start3A_141, %dma_start3A_142] : memref<100352x8xf32, #tpu.memory_space<vmem_shared>> -> memref<100352x8xf32, #tpu.memory_space<vmem_shared>>
        tpu.enqueue_indirect_dma source(%dma_start3A_137 : memref<128x8xf32, #tpu.memory_space<vmem>>) target(%dma_start3A_143 : memref<100352x8xf32, #tpu.memory_space<vmem_shared>>) offsets(%dma_start3A_140 : memref<128xi32, #tpu.memory_space<vmem>>) semaphore(%arg16 : memref<!tpu.dma_semaphore, #tpu.memory_space<semaphore_mem>>) {add = true}
        %dma_start3A_144 = arith.constant 2 : i32
        %dma_start3A_145 = arith.constant 256 : i32
        %dma_start3A_146 = arith.constant 0 : i32
        %dma_start3A_147 = tpu.memref_slice %arg12[%and3A_62, %dma_start3A_145, %dma_start3A_146] : memref<2x1024x8xf32, #tpu.memory_space<vmem>> -> memref<1x128x8xf32, #tpu.memory_space<vmem>>
        %dma_start3A_148 = tpu.memref_squeeze %dma_start3A_147 : memref<1x128x8xf32, #tpu.memory_space<vmem>> -> memref<128x8xf32, #tpu.memory_space<vmem>>
        %dma_start3A_149 = arith.constant 0 : i32
        %dma_start3A_150 = tpu.memref_slice %arg11[%and3A_62, %dma_start3A_144, %dma_start3A_149] : memref<2x8x128xi32, #tpu.memory_space<vmem>> -> memref<1x1x128xi32, #tpu.memory_space<vmem>>
        %dma_start3A_151 = tpu.memref_squeeze %dma_start3A_150 : memref<1x1x128xi32, #tpu.memory_space<vmem>> -> memref<128xi32, #tpu.memory_space<vmem>>
        %dma_start3A_152 = arith.constant 0 : i32
        %dma_start3A_153 = arith.constant 0 : i32
        %dma_start3A_154 = tpu.memref_slice %arg14[%dma_start3A_152, %dma_start3A_153] : memref<100352x8xf32, #tpu.memory_space<vmem_shared>> -> memref<100352x8xf32, #tpu.memory_space<vmem_shared>>
        tpu.enqueue_indirect_dma source(%dma_start3A_148 : memref<128x8xf32, #tpu.memory_space<vmem>>) target(%dma_start3A_154 : memref<100352x8xf32, #tpu.memory_space<vmem_shared>>) offsets(%dma_start3A_151 : memref<128xi32, #tpu.memory_space<vmem>>) semaphore(%arg16 : memref<!tpu.dma_semaphore, #tpu.memory_space<semaphore_mem>>) {add = true}
        %dma_start3A_155 = arith.constant 3 : i32
        %dma_start3A_156 = arith.constant 384 : i32
        %dma_start3A_157 = arith.constant 0 : i32
        %dma_start3A_158 = tpu.memref_slice %arg12[%and3A_62, %dma_start3A_156, %dma_start3A_157] : memref<2x1024x8xf32, #tpu.memory_space<vmem>> -> memref<1x128x8xf32, #tpu.memory_space<vmem>>
        %dma_start3A_159 = tpu.memref_squeeze %dma_start3A_158 : memref<1x128x8xf32, #tpu.memory_space<vmem>> -> memref<128x8xf32, #tpu.memory_space<vmem>>
        %dma_start3A_160 = arith.constant 0 : i32
        %dma_start3A_161 = tpu.memref_slice %arg11[%and3A_62, %dma_start3A_155, %dma_start3A_160] : memref<2x8x128xi32, #tpu.memory_space<vmem>> -> memref<1x1x128xi32, #tpu.memory_space<vmem>>
        %dma_start3A_162 = tpu.memref_squeeze %dma_start3A_161 : memref<1x1x128xi32, #tpu.memory_space<vmem>> -> memref<128xi32, #tpu.memory_space<vmem>>
        %dma_start3A_163 = arith.constant 0 : i32
        %dma_start3A_164 = arith.constant 0 : i32
        %dma_start3A_165 = tpu.memref_slice %arg14[%dma_start3A_163, %dma_start3A_164] : memref<100352x8xf32, #tpu.memory_space<vmem_shared>> -> memref<100352x8xf32, #tpu.memory_space<vmem_shared>>
        tpu.enqueue_indirect_dma source(%dma_start3A_159 : memref<128x8xf32, #tpu.memory_space<vmem>>) target(%dma_start3A_165 : memref<100352x8xf32, #tpu.memory_space<vmem_shared>>) offsets(%dma_start3A_162 : memref<128xi32, #tpu.memory_space<vmem>>) semaphore(%arg16 : memref<!tpu.dma_semaphore, #tpu.memory_space<semaphore_mem>>) {add = true}
        %dma_start3A_166 = arith.constant 4 : i32
        %dma_start3A_167 = arith.constant 512 : i32
        %dma_start3A_168 = arith.constant 0 : i32
        %dma_start3A_169 = tpu.memref_slice %arg12[%and3A_62, %dma_start3A_167, %dma_start3A_168] : memref<2x1024x8xf32, #tpu.memory_space<vmem>> -> memref<1x128x8xf32, #tpu.memory_space<vmem>>
        %dma_start3A_170 = tpu.memref_squeeze %dma_start3A_169 : memref<1x128x8xf32, #tpu.memory_space<vmem>> -> memref<128x8xf32, #tpu.memory_space<vmem>>
        %dma_start3A_171 = arith.constant 0 : i32
        %dma_start3A_172 = tpu.memref_slice %arg11[%and3A_62, %dma_start3A_166, %dma_start3A_171] : memref<2x8x128xi32, #tpu.memory_space<vmem>> -> memref<1x1x128xi32, #tpu.memory_space<vmem>>
        %dma_start3A_173 = tpu.memref_squeeze %dma_start3A_172 : memref<1x1x128xi32, #tpu.memory_space<vmem>> -> memref<128xi32, #tpu.memory_space<vmem>>
        %dma_start3A_174 = arith.constant 0 : i32
        %dma_start3A_175 = arith.constant 0 : i32
        %dma_start3A_176 = tpu.memref_slice %arg14[%dma_start3A_174, %dma_start3A_175] : memref<100352x8xf32, #tpu.memory_space<vmem_shared>> -> memref<100352x8xf32, #tpu.memory_space<vmem_shared>>
        tpu.enqueue_indirect_dma source(%dma_start3A_170 : memref<128x8xf32, #tpu.memory_space<vmem>>) target(%dma_start3A_176 : memref<100352x8xf32, #tpu.memory_space<vmem_shared>>) offsets(%dma_start3A_173 : memref<128xi32, #tpu.memory_space<vmem>>) semaphore(%arg16 : memref<!tpu.dma_semaphore, #tpu.memory_space<semaphore_mem>>) {add = true}
        %dma_start3A_177 = arith.constant 5 : i32
        %dma_start3A_178 = arith.constant 640 : i32
        %dma_start3A_179 = arith.constant 0 : i32
        %dma_start3A_180 = tpu.memref_slice %arg12[%and3A_62, %dma_start3A_178, %dma_start3A_179] : memref<2x1024x8xf32, #tpu.memory_space<vmem>> -> memref<1x128x8xf32, #tpu.memory_space<vmem>>
        %dma_start3A_181 = tpu.memref_squeeze %dma_start3A_180 : memref<1x128x8xf32, #tpu.memory_space<vmem>> -> memref<128x8xf32, #tpu.memory_space<vmem>>
        %dma_start3A_182 = arith.constant 0 : i32
        %dma_start3A_183 = tpu.memref_slice %arg11[%and3A_62, %dma_start3A_177, %dma_start3A_182] : memref<2x8x128xi32, #tpu.memory_space<vmem>> -> memref<1x1x128xi32, #tpu.memory_space<vmem>>
        %dma_start3A_184 = tpu.memref_squeeze %dma_start3A_183 : memref<1x1x128xi32, #tpu.memory_space<vmem>> -> memref<128xi32, #tpu.memory_space<vmem>>
        %dma_start3A_185 = arith.constant 0 : i32
        %dma_start3A_186 = arith.constant 0 : i32
        %dma_start3A_187 = tpu.memref_slice %arg14[%dma_start3A_185, %dma_start3A_186] : memref<100352x8xf32, #tpu.memory_space<vmem_shared>> -> memref<100352x8xf32, #tpu.memory_space<vmem_shared>>
        tpu.enqueue_indirect_dma source(%dma_start3A_181 : memref<128x8xf32, #tpu.memory_space<vmem>>) target(%dma_start3A_187 : memref<100352x8xf32, #tpu.memory_space<vmem_shared>>) offsets(%dma_start3A_184 : memref<128xi32, #tpu.memory_space<vmem>>) semaphore(%arg16 : memref<!tpu.dma_semaphore, #tpu.memory_space<semaphore_mem>>) {add = true}
        %dma_start3A_188 = arith.constant 6 : i32
        %dma_start3A_189 = arith.constant 768 : i32
        %dma_start3A_190 = arith.constant 0 : i32
        %dma_start3A_191 = tpu.memref_slice %arg12[%and3A_62, %dma_start3A_189, %dma_start3A_190] : memref<2x1024x8xf32, #tpu.memory_space<vmem>> -> memref<1x128x8xf32, #tpu.memory_space<vmem>>
        %dma_start3A_192 = tpu.memref_squeeze %dma_start3A_191 : memref<1x128x8xf32, #tpu.memory_space<vmem>> -> memref<128x8xf32, #tpu.memory_space<vmem>>
        %dma_start3A_193 = arith.constant 0 : i32
        %dma_start3A_194 = tpu.memref_slice %arg11[%and3A_62, %dma_start3A_188, %dma_start3A_193] : memref<2x8x128xi32, #tpu.memory_space<vmem>> -> memref<1x1x128xi32, #tpu.memory_space<vmem>>
        %dma_start3A_195 = tpu.memref_squeeze %dma_start3A_194 : memref<1x1x128xi32, #tpu.memory_space<vmem>> -> memref<128xi32, #tpu.memory_space<vmem>>
        %dma_start3A_196 = arith.constant 0 : i32
        %dma_start3A_197 = arith.constant 0 : i32
        %dma_start3A_198 = tpu.memref_slice %arg14[%dma_start3A_196, %dma_start3A_197] : memref<100352x8xf32, #tpu.memory_space<vmem_shared>> -> memref<100352x8xf32, #tpu.memory_space<vmem_shared>>
        tpu.enqueue_indirect_dma source(%dma_start3A_192 : memref<128x8xf32, #tpu.memory_space<vmem>>) target(%dma_start3A_198 : memref<100352x8xf32, #tpu.memory_space<vmem_shared>>) offsets(%dma_start3A_195 : memref<128xi32, #tpu.memory_space<vmem>>) semaphore(%arg16 : memref<!tpu.dma_semaphore, #tpu.memory_space<semaphore_mem>>) {add = true}
        %dma_start3A_199 = arith.constant 7 : i32
        %dma_start3A_200 = arith.constant 896 : i32
        %dma_start3A_201 = arith.constant 0 : i32
        %dma_start3A_202 = tpu.memref_slice %arg12[%and3A_62, %dma_start3A_200, %dma_start3A_201] : memref<2x1024x8xf32, #tpu.memory_space<vmem>> -> memref<1x128x8xf32, #tpu.memory_space<vmem>>
        %dma_start3A_203 = tpu.memref_squeeze %dma_start3A_202 : memref<1x128x8xf32, #tpu.memory_space<vmem>> -> memref<128x8xf32, #tpu.memory_space<vmem>>
        %dma_start3A_204 = arith.constant 0 : i32
        %dma_start3A_205 = tpu.memref_slice %arg11[%and3A_62, %dma_start3A_199, %dma_start3A_204] : memref<2x8x128xi32, #tpu.memory_space<vmem>> -> memref<1x1x128xi32, #tpu.memory_space<vmem>>
        %dma_start3A_206 = tpu.memref_squeeze %dma_start3A_205 : memref<1x1x128xi32, #tpu.memory_space<vmem>> -> memref<128xi32, #tpu.memory_space<vmem>>
        %dma_start3A_207 = arith.constant 0 : i32
        %dma_start3A_208 = arith.constant 0 : i32
        %dma_start3A_209 = tpu.memref_slice %arg14[%dma_start3A_207, %dma_start3A_208] : memref<100352x8xf32, #tpu.memory_space<vmem_shared>> -> memref<100352x8xf32, #tpu.memory_space<vmem_shared>>
        tpu.enqueue_indirect_dma source(%dma_start3A_203 : memref<128x8xf32, #tpu.memory_space<vmem>>) target(%dma_start3A_209 : memref<100352x8xf32, #tpu.memory_space<vmem_shared>>) offsets(%dma_start3A_206 : memref<128xi32, #tpu.memory_space<vmem>>) semaphore(%arg16 : memref<!tpu.dma_semaphore, #tpu.memory_space<semaphore_mem>>) {add = true}
      }
      %scan3A = arith.constant 0 : i32
      %scan3A_56 = arith.constant 0 : i32
      %scan3A_57 = arith.constant 8 : i32
      %scan3A_58 = arith.addi %scan3A_56, %scan3A_57 : i32
      %scan3A_59 = arith.constant 1 : i32
      scf.for %scan3A_61 = %scan3A_56 to %scan3A_58 step %scan3A_59  : i32 {
        %dma_wait3A = arith.constant 0 : i32
        %dma_wait3A_62 = arith.constant 0 : i32
        %dma_wait3A_63 = arith.constant 0 : i32
        %dma_wait3A_64 = tpu.memref_slice %arg12[%dma_wait3A, %dma_wait3A_62, %dma_wait3A_63] : memref<2x1024x8xf32, #tpu.memory_space<vmem>> -> memref<1x128x8xf32, #tpu.memory_space<vmem>>
        %dma_wait3A_65 = tpu.memref_squeeze %dma_wait3A_64 : memref<1x128x8xf32, #tpu.memory_space<vmem>> -> memref<128x8xf32, #tpu.memory_space<vmem>>
        %dma_wait3A_66 = arith.constant 0 : i32
        %dma_wait3A_67 = arith.constant 0 : i32
        %dma_wait3A_68 = tpu.memref_slice %arg8[%dma_wait3A_66, %dma_wait3A_67] : memref<100352x8xf32, #tpu.memory_space<hbm>> -> memref<128x8xf32, #tpu.memory_space<hbm>>
        %dma_wait3A_69 = arith.constant 0 : i32
        %dma_wait3A_70 = arith.constant 0 : i32
        %dma_wait3A_71 = tpu.memref_slice %arg12[%dma_wait3A, %dma_wait3A_69, %dma_wait3A_70] : memref<2x1024x8xf32, #tpu.memory_space<vmem>> -> memref<1x128x8xf32, #tpu.memory_space<vmem>>
        %dma_wait3A_72 = tpu.memref_squeeze %dma_wait3A_71 : memref<1x128x8xf32, #tpu.memory_space<vmem>> -> memref<128x8xf32, #tpu.memory_space<vmem>>
        %dma_wait3A_73 = arith.constant 0 : i32
        %dma_wait3A_74 = arith.constant 0 : i32
        %dma_wait3A_75 = tpu.memref_slice %arg8[%dma_wait3A_73, %dma_wait3A_74] : memref<100352x8xf32, #tpu.memory_space<hbm>> -> memref<128x8xf32, #tpu.memory_space<hbm>>
        tpu.wait_dma2 semaphore(%arg16 : memref<!tpu.dma_semaphore, #tpu.memory_space<semaphore_mem>>) src(%dma_wait3A_75 : memref<128x8xf32, #tpu.memory_space<hbm>>) dst(%dma_wait3A_72 : memref<128x8xf32, #tpu.memory_space<vmem>>)
      }
      %scan3A_60 = arith.constant 8 : i32
    } else {
    }
    %eq3A_10 = arith.constant 1 : i32
    %eq3A_11 = arith.cmpi eq, %arg0, %eq3A_10 : i32
    %convert_element_type3A_12 = arith.extui %eq3A_11 : i1 to i32
    %cond3A_13 = arith.constant 0 : i32
    %cond3A_14 = arith.cmpi ne, %convert_element_type3A_12, %cond3A_13 : i32
    scf.if %cond3A_14 {
      %add3A_16 = arith.constant 0 : i32
      %add3A_17 = arith.addi %add3A, %add3A_16 : i32
      %dma_start3A = arith.constant 0 : i32
      %dma_start3A_18 = arith.constant 0 : i32
      %dma_start3A_19 = arith.constant 0 : i32
      %dma_start3A_20 = tpu.memref_slice %arg10[%dma_start3A, %dma_start3A_18, %dma_start3A_19] : memref<2x1x1024xi32, #tpu.memory_space<vmem>> -> memref<1x1x1024xi32, #tpu.memory_space<vmem>>
      %dma_start3A_21 = tpu.memref_squeeze %dma_start3A_20 : memref<1x1x1024xi32, #tpu.memory_space<vmem>> -> memref<1x1024xi32, #tpu.memory_space<vmem>>
      %dma_start3A_22 = arith.constant 0 : i32
      %dma_start3A_23 = tpu.memref_slice %arg5[%add3A_17, %dma_start3A_22] : memref<6250x1024xi32, #tpu.memory_space<hbm>> -> memref<1x1024xi32, #tpu.memory_space<hbm>>
      %dma_start3A_24 = arith.constant 0 : i32
      %dma_start3A_25 = arith.constant 0 : i32
      %dma_start3A_26 = tpu.memref_slice %arg10[%dma_start3A, %dma_start3A_24, %dma_start3A_25] : memref<2x1x1024xi32, #tpu.memory_space<vmem>> -> memref<1x1x1024xi32, #tpu.memory_space<vmem>>
      %dma_start3A_27 = tpu.memref_squeeze %dma_start3A_26 : memref<1x1x1024xi32, #tpu.memory_space<vmem>> -> memref<1x1024xi32, #tpu.memory_space<vmem>>
      %dma_start3A_28 = arith.constant 0 : i32
      %dma_start3A_29 = tpu.memref_slice %arg5[%add3A_17, %dma_start3A_28] : memref<6250x1024xi32, #tpu.memory_space<hbm>> -> memref<1x1024xi32, #tpu.memory_space<hbm>>
      tpu.enqueue_dma source(%dma_start3A_29 : memref<1x1024xi32, #tpu.memory_space<hbm>>) target(%dma_start3A_27 : memref<1x1024xi32, #tpu.memory_space<vmem>>) target_semaphore(%arg17 : memref<!tpu.dma_semaphore, #tpu.memory_space<semaphore_mem>>)
      %add3A_30 = arith.constant 0 : i32
      %add3A_31 = arith.addi %add3A, %add3A_30 : i32
      %mul3A_32 = arith.constant 8 : i32
      %mul3A_33 = arith.muli %add3A_31, %mul3A_32 : i32
      %dma_start3A_34 = arith.constant 0 : i32
      %dma_start3A_35 = arith.constant 0 : i32
      %dma_start3A_36 = arith.constant 0 : i32
      %dma_start3A_37 = tpu.memref_slice %arg11[%dma_start3A_34, %dma_start3A_35, %dma_start3A_36] : memref<2x8x128xi32, #tpu.memory_space<vmem>> -> memref<1x8x128xi32, #tpu.memory_space<vmem>>
      %dma_start3A_38 = tpu.memref_squeeze %dma_start3A_37 : memref<1x8x128xi32, #tpu.memory_space<vmem>> -> memref<8x128xi32, #tpu.memory_space<vmem>>
      %dma_start3A_39 = arith.constant 0 : i32
      %dma_start3A_40 = tpu.memref_slice %arg2[%mul3A_33, %dma_start3A_39] : memref<50000x128xi32, #tpu.memory_space<hbm>> -> memref<8x128xi32, #tpu.memory_space<hbm>>
      %dma_start3A_41 = arith.constant 0 : i32
      %dma_start3A_42 = arith.constant 0 : i32
      %dma_start3A_43 = tpu.memref_slice %arg11[%dma_start3A_34, %dma_start3A_41, %dma_start3A_42] : memref<2x8x128xi32, #tpu.memory_space<vmem>> -> memref<1x8x128xi32, #tpu.memory_space<vmem>>
      %dma_start3A_44 = tpu.memref_squeeze %dma_start3A_43 : memref<1x8x128xi32, #tpu.memory_space<vmem>> -> memref<8x128xi32, #tpu.memory_space<vmem>>
      %dma_start3A_45 = arith.constant 0 : i32
      %dma_start3A_46 = tpu.memref_slice %arg2[%mul3A_33, %dma_start3A_45] : memref<50000x128xi32, #tpu.memory_space<hbm>> -> memref<8x128xi32, #tpu.memory_space<hbm>>
      tpu.enqueue_dma source(%dma_start3A_46 : memref<8x128xi32, #tpu.memory_space<hbm>>) target(%dma_start3A_44 : memref<8x128xi32, #tpu.memory_space<vmem>>) target_semaphore(%arg17 : memref<!tpu.dma_semaphore, #tpu.memory_space<semaphore_mem>>)
      %while3A = arith.constant 0 : i32
      %while3A_47 = arith.constant 0 : i32
      %while3A_48 = arith.subi %add3A_7, %while3A_47 : i32
      %while3A_49 = arith.addi %while3A_47, %while3A_48 : i32
      %while3A_50 = arith.constant 1 : i32
      %while3A_51 = arith.divsi %while3A_48, %while3A_50 : i32
      %while3A_52 = arith.muli %while3A_51, %while3A_50 : i32
      %while3A_53 = arith.addi %while3A_47, %while3A_52 : i32
      %while3A_54 = arith.constant 1 : i32
      scf.for %while3A_61 = %while3A_47 to %while3A_53 step %while3A_54  : i32 {
        %and3A = arith.constant 1 : i32
        %and3A_62 = arith.andi %while3A_61, %and3A : i32
        %dma_wait3A = arith.constant 0 : i32
        %dma_wait3A_63 = arith.constant 0 : i32
        %dma_wait3A_64 = tpu.memref_slice %arg10[%and3A_62, %dma_wait3A, %dma_wait3A_63] : memref<2x1x1024xi32, #tpu.memory_space<vmem>> -> memref<1x1x1024xi32, #tpu.memory_space<vmem>>
        %dma_wait3A_65 = tpu.memref_squeeze %dma_wait3A_64 : memref<1x1x1024xi32, #tpu.memory_space<vmem>> -> memref<1x1024xi32, #tpu.memory_space<vmem>>
        %dma_wait3A_66 = arith.constant 0 : i32
        %dma_wait3A_67 = arith.constant 0 : i32
        %dma_wait3A_68 = tpu.memref_slice %arg5[%dma_wait3A_66, %dma_wait3A_67] : memref<6250x1024xi32, #tpu.memory_space<hbm>> -> memref<1x1024xi32, #tpu.memory_space<hbm>>
        %dma_wait3A_69 = arith.constant 0 : i32
        %dma_wait3A_70 = arith.constant 0 : i32
        %dma_wait3A_71 = tpu.memref_slice %arg10[%and3A_62, %dma_wait3A_69, %dma_wait3A_70] : memref<2x1x1024xi32, #tpu.memory_space<vmem>> -> memref<1x1x1024xi32, #tpu.memory_space<vmem>>
        %dma_wait3A_72 = tpu.memref_squeeze %dma_wait3A_71 : memref<1x1x1024xi32, #tpu.memory_space<vmem>> -> memref<1x1024xi32, #tpu.memory_space<vmem>>
        %dma_wait3A_73 = arith.constant 0 : i32
        %dma_wait3A_74 = arith.constant 0 : i32
        %dma_wait3A_75 = tpu.memref_slice %arg5[%dma_wait3A_73, %dma_wait3A_74] : memref<6250x1024xi32, #tpu.memory_space<hbm>> -> memref<1x1024xi32, #tpu.memory_space<hbm>>
        tpu.wait_dma2 semaphore(%arg17 : memref<!tpu.dma_semaphore, #tpu.memory_space<semaphore_mem>>) src(%dma_wait3A_75 : memref<1x1024xi32, #tpu.memory_space<hbm>>) dst(%dma_wait3A_72 : memref<1x1024xi32, #tpu.memory_space<vmem>>)
        %dma_wait3A_76 = arith.constant 0 : i32
        %dma_wait3A_77 = arith.constant 0 : i32
        %dma_wait3A_78 = tpu.memref_slice %arg11[%and3A_62, %dma_wait3A_76, %dma_wait3A_77] : memref<2x8x128xi32, #tpu.memory_space<vmem>> -> memref<1x8x128xi32, #tpu.memory_space<vmem>>
        %dma_wait3A_79 = tpu.memref_squeeze %dma_wait3A_78 : memref<1x8x128xi32, #tpu.memory_space<vmem>> -> memref<8x128xi32, #tpu.memory_space<vmem>>
        %dma_wait3A_80 = arith.constant 0 : i32
        %dma_wait3A_81 = arith.constant 0 : i32
        %dma_wait3A_82 = tpu.memref_slice %arg2[%dma_wait3A_80, %dma_wait3A_81] : memref<50000x128xi32, #tpu.memory_space<hbm>> -> memref<8x128xi32, #tpu.memory_space<hbm>>
        %dma_wait3A_83 = arith.constant 0 : i32
        %dma_wait3A_84 = arith.constant 0 : i32
        %dma_wait3A_85 = tpu.memref_slice %arg11[%and3A_62, %dma_wait3A_83, %dma_wait3A_84] : memref<2x8x128xi32, #tpu.memory_space<vmem>> -> memref<1x8x128xi32, #tpu.memory_space<vmem>>
        %dma_wait3A_86 = tpu.memref_squeeze %dma_wait3A_85 : memref<1x8x128xi32, #tpu.memory_space<vmem>> -> memref<8x128xi32, #tpu.memory_space<vmem>>
        %dma_wait3A_87 = arith.constant 0 : i32
        %dma_wait3A_88 = arith.constant 0 : i32
        %dma_wait3A_89 = tpu.memref_slice %arg2[%dma_wait3A_87, %dma_wait3A_88] : memref<50000x128xi32, #tpu.memory_space<hbm>> -> memref<8x128xi32, #tpu.memory_space<hbm>>
        tpu.wait_dma2 semaphore(%arg17 : memref<!tpu.dma_semaphore, #tpu.memory_space<semaphore_mem>>) src(%dma_wait3A_89 : memref<8x128xi32, #tpu.memory_space<hbm>>) dst(%dma_wait3A_86 : memref<8x128xi32, #tpu.memory_space<vmem>>)
        %dma_start3A_90 = arith.constant 0 : i32
        %dma_start3A_91 = arith.constant 0 : i32
        %dma_start3A_92 = arith.constant 0 : i32
        %dma_start3A_93 = tpu.memref_slice %arg12[%and3A_62, %dma_start3A_91, %dma_start3A_92] : memref<2x1024x8xf32, #tpu.memory_space<vmem>> -> memref<1x1024x8xf32, #tpu.memory_space<vmem>>
        %dma_start3A_94 = tpu.memref_squeeze %dma_start3A_93 : memref<1x1024x8xf32, #tpu.memory_space<vmem>> -> memref<1024x8xf32, #tpu.memory_space<vmem>>
        %dma_start3A_95 = arith.constant 0 : i32
        %dma_start3A_96 = tpu.memref_slice %arg10[%and3A_62, %dma_start3A_90, %dma_start3A_95] : memref<2x1x1024xi32, #tpu.memory_space<vmem>> -> memref<1x1x1024xi32, #tpu.memory_space<vmem>>
        %dma_start3A_97 = tpu.memref_squeeze %dma_start3A_96 : memref<1x1x1024xi32, #tpu.memory_space<vmem>> -> memref<1024xi32, #tpu.memory_space<vmem>>
        %dma_start3A_98 = arith.constant 0 : i32
        %dma_start3A_99 = arith.constant 0 : i32
        %dma_start3A_100 = tpu.memref_slice %arg7[%dma_start3A_98, %dma_start3A_99] : memref<100352x8xf32, #tpu.memory_space<hbm>> -> memref<100352x8xf32, #tpu.memory_space<hbm>>
        tpu.enqueue_indirect_dma source(%dma_start3A_100 : memref<100352x8xf32, #tpu.memory_space<hbm>>) target(%dma_start3A_94 : memref<1024x8xf32, #tpu.memory_space<vmem>>) offsets(%dma_start3A_97 : memref<1024xi32, #tpu.memory_space<vmem>>) semaphore(%arg15 : memref<!tpu.dma_semaphore, #tpu.memory_space<semaphore_mem>>)
        %add3A_101 = arith.constant 1 : i32
        %add3A_102 = arith.addi %while3A_61, %add3A_101 : i32
        %lt3A_103 = arith.cmpi slt, %add3A_102, %add3A_7 : i32
        %convert_element_type3A_104 = arith.extui %lt3A_103 : i1 to i32
        %cond3A_105 = arith.constant 0 : i32
        %cond3A_106 = arith.cmpi ne, %convert_element_type3A_104, %cond3A_105 : i32
        scf.if %cond3A_106 {
          %add3A_210 = arith.constant 1 : i32
          %add3A_211 = arith.addi %while3A_61, %add3A_210 : i32
          %sub3A = arith.constant 1 : i32
          %sub3A_212 = arith.subi %sub3A, %and3A_62 : i32
          %add3A_213 = arith.addi %add3A, %add3A_211 : i32
          %dma_start3A_214 = arith.constant 0 : i32
          %dma_start3A_215 = arith.constant 0 : i32
          %dma_start3A_216 = tpu.memref_slice %arg10[%sub3A_212, %dma_start3A_214, %dma_start3A_215] : memref<2x1x1024xi32, #tpu.memory_space<vmem>> -> memref<1x1x1024xi32, #tpu.memory_space<vmem>>
          %dma_start3A_217 = tpu.memref_squeeze %dma_start3A_216 : memref<1x1x1024xi32, #tpu.memory_space<vmem>> -> memref<1x1024xi32, #tpu.memory_space<vmem>>
          %dma_start3A_218 = arith.constant 0 : i32
          %dma_start3A_219 = tpu.memref_slice %arg5[%add3A_213, %dma_start3A_218] : memref<6250x1024xi32, #tpu.memory_space<hbm>> -> memref<1x1024xi32, #tpu.memory_space<hbm>>
          %dma_start3A_220 = arith.constant 0 : i32
          %dma_start3A_221 = arith.constant 0 : i32
          %dma_start3A_222 = tpu.memref_slice %arg10[%sub3A_212, %dma_start3A_220, %dma_start3A_221] : memref<2x1x1024xi32, #tpu.memory_space<vmem>> -> memref<1x1x1024xi32, #tpu.memory_space<vmem>>
          %dma_start3A_223 = tpu.memref_squeeze %dma_start3A_222 : memref<1x1x1024xi32, #tpu.memory_space<vmem>> -> memref<1x1024xi32, #tpu.memory_space<vmem>>
          %dma_start3A_224 = arith.constant 0 : i32
          %dma_start3A_225 = tpu.memref_slice %arg5[%add3A_213, %dma_start3A_224] : memref<6250x1024xi32, #tpu.memory_space<hbm>> -> memref<1x1024xi32, #tpu.memory_space<hbm>>
          tpu.enqueue_dma source(%dma_start3A_225 : memref<1x1024xi32, #tpu.memory_space<hbm>>) target(%dma_start3A_223 : memref<1x1024xi32, #tpu.memory_space<vmem>>) target_semaphore(%arg17 : memref<!tpu.dma_semaphore, #tpu.memory_space<semaphore_mem>>)
          %add3A_226 = arith.addi %add3A, %add3A_211 : i32
          %mul3A_227 = arith.constant 8 : i32
          %mul3A_228 = arith.muli %add3A_226, %mul3A_227 : i32
          %dma_start3A_229 = arith.constant 0 : i32
          %dma_start3A_230 = arith.constant 0 : i32
          %dma_start3A_231 = tpu.memref_slice %arg11[%sub3A_212, %dma_start3A_229, %dma_start3A_230] : memref<2x8x128xi32, #tpu.memory_space<vmem>> -> memref<1x8x128xi32, #tpu.memory_space<vmem>>
          %dma_start3A_232 = tpu.memref_squeeze %dma_start3A_231 : memref<1x8x128xi32, #tpu.memory_space<vmem>> -> memref<8x128xi32, #tpu.memory_space<vmem>>
          %dma_start3A_233 = arith.constant 0 : i32
          %dma_start3A_234 = tpu.memref_slice %arg2[%mul3A_228, %dma_start3A_233] : memref<50000x128xi32, #tpu.memory_space<hbm>> -> memref<8x128xi32, #tpu.memory_space<hbm>>
          %dma_start3A_235 = arith.constant 0 : i32
          %dma_start3A_236 = arith.constant 0 : i32
          %dma_start3A_237 = tpu.memref_slice %arg11[%sub3A_212, %dma_start3A_235, %dma_start3A_236] : memref<2x8x128xi32, #tpu.memory_space<vmem>> -> memref<1x8x128xi32, #tpu.memory_space<vmem>>
          %dma_start3A_238 = tpu.memref_squeeze %dma_start3A_237 : memref<1x8x128xi32, #tpu.memory_space<vmem>> -> memref<8x128xi32, #tpu.memory_space<vmem>>
          %dma_start3A_239 = arith.constant 0 : i32
          %dma_start3A_240 = tpu.memref_slice %arg2[%mul3A_228, %dma_start3A_239] : memref<50000x128xi32, #tpu.memory_space<hbm>> -> memref<8x128xi32, #tpu.memory_space<hbm>>
          tpu.enqueue_dma source(%dma_start3A_240 : memref<8x128xi32, #tpu.memory_space<hbm>>) target(%dma_start3A_238 : memref<8x128xi32, #tpu.memory_space<vmem>>) target_semaphore(%arg17 : memref<!tpu.dma_semaphore, #tpu.memory_space<semaphore_mem>>)
        } else {
        }
        %gt3A = arith.constant 0 : i32
        %gt3A_107 = arith.cmpi sgt, %while3A_61, %gt3A : i32
        %convert_element_type3A_108 = arith.extui %gt3A_107 : i1 to i32
        %cond3A_109 = arith.constant 0 : i32
        %cond3A_110 = arith.cmpi ne, %convert_element_type3A_108, %cond3A_109 : i32
        scf.if %cond3A_110 {
          %dma_wait3A_210 = arith.constant 0 : i32
          %dma_wait3A_211 = arith.constant 0 : i32
          %dma_wait3A_212 = tpu.memref_slice %arg12[%and3A_62, %dma_wait3A_210, %dma_wait3A_211] : memref<2x1024x8xf32, #tpu.memory_space<vmem>> -> memref<1x128x8xf32, #tpu.memory_space<vmem>>
          %dma_wait3A_213 = tpu.memref_squeeze %dma_wait3A_212 : memref<1x128x8xf32, #tpu.memory_space<vmem>> -> memref<128x8xf32, #tpu.memory_space<vmem>>
          %dma_wait3A_214 = arith.constant 0 : i32
          %dma_wait3A_215 = arith.constant 0 : i32
          %dma_wait3A_216 = tpu.memref_slice %arg8[%dma_wait3A_214, %dma_wait3A_215] : memref<100352x8xf32, #tpu.memory_space<hbm>> -> memref<128x8xf32, #tpu.memory_space<hbm>>
          %dma_wait3A_217 = arith.constant 0 : i32
          %dma_wait3A_218 = arith.constant 0 : i32
          %dma_wait3A_219 = tpu.memref_slice %arg12[%and3A_62, %dma_wait3A_217, %dma_wait3A_218] : memref<2x1024x8xf32, #tpu.memory_space<vmem>> -> memref<1x128x8xf32, #tpu.memory_space<vmem>>
          %dma_wait3A_220 = tpu.memref_squeeze %dma_wait3A_219 : memref<1x128x8xf32, #tpu.memory_space<vmem>> -> memref<128x8xf32, #tpu.memory_space<vmem>>
          %dma_wait3A_221 = arith.constant 0 : i32
          %dma_wait3A_222 = arith.constant 0 : i32
          %dma_wait3A_223 = tpu.memref_slice %arg8[%dma_wait3A_221, %dma_wait3A_222] : memref<100352x8xf32, #tpu.memory_space<hbm>> -> memref<128x8xf32, #tpu.memory_space<hbm>>
          tpu.wait_dma2 semaphore(%arg16 : memref<!tpu.dma_semaphore, #tpu.memory_space<semaphore_mem>>) src(%dma_wait3A_223 : memref<128x8xf32, #tpu.memory_space<hbm>>) dst(%dma_wait3A_220 : memref<128x8xf32, #tpu.memory_space<vmem>>)
          %dma_wait3A_224 = arith.constant 0 : i32
          %dma_wait3A_225 = arith.constant 0 : i32
          %dma_wait3A_226 = tpu.memref_slice %arg12[%and3A_62, %dma_wait3A_224, %dma_wait3A_225] : memref<2x1024x8xf32, #tpu.memory_space<vmem>> -> memref<1x128x8xf32, #tpu.memory_space<vmem>>
          %dma_wait3A_227 = tpu.memref_squeeze %dma_wait3A_226 : memref<1x128x8xf32, #tpu.memory_space<vmem>> -> memref<128x8xf32, #tpu.memory_space<vmem>>
          %dma_wait3A_228 = arith.constant 0 : i32
          %dma_wait3A_229 = arith.constant 0 : i32
          %dma_wait3A_230 = tpu.memref_slice %arg8[%dma_wait3A_228, %dma_wait3A_229] : memref<100352x8xf32, #tpu.memory_space<hbm>> -> memref<128x8xf32, #tpu.memory_space<hbm>>
          %dma_wait3A_231 = arith.constant 0 : i32
          %dma_wait3A_232 = arith.constant 0 : i32
          %dma_wait3A_233 = tpu.memref_slice %arg12[%and3A_62, %dma_wait3A_231, %dma_wait3A_232] : memref<2x1024x8xf32, #tpu.memory_space<vmem>> -> memref<1x128x8xf32, #tpu.memory_space<vmem>>
          %dma_wait3A_234 = tpu.memref_squeeze %dma_wait3A_233 : memref<1x128x8xf32, #tpu.memory_space<vmem>> -> memref<128x8xf32, #tpu.memory_space<vmem>>
          %dma_wait3A_235 = arith.constant 0 : i32
          %dma_wait3A_236 = arith.constant 0 : i32
          %dma_wait3A_237 = tpu.memref_slice %arg8[%dma_wait3A_235, %dma_wait3A_236] : memref<100352x8xf32, #tpu.memory_space<hbm>> -> memref<128x8xf32, #tpu.memory_space<hbm>>
          tpu.wait_dma2 semaphore(%arg16 : memref<!tpu.dma_semaphore, #tpu.memory_space<semaphore_mem>>) src(%dma_wait3A_237 : memref<128x8xf32, #tpu.memory_space<hbm>>) dst(%dma_wait3A_234 : memref<128x8xf32, #tpu.memory_space<vmem>>)
          %dma_wait3A_238 = arith.constant 0 : i32
          %dma_wait3A_239 = arith.constant 0 : i32
          %dma_wait3A_240 = tpu.memref_slice %arg12[%and3A_62, %dma_wait3A_238, %dma_wait3A_239] : memref<2x1024x8xf32, #tpu.memory_space<vmem>> -> memref<1x128x8xf32, #tpu.memory_space<vmem>>
          %dma_wait3A_241 = tpu.memref_squeeze %dma_wait3A_240 : memref<1x128x8xf32, #tpu.memory_space<vmem>> -> memref<128x8xf32, #tpu.memory_space<vmem>>
          %dma_wait3A_242 = arith.constant 0 : i32
          %dma_wait3A_243 = arith.constant 0 : i32
          %dma_wait3A_244 = tpu.memref_slice %arg8[%dma_wait3A_242, %dma_wait3A_243] : memref<100352x8xf32, #tpu.memory_space<hbm>> -> memref<128x8xf32, #tpu.memory_space<hbm>>
          %dma_wait3A_245 = arith.constant 0 : i32
          %dma_wait3A_246 = arith.constant 0 : i32
          %dma_wait3A_247 = tpu.memref_slice %arg12[%and3A_62, %dma_wait3A_245, %dma_wait3A_246] : memref<2x1024x8xf32, #tpu.memory_space<vmem>> -> memref<1x128x8xf32, #tpu.memory_space<vmem>>
          %dma_wait3A_248 = tpu.memref_squeeze %dma_wait3A_247 : memref<1x128x8xf32, #tpu.memory_space<vmem>> -> memref<128x8xf32, #tpu.memory_space<vmem>>
          %dma_wait3A_249 = arith.constant 0 : i32
          %dma_wait3A_250 = arith.constant 0 : i32
          %dma_wait3A_251 = tpu.memref_slice %arg8[%dma_wait3A_249, %dma_wait3A_250] : memref<100352x8xf32, #tpu.memory_space<hbm>> -> memref<128x8xf32, #tpu.memory_space<hbm>>
          tpu.wait_dma2 semaphore(%arg16 : memref<!tpu.dma_semaphore, #tpu.memory_space<semaphore_mem>>) src(%dma_wait3A_251 : memref<128x8xf32, #tpu.memory_space<hbm>>) dst(%dma_wait3A_248 : memref<128x8xf32, #tpu.memory_space<vmem>>)
          %dma_wait3A_252 = arith.constant 0 : i32
          %dma_wait3A_253 = arith.constant 0 : i32
          %dma_wait3A_254 = tpu.memref_slice %arg12[%and3A_62, %dma_wait3A_252, %dma_wait3A_253] : memref<2x1024x8xf32, #tpu.memory_space<vmem>> -> memref<1x128x8xf32, #tpu.memory_space<vmem>>
          %dma_wait3A_255 = tpu.memref_squeeze %dma_wait3A_254 : memref<1x128x8xf32, #tpu.memory_space<vmem>> -> memref<128x8xf32, #tpu.memory_space<vmem>>
          %dma_wait3A_256 = arith.constant 0 : i32
          %dma_wait3A_257 = arith.constant 0 : i32
          %dma_wait3A_258 = tpu.memref_slice %arg8[%dma_wait3A_256, %dma_wait3A_257] : memref<100352x8xf32, #tpu.memory_space<hbm>> -> memref<128x8xf32, #tpu.memory_space<hbm>>
          %dma_wait3A_259 = arith.constant 0 : i32
          %dma_wait3A_260 = arith.constant 0 : i32
          %dma_wait3A_261 = tpu.memref_slice %arg12[%and3A_62, %dma_wait3A_259, %dma_wait3A_260] : memref<2x1024x8xf32, #tpu.memory_space<vmem>> -> memref<1x128x8xf32, #tpu.memory_space<vmem>>
          %dma_wait3A_262 = tpu.memref_squeeze %dma_wait3A_261 : memref<1x128x8xf32, #tpu.memory_space<vmem>> -> memref<128x8xf32, #tpu.memory_space<vmem>>
          %dma_wait3A_263 = arith.constant 0 : i32
          %dma_wait3A_264 = arith.constant 0 : i32
          %dma_wait3A_265 = tpu.memref_slice %arg8[%dma_wait3A_263, %dma_wait3A_264] : memref<100352x8xf32, #tpu.memory_space<hbm>> -> memref<128x8xf32, #tpu.memory_space<hbm>>
          tpu.wait_dma2 semaphore(%arg16 : memref<!tpu.dma_semaphore, #tpu.memory_space<semaphore_mem>>) src(%dma_wait3A_265 : memref<128x8xf32, #tpu.memory_space<hbm>>) dst(%dma_wait3A_262 : memref<128x8xf32, #tpu.memory_space<vmem>>)
          %dma_wait3A_266 = arith.constant 0 : i32
          %dma_wait3A_267 = arith.constant 0 : i32
          %dma_wait3A_268 = tpu.memref_slice %arg12[%and3A_62, %dma_wait3A_266, %dma_wait3A_267] : memref<2x1024x8xf32, #tpu.memory_space<vmem>> -> memref<1x128x8xf32, #tpu.memory_space<vmem>>
          %dma_wait3A_269 = tpu.memref_squeeze %dma_wait3A_268 : memref<1x128x8xf32, #tpu.memory_space<vmem>> -> memref<128x8xf32, #tpu.memory_space<vmem>>
          %dma_wait3A_270 = arith.constant 0 : i32
          %dma_wait3A_271 = arith.constant 0 : i32
          %dma_wait3A_272 = tpu.memref_slice %arg8[%dma_wait3A_270, %dma_wait3A_271] : memref<100352x8xf32, #tpu.memory_space<hbm>> -> memref<128x8xf32, #tpu.memory_space<hbm>>
          %dma_wait3A_273 = arith.constant 0 : i32
          %dma_wait3A_274 = arith.constant 0 : i32
          %dma_wait3A_275 = tpu.memref_slice %arg12[%and3A_62, %dma_wait3A_273, %dma_wait3A_274] : memref<2x1024x8xf32, #tpu.memory_space<vmem>> -> memref<1x128x8xf32, #tpu.memory_space<vmem>>
          %dma_wait3A_276 = tpu.memref_squeeze %dma_wait3A_275 : memref<1x128x8xf32, #tpu.memory_space<vmem>> -> memref<128x8xf32, #tpu.memory_space<vmem>>
          %dma_wait3A_277 = arith.constant 0 : i32
          %dma_wait3A_278 = arith.constant 0 : i32
          %dma_wait3A_279 = tpu.memref_slice %arg8[%dma_wait3A_277, %dma_wait3A_278] : memref<100352x8xf32, #tpu.memory_space<hbm>> -> memref<128x8xf32, #tpu.memory_space<hbm>>
          tpu.wait_dma2 semaphore(%arg16 : memref<!tpu.dma_semaphore, #tpu.memory_space<semaphore_mem>>) src(%dma_wait3A_279 : memref<128x8xf32, #tpu.memory_space<hbm>>) dst(%dma_wait3A_276 : memref<128x8xf32, #tpu.memory_space<vmem>>)
          %dma_wait3A_280 = arith.constant 0 : i32
          %dma_wait3A_281 = arith.constant 0 : i32
          %dma_wait3A_282 = tpu.memref_slice %arg12[%and3A_62, %dma_wait3A_280, %dma_wait3A_281] : memref<2x1024x8xf32, #tpu.memory_space<vmem>> -> memref<1x128x8xf32, #tpu.memory_space<vmem>>
          %dma_wait3A_283 = tpu.memref_squeeze %dma_wait3A_282 : memref<1x128x8xf32, #tpu.memory_space<vmem>> -> memref<128x8xf32, #tpu.memory_space<vmem>>
          %dma_wait3A_284 = arith.constant 0 : i32
          %dma_wait3A_285 = arith.constant 0 : i32
          %dma_wait3A_286 = tpu.memref_slice %arg8[%dma_wait3A_284, %dma_wait3A_285] : memref<100352x8xf32, #tpu.memory_space<hbm>> -> memref<128x8xf32, #tpu.memory_space<hbm>>
          %dma_wait3A_287 = arith.constant 0 : i32
          %dma_wait3A_288 = arith.constant 0 : i32
          %dma_wait3A_289 = tpu.memref_slice %arg12[%and3A_62, %dma_wait3A_287, %dma_wait3A_288] : memref<2x1024x8xf32, #tpu.memory_space<vmem>> -> memref<1x128x8xf32, #tpu.memory_space<vmem>>
          %dma_wait3A_290 = tpu.memref_squeeze %dma_wait3A_289 : memref<1x128x8xf32, #tpu.memory_space<vmem>> -> memref<128x8xf32, #tpu.memory_space<vmem>>
          %dma_wait3A_291 = arith.constant 0 : i32
          %dma_wait3A_292 = arith.constant 0 : i32
          %dma_wait3A_293 = tpu.memref_slice %arg8[%dma_wait3A_291, %dma_wait3A_292] : memref<100352x8xf32, #tpu.memory_space<hbm>> -> memref<128x8xf32, #tpu.memory_space<hbm>>
          tpu.wait_dma2 semaphore(%arg16 : memref<!tpu.dma_semaphore, #tpu.memory_space<semaphore_mem>>) src(%dma_wait3A_293 : memref<128x8xf32, #tpu.memory_space<hbm>>) dst(%dma_wait3A_290 : memref<128x8xf32, #tpu.memory_space<vmem>>)
          %dma_wait3A_294 = arith.constant 0 : i32
          %dma_wait3A_295 = arith.constant 0 : i32
          %dma_wait3A_296 = tpu.memref_slice %arg12[%and3A_62, %dma_wait3A_294, %dma_wait3A_295] : memref<2x1024x8xf32, #tpu.memory_space<vmem>> -> memref<1x128x8xf32, #tpu.memory_space<vmem>>
          %dma_wait3A_297 = tpu.memref_squeeze %dma_wait3A_296 : memref<1x128x8xf32, #tpu.memory_space<vmem>> -> memref<128x8xf32, #tpu.memory_space<vmem>>
          %dma_wait3A_298 = arith.constant 0 : i32
          %dma_wait3A_299 = arith.constant 0 : i32
          %dma_wait3A_300 = tpu.memref_slice %arg8[%dma_wait3A_298, %dma_wait3A_299] : memref<100352x8xf32, #tpu.memory_space<hbm>> -> memref<128x8xf32, #tpu.memory_space<hbm>>
          %dma_wait3A_301 = arith.constant 0 : i32
          %dma_wait3A_302 = arith.constant 0 : i32
          %dma_wait3A_303 = tpu.memref_slice %arg12[%and3A_62, %dma_wait3A_301, %dma_wait3A_302] : memref<2x1024x8xf32, #tpu.memory_space<vmem>> -> memref<1x128x8xf32, #tpu.memory_space<vmem>>
          %dma_wait3A_304 = tpu.memref_squeeze %dma_wait3A_303 : memref<1x128x8xf32, #tpu.memory_space<vmem>> -> memref<128x8xf32, #tpu.memory_space<vmem>>
          %dma_wait3A_305 = arith.constant 0 : i32
          %dma_wait3A_306 = arith.constant 0 : i32
          %dma_wait3A_307 = tpu.memref_slice %arg8[%dma_wait3A_305, %dma_wait3A_306] : memref<100352x8xf32, #tpu.memory_space<hbm>> -> memref<128x8xf32, #tpu.memory_space<hbm>>
          tpu.wait_dma2 semaphore(%arg16 : memref<!tpu.dma_semaphore, #tpu.memory_space<semaphore_mem>>) src(%dma_wait3A_307 : memref<128x8xf32, #tpu.memory_space<hbm>>) dst(%dma_wait3A_304 : memref<128x8xf32, #tpu.memory_space<vmem>>)
          %dma_wait3A_308 = arith.constant 0 : i32
          %dma_wait3A_309 = arith.constant 0 : i32
          %dma_wait3A_310 = tpu.memref_slice %arg12[%and3A_62, %dma_wait3A_308, %dma_wait3A_309] : memref<2x1024x8xf32, #tpu.memory_space<vmem>> -> memref<1x128x8xf32, #tpu.memory_space<vmem>>
          %dma_wait3A_311 = tpu.memref_squeeze %dma_wait3A_310 : memref<1x128x8xf32, #tpu.memory_space<vmem>> -> memref<128x8xf32, #tpu.memory_space<vmem>>
          %dma_wait3A_312 = arith.constant 0 : i32
          %dma_wait3A_313 = arith.constant 0 : i32
          %dma_wait3A_314 = tpu.memref_slice %arg8[%dma_wait3A_312, %dma_wait3A_313] : memref<100352x8xf32, #tpu.memory_space<hbm>> -> memref<128x8xf32, #tpu.memory_space<hbm>>
          %dma_wait3A_315 = arith.constant 0 : i32
          %dma_wait3A_316 = arith.constant 0 : i32
          %dma_wait3A_317 = tpu.memref_slice %arg12[%and3A_62, %dma_wait3A_315, %dma_wait3A_316] : memref<2x1024x8xf32, #tpu.memory_space<vmem>> -> memref<1x128x8xf32, #tpu.memory_space<vmem>>
          %dma_wait3A_318 = tpu.memref_squeeze %dma_wait3A_317 : memref<1x128x8xf32, #tpu.memory_space<vmem>> -> memref<128x8xf32, #tpu.memory_space<vmem>>
          %dma_wait3A_319 = arith.constant 0 : i32
          %dma_wait3A_320 = arith.constant 0 : i32
          %dma_wait3A_321 = tpu.memref_slice %arg8[%dma_wait3A_319, %dma_wait3A_320] : memref<100352x8xf32, #tpu.memory_space<hbm>> -> memref<128x8xf32, #tpu.memory_space<hbm>>
          tpu.wait_dma2 semaphore(%arg16 : memref<!tpu.dma_semaphore, #tpu.memory_space<semaphore_mem>>) src(%dma_wait3A_321 : memref<128x8xf32, #tpu.memory_space<hbm>>) dst(%dma_wait3A_318 : memref<128x8xf32, #tpu.memory_space<vmem>>)
        } else {
        }
        %dma_wait3A_111 = arith.constant 0 : i32
        %dma_wait3A_112 = arith.constant 0 : i32
        %dma_wait3A_113 = arith.constant 0 : i32
        %dma_wait3A_114 = tpu.memref_slice %arg12[%and3A_62, %dma_wait3A_112, %dma_wait3A_113] : memref<2x1024x8xf32, #tpu.memory_space<vmem>> -> memref<1x1024x8xf32, #tpu.memory_space<vmem>>
        %dma_wait3A_115 = tpu.memref_squeeze %dma_wait3A_114 : memref<1x1024x8xf32, #tpu.memory_space<vmem>> -> memref<1024x8xf32, #tpu.memory_space<vmem>>
        %dma_wait3A_116 = arith.constant 0 : i32
        %dma_wait3A_117 = tpu.memref_slice %arg10[%and3A_62, %dma_wait3A_111, %dma_wait3A_116] : memref<2x1x1024xi32, #tpu.memory_space<vmem>> -> memref<1x1x1024xi32, #tpu.memory_space<vmem>>
        %dma_wait3A_118 = tpu.memref_squeeze %dma_wait3A_117 : memref<1x1x1024xi32, #tpu.memory_space<vmem>> -> memref<1024xi32, #tpu.memory_space<vmem>>
        %dma_wait3A_119 = arith.constant 0 : i32
        %dma_wait3A_120 = arith.constant 0 : i32
        %dma_wait3A_121 = tpu.memref_slice %arg7[%dma_wait3A_119, %dma_wait3A_120] : memref<100352x8xf32, #tpu.memory_space<hbm>> -> memref<100352x8xf32, #tpu.memory_space<hbm>>
        tpu.wait_indirect_dma semaphore(%arg15 : memref<!tpu.dma_semaphore, #tpu.memory_space<semaphore_mem>>) src(%dma_wait3A_121 : memref<100352x8xf32, #tpu.memory_space<hbm>>) dst(%dma_wait3A_115 : memref<1024x8xf32, #tpu.memory_space<vmem>>)
        %dma_start3A_122 = arith.constant 0 : i32
        %dma_start3A_123 = arith.constant 0 : i32
        %dma_start3A_124 = arith.constant 0 : i32
        %dma_start3A_125 = tpu.memref_slice %arg12[%and3A_62, %dma_start3A_123, %dma_start3A_124] : memref<2x1024x8xf32, #tpu.memory_space<vmem>> -> memref<1x128x8xf32, #tpu.memory_space<vmem>>
        %dma_start3A_126 = tpu.memref_squeeze %dma_start3A_125 : memref<1x128x8xf32, #tpu.memory_space<vmem>> -> memref<128x8xf32, #tpu.memory_space<vmem>>
        %dma_start3A_127 = arith.constant 0 : i32
        %dma_start3A_128 = tpu.memref_slice %arg11[%and3A_62, %dma_start3A_122, %dma_start3A_127] : memref<2x8x128xi32, #tpu.memory_space<vmem>> -> memref<1x1x128xi32, #tpu.memory_space<vmem>>
        %dma_start3A_129 = tpu.memref_squeeze %dma_start3A_128 : memref<1x1x128xi32, #tpu.memory_space<vmem>> -> memref<128xi32, #tpu.memory_space<vmem>>
        %dma_start3A_130 = arith.constant 0 : i32
        %dma_start3A_131 = arith.constant 0 : i32
        %dma_start3A_132 = tpu.memref_slice %arg14[%dma_start3A_130, %dma_start3A_131] : memref<100352x8xf32, #tpu.memory_space<vmem_shared>> -> memref<100352x8xf32, #tpu.memory_space<vmem_shared>>
        tpu.enqueue_indirect_dma source(%dma_start3A_126 : memref<128x8xf32, #tpu.memory_space<vmem>>) target(%dma_start3A_132 : memref<100352x8xf32, #tpu.memory_space<vmem_shared>>) offsets(%dma_start3A_129 : memref<128xi32, #tpu.memory_space<vmem>>) semaphore(%arg16 : memref<!tpu.dma_semaphore, #tpu.memory_space<semaphore_mem>>) {add = true}
        %dma_start3A_133 = arith.constant 1 : i32
        %dma_start3A_134 = arith.constant 128 : i32
        %dma_start3A_135 = arith.constant 0 : i32
        %dma_start3A_136 = tpu.memref_slice %arg12[%and3A_62, %dma_start3A_134, %dma_start3A_135] : memref<2x1024x8xf32, #tpu.memory_space<vmem>> -> memref<1x128x8xf32, #tpu.memory_space<vmem>>
        %dma_start3A_137 = tpu.memref_squeeze %dma_start3A_136 : memref<1x128x8xf32, #tpu.memory_space<vmem>> -> memref<128x8xf32, #tpu.memory_space<vmem>>
        %dma_start3A_138 = arith.constant 0 : i32
        %dma_start3A_139 = tpu.memref_slice %arg11[%and3A_62, %dma_start3A_133, %dma_start3A_138] : memref<2x8x128xi32, #tpu.memory_space<vmem>> -> memref<1x1x128xi32, #tpu.memory_space<vmem>>
        %dma_start3A_140 = tpu.memref_squeeze %dma_start3A_139 : memref<1x1x128xi32, #tpu.memory_space<vmem>> -> memref<128xi32, #tpu.memory_space<vmem>>
        %dma_start3A_141 = arith.constant 0 : i32
        %dma_start3A_142 = arith.constant 0 : i32
        %dma_start3A_143 = tpu.memref_slice %arg14[%dma_start3A_141, %dma_start3A_142] : memref<100352x8xf32, #tpu.memory_space<vmem_shared>> -> memref<100352x8xf32, #tpu.memory_space<vmem_shared>>
        tpu.enqueue_indirect_dma source(%dma_start3A_137 : memref<128x8xf32, #tpu.memory_space<vmem>>) target(%dma_start3A_143 : memref<100352x8xf32, #tpu.memory_space<vmem_shared>>) offsets(%dma_start3A_140 : memref<128xi32, #tpu.memory_space<vmem>>) semaphore(%arg16 : memref<!tpu.dma_semaphore, #tpu.memory_space<semaphore_mem>>) {add = true}
        %dma_start3A_144 = arith.constant 2 : i32
        %dma_start3A_145 = arith.constant 256 : i32
        %dma_start3A_146 = arith.constant 0 : i32
        %dma_start3A_147 = tpu.memref_slice %arg12[%and3A_62, %dma_start3A_145, %dma_start3A_146] : memref<2x1024x8xf32, #tpu.memory_space<vmem>> -> memref<1x128x8xf32, #tpu.memory_space<vmem>>
        %dma_start3A_148 = tpu.memref_squeeze %dma_start3A_147 : memref<1x128x8xf32, #tpu.memory_space<vmem>> -> memref<128x8xf32, #tpu.memory_space<vmem>>
        %dma_start3A_149 = arith.constant 0 : i32
        %dma_start3A_150 = tpu.memref_slice %arg11[%and3A_62, %dma_start3A_144, %dma_start3A_149] : memref<2x8x128xi32, #tpu.memory_space<vmem>> -> memref<1x1x128xi32, #tpu.memory_space<vmem>>
        %dma_start3A_151 = tpu.memref_squeeze %dma_start3A_150 : memref<1x1x128xi32, #tpu.memory_space<vmem>> -> memref<128xi32, #tpu.memory_space<vmem>>
        %dma_start3A_152 = arith.constant 0 : i32
        %dma_start3A_153 = arith.constant 0 : i32
        %dma_start3A_154 = tpu.memref_slice %arg14[%dma_start3A_152, %dma_start3A_153] : memref<100352x8xf32, #tpu.memory_space<vmem_shared>> -> memref<100352x8xf32, #tpu.memory_space<vmem_shared>>
        tpu.enqueue_indirect_dma source(%dma_start3A_148 : memref<128x8xf32, #tpu.memory_space<vmem>>) target(%dma_start3A_154 : memref<100352x8xf32, #tpu.memory_space<vmem_shared>>) offsets(%dma_start3A_151 : memref<128xi32, #tpu.memory_space<vmem>>) semaphore(%arg16 : memref<!tpu.dma_semaphore, #tpu.memory_space<semaphore_mem>>) {add = true}
        %dma_start3A_155 = arith.constant 3 : i32
        %dma_start3A_156 = arith.constant 384 : i32
        %dma_start3A_157 = arith.constant 0 : i32
        %dma_start3A_158 = tpu.memref_slice %arg12[%and3A_62, %dma_start3A_156, %dma_start3A_157] : memref<2x1024x8xf32, #tpu.memory_space<vmem>> -> memref<1x128x8xf32, #tpu.memory_space<vmem>>
        %dma_start3A_159 = tpu.memref_squeeze %dma_start3A_158 : memref<1x128x8xf32, #tpu.memory_space<vmem>> -> memref<128x8xf32, #tpu.memory_space<vmem>>
        %dma_start3A_160 = arith.constant 0 : i32
        %dma_start3A_161 = tpu.memref_slice %arg11[%and3A_62, %dma_start3A_155, %dma_start3A_160] : memref<2x8x128xi32, #tpu.memory_space<vmem>> -> memref<1x1x128xi32, #tpu.memory_space<vmem>>
        %dma_start3A_162 = tpu.memref_squeeze %dma_start3A_161 : memref<1x1x128xi32, #tpu.memory_space<vmem>> -> memref<128xi32, #tpu.memory_space<vmem>>
        %dma_start3A_163 = arith.constant 0 : i32
        %dma_start3A_164 = arith.constant 0 : i32
        %dma_start3A_165 = tpu.memref_slice %arg14[%dma_start3A_163, %dma_start3A_164] : memref<100352x8xf32, #tpu.memory_space<vmem_shared>> -> memref<100352x8xf32, #tpu.memory_space<vmem_shared>>
        tpu.enqueue_indirect_dma source(%dma_start3A_159 : memref<128x8xf32, #tpu.memory_space<vmem>>) target(%dma_start3A_165 : memref<100352x8xf32, #tpu.memory_space<vmem_shared>>) offsets(%dma_start3A_162 : memref<128xi32, #tpu.memory_space<vmem>>) semaphore(%arg16 : memref<!tpu.dma_semaphore, #tpu.memory_space<semaphore_mem>>) {add = true}
        %dma_start3A_166 = arith.constant 4 : i32
        %dma_start3A_167 = arith.constant 512 : i32
        %dma_start3A_168 = arith.constant 0 : i32
        %dma_start3A_169 = tpu.memref_slice %arg12[%and3A_62, %dma_start3A_167, %dma_start3A_168] : memref<2x1024x8xf32, #tpu.memory_space<vmem>> -> memref<1x128x8xf32, #tpu.memory_space<vmem>>
        %dma_start3A_170 = tpu.memref_squeeze %dma_start3A_169 : memref<1x128x8xf32, #tpu.memory_space<vmem>> -> memref<128x8xf32, #tpu.memory_space<vmem>>
        %dma_start3A_171 = arith.constant 0 : i32
        %dma_start3A_172 = tpu.memref_slice %arg11[%and3A_62, %dma_start3A_166, %dma_start3A_171] : memref<2x8x128xi32, #tpu.memory_space<vmem>> -> memref<1x1x128xi32, #tpu.memory_space<vmem>>
        %dma_start3A_173 = tpu.memref_squeeze %dma_start3A_172 : memref<1x1x128xi32, #tpu.memory_space<vmem>> -> memref<128xi32, #tpu.memory_space<vmem>>
        %dma_start3A_174 = arith.constant 0 : i32
        %dma_start3A_175 = arith.constant 0 : i32
        %dma_start3A_176 = tpu.memref_slice %arg14[%dma_start3A_174, %dma_start3A_175] : memref<100352x8xf32, #tpu.memory_space<vmem_shared>> -> memref<100352x8xf32, #tpu.memory_space<vmem_shared>>
        tpu.enqueue_indirect_dma source(%dma_start3A_170 : memref<128x8xf32, #tpu.memory_space<vmem>>) target(%dma_start3A_176 : memref<100352x8xf32, #tpu.memory_space<vmem_shared>>) offsets(%dma_start3A_173 : memref<128xi32, #tpu.memory_space<vmem>>) semaphore(%arg16 : memref<!tpu.dma_semaphore, #tpu.memory_space<semaphore_mem>>) {add = true}
        %dma_start3A_177 = arith.constant 5 : i32
        %dma_start3A_178 = arith.constant 640 : i32
        %dma_start3A_179 = arith.constant 0 : i32
        %dma_start3A_180 = tpu.memref_slice %arg12[%and3A_62, %dma_start3A_178, %dma_start3A_179] : memref<2x1024x8xf32, #tpu.memory_space<vmem>> -> memref<1x128x8xf32, #tpu.memory_space<vmem>>
        %dma_start3A_181 = tpu.memref_squeeze %dma_start3A_180 : memref<1x128x8xf32, #tpu.memory_space<vmem>> -> memref<128x8xf32, #tpu.memory_space<vmem>>
        %dma_start3A_182 = arith.constant 0 : i32
        %dma_start3A_183 = tpu.memref_slice %arg11[%and3A_62, %dma_start3A_177, %dma_start3A_182] : memref<2x8x128xi32, #tpu.memory_space<vmem>> -> memref<1x1x128xi32, #tpu.memory_space<vmem>>
        %dma_start3A_184 = tpu.memref_squeeze %dma_start3A_183 : memref<1x1x128xi32, #tpu.memory_space<vmem>> -> memref<128xi32, #tpu.memory_space<vmem>>
        %dma_start3A_185 = arith.constant 0 : i32
        %dma_start3A_186 = arith.constant 0 : i32
        %dma_start3A_187 = tpu.memref_slice %arg14[%dma_start3A_185, %dma_start3A_186] : memref<100352x8xf32, #tpu.memory_space<vmem_shared>> -> memref<100352x8xf32, #tpu.memory_space<vmem_shared>>
        tpu.enqueue_indirect_dma source(%dma_start3A_181 : memref<128x8xf32, #tpu.memory_space<vmem>>) target(%dma_start3A_187 : memref<100352x8xf32, #tpu.memory_space<vmem_shared>>) offsets(%dma_start3A_184 : memref<128xi32, #tpu.memory_space<vmem>>) semaphore(%arg16 : memref<!tpu.dma_semaphore, #tpu.memory_space<semaphore_mem>>) {add = true}
        %dma_start3A_188 = arith.constant 6 : i32
        %dma_start3A_189 = arith.constant 768 : i32
        %dma_start3A_190 = arith.constant 0 : i32
        %dma_start3A_191 = tpu.memref_slice %arg12[%and3A_62, %dma_start3A_189, %dma_start3A_190] : memref<2x1024x8xf32, #tpu.memory_space<vmem>> -> memref<1x128x8xf32, #tpu.memory_space<vmem>>
        %dma_start3A_192 = tpu.memref_squeeze %dma_start3A_191 : memref<1x128x8xf32, #tpu.memory_space<vmem>> -> memref<128x8xf32, #tpu.memory_space<vmem>>
        %dma_start3A_193 = arith.constant 0 : i32
        %dma_start3A_194 = tpu.memref_slice %arg11[%and3A_62, %dma_start3A_188, %dma_start3A_193] : memref<2x8x128xi32, #tpu.memory_space<vmem>> -> memref<1x1x128xi32, #tpu.memory_space<vmem>>
        %dma_start3A_195 = tpu.memref_squeeze %dma_start3A_194 : memref<1x1x128xi32, #tpu.memory_space<vmem>> -> memref<128xi32, #tpu.memory_space<vmem>>
        %dma_start3A_196 = arith.constant 0 : i32
        %dma_start3A_197 = arith.constant 0 : i32
        %dma_start3A_198 = tpu.memref_slice %arg14[%dma_start3A_196, %dma_start3A_197] : memref<100352x8xf32, #tpu.memory_space<vmem_shared>> -> memref<100352x8xf32, #tpu.memory_space<vmem_shared>>
        tpu.enqueue_indirect_dma source(%dma_start3A_192 : memref<128x8xf32, #tpu.memory_space<vmem>>) target(%dma_start3A_198 : memref<100352x8xf32, #tpu.memory_space<vmem_shared>>) offsets(%dma_start3A_195 : memref<128xi32, #tpu.memory_space<vmem>>) semaphore(%arg16 : memref<!tpu.dma_semaphore, #tpu.memory_space<semaphore_mem>>) {add = true}
        %dma_start3A_199 = arith.constant 7 : i32
        %dma_start3A_200 = arith.constant 896 : i32
        %dma_start3A_201 = arith.constant 0 : i32
        %dma_start3A_202 = tpu.memref_slice %arg12[%and3A_62, %dma_start3A_200, %dma_start3A_201] : memref<2x1024x8xf32, #tpu.memory_space<vmem>> -> memref<1x128x8xf32, #tpu.memory_space<vmem>>
        %dma_start3A_203 = tpu.memref_squeeze %dma_start3A_202 : memref<1x128x8xf32, #tpu.memory_space<vmem>> -> memref<128x8xf32, #tpu.memory_space<vmem>>
        %dma_start3A_204 = arith.constant 0 : i32
        %dma_start3A_205 = tpu.memref_slice %arg11[%and3A_62, %dma_start3A_199, %dma_start3A_204] : memref<2x8x128xi32, #tpu.memory_space<vmem>> -> memref<1x1x128xi32, #tpu.memory_space<vmem>>
        %dma_start3A_206 = tpu.memref_squeeze %dma_start3A_205 : memref<1x1x128xi32, #tpu.memory_space<vmem>> -> memref<128xi32, #tpu.memory_space<vmem>>
        %dma_start3A_207 = arith.constant 0 : i32
        %dma_start3A_208 = arith.constant 0 : i32
        %dma_start3A_209 = tpu.memref_slice %arg14[%dma_start3A_207, %dma_start3A_208] : memref<100352x8xf32, #tpu.memory_space<vmem_shared>> -> memref<100352x8xf32, #tpu.memory_space<vmem_shared>>
        tpu.enqueue_indirect_dma source(%dma_start3A_203 : memref<128x8xf32, #tpu.memory_space<vmem>>) target(%dma_start3A_209 : memref<100352x8xf32, #tpu.memory_space<vmem_shared>>) offsets(%dma_start3A_206 : memref<128xi32, #tpu.memory_space<vmem>>) semaphore(%arg16 : memref<!tpu.dma_semaphore, #tpu.memory_space<semaphore_mem>>) {add = true}
      }
      %while3A_55 = arith.constant 1 : i32
      scf.for %while3A_61 = %while3A_53 to %while3A_49 step %while3A_55  : i32 {
        %and3A = arith.constant 1 : i32
        %and3A_62 = arith.andi %while3A_61, %and3A : i32
        %dma_wait3A = arith.constant 0 : i32
        %dma_wait3A_63 = arith.constant 0 : i32
        %dma_wait3A_64 = tpu.memref_slice %arg10[%and3A_62, %dma_wait3A, %dma_wait3A_63] : memref<2x1x1024xi32, #tpu.memory_space<vmem>> -> memref<1x1x1024xi32, #tpu.memory_space<vmem>>
        %dma_wait3A_65 = tpu.memref_squeeze %dma_wait3A_64 : memref<1x1x1024xi32, #tpu.memory_space<vmem>> -> memref<1x1024xi32, #tpu.memory_space<vmem>>
        %dma_wait3A_66 = arith.constant 0 : i32
        %dma_wait3A_67 = arith.constant 0 : i32
        %dma_wait3A_68 = tpu.memref_slice %arg5[%dma_wait3A_66, %dma_wait3A_67] : memref<6250x1024xi32, #tpu.memory_space<hbm>> -> memref<1x1024xi32, #tpu.memory_space<hbm>>
        %dma_wait3A_69 = arith.constant 0 : i32
        %dma_wait3A_70 = arith.constant 0 : i32
        %dma_wait3A_71 = tpu.memref_slice %arg10[%and3A_62, %dma_wait3A_69, %dma_wait3A_70] : memref<2x1x1024xi32, #tpu.memory_space<vmem>> -> memref<1x1x1024xi32, #tpu.memory_space<vmem>>
        %dma_wait3A_72 = tpu.memref_squeeze %dma_wait3A_71 : memref<1x1x1024xi32, #tpu.memory_space<vmem>> -> memref<1x1024xi32, #tpu.memory_space<vmem>>
        %dma_wait3A_73 = arith.constant 0 : i32
        %dma_wait3A_74 = arith.constant 0 : i32
        %dma_wait3A_75 = tpu.memref_slice %arg5[%dma_wait3A_73, %dma_wait3A_74] : memref<6250x1024xi32, #tpu.memory_space<hbm>> -> memref<1x1024xi32, #tpu.memory_space<hbm>>
        tpu.wait_dma2 semaphore(%arg17 : memref<!tpu.dma_semaphore, #tpu.memory_space<semaphore_mem>>) src(%dma_wait3A_75 : memref<1x1024xi32, #tpu.memory_space<hbm>>) dst(%dma_wait3A_72 : memref<1x1024xi32, #tpu.memory_space<vmem>>)
        %dma_wait3A_76 = arith.constant 0 : i32
        %dma_wait3A_77 = arith.constant 0 : i32
        %dma_wait3A_78 = tpu.memref_slice %arg11[%and3A_62, %dma_wait3A_76, %dma_wait3A_77] : memref<2x8x128xi32, #tpu.memory_space<vmem>> -> memref<1x8x128xi32, #tpu.memory_space<vmem>>
        %dma_wait3A_79 = tpu.memref_squeeze %dma_wait3A_78 : memref<1x8x128xi32, #tpu.memory_space<vmem>> -> memref<8x128xi32, #tpu.memory_space<vmem>>
        %dma_wait3A_80 = arith.constant 0 : i32
        %dma_wait3A_81 = arith.constant 0 : i32
        %dma_wait3A_82 = tpu.memref_slice %arg2[%dma_wait3A_80, %dma_wait3A_81] : memref<50000x128xi32, #tpu.memory_space<hbm>> -> memref<8x128xi32, #tpu.memory_space<hbm>>
        %dma_wait3A_83 = arith.constant 0 : i32
        %dma_wait3A_84 = arith.constant 0 : i32
        %dma_wait3A_85 = tpu.memref_slice %arg11[%and3A_62, %dma_wait3A_83, %dma_wait3A_84] : memref<2x8x128xi32, #tpu.memory_space<vmem>> -> memref<1x8x128xi32, #tpu.memory_space<vmem>>
        %dma_wait3A_86 = tpu.memref_squeeze %dma_wait3A_85 : memref<1x8x128xi32, #tpu.memory_space<vmem>> -> memref<8x128xi32, #tpu.memory_space<vmem>>
        %dma_wait3A_87 = arith.constant 0 : i32
        %dma_wait3A_88 = arith.constant 0 : i32
        %dma_wait3A_89 = tpu.memref_slice %arg2[%dma_wait3A_87, %dma_wait3A_88] : memref<50000x128xi32, #tpu.memory_space<hbm>> -> memref<8x128xi32, #tpu.memory_space<hbm>>
        tpu.wait_dma2 semaphore(%arg17 : memref<!tpu.dma_semaphore, #tpu.memory_space<semaphore_mem>>) src(%dma_wait3A_89 : memref<8x128xi32, #tpu.memory_space<hbm>>) dst(%dma_wait3A_86 : memref<8x128xi32, #tpu.memory_space<vmem>>)
        %dma_start3A_90 = arith.constant 0 : i32
        %dma_start3A_91 = arith.constant 0 : i32
        %dma_start3A_92 = arith.constant 0 : i32
        %dma_start3A_93 = tpu.memref_slice %arg12[%and3A_62, %dma_start3A_91, %dma_start3A_92] : memref<2x1024x8xf32, #tpu.memory_space<vmem>> -> memref<1x1024x8xf32, #tpu.memory_space<vmem>>
        %dma_start3A_94 = tpu.memref_squeeze %dma_start3A_93 : memref<1x1024x8xf32, #tpu.memory_space<vmem>> -> memref<1024x8xf32, #tpu.memory_space<vmem>>
        %dma_start3A_95 = arith.constant 0 : i32
        %dma_start3A_96 = tpu.memref_slice %arg10[%and3A_62, %dma_start3A_90, %dma_start3A_95] : memref<2x1x1024xi32, #tpu.memory_space<vmem>> -> memref<1x1x1024xi32, #tpu.memory_space<vmem>>
        %dma_start3A_97 = tpu.memref_squeeze %dma_start3A_96 : memref<1x1x1024xi32, #tpu.memory_space<vmem>> -> memref<1024xi32, #tpu.memory_space<vmem>>
        %dma_start3A_98 = arith.constant 0 : i32
        %dma_start3A_99 = arith.constant 0 : i32
        %dma_start3A_100 = tpu.memref_slice %arg7[%dma_start3A_98, %dma_start3A_99] : memref<100352x8xf32, #tpu.memory_space<hbm>> -> memref<100352x8xf32, #tpu.memory_space<hbm>>
        tpu.enqueue_indirect_dma source(%dma_start3A_100 : memref<100352x8xf32, #tpu.memory_space<hbm>>) target(%dma_start3A_94 : memref<1024x8xf32, #tpu.memory_space<vmem>>) offsets(%dma_start3A_97 : memref<1024xi32, #tpu.memory_space<vmem>>) semaphore(%arg15 : memref<!tpu.dma_semaphore, #tpu.memory_space<semaphore_mem>>)
        %add3A_101 = arith.constant 1 : i32
        %add3A_102 = arith.addi %while3A_61, %add3A_101 : i32
        %lt3A_103 = arith.cmpi slt, %add3A_102, %add3A_7 : i32
        %convert_element_type3A_104 = arith.extui %lt3A_103 : i1 to i32
        %cond3A_105 = arith.constant 0 : i32
        %cond3A_106 = arith.cmpi ne, %convert_element_type3A_104, %cond3A_105 : i32
        scf.if %cond3A_106 {
          %add3A_210 = arith.constant 1 : i32
          %add3A_211 = arith.addi %while3A_61, %add3A_210 : i32
          %sub3A = arith.constant 1 : i32
          %sub3A_212 = arith.subi %sub3A, %and3A_62 : i32
          %add3A_213 = arith.addi %add3A, %add3A_211 : i32
          %dma_start3A_214 = arith.constant 0 : i32
          %dma_start3A_215 = arith.constant 0 : i32
          %dma_start3A_216 = tpu.memref_slice %arg10[%sub3A_212, %dma_start3A_214, %dma_start3A_215] : memref<2x1x1024xi32, #tpu.memory_space<vmem>> -> memref<1x1x1024xi32, #tpu.memory_space<vmem>>
          %dma_start3A_217 = tpu.memref_squeeze %dma_start3A_216 : memref<1x1x1024xi32, #tpu.memory_space<vmem>> -> memref<1x1024xi32, #tpu.memory_space<vmem>>
          %dma_start3A_218 = arith.constant 0 : i32
          %dma_start3A_219 = tpu.memref_slice %arg5[%add3A_213, %dma_start3A_218] : memref<6250x1024xi32, #tpu.memory_space<hbm>> -> memref<1x1024xi32, #tpu.memory_space<hbm>>
          %dma_start3A_220 = arith.constant 0 : i32
          %dma_start3A_221 = arith.constant 0 : i32
          %dma_start3A_222 = tpu.memref_slice %arg10[%sub3A_212, %dma_start3A_220, %dma_start3A_221] : memref<2x1x1024xi32, #tpu.memory_space<vmem>> -> memref<1x1x1024xi32, #tpu.memory_space<vmem>>
          %dma_start3A_223 = tpu.memref_squeeze %dma_start3A_222 : memref<1x1x1024xi32, #tpu.memory_space<vmem>> -> memref<1x1024xi32, #tpu.memory_space<vmem>>
          %dma_start3A_224 = arith.constant 0 : i32
          %dma_start3A_225 = tpu.memref_slice %arg5[%add3A_213, %dma_start3A_224] : memref<6250x1024xi32, #tpu.memory_space<hbm>> -> memref<1x1024xi32, #tpu.memory_space<hbm>>
          tpu.enqueue_dma source(%dma_start3A_225 : memref<1x1024xi32, #tpu.memory_space<hbm>>) target(%dma_start3A_223 : memref<1x1024xi32, #tpu.memory_space<vmem>>) target_semaphore(%arg17 : memref<!tpu.dma_semaphore, #tpu.memory_space<semaphore_mem>>)
          %add3A_226 = arith.addi %add3A, %add3A_211 : i32
          %mul3A_227 = arith.constant 8 : i32
          %mul3A_228 = arith.muli %add3A_226, %mul3A_227 : i32
          %dma_start3A_229 = arith.constant 0 : i32
          %dma_start3A_230 = arith.constant 0 : i32
          %dma_start3A_231 = tpu.memref_slice %arg11[%sub3A_212, %dma_start3A_229, %dma_start3A_230] : memref<2x8x128xi32, #tpu.memory_space<vmem>> -> memref<1x8x128xi32, #tpu.memory_space<vmem>>
          %dma_start3A_232 = tpu.memref_squeeze %dma_start3A_231 : memref<1x8x128xi32, #tpu.memory_space<vmem>> -> memref<8x128xi32, #tpu.memory_space<vmem>>
          %dma_start3A_233 = arith.constant 0 : i32
          %dma_start3A_234 = tpu.memref_slice %arg2[%mul3A_228, %dma_start3A_233] : memref<50000x128xi32, #tpu.memory_space<hbm>> -> memref<8x128xi32, #tpu.memory_space<hbm>>
          %dma_start3A_235 = arith.constant 0 : i32
          %dma_start3A_236 = arith.constant 0 : i32
          %dma_start3A_237 = tpu.memref_slice %arg11[%sub3A_212, %dma_start3A_235, %dma_start3A_236] : memref<2x8x128xi32, #tpu.memory_space<vmem>> -> memref<1x8x128xi32, #tpu.memory_space<vmem>>
          %dma_start3A_238 = tpu.memref_squeeze %dma_start3A_237 : memref<1x8x128xi32, #tpu.memory_space<vmem>> -> memref<8x128xi32, #tpu.memory_space<vmem>>
          %dma_start3A_239 = arith.constant 0 : i32
          %dma_start3A_240 = tpu.memref_slice %arg2[%mul3A_228, %dma_start3A_239] : memref<50000x128xi32, #tpu.memory_space<hbm>> -> memref<8x128xi32, #tpu.memory_space<hbm>>
          tpu.enqueue_dma source(%dma_start3A_240 : memref<8x128xi32, #tpu.memory_space<hbm>>) target(%dma_start3A_238 : memref<8x128xi32, #tpu.memory_space<vmem>>) target_semaphore(%arg17 : memref<!tpu.dma_semaphore, #tpu.memory_space<semaphore_mem>>)
        } else {
        }
        %gt3A = arith.constant 0 : i32
        %gt3A_107 = arith.cmpi sgt, %while3A_61, %gt3A : i32
        %convert_element_type3A_108 = arith.extui %gt3A_107 : i1 to i32
        %cond3A_109 = arith.constant 0 : i32
        %cond3A_110 = arith.cmpi ne, %convert_element_type3A_108, %cond3A_109 : i32
        scf.if %cond3A_110 {
          %dma_wait3A_210 = arith.constant 0 : i32
          %dma_wait3A_211 = arith.constant 0 : i32
          %dma_wait3A_212 = tpu.memref_slice %arg12[%and3A_62, %dma_wait3A_210, %dma_wait3A_211] : memref<2x1024x8xf32, #tpu.memory_space<vmem>> -> memref<1x128x8xf32, #tpu.memory_space<vmem>>
          %dma_wait3A_213 = tpu.memref_squeeze %dma_wait3A_212 : memref<1x128x8xf32, #tpu.memory_space<vmem>> -> memref<128x8xf32, #tpu.memory_space<vmem>>
          %dma_wait3A_214 = arith.constant 0 : i32
          %dma_wait3A_215 = arith.constant 0 : i32
          %dma_wait3A_216 = tpu.memref_slice %arg8[%dma_wait3A_214, %dma_wait3A_215] : memref<100352x8xf32, #tpu.memory_space<hbm>> -> memref<128x8xf32, #tpu.memory_space<hbm>>
          %dma_wait3A_217 = arith.constant 0 : i32
          %dma_wait3A_218 = arith.constant 0 : i32
          %dma_wait3A_219 = tpu.memref_slice %arg12[%and3A_62, %dma_wait3A_217, %dma_wait3A_218] : memref<2x1024x8xf32, #tpu.memory_space<vmem>> -> memref<1x128x8xf32, #tpu.memory_space<vmem>>
          %dma_wait3A_220 = tpu.memref_squeeze %dma_wait3A_219 : memref<1x128x8xf32, #tpu.memory_space<vmem>> -> memref<128x8xf32, #tpu.memory_space<vmem>>
          %dma_wait3A_221 = arith.constant 0 : i32
          %dma_wait3A_222 = arith.constant 0 : i32
          %dma_wait3A_223 = tpu.memref_slice %arg8[%dma_wait3A_221, %dma_wait3A_222] : memref<100352x8xf32, #tpu.memory_space<hbm>> -> memref<128x8xf32, #tpu.memory_space<hbm>>
          tpu.wait_dma2 semaphore(%arg16 : memref<!tpu.dma_semaphore, #tpu.memory_space<semaphore_mem>>) src(%dma_wait3A_223 : memref<128x8xf32, #tpu.memory_space<hbm>>) dst(%dma_wait3A_220 : memref<128x8xf32, #tpu.memory_space<vmem>>)
          %dma_wait3A_224 = arith.constant 0 : i32
          %dma_wait3A_225 = arith.constant 0 : i32
          %dma_wait3A_226 = tpu.memref_slice %arg12[%and3A_62, %dma_wait3A_224, %dma_wait3A_225] : memref<2x1024x8xf32, #tpu.memory_space<vmem>> -> memref<1x128x8xf32, #tpu.memory_space<vmem>>
          %dma_wait3A_227 = tpu.memref_squeeze %dma_wait3A_226 : memref<1x128x8xf32, #tpu.memory_space<vmem>> -> memref<128x8xf32, #tpu.memory_space<vmem>>
          %dma_wait3A_228 = arith.constant 0 : i32
          %dma_wait3A_229 = arith.constant 0 : i32
          %dma_wait3A_230 = tpu.memref_slice %arg8[%dma_wait3A_228, %dma_wait3A_229] : memref<100352x8xf32, #tpu.memory_space<hbm>> -> memref<128x8xf32, #tpu.memory_space<hbm>>
          %dma_wait3A_231 = arith.constant 0 : i32
          %dma_wait3A_232 = arith.constant 0 : i32
          %dma_wait3A_233 = tpu.memref_slice %arg12[%and3A_62, %dma_wait3A_231, %dma_wait3A_232] : memref<2x1024x8xf32, #tpu.memory_space<vmem>> -> memref<1x128x8xf32, #tpu.memory_space<vmem>>
          %dma_wait3A_234 = tpu.memref_squeeze %dma_wait3A_233 : memref<1x128x8xf32, #tpu.memory_space<vmem>> -> memref<128x8xf32, #tpu.memory_space<vmem>>
          %dma_wait3A_235 = arith.constant 0 : i32
          %dma_wait3A_236 = arith.constant 0 : i32
          %dma_wait3A_237 = tpu.memref_slice %arg8[%dma_wait3A_235, %dma_wait3A_236] : memref<100352x8xf32, #tpu.memory_space<hbm>> -> memref<128x8xf32, #tpu.memory_space<hbm>>
          tpu.wait_dma2 semaphore(%arg16 : memref<!tpu.dma_semaphore, #tpu.memory_space<semaphore_mem>>) src(%dma_wait3A_237 : memref<128x8xf32, #tpu.memory_space<hbm>>) dst(%dma_wait3A_234 : memref<128x8xf32, #tpu.memory_space<vmem>>)
          %dma_wait3A_238 = arith.constant 0 : i32
          %dma_wait3A_239 = arith.constant 0 : i32
          %dma_wait3A_240 = tpu.memref_slice %arg12[%and3A_62, %dma_wait3A_238, %dma_wait3A_239] : memref<2x1024x8xf32, #tpu.memory_space<vmem>> -> memref<1x128x8xf32, #tpu.memory_space<vmem>>
          %dma_wait3A_241 = tpu.memref_squeeze %dma_wait3A_240 : memref<1x128x8xf32, #tpu.memory_space<vmem>> -> memref<128x8xf32, #tpu.memory_space<vmem>>
          %dma_wait3A_242 = arith.constant 0 : i32
          %dma_wait3A_243 = arith.constant 0 : i32
          %dma_wait3A_244 = tpu.memref_slice %arg8[%dma_wait3A_242, %dma_wait3A_243] : memref<100352x8xf32, #tpu.memory_space<hbm>> -> memref<128x8xf32, #tpu.memory_space<hbm>>
          %dma_wait3A_245 = arith.constant 0 : i32
          %dma_wait3A_246 = arith.constant 0 : i32
          %dma_wait3A_247 = tpu.memref_slice %arg12[%and3A_62, %dma_wait3A_245, %dma_wait3A_246] : memref<2x1024x8xf32, #tpu.memory_space<vmem>> -> memref<1x128x8xf32, #tpu.memory_space<vmem>>
          %dma_wait3A_248 = tpu.memref_squeeze %dma_wait3A_247 : memref<1x128x8xf32, #tpu.memory_space<vmem>> -> memref<128x8xf32, #tpu.memory_space<vmem>>
          %dma_wait3A_249 = arith.constant 0 : i32
          %dma_wait3A_250 = arith.constant 0 : i32
          %dma_wait3A_251 = tpu.memref_slice %arg8[%dma_wait3A_249, %dma_wait3A_250] : memref<100352x8xf32, #tpu.memory_space<hbm>> -> memref<128x8xf32, #tpu.memory_space<hbm>>
          tpu.wait_dma2 semaphore(%arg16 : memref<!tpu.dma_semaphore, #tpu.memory_space<semaphore_mem>>) src(%dma_wait3A_251 : memref<128x8xf32, #tpu.memory_space<hbm>>) dst(%dma_wait3A_248 : memref<128x8xf32, #tpu.memory_space<vmem>>)
          %dma_wait3A_252 = arith.constant 0 : i32
          %dma_wait3A_253 = arith.constant 0 : i32
          %dma_wait3A_254 = tpu.memref_slice %arg12[%and3A_62, %dma_wait3A_252, %dma_wait3A_253] : memref<2x1024x8xf32, #tpu.memory_space<vmem>> -> memref<1x128x8xf32, #tpu.memory_space<vmem>>
          %dma_wait3A_255 = tpu.memref_squeeze %dma_wait3A_254 : memref<1x128x8xf32, #tpu.memory_space<vmem>> -> memref<128x8xf32, #tpu.memory_space<vmem>>
          %dma_wait3A_256 = arith.constant 0 : i32
          %dma_wait3A_257 = arith.constant 0 : i32
          %dma_wait3A_258 = tpu.memref_slice %arg8[%dma_wait3A_256, %dma_wait3A_257] : memref<100352x8xf32, #tpu.memory_space<hbm>> -> memref<128x8xf32, #tpu.memory_space<hbm>>
          %dma_wait3A_259 = arith.constant 0 : i32
          %dma_wait3A_260 = arith.constant 0 : i32
          %dma_wait3A_261 = tpu.memref_slice %arg12[%and3A_62, %dma_wait3A_259, %dma_wait3A_260] : memref<2x1024x8xf32, #tpu.memory_space<vmem>> -> memref<1x128x8xf32, #tpu.memory_space<vmem>>
          %dma_wait3A_262 = tpu.memref_squeeze %dma_wait3A_261 : memref<1x128x8xf32, #tpu.memory_space<vmem>> -> memref<128x8xf32, #tpu.memory_space<vmem>>
          %dma_wait3A_263 = arith.constant 0 : i32
          %dma_wait3A_264 = arith.constant 0 : i32
          %dma_wait3A_265 = tpu.memref_slice %arg8[%dma_wait3A_263, %dma_wait3A_264] : memref<100352x8xf32, #tpu.memory_space<hbm>> -> memref<128x8xf32, #tpu.memory_space<hbm>>
          tpu.wait_dma2 semaphore(%arg16 : memref<!tpu.dma_semaphore, #tpu.memory_space<semaphore_mem>>) src(%dma_wait3A_265 : memref<128x8xf32, #tpu.memory_space<hbm>>) dst(%dma_wait3A_262 : memref<128x8xf32, #tpu.memory_space<vmem>>)
          %dma_wait3A_266 = arith.constant 0 : i32
          %dma_wait3A_267 = arith.constant 0 : i32
          %dma_wait3A_268 = tpu.memref_slice %arg12[%and3A_62, %dma_wait3A_266, %dma_wait3A_267] : memref<2x1024x8xf32, #tpu.memory_space<vmem>> -> memref<1x128x8xf32, #tpu.memory_space<vmem>>
          %dma_wait3A_269 = tpu.memref_squeeze %dma_wait3A_268 : memref<1x128x8xf32, #tpu.memory_space<vmem>> -> memref<128x8xf32, #tpu.memory_space<vmem>>
          %dma_wait3A_270 = arith.constant 0 : i32
          %dma_wait3A_271 = arith.constant 0 : i32
          %dma_wait3A_272 = tpu.memref_slice %arg8[%dma_wait3A_270, %dma_wait3A_271] : memref<100352x8xf32, #tpu.memory_space<hbm>> -> memref<128x8xf32, #tpu.memory_space<hbm>>
          %dma_wait3A_273 = arith.constant 0 : i32
          %dma_wait3A_274 = arith.constant 0 : i32
          %dma_wait3A_275 = tpu.memref_slice %arg12[%and3A_62, %dma_wait3A_273, %dma_wait3A_274] : memref<2x1024x8xf32, #tpu.memory_space<vmem>> -> memref<1x128x8xf32, #tpu.memory_space<vmem>>
          %dma_wait3A_276 = tpu.memref_squeeze %dma_wait3A_275 : memref<1x128x8xf32, #tpu.memory_space<vmem>> -> memref<128x8xf32, #tpu.memory_space<vmem>>
          %dma_wait3A_277 = arith.constant 0 : i32
          %dma_wait3A_278 = arith.constant 0 : i32
          %dma_wait3A_279 = tpu.memref_slice %arg8[%dma_wait3A_277, %dma_wait3A_278] : memref<100352x8xf32, #tpu.memory_space<hbm>> -> memref<128x8xf32, #tpu.memory_space<hbm>>
          tpu.wait_dma2 semaphore(%arg16 : memref<!tpu.dma_semaphore, #tpu.memory_space<semaphore_mem>>) src(%dma_wait3A_279 : memref<128x8xf32, #tpu.memory_space<hbm>>) dst(%dma_wait3A_276 : memref<128x8xf32, #tpu.memory_space<vmem>>)
          %dma_wait3A_280 = arith.constant 0 : i32
          %dma_wait3A_281 = arith.constant 0 : i32
          %dma_wait3A_282 = tpu.memref_slice %arg12[%and3A_62, %dma_wait3A_280, %dma_wait3A_281] : memref<2x1024x8xf32, #tpu.memory_space<vmem>> -> memref<1x128x8xf32, #tpu.memory_space<vmem>>
          %dma_wait3A_283 = tpu.memref_squeeze %dma_wait3A_282 : memref<1x128x8xf32, #tpu.memory_space<vmem>> -> memref<128x8xf32, #tpu.memory_space<vmem>>
          %dma_wait3A_284 = arith.constant 0 : i32
          %dma_wait3A_285 = arith.constant 0 : i32
          %dma_wait3A_286 = tpu.memref_slice %arg8[%dma_wait3A_284, %dma_wait3A_285] : memref<100352x8xf32, #tpu.memory_space<hbm>> -> memref<128x8xf32, #tpu.memory_space<hbm>>
          %dma_wait3A_287 = arith.constant 0 : i32
          %dma_wait3A_288 = arith.constant 0 : i32
          %dma_wait3A_289 = tpu.memref_slice %arg12[%and3A_62, %dma_wait3A_287, %dma_wait3A_288] : memref<2x1024x8xf32, #tpu.memory_space<vmem>> -> memref<1x128x8xf32, #tpu.memory_space<vmem>>
          %dma_wait3A_290 = tpu.memref_squeeze %dma_wait3A_289 : memref<1x128x8xf32, #tpu.memory_space<vmem>> -> memref<128x8xf32, #tpu.memory_space<vmem>>
          %dma_wait3A_291 = arith.constant 0 : i32
          %dma_wait3A_292 = arith.constant 0 : i32
          %dma_wait3A_293 = tpu.memref_slice %arg8[%dma_wait3A_291, %dma_wait3A_292] : memref<100352x8xf32, #tpu.memory_space<hbm>> -> memref<128x8xf32, #tpu.memory_space<hbm>>
          tpu.wait_dma2 semaphore(%arg16 : memref<!tpu.dma_semaphore, #tpu.memory_space<semaphore_mem>>) src(%dma_wait3A_293 : memref<128x8xf32, #tpu.memory_space<hbm>>) dst(%dma_wait3A_290 : memref<128x8xf32, #tpu.memory_space<vmem>>)
          %dma_wait3A_294 = arith.constant 0 : i32
          %dma_wait3A_295 = arith.constant 0 : i32
          %dma_wait3A_296 = tpu.memref_slice %arg12[%and3A_62, %dma_wait3A_294, %dma_wait3A_295] : memref<2x1024x8xf32, #tpu.memory_space<vmem>> -> memref<1x128x8xf32, #tpu.memory_space<vmem>>
          %dma_wait3A_297 = tpu.memref_squeeze %dma_wait3A_296 : memref<1x128x8xf32, #tpu.memory_space<vmem>> -> memref<128x8xf32, #tpu.memory_space<vmem>>
          %dma_wait3A_298 = arith.constant 0 : i32
          %dma_wait3A_299 = arith.constant 0 : i32
          %dma_wait3A_300 = tpu.memref_slice %arg8[%dma_wait3A_298, %dma_wait3A_299] : memref<100352x8xf32, #tpu.memory_space<hbm>> -> memref<128x8xf32, #tpu.memory_space<hbm>>
          %dma_wait3A_301 = arith.constant 0 : i32
          %dma_wait3A_302 = arith.constant 0 : i32
          %dma_wait3A_303 = tpu.memref_slice %arg12[%and3A_62, %dma_wait3A_301, %dma_wait3A_302] : memref<2x1024x8xf32, #tpu.memory_space<vmem>> -> memref<1x128x8xf32, #tpu.memory_space<vmem>>
          %dma_wait3A_304 = tpu.memref_squeeze %dma_wait3A_303 : memref<1x128x8xf32, #tpu.memory_space<vmem>> -> memref<128x8xf32, #tpu.memory_space<vmem>>
          %dma_wait3A_305 = arith.constant 0 : i32
          %dma_wait3A_306 = arith.constant 0 : i32
          %dma_wait3A_307 = tpu.memref_slice %arg8[%dma_wait3A_305, %dma_wait3A_306] : memref<100352x8xf32, #tpu.memory_space<hbm>> -> memref<128x8xf32, #tpu.memory_space<hbm>>
          tpu.wait_dma2 semaphore(%arg16 : memref<!tpu.dma_semaphore, #tpu.memory_space<semaphore_mem>>) src(%dma_wait3A_307 : memref<128x8xf32, #tpu.memory_space<hbm>>) dst(%dma_wait3A_304 : memref<128x8xf32, #tpu.memory_space<vmem>>)
          %dma_wait3A_308 = arith.constant 0 : i32
          %dma_wait3A_309 = arith.constant 0 : i32
          %dma_wait3A_310 = tpu.memref_slice %arg12[%and3A_62, %dma_wait3A_308, %dma_wait3A_309] : memref<2x1024x8xf32, #tpu.memory_space<vmem>> -> memref<1x128x8xf32, #tpu.memory_space<vmem>>
          %dma_wait3A_311 = tpu.memref_squeeze %dma_wait3A_310 : memref<1x128x8xf32, #tpu.memory_space<vmem>> -> memref<128x8xf32, #tpu.memory_space<vmem>>
          %dma_wait3A_312 = arith.constant 0 : i32
          %dma_wait3A_313 = arith.constant 0 : i32
          %dma_wait3A_314 = tpu.memref_slice %arg8[%dma_wait3A_312, %dma_wait3A_313] : memref<100352x8xf32, #tpu.memory_space<hbm>> -> memref<128x8xf32, #tpu.memory_space<hbm>>
          %dma_wait3A_315 = arith.constant 0 : i32
          %dma_wait3A_316 = arith.constant 0 : i32
          %dma_wait3A_317 = tpu.memref_slice %arg12[%and3A_62, %dma_wait3A_315, %dma_wait3A_316] : memref<2x1024x8xf32, #tpu.memory_space<vmem>> -> memref<1x128x8xf32, #tpu.memory_space<vmem>>
          %dma_wait3A_318 = tpu.memref_squeeze %dma_wait3A_317 : memref<1x128x8xf32, #tpu.memory_space<vmem>> -> memref<128x8xf32, #tpu.memory_space<vmem>>
          %dma_wait3A_319 = arith.constant 0 : i32
          %dma_wait3A_320 = arith.constant 0 : i32
          %dma_wait3A_321 = tpu.memref_slice %arg8[%dma_wait3A_319, %dma_wait3A_320] : memref<100352x8xf32, #tpu.memory_space<hbm>> -> memref<128x8xf32, #tpu.memory_space<hbm>>
          tpu.wait_dma2 semaphore(%arg16 : memref<!tpu.dma_semaphore, #tpu.memory_space<semaphore_mem>>) src(%dma_wait3A_321 : memref<128x8xf32, #tpu.memory_space<hbm>>) dst(%dma_wait3A_318 : memref<128x8xf32, #tpu.memory_space<vmem>>)
        } else {
        }
        %dma_wait3A_111 = arith.constant 0 : i32
        %dma_wait3A_112 = arith.constant 0 : i32
        %dma_wait3A_113 = arith.constant 0 : i32
        %dma_wait3A_114 = tpu.memref_slice %arg12[%and3A_62, %dma_wait3A_112, %dma_wait3A_113] : memref<2x1024x8xf32, #tpu.memory_space<vmem>> -> memref<1x1024x8xf32, #tpu.memory_space<vmem>>
        %dma_wait3A_115 = tpu.memref_squeeze %dma_wait3A_114 : memref<1x1024x8xf32, #tpu.memory_space<vmem>> -> memref<1024x8xf32, #tpu.memory_space<vmem>>
        %dma_wait3A_116 = arith.constant 0 : i32
        %dma_wait3A_117 = tpu.memref_slice %arg10[%and3A_62, %dma_wait3A_111, %dma_wait3A_116] : memref<2x1x1024xi32, #tpu.memory_space<vmem>> -> memref<1x1x1024xi32, #tpu.memory_space<vmem>>
        %dma_wait3A_118 = tpu.memref_squeeze %dma_wait3A_117 : memref<1x1x1024xi32, #tpu.memory_space<vmem>> -> memref<1024xi32, #tpu.memory_space<vmem>>
        %dma_wait3A_119 = arith.constant 0 : i32
        %dma_wait3A_120 = arith.constant 0 : i32
        %dma_wait3A_121 = tpu.memref_slice %arg7[%dma_wait3A_119, %dma_wait3A_120] : memref<100352x8xf32, #tpu.memory_space<hbm>> -> memref<100352x8xf32, #tpu.memory_space<hbm>>
        tpu.wait_indirect_dma semaphore(%arg15 : memref<!tpu.dma_semaphore, #tpu.memory_space<semaphore_mem>>) src(%dma_wait3A_121 : memref<100352x8xf32, #tpu.memory_space<hbm>>) dst(%dma_wait3A_115 : memref<1024x8xf32, #tpu.memory_space<vmem>>)
        %dma_start3A_122 = arith.constant 0 : i32
        %dma_start3A_123 = arith.constant 0 : i32
        %dma_start3A_124 = arith.constant 0 : i32
        %dma_start3A_125 = tpu.memref_slice %arg12[%and3A_62, %dma_start3A_123, %dma_start3A_124] : memref<2x1024x8xf32, #tpu.memory_space<vmem>> -> memref<1x128x8xf32, #tpu.memory_space<vmem>>
        %dma_start3A_126 = tpu.memref_squeeze %dma_start3A_125 : memref<1x128x8xf32, #tpu.memory_space<vmem>> -> memref<128x8xf32, #tpu.memory_space<vmem>>
        %dma_start3A_127 = arith.constant 0 : i32
        %dma_start3A_128 = tpu.memref_slice %arg11[%and3A_62, %dma_start3A_122, %dma_start3A_127] : memref<2x8x128xi32, #tpu.memory_space<vmem>> -> memref<1x1x128xi32, #tpu.memory_space<vmem>>
        %dma_start3A_129 = tpu.memref_squeeze %dma_start3A_128 : memref<1x1x128xi32, #tpu.memory_space<vmem>> -> memref<128xi32, #tpu.memory_space<vmem>>
        %dma_start3A_130 = arith.constant 0 : i32
        %dma_start3A_131 = arith.constant 0 : i32
        %dma_start3A_132 = tpu.memref_slice %arg14[%dma_start3A_130, %dma_start3A_131] : memref<100352x8xf32, #tpu.memory_space<vmem_shared>> -> memref<100352x8xf32, #tpu.memory_space<vmem_shared>>
        tpu.enqueue_indirect_dma source(%dma_start3A_126 : memref<128x8xf32, #tpu.memory_space<vmem>>) target(%dma_start3A_132 : memref<100352x8xf32, #tpu.memory_space<vmem_shared>>) offsets(%dma_start3A_129 : memref<128xi32, #tpu.memory_space<vmem>>) semaphore(%arg16 : memref<!tpu.dma_semaphore, #tpu.memory_space<semaphore_mem>>) {add = true}
        %dma_start3A_133 = arith.constant 1 : i32
        %dma_start3A_134 = arith.constant 128 : i32
        %dma_start3A_135 = arith.constant 0 : i32
        %dma_start3A_136 = tpu.memref_slice %arg12[%and3A_62, %dma_start3A_134, %dma_start3A_135] : memref<2x1024x8xf32, #tpu.memory_space<vmem>> -> memref<1x128x8xf32, #tpu.memory_space<vmem>>
        %dma_start3A_137 = tpu.memref_squeeze %dma_start3A_136 : memref<1x128x8xf32, #tpu.memory_space<vmem>> -> memref<128x8xf32, #tpu.memory_space<vmem>>
        %dma_start3A_138 = arith.constant 0 : i32
        %dma_start3A_139 = tpu.memref_slice %arg11[%and3A_62, %dma_start3A_133, %dma_start3A_138] : memref<2x8x128xi32, #tpu.memory_space<vmem>> -> memref<1x1x128xi32, #tpu.memory_space<vmem>>
        %dma_start3A_140 = tpu.memref_squeeze %dma_start3A_139 : memref<1x1x128xi32, #tpu.memory_space<vmem>> -> memref<128xi32, #tpu.memory_space<vmem>>
        %dma_start3A_141 = arith.constant 0 : i32
        %dma_start3A_142 = arith.constant 0 : i32
        %dma_start3A_143 = tpu.memref_slice %arg14[%dma_start3A_141, %dma_start3A_142] : memref<100352x8xf32, #tpu.memory_space<vmem_shared>> -> memref<100352x8xf32, #tpu.memory_space<vmem_shared>>
        tpu.enqueue_indirect_dma source(%dma_start3A_137 : memref<128x8xf32, #tpu.memory_space<vmem>>) target(%dma_start3A_143 : memref<100352x8xf32, #tpu.memory_space<vmem_shared>>) offsets(%dma_start3A_140 : memref<128xi32, #tpu.memory_space<vmem>>) semaphore(%arg16 : memref<!tpu.dma_semaphore, #tpu.memory_space<semaphore_mem>>) {add = true}
        %dma_start3A_144 = arith.constant 2 : i32
        %dma_start3A_145 = arith.constant 256 : i32
        %dma_start3A_146 = arith.constant 0 : i32
        %dma_start3A_147 = tpu.memref_slice %arg12[%and3A_62, %dma_start3A_145, %dma_start3A_146] : memref<2x1024x8xf32, #tpu.memory_space<vmem>> -> memref<1x128x8xf32, #tpu.memory_space<vmem>>
        %dma_start3A_148 = tpu.memref_squeeze %dma_start3A_147 : memref<1x128x8xf32, #tpu.memory_space<vmem>> -> memref<128x8xf32, #tpu.memory_space<vmem>>
        %dma_start3A_149 = arith.constant 0 : i32
        %dma_start3A_150 = tpu.memref_slice %arg11[%and3A_62, %dma_start3A_144, %dma_start3A_149] : memref<2x8x128xi32, #tpu.memory_space<vmem>> -> memref<1x1x128xi32, #tpu.memory_space<vmem>>
        %dma_start3A_151 = tpu.memref_squeeze %dma_start3A_150 : memref<1x1x128xi32, #tpu.memory_space<vmem>> -> memref<128xi32, #tpu.memory_space<vmem>>
        %dma_start3A_152 = arith.constant 0 : i32
        %dma_start3A_153 = arith.constant 0 : i32
        %dma_start3A_154 = tpu.memref_slice %arg14[%dma_start3A_152, %dma_start3A_153] : memref<100352x8xf32, #tpu.memory_space<vmem_shared>> -> memref<100352x8xf32, #tpu.memory_space<vmem_shared>>
        tpu.enqueue_indirect_dma source(%dma_start3A_148 : memref<128x8xf32, #tpu.memory_space<vmem>>) target(%dma_start3A_154 : memref<100352x8xf32, #tpu.memory_space<vmem_shared>>) offsets(%dma_start3A_151 : memref<128xi32, #tpu.memory_space<vmem>>) semaphore(%arg16 : memref<!tpu.dma_semaphore, #tpu.memory_space<semaphore_mem>>) {add = true}
        %dma_start3A_155 = arith.constant 3 : i32
        %dma_start3A_156 = arith.constant 384 : i32
        %dma_start3A_157 = arith.constant 0 : i32
        %dma_start3A_158 = tpu.memref_slice %arg12[%and3A_62, %dma_start3A_156, %dma_start3A_157] : memref<2x1024x8xf32, #tpu.memory_space<vmem>> -> memref<1x128x8xf32, #tpu.memory_space<vmem>>
        %dma_start3A_159 = tpu.memref_squeeze %dma_start3A_158 : memref<1x128x8xf32, #tpu.memory_space<vmem>> -> memref<128x8xf32, #tpu.memory_space<vmem>>
        %dma_start3A_160 = arith.constant 0 : i32
        %dma_start3A_161 = tpu.memref_slice %arg11[%and3A_62, %dma_start3A_155, %dma_start3A_160] : memref<2x8x128xi32, #tpu.memory_space<vmem>> -> memref<1x1x128xi32, #tpu.memory_space<vmem>>
        %dma_start3A_162 = tpu.memref_squeeze %dma_start3A_161 : memref<1x1x128xi32, #tpu.memory_space<vmem>> -> memref<128xi32, #tpu.memory_space<vmem>>
        %dma_start3A_163 = arith.constant 0 : i32
        %dma_start3A_164 = arith.constant 0 : i32
        %dma_start3A_165 = tpu.memref_slice %arg14[%dma_start3A_163, %dma_start3A_164] : memref<100352x8xf32, #tpu.memory_space<vmem_shared>> -> memref<100352x8xf32, #tpu.memory_space<vmem_shared>>
        tpu.enqueue_indirect_dma source(%dma_start3A_159 : memref<128x8xf32, #tpu.memory_space<vmem>>) target(%dma_start3A_165 : memref<100352x8xf32, #tpu.memory_space<vmem_shared>>) offsets(%dma_start3A_162 : memref<128xi32, #tpu.memory_space<vmem>>) semaphore(%arg16 : memref<!tpu.dma_semaphore, #tpu.memory_space<semaphore_mem>>) {add = true}
        %dma_start3A_166 = arith.constant 4 : i32
        %dma_start3A_167 = arith.constant 512 : i32
        %dma_start3A_168 = arith.constant 0 : i32
        %dma_start3A_169 = tpu.memref_slice %arg12[%and3A_62, %dma_start3A_167, %dma_start3A_168] : memref<2x1024x8xf32, #tpu.memory_space<vmem>> -> memref<1x128x8xf32, #tpu.memory_space<vmem>>
        %dma_start3A_170 = tpu.memref_squeeze %dma_start3A_169 : memref<1x128x8xf32, #tpu.memory_space<vmem>> -> memref<128x8xf32, #tpu.memory_space<vmem>>
        %dma_start3A_171 = arith.constant 0 : i32
        %dma_start3A_172 = tpu.memref_slice %arg11[%and3A_62, %dma_start3A_166, %dma_start3A_171] : memref<2x8x128xi32, #tpu.memory_space<vmem>> -> memref<1x1x128xi32, #tpu.memory_space<vmem>>
        %dma_start3A_173 = tpu.memref_squeeze %dma_start3A_172 : memref<1x1x128xi32, #tpu.memory_space<vmem>> -> memref<128xi32, #tpu.memory_space<vmem>>
        %dma_start3A_174 = arith.constant 0 : i32
        %dma_start3A_175 = arith.constant 0 : i32
        %dma_start3A_176 = tpu.memref_slice %arg14[%dma_start3A_174, %dma_start3A_175] : memref<100352x8xf32, #tpu.memory_space<vmem_shared>> -> memref<100352x8xf32, #tpu.memory_space<vmem_shared>>
        tpu.enqueue_indirect_dma source(%dma_start3A_170 : memref<128x8xf32, #tpu.memory_space<vmem>>) target(%dma_start3A_176 : memref<100352x8xf32, #tpu.memory_space<vmem_shared>>) offsets(%dma_start3A_173 : memref<128xi32, #tpu.memory_space<vmem>>) semaphore(%arg16 : memref<!tpu.dma_semaphore, #tpu.memory_space<semaphore_mem>>) {add = true}
        %dma_start3A_177 = arith.constant 5 : i32
        %dma_start3A_178 = arith.constant 640 : i32
        %dma_start3A_179 = arith.constant 0 : i32
        %dma_start3A_180 = tpu.memref_slice %arg12[%and3A_62, %dma_start3A_178, %dma_start3A_179] : memref<2x1024x8xf32, #tpu.memory_space<vmem>> -> memref<1x128x8xf32, #tpu.memory_space<vmem>>
        %dma_start3A_181 = tpu.memref_squeeze %dma_start3A_180 : memref<1x128x8xf32, #tpu.memory_space<vmem>> -> memref<128x8xf32, #tpu.memory_space<vmem>>
        %dma_start3A_182 = arith.constant 0 : i32
        %dma_start3A_183 = tpu.memref_slice %arg11[%and3A_62, %dma_start3A_177, %dma_start3A_182] : memref<2x8x128xi32, #tpu.memory_space<vmem>> -> memref<1x1x128xi32, #tpu.memory_space<vmem>>
        %dma_start3A_184 = tpu.memref_squeeze %dma_start3A_183 : memref<1x1x128xi32, #tpu.memory_space<vmem>> -> memref<128xi32, #tpu.memory_space<vmem>>
        %dma_start3A_185 = arith.constant 0 : i32
        %dma_start3A_186 = arith.constant 0 : i32
        %dma_start3A_187 = tpu.memref_slice %arg14[%dma_start3A_185, %dma_start3A_186] : memref<100352x8xf32, #tpu.memory_space<vmem_shared>> -> memref<100352x8xf32, #tpu.memory_space<vmem_shared>>
        tpu.enqueue_indirect_dma source(%dma_start3A_181 : memref<128x8xf32, #tpu.memory_space<vmem>>) target(%dma_start3A_187 : memref<100352x8xf32, #tpu.memory_space<vmem_shared>>) offsets(%dma_start3A_184 : memref<128xi32, #tpu.memory_space<vmem>>) semaphore(%arg16 : memref<!tpu.dma_semaphore, #tpu.memory_space<semaphore_mem>>) {add = true}
        %dma_start3A_188 = arith.constant 6 : i32
        %dma_start3A_189 = arith.constant 768 : i32
        %dma_start3A_190 = arith.constant 0 : i32
        %dma_start3A_191 = tpu.memref_slice %arg12[%and3A_62, %dma_start3A_189, %dma_start3A_190] : memref<2x1024x8xf32, #tpu.memory_space<vmem>> -> memref<1x128x8xf32, #tpu.memory_space<vmem>>
        %dma_start3A_192 = tpu.memref_squeeze %dma_start3A_191 : memref<1x128x8xf32, #tpu.memory_space<vmem>> -> memref<128x8xf32, #tpu.memory_space<vmem>>
        %dma_start3A_193 = arith.constant 0 : i32
        %dma_start3A_194 = tpu.memref_slice %arg11[%and3A_62, %dma_start3A_188, %dma_start3A_193] : memref<2x8x128xi32, #tpu.memory_space<vmem>> -> memref<1x1x128xi32, #tpu.memory_space<vmem>>
        %dma_start3A_195 = tpu.memref_squeeze %dma_start3A_194 : memref<1x1x128xi32, #tpu.memory_space<vmem>> -> memref<128xi32, #tpu.memory_space<vmem>>
        %dma_start3A_196 = arith.constant 0 : i32
        %dma_start3A_197 = arith.constant 0 : i32
        %dma_start3A_198 = tpu.memref_slice %arg14[%dma_start3A_196, %dma_start3A_197] : memref<100352x8xf32, #tpu.memory_space<vmem_shared>> -> memref<100352x8xf32, #tpu.memory_space<vmem_shared>>
        tpu.enqueue_indirect_dma source(%dma_start3A_192 : memref<128x8xf32, #tpu.memory_space<vmem>>) target(%dma_start3A_198 : memref<100352x8xf32, #tpu.memory_space<vmem_shared>>) offsets(%dma_start3A_195 : memref<128xi32, #tpu.memory_space<vmem>>) semaphore(%arg16 : memref<!tpu.dma_semaphore, #tpu.memory_space<semaphore_mem>>) {add = true}
        %dma_start3A_199 = arith.constant 7 : i32
        %dma_start3A_200 = arith.constant 896 : i32
        %dma_start3A_201 = arith.constant 0 : i32
        %dma_start3A_202 = tpu.memref_slice %arg12[%and3A_62, %dma_start3A_200, %dma_start3A_201] : memref<2x1024x8xf32, #tpu.memory_space<vmem>> -> memref<1x128x8xf32, #tpu.memory_space<vmem>>
        %dma_start3A_203 = tpu.memref_squeeze %dma_start3A_202 : memref<1x128x8xf32, #tpu.memory_space<vmem>> -> memref<128x8xf32, #tpu.memory_space<vmem>>
        %dma_start3A_204 = arith.constant 0 : i32
        %dma_start3A_205 = tpu.memref_slice %arg11[%and3A_62, %dma_start3A_199, %dma_start3A_204] : memref<2x8x128xi32, #tpu.memory_space<vmem>> -> memref<1x1x128xi32, #tpu.memory_space<vmem>>
        %dma_start3A_206 = tpu.memref_squeeze %dma_start3A_205 : memref<1x1x128xi32, #tpu.memory_space<vmem>> -> memref<128xi32, #tpu.memory_space<vmem>>
        %dma_start3A_207 = arith.constant 0 : i32
        %dma_start3A_208 = arith.constant 0 : i32
        %dma_start3A_209 = tpu.memref_slice %arg14[%dma_start3A_207, %dma_start3A_208] : memref<100352x8xf32, #tpu.memory_space<vmem_shared>> -> memref<100352x8xf32, #tpu.memory_space<vmem_shared>>
        tpu.enqueue_indirect_dma source(%dma_start3A_203 : memref<128x8xf32, #tpu.memory_space<vmem>>) target(%dma_start3A_209 : memref<100352x8xf32, #tpu.memory_space<vmem_shared>>) offsets(%dma_start3A_206 : memref<128xi32, #tpu.memory_space<vmem>>) semaphore(%arg16 : memref<!tpu.dma_semaphore, #tpu.memory_space<semaphore_mem>>) {add = true}
      }
      %scan3A = arith.constant 0 : i32
      %scan3A_56 = arith.constant 0 : i32
      %scan3A_57 = arith.constant 8 : i32
      %scan3A_58 = arith.addi %scan3A_56, %scan3A_57 : i32
      %scan3A_59 = arith.constant 1 : i32
      scf.for %scan3A_61 = %scan3A_56 to %scan3A_58 step %scan3A_59  : i32 {
        %dma_wait3A = arith.constant 0 : i32
        %dma_wait3A_62 = arith.constant 0 : i32
        %dma_wait3A_63 = arith.constant 0 : i32
        %dma_wait3A_64 = tpu.memref_slice %arg12[%dma_wait3A, %dma_wait3A_62, %dma_wait3A_63] : memref<2x1024x8xf32, #tpu.memory_space<vmem>> -> memref<1x128x8xf32, #tpu.memory_space<vmem>>
        %dma_wait3A_65 = tpu.memref_squeeze %dma_wait3A_64 : memref<1x128x8xf32, #tpu.memory_space<vmem>> -> memref<128x8xf32, #tpu.memory_space<vmem>>
        %dma_wait3A_66 = arith.constant 0 : i32
        %dma_wait3A_67 = arith.constant 0 : i32
        %dma_wait3A_68 = tpu.memref_slice %arg8[%dma_wait3A_66, %dma_wait3A_67] : memref<100352x8xf32, #tpu.memory_space<hbm>> -> memref<128x8xf32, #tpu.memory_space<hbm>>
        %dma_wait3A_69 = arith.constant 0 : i32
        %dma_wait3A_70 = arith.constant 0 : i32
        %dma_wait3A_71 = tpu.memref_slice %arg12[%dma_wait3A, %dma_wait3A_69, %dma_wait3A_70] : memref<2x1024x8xf32, #tpu.memory_space<vmem>> -> memref<1x128x8xf32, #tpu.memory_space<vmem>>
        %dma_wait3A_72 = tpu.memref_squeeze %dma_wait3A_71 : memref<1x128x8xf32, #tpu.memory_space<vmem>> -> memref<128x8xf32, #tpu.memory_space<vmem>>
        %dma_wait3A_73 = arith.constant 0 : i32
        %dma_wait3A_74 = arith.constant 0 : i32
        %dma_wait3A_75 = tpu.memref_slice %arg8[%dma_wait3A_73, %dma_wait3A_74] : memref<100352x8xf32, #tpu.memory_space<hbm>> -> memref<128x8xf32, #tpu.memory_space<hbm>>
        tpu.wait_dma2 semaphore(%arg16 : memref<!tpu.dma_semaphore, #tpu.memory_space<semaphore_mem>>) src(%dma_wait3A_75 : memref<128x8xf32, #tpu.memory_space<hbm>>) dst(%dma_wait3A_72 : memref<128x8xf32, #tpu.memory_space<vmem>>)
      }
      %scan3A_60 = arith.constant 8 : i32
    } else {
    }
    %barrier3A_15 = arith.constant 0 : index
    tpu.barrier barrier_id(%barrier3A_15)
    "tpu.region"() ({
      %run_scoped3A = tpu.sem_alloc : memref<!tpu.dma_semaphore, #tpu.memory_space<semaphore_mem>>
      %dma_start3A = arith.constant 0 : i32
      %dma_start3A_16 = tpu.memref_slice %arg14[%mul3A_0, %dma_start3A] : memref<100352x8xf32, #tpu.memory_space<vmem_shared>> -> memref<6272x8xf32, #tpu.memory_space<vmem_shared>>
      %dma_start3A_17 = arith.constant 0 : i32
      %dma_start3A_18 = tpu.memref_slice %arg14[%mul3A_0, %dma_start3A_17] : memref<100352x8xf32, #tpu.memory_space<vmem_shared>> -> memref<6272x8xf32, #tpu.memory_space<vmem_shared>>
      tpu.enqueue_dma source(%dma_start3A_18 : memref<6272x8xf32, #tpu.memory_space<vmem_shared>>) target(%arg13 : memref<6272x8xf32, #tpu.memory_space<vmem>>) target_semaphore(%run_scoped3A : memref<!tpu.dma_semaphore, #tpu.memory_space<semaphore_mem>>)
      %dma_wait3A = arith.constant 0 : i32
      %dma_wait3A_19 = tpu.memref_slice %arg14[%mul3A_0, %dma_wait3A] : memref<100352x8xf32, #tpu.memory_space<vmem_shared>> -> memref<6272x8xf32, #tpu.memory_space<vmem_shared>>
      %dma_wait3A_20 = arith.constant 0 : i32
      %dma_wait3A_21 = tpu.memref_slice %arg14[%mul3A_0, %dma_wait3A_20] : memref<100352x8xf32, #tpu.memory_space<vmem_shared>> -> memref<6272x8xf32, #tpu.memory_space<vmem_shared>>
      tpu.wait_dma2 semaphore(%run_scoped3A : memref<!tpu.dma_semaphore, #tpu.memory_space<semaphore_mem>>) src(%dma_wait3A_21 : memref<6272x8xf32, #tpu.memory_space<vmem_shared>>) dst(%arg13 : memref<6272x8xf32, #tpu.memory_space<vmem>>)
      tpu.yield
    }) : () -> ()
    "tpu.region"() ({
      %run_scoped3A = tpu.sem_alloc : memref<!tpu.dma_semaphore, #tpu.memory_space<semaphore_mem>>
      %dma_start3A = arith.constant 0 : i32
      %dma_start3A_16 = tpu.memref_slice %arg9[%arg0, %mul3A_0, %dma_start3A] : memref<2x100352x8xf32, #tpu.memory_space<hbm>> -> memref<1x6272x8xf32, #tpu.memory_space<hbm>>
      %dma_start3A_17 = tpu.memref_squeeze %dma_start3A_16 : memref<1x6272x8xf32, #tpu.memory_space<hbm>> -> memref<6272x8xf32, #tpu.memory_space<hbm>>
      %dma_start3A_18 = arith.constant 0 : i32
      %dma_start3A_19 = tpu.memref_slice %arg9[%arg0, %mul3A_0, %dma_start3A_18] : memref<2x100352x8xf32, #tpu.memory_space<hbm>> -> memref<1x6272x8xf32, #tpu.memory_space<hbm>>
      %dma_start3A_20 = tpu.memref_squeeze %dma_start3A_19 : memref<1x6272x8xf32, #tpu.memory_space<hbm>> -> memref<6272x8xf32, #tpu.memory_space<hbm>>
      tpu.enqueue_dma source(%arg13 : memref<6272x8xf32, #tpu.memory_space<vmem>>) target(%dma_start3A_20 : memref<6272x8xf32, #tpu.memory_space<hbm>>) target_semaphore(%run_scoped3A : memref<!tpu.dma_semaphore, #tpu.memory_space<semaphore_mem>>)
      %dma_wait3A = arith.constant 0 : i32
      %dma_wait3A_21 = tpu.memref_slice %arg9[%arg0, %mul3A_0, %dma_wait3A] : memref<2x100352x8xf32, #tpu.memory_space<hbm>> -> memref<1x6272x8xf32, #tpu.memory_space<hbm>>
      %dma_wait3A_22 = tpu.memref_squeeze %dma_wait3A_21 : memref<1x6272x8xf32, #tpu.memory_space<hbm>> -> memref<6272x8xf32, #tpu.memory_space<hbm>>
      %dma_wait3A_23 = arith.constant 0 : i32
      %dma_wait3A_24 = tpu.memref_slice %arg9[%arg0, %mul3A_0, %dma_wait3A_23] : memref<2x100352x8xf32, #tpu.memory_space<hbm>> -> memref<1x6272x8xf32, #tpu.memory_space<hbm>>
      %dma_wait3A_25 = tpu.memref_squeeze %dma_wait3A_24 : memref<1x6272x8xf32, #tpu.memory_space<hbm>> -> memref<6272x8xf32, #tpu.memory_space<hbm>>
      tpu.wait_dma2 semaphore(%run_scoped3A : memref<!tpu.dma_semaphore, #tpu.memory_space<semaphore_mem>>) src(%arg13 : memref<6272x8xf32, #tpu.memory_space<vmem>>) dst(%dma_wait3A_25 : memref<6272x8xf32, #tpu.memory_space<hbm>>)
      tpu.yield
    }) : () -> ()
    return
  }
}

module attributes {stable_mosaic.version = 14 : i64} {
  func.func @_mm_body(%arg0: i32, %arg1: memref<784x128xf32, #tpu.memory_space<vmem>>, %arg2: memref<128x128xf32, #tpu.memory_space<vmem>>, %arg3: memref<128x128xf32, #tpu.memory_space<vmem>>, %arg4: memref<784x128xf32, #tpu.memory_space<vmem>>, %arg5: memref<784x128xf32, #tpu.memory_space<vmem>>) attributes {dimension_semantics = [#tpu.dimension_semantics<arbitrary>], iteration_bounds = array<i64: 8>, scalar_prefetch = 0 : i64, scratch_operands = 0 : i64, tpu.core_type = #tpu.core_type<tc>, window_params = [{transform_indices = @transform_0, window_bounds = array<i64: 784, 128>}, {pipeline_mode = #tpu.pipeline_mode<synchronous>, transform_indices = @transform_1, window_bounds = array<i64: 128, 128>}, {pipeline_mode = #tpu.pipeline_mode<synchronous>, transform_indices = @transform_2, window_bounds = array<i64: 128, 128>}, {transform_indices = @transform_3, window_bounds = array<i64: 784, 128>}, {transform_indices = @transform_4, window_bounds = array<i64: 784, 128>}]} {
    %get3A = arith.constant 0 : index
    %get3A_0 = arith.constant 0 : index
    %get3A_1 = vector.load %arg1[%get3A, %get3A_0] : memref<784x128xf32, #tpu.memory_space<vmem>>, vector<784x128xf32>
    %max3A = arith.constant 0.000000e+00 : f32
    %max3A_2 = vector.broadcast %max3A : f32 to vector<784x128xf32>
    %max3A_3 = arith.maximumf %get3A_1, %max3A_2 : vector<784x128xf32>
    %get3A_4 = arith.constant 0 : index
    %get3A_5 = arith.constant 0 : index
    %get3A_6 = vector.load %arg2[%get3A_4, %get3A_5] : memref<128x128xf32, #tpu.memory_space<vmem>>, vector<128x128xf32>
    %dot_general3A = arith.constant dense<0.000000e+00> : vector<784x128xf32>
    %dot_general3A_7 = tpu.matmul %max3A_3, %get3A_6, %dot_general3A {dimension_numbers = #tpu.dot_dimension_numbers<[1], [0], [0], [1], [0, 0, 1, 1], [], []>, precision = #tpu.contract_precision<fp32>, transpose_lhs_hint = false} : vector<784x128xf32>, vector<128x128xf32>, vector<784x128xf32> -> vector<784x128xf32>
    %swap3A = arith.constant 0 : index
    %swap3A_8 = arith.constant 0 : index
    %swap3A_9 = vector.load %arg4[%swap3A, %swap3A_8] : memref<784x128xf32, #tpu.memory_space<vmem>>, vector<784x128xf32>
    tpu.vector_store %arg4[%swap3A, %swap3A_8], %dot_general3A_7 {strides = array<i32>} : memref<784x128xf32, #tpu.memory_space<vmem>>, vector<784x128xf32>,
    %get3A_10 = arith.constant 0 : index
    %get3A_11 = arith.constant 0 : index
    %get3A_12 = vector.load %arg3[%get3A_10, %get3A_11] : memref<128x128xf32, #tpu.memory_space<vmem>>, vector<128x128xf32>
    %dot_general3A_13 = arith.constant dense<0.000000e+00> : vector<784x128xf32>
    %dot_general3A_14 = tpu.matmul %max3A_3, %get3A_12, %dot_general3A_13 {dimension_numbers = #tpu.dot_dimension_numbers<[1], [0], [0], [1], [0, 0, 1, 1], [], []>, precision = #tpu.contract_precision<fp32>, transpose_lhs_hint = false} : vector<784x128xf32>, vector<128x128xf32>, vector<784x128xf32> -> vector<784x128xf32>
    %swap3A_15 = arith.constant 0 : index
    %swap3A_16 = arith.constant 0 : index
    %swap3A_17 = vector.load %arg5[%swap3A_15, %swap3A_16] : memref<784x128xf32, #tpu.memory_space<vmem>>, vector<784x128xf32>
    tpu.vector_store %arg5[%swap3A_15, %swap3A_16], %dot_general3A_14 {strides = array<i32>} : memref<784x128xf32, #tpu.memory_space<vmem>>, vector<784x128xf32>,
    return
  }
  func.func @transform_0(%arg0: i32) -> (i32, i32) {
    %c0_i32 = arith.constant 0 : i32
    %c0_i32_0 = arith.constant 0 : i32
    return %arg0, %c0_i32 : i32, i32
  }
  func.func @transform_1(%arg0: i32) -> (i32, i32) {
    %c0_i32 = arith.constant 0 : i32
    %c0_i32_0 = arith.constant 0 : i32
    %c0_i32_1 = arith.constant 0 : i32
    return %c0_i32, %c0_i32_0 : i32, i32
  }
  func.func @transform_2(%arg0: i32) -> (i32, i32) {
    %c0_i32 = arith.constant 0 : i32
    %c0_i32_0 = arith.constant 0 : i32
    %c0_i32_1 = arith.constant 0 : i32
    return %c0_i32, %c0_i32_0 : i32, i32
  }
  func.func @transform_3(%arg0: i32) -> (i32, i32) {
    %c0_i32 = arith.constant 0 : i32
    %c0_i32_0 = arith.constant 0 : i32
    return %arg0, %c0_i32 : i32, i32
  }
  func.func @transform_4(%arg0: i32) -> (i32, i32) {
    %c0_i32 = arith.constant 0 : i32
    %c0_i32_0 = arith.constant 0 : i32
    return %arg0, %c0_i32 : i32, i32
  }
}

module attributes {stable_mosaic.version = 14 : i64} {
  func.func @_point_body(%arg0: i32, %arg1: memref<2x16x112x128xf32, #tpu.memory_space<vmem>>, %arg2: memref<896x128xf32, #tpu.memory_space<vmem>>, %arg3: memref<896x128xf32, #tpu.memory_space<vmem>>, %arg4: memref<128x1024xf32, #tpu.memory_space<vmem>>, %arg5: memref<896x128xf32, #tpu.memory_space<vmem>>, %arg6: memref<896x128xf32, #tpu.memory_space<vmem>>, %arg7: memref<2x896x128xf32, #tpu.memory_space<vmem>>) attributes {dimension_semantics = [#tpu.dimension_semantics<arbitrary>], iteration_bounds = array<i64: 7>, scalar_prefetch = 0 : i64, scratch_operands = 0 : i64, tpu.core_type = #tpu.core_type<tc>, window_params = [{transform_indices = @transform_0, window_bounds = array<i64: 2, 16, 112, 128>}, {transform_indices = @transform_1, window_bounds = array<i64: 896, 128>}, {transform_indices = @transform_2, window_bounds = array<i64: 896, 128>}, {pipeline_mode = #tpu.pipeline_mode<synchronous>, transform_indices = @transform_3, window_bounds = array<i64: 128, 1024>}, {transform_indices = @transform_4, window_bounds = array<i64: 896, 128>}, {transform_indices = @transform_5, window_bounds = array<i64: 896, 128>}, {transform_indices = @transform_6, window_bounds = array<i64: 2, 896, 128>}]} {
    %get3A = arith.constant 0 : index
    %get3A_0 = arith.constant 0 : index
    %get3A_1 = arith.constant 0 : index
    %get3A_2 = arith.constant 0 : index
    %get3A_3 = vector.load %arg1[%get3A, %get3A_0, %get3A_1, %get3A_2] : memref<2x16x112x128xf32, #tpu.memory_space<vmem>>, vector<2x16x112x128xf32>
    %reduce_sum3A = arith.constant dense<0.000000e+00> : vector<2x112x128xf32>
    %reduce_sum3A_4 = vector.multi_reduction <add>, %get3A_3, %reduce_sum3A [1] : vector<2x16x112x128xf32> to vector<2x112x128xf32>
    %add3A = arith.constant 1.000000e+00 : f32
    %add3A_5 = vector.broadcast %add3A : f32 to vector<2x112x128xf32>
    %add3A_6 = arith.addf %reduce_sum3A_4, %add3A_5 : vector<2x112x128xf32>
    %rsqrt3A = math.rsqrt %add3A_6 : vector<2x112x128xf32>
    %get3A_7 = arith.constant 0 : index
    %get3A_8 = arith.constant 0 : index
    %get3A_9 = vector.load %arg4[%get3A_7, %get3A_8] : memref<128x1024xf32, #tpu.memory_space<vmem>>, vector<128x1024xf32>
    %slice3A = vector.extract_strided_slice %rsqrt3A {offsets = [0, 0, 0], sizes = [1, 112, 128], strides = [1, 1, 1]} : vector<2x112x128xf32> to vector<1x112x128xf32>
    %squeeze3A = vector.shape_cast %slice3A : vector<1x112x128xf32> to vector<112x128xf32>
    %dot_general3A = arith.constant dense<0.000000e+00> : vector<112x1024xf32>
    %dot_general3A_10 = tpu.matmul %squeeze3A, %get3A_9, %dot_general3A {dimension_numbers = #tpu.dot_dimension_numbers<[1], [0], [0], [1], [0, 0, 1, 1], [], []>, precision = #tpu.contract_precision<fp32>, transpose_lhs_hint = false} : vector<112x128xf32>, vector<128x1024xf32>, vector<112x1024xf32> -> vector<112x1024xf32>
    %reshape3A = vector.shape_cast %dot_general3A_10 : vector<112x1024xf32> to vector<112x8x128xf32>
    %reshape3A_11 = vector.shape_cast %reshape3A : vector<112x8x128xf32> to vector<896x128xf32>
    %slice3A_12 = vector.extract_strided_slice %rsqrt3A {offsets = [1, 0, 0], sizes = [1, 112, 128], strides = [1, 1, 1]} : vector<2x112x128xf32> to vector<1x112x128xf32>
    %squeeze3A_13 = vector.shape_cast %slice3A_12 : vector<1x112x128xf32> to vector<112x128xf32>
    %dot_general3A_14 = arith.constant dense<0.000000e+00> : vector<112x1024xf32>
    %dot_general3A_15 = tpu.matmul %squeeze3A_13, %get3A_9, %dot_general3A_14 {dimension_numbers = #tpu.dot_dimension_numbers<[1], [0], [0], [1], [0, 0, 1, 1], [], []>, precision = #tpu.contract_precision<fp32>, transpose_lhs_hint = false} : vector<112x128xf32>, vector<128x1024xf32>, vector<112x1024xf32> -> vector<112x1024xf32>
    %reshape3A_16 = vector.shape_cast %dot_general3A_15 : vector<112x1024xf32> to vector<112x8x128xf32>
    %reshape3A_17 = vector.shape_cast %reshape3A_16 : vector<112x8x128xf32> to vector<896x128xf32>
    %stack3A = vector.shape_cast %reshape3A_11 : vector<896x128xf32> to vector<1x896x128xf32>
    %stack3A_18 = vector.shape_cast %reshape3A_17 : vector<896x128xf32> to vector<1x896x128xf32>
    %stack3A_19 = tpu.concatenate %stack3A, %stack3A_18 in 0 : vector<1x896x128xf32>, vector<1x896x128xf32> -> vector<2x896x128xf32>
    %swap3A = arith.constant 0 : index
    %swap3A_20 = arith.constant 0 : index
    %swap3A_21 = arith.constant 0 : index
    %swap3A_22 = vector.load %arg7[%swap3A, %swap3A_20, %swap3A_21] : memref<2x896x128xf32, #tpu.memory_space<vmem>>, vector<2x896x128xf32>
    tpu.vector_store %arg7[%swap3A, %swap3A_20, %swap3A_21], %stack3A_19 {strides = array<i32>} : memref<2x896x128xf32, #tpu.memory_space<vmem>>, vector<2x896x128xf32>,
    %get3A_23 = arith.constant 0 : index
    %get3A_24 = arith.constant 0 : index
    %get3A_25 = vector.load %arg2[%get3A_23, %get3A_24] : memref<896x128xf32, #tpu.memory_space<vmem>>, vector<896x128xf32>
    %mul3A = arith.mulf %get3A_25, %reshape3A_11 : vector<896x128xf32>
    %swap3A_26 = arith.constant 0 : index
    %swap3A_27 = arith.constant 0 : index
    %swap3A_28 = vector.load %arg5[%swap3A_26, %swap3A_27] : memref<896x128xf32, #tpu.memory_space<vmem>>, vector<896x128xf32>
    tpu.vector_store %arg5[%swap3A_26, %swap3A_27], %mul3A {strides = array<i32>} : memref<896x128xf32, #tpu.memory_space<vmem>>, vector<896x128xf32>,
    %get3A_29 = arith.constant 0 : index
    %get3A_30 = arith.constant 0 : index
    %get3A_31 = vector.load %arg3[%get3A_29, %get3A_30] : memref<896x128xf32, #tpu.memory_space<vmem>>, vector<896x128xf32>
    %mul3A_32 = arith.mulf %get3A_31, %reshape3A_17 : vector<896x128xf32>
    %swap3A_33 = arith.constant 0 : index
    %swap3A_34 = arith.constant 0 : index
    %swap3A_35 = vector.load %arg6[%swap3A_33, %swap3A_34] : memref<896x128xf32, #tpu.memory_space<vmem>>, vector<896x128xf32>
    tpu.vector_store %arg6[%swap3A_33, %swap3A_34], %mul3A_32 {strides = array<i32>} : memref<896x128xf32, #tpu.memory_space<vmem>>, vector<896x128xf32>,
    return
  }
  func.func @transform_0(%arg0: i32) -> (i32, i32, i32, i32) {
    %c0_i32 = arith.constant 0 : i32
    %c0_i32_0 = arith.constant 0 : i32
    %c0_i32_1 = arith.constant 0 : i32
    %c0_i32_2 = arith.constant 0 : i32
    return %c0_i32, %c0_i32_0, %arg0, %c0_i32_1 : i32, i32, i32, i32
  }
  func.func @transform_1(%arg0: i32) -> (i32, i32) {
    %c0_i32 = arith.constant 0 : i32
    %c0_i32_0 = arith.constant 0 : i32
    return %arg0, %c0_i32 : i32, i32
  }
  func.func @transform_2(%arg0: i32) -> (i32, i32) {
    %c0_i32 = arith.constant 0 : i32
    %c0_i32_0 = arith.constant 0 : i32
    return %arg0, %c0_i32 : i32, i32
  }
  func.func @transform_3(%arg0: i32) -> (i32, i32) {
    %c0_i32 = arith.constant 0 : i32
    %c0_i32_0 = arith.constant 0 : i32
    %c0_i32_1 = arith.constant 0 : i32
    return %c0_i32, %c0_i32_0 : i32, i32
  }
  func.func @transform_4(%arg0: i32) -> (i32, i32) {
    %c0_i32 = arith.constant 0 : i32
    %c0_i32_0 = arith.constant 0 : i32
    return %arg0, %c0_i32 : i32, i32
  }
  func.func @transform_5(%arg0: i32) -> (i32, i32) {
    %c0_i32 = arith.constant 0 : i32
    %c0_i32_0 = arith.constant 0 : i32
    return %arg0, %c0_i32 : i32, i32
  }
  func.func @transform_6(%arg0: i32) -> (i32, i32, i32) {
    %c0_i32 = arith.constant 0 : i32
    %c0_i32_0 = arith.constant 0 : i32
    %c0_i32_1 = arith.constant 0 : i32
    return %c0_i32, %arg0, %c0_i32_0 : i32, i32, i32
  }
}

module attributes {stable_mosaic.version = 14 : i64} {
  func.func @_final_body(%arg0: i32, %arg1: memref<2x784x128xf32, #tpu.memory_space<vmem>>, %arg2: memref<784x128xf32, #tpu.memory_space<vmem>>, %arg3: memref<784x128xf32, #tpu.memory_space<vmem>>, %arg4: memref<2x784x128xf32, #tpu.memory_space<vmem>>, %arg5: memref<1x128xf32, #tpu.memory_space<vmem>>, %arg6: memref<1x128xf32, #tpu.memory_space<vmem>>, %arg7: memref<2x128x128xf32, #tpu.memory_space<vmem>>, %arg8: memref<2x128x128xf32, #tpu.memory_space<vmem>>, %arg9: memref<1568x128xf32, #tpu.memory_space<vmem>>) attributes {dimension_semantics = [#tpu.dimension_semantics<arbitrary>], iteration_bounds = array<i64: 8>, scalar_prefetch = 0 : i64, scratch_operands = 0 : i64, tpu.core_type = #tpu.core_type<tc>, window_params = [{transform_indices = @transform_0, window_bounds = array<i64: 2, 784, 128>}, {transform_indices = @transform_1, window_bounds = array<i64: 784, 128>}, {transform_indices = @transform_2, window_bounds = array<i64: 784, 128>}, {transform_indices = @transform_3, window_bounds = array<i64: 2, 784, 128>}, {pipeline_mode = #tpu.pipeline_mode<synchronous>, transform_indices = @transform_4, window_bounds = array<i64: 1, 128>}, {pipeline_mode = #tpu.pipeline_mode<synchronous>, transform_indices = @transform_5, window_bounds = array<i64: 1, 128>}, {pipeline_mode = #tpu.pipeline_mode<synchronous>, transform_indices = @transform_6, window_bounds = array<i64: 2, 128, 128>}, {pipeline_mode = #tpu.pipeline_mode<synchronous>, transform_indices = @transform_7, window_bounds = array<i64: 2, 128, 128>}, {transform_indices = @transform_8, window_bounds = array<i64: 1568, 128>}]} {
    %get3A = arith.constant 0 : index
    %get3A_0 = arith.constant 0 : index
    %get3A_1 = arith.constant 0 : index
    %get3A_2 = vector.load %arg4[%get3A, %get3A_0, %get3A_1] : memref<2x784x128xf32, #tpu.memory_space<vmem>>, vector<1x784x128xf32>
    %get3A_3 = vector.shape_cast %get3A_2 : vector<1x784x128xf32> to vector<784x128xf32>
    %get3A_4 = arith.constant 0 : index
    %get3A_5 = arith.constant 0 : index
    %get3A_6 = arith.constant 0 : index
    %get3A_7 = vector.load %arg1[%get3A_4, %get3A_5, %get3A_6] : memref<2x784x128xf32, #tpu.memory_space<vmem>>, vector<1x784x128xf32>
    %get3A_8 = vector.shape_cast %get3A_7 : vector<1x784x128xf32> to vector<784x128xf32>
    %get3A_9 = arith.constant 0 : index
    %get3A_10 = arith.constant 0 : index
    %get3A_11 = vector.load %arg2[%get3A_9, %get3A_10] : memref<784x128xf32, #tpu.memory_space<vmem>>, vector<784x128xf32>
    %add3A = arith.addf %get3A_8, %get3A_11 : vector<784x128xf32>
    %mul3A = arith.mulf %get3A_3, %add3A : vector<784x128xf32>
    %get3A_12 = arith.constant 0 : index
    %get3A_13 = arith.constant 0 : index
    %get3A_14 = vector.load %arg5[%get3A_12, %get3A_13] : memref<1x128xf32, #tpu.memory_space<vmem>>, vector<1x128xf32>
    %add3A_15 = vector.broadcast %get3A_14 : vector<1x128xf32> to vector<784x128xf32>
    %add3A_16 = arith.addf %mul3A, %add3A_15 : vector<784x128xf32>
    %get3A_17 = arith.constant 1 : index
    %get3A_18 = arith.constant 0 : index
    %get3A_19 = arith.constant 0 : index
    %get3A_20 = vector.load %arg4[%get3A_17, %get3A_18, %get3A_19] : memref<2x784x128xf32, #tpu.memory_space<vmem>>, vector<1x784x128xf32>
    %get3A_21 = vector.shape_cast %get3A_20 : vector<1x784x128xf32> to vector<784x128xf32>
    %get3A_22 = arith.constant 1 : index
    %get3A_23 = arith.constant 0 : index
    %get3A_24 = arith.constant 0 : index
    %get3A_25 = vector.load %arg1[%get3A_22, %get3A_23, %get3A_24] : memref<2x784x128xf32, #tpu.memory_space<vmem>>, vector<1x784x128xf32>
    %get3A_26 = vector.shape_cast %get3A_25 : vector<1x784x128xf32> to vector<784x128xf32>
    %get3A_27 = arith.constant 0 : index
    %get3A_28 = arith.constant 0 : index
    %get3A_29 = vector.load %arg3[%get3A_27, %get3A_28] : memref<784x128xf32, #tpu.memory_space<vmem>>, vector<784x128xf32>
    %add3A_30 = arith.addf %get3A_26, %get3A_29 : vector<784x128xf32>
    %mul3A_31 = arith.mulf %get3A_21, %add3A_30 : vector<784x128xf32>
    %get3A_32 = arith.constant 0 : index
    %get3A_33 = arith.constant 0 : index
    %get3A_34 = vector.load %arg6[%get3A_32, %get3A_33] : memref<1x128xf32, #tpu.memory_space<vmem>>, vector<1x128xf32>
    %add3A_35 = vector.broadcast %get3A_34 : vector<1x128xf32> to vector<784x128xf32>
    %add3A_36 = arith.addf %mul3A_31, %add3A_35 : vector<784x128xf32>
    %get3A_37 = arith.constant 0 : index
    %get3A_38 = arith.constant 0 : index
    %get3A_39 = arith.constant 0 : index
    %get3A_40 = vector.load %arg7[%get3A_37, %get3A_38, %get3A_39] : memref<2x128x128xf32, #tpu.memory_space<vmem>>, vector<1x128x128xf32>
    %get3A_41 = vector.shape_cast %get3A_40 : vector<1x128x128xf32> to vector<128x128xf32>
    %dot_general3A = arith.constant dense<0.000000e+00> : vector<784x128xf32>
    %dot_general3A_42 = tpu.matmul %add3A_16, %get3A_41, %dot_general3A {dimension_numbers = #tpu.dot_dimension_numbers<[1], [0], [0], [1], [0, 0, 1, 1], [], []>, precision = #tpu.contract_precision<fp32>, transpose_lhs_hint = false} : vector<784x128xf32>, vector<128x128xf32>, vector<784x128xf32> -> vector<784x128xf32>
    %get3A_43 = arith.constant 0 : index
    %get3A_44 = arith.constant 0 : index
    %get3A_45 = arith.constant 0 : index
    %get3A_46 = vector.load %arg8[%get3A_43, %get3A_44, %get3A_45] : memref<2x128x128xf32, #tpu.memory_space<vmem>>, vector<1x128x128xf32>
    %get3A_47 = vector.shape_cast %get3A_46 : vector<1x128x128xf32> to vector<128x128xf32>
    %dot_general3A_48 = arith.constant dense<0.000000e+00> : vector<784x128xf32>
    %dot_general3A_49 = tpu.matmul %add3A_36, %get3A_47, %dot_general3A_48 {dimension_numbers = #tpu.dot_dimension_numbers<[1], [0], [0], [1], [0, 0, 1, 1], [], []>, precision = #tpu.contract_precision<fp32>, transpose_lhs_hint = false} : vector<784x128xf32>, vector<128x128xf32>, vector<784x128xf32> -> vector<784x128xf32>
    %add3A_50 = arith.addf %dot_general3A_42, %dot_general3A_49 : vector<784x128xf32>
    %get3A_51 = arith.constant 1 : index
    %get3A_52 = arith.constant 0 : index
    %get3A_53 = arith.constant 0 : index
    %get3A_54 = vector.load %arg7[%get3A_51, %get3A_52, %get3A_53] : memref<2x128x128xf32, #tpu.memory_space<vmem>>, vector<1x128x128xf32>
    %get3A_55 = vector.shape_cast %get3A_54 : vector<1x128x128xf32> to vector<128x128xf32>
    %dot_general3A_56 = arith.constant dense<0.000000e+00> : vector<784x128xf32>
    %dot_general3A_57 = tpu.matmul %add3A_16, %get3A_55, %dot_general3A_56 {dimension_numbers = #tpu.dot_dimension_numbers<[1], [0], [0], [1], [0, 0, 1, 1], [], []>, precision = #tpu.contract_precision<fp32>, transpose_lhs_hint = false} : vector<784x128xf32>, vector<128x128xf32>, vector<784x128xf32> -> vector<784x128xf32>
    %get3A_58 = arith.constant 1 : index
    %get3A_59 = arith.constant 0 : index
    %get3A_60 = arith.constant 0 : index
    %get3A_61 = vector.load %arg8[%get3A_58, %get3A_59, %get3A_60] : memref<2x128x128xf32, #tpu.memory_space<vmem>>, vector<1x128x128xf32>
    %get3A_62 = vector.shape_cast %get3A_61 : vector<1x128x128xf32> to vector<128x128xf32>
    %dot_general3A_63 = arith.constant dense<0.000000e+00> : vector<784x128xf32>
    %dot_general3A_64 = tpu.matmul %add3A_36, %get3A_62, %dot_general3A_63 {dimension_numbers = #tpu.dot_dimension_numbers<[1], [0], [0], [1], [0, 0, 1, 1], [], []>, precision = #tpu.contract_precision<fp32>, transpose_lhs_hint = false} : vector<784x128xf32>, vector<128x128xf32>, vector<784x128xf32> -> vector<784x128xf32>
    %add3A_65 = arith.addf %dot_general3A_57, %dot_general3A_64 : vector<784x128xf32>
    %stack3A = vector.shape_cast %add3A_50 : vector<784x128xf32> to vector<784x1x128xf32>
    %stack3A_66 = vector.shape_cast %add3A_65 : vector<784x128xf32> to vector<784x1x128xf32>
    %stack3A_67 = tpu.concatenate %stack3A, %stack3A_66 in 1 : vector<784x1x128xf32>, vector<784x1x128xf32> -> vector<784x2x128xf32>
    %reshape3A = vector.shape_cast %stack3A_67 : vector<784x2x128xf32> to vector<1568x128xf32>
    %swap3A = arith.constant 0 : index
    %swap3A_68 = arith.constant 0 : index
    %swap3A_69 = vector.load %arg9[%swap3A, %swap3A_68] : memref<1568x128xf32, #tpu.memory_space<vmem>>, vector<1568x128xf32>
    tpu.vector_store %arg9[%swap3A, %swap3A_68], %reshape3A {strides = array<i32>} : memref<1568x128xf32, #tpu.memory_space<vmem>>, vector<1568x128xf32>,
    return
  }
  func.func @transform_0(%arg0: i32) -> (i32, i32, i32) {
    %c0_i32 = arith.constant 0 : i32
    %c0_i32_0 = arith.constant 0 : i32
    %c0_i32_1 = arith.constant 0 : i32
    return %c0_i32, %arg0, %c0_i32_0 : i32, i32, i32
  }
  func.func @transform_1(%arg0: i32) -> (i32, i32) {
    %c0_i32 = arith.constant 0 : i32
    %c0_i32_0 = arith.constant 0 : i32
    return %arg0, %c0_i32 : i32, i32
  }
  func.func @transform_2(%arg0: i32) -> (i32, i32) {
    %c0_i32 = arith.constant 0 : i32
    %c0_i32_0 = arith.constant 0 : i32
    return %arg0, %c0_i32 : i32, i32
  }
  func.func @transform_3(%arg0: i32) -> (i32, i32, i32) {
    %c0_i32 = arith.constant 0 : i32
    %c0_i32_0 = arith.constant 0 : i32
    %c0_i32_1 = arith.constant 0 : i32
    return %c0_i32, %arg0, %c0_i32_0 : i32, i32, i32
  }
  func.func @transform_4(%arg0: i32) -> (i32, i32) {
    %c0_i32 = arith.constant 0 : i32
    %c0_i32_0 = arith.constant 0 : i32
    %c0_i32_1 = arith.constant 0 : i32
    return %c0_i32, %c0_i32_0 : i32, i32
  }
  func.func @transform_5(%arg0: i32) -> (i32, i32) {
    %c0_i32 = arith.constant 0 : i32
    %c0_i32_0 = arith.constant 0 : i32
    %c0_i32_1 = arith.constant 0 : i32
    return %c0_i32, %c0_i32_0 : i32, i32
  }
  func.func @transform_6(%arg0: i32) -> (i32, i32, i32) {
    %c0_i32 = arith.constant 0 : i32
    %c0_i32_0 = arith.constant 0 : i32
    %c0_i32_1 = arith.constant 0 : i32
    %c0_i32_2 = arith.constant 0 : i32
    return %c0_i32, %c0_i32_0, %c0_i32_1 : i32, i32, i32
  }
  func.func @transform_7(%arg0: i32) -> (i32, i32, i32) {
    %c0_i32 = arith.constant 0 : i32
    %c0_i32_0 = arith.constant 0 : i32
    %c0_i32_1 = arith.constant 0 : i32
    %c0_i32_2 = arith.constant 0 : i32
    return %c0_i32, %c0_i32_0, %c0_i32_1 : i32, i32, i32
  }
  func.func @transform_8(%arg0: i32) -> (i32, i32) {
    %c0_i32 = arith.constant 0 : i32
    %c0_i32_0 = arith.constant 0 : i32
    return %arg0, %c0_i32 : i32, i32
  }
}

</mosaic_0001>

<sc_bundles>
// kernel: kernel.10.cloned.1.call-start
scs
__scs_entry_jumppad:
0x0: {  	(pc) =	sbr.rel $0x88, $3  }
0x1: {  	(tag) =	ssettag $0x0;
	lr =	simm.s32 $0x1  }
0x2: {  	[smem:$0x3F9B] =	sst lr;
	_ =	strace $0xD0000000  }
0x3: {  	_ = 	snop  }
0x4: {  	_ = 	snop  }
0x5: {  	_ = 	snop  }
0x6: {  	_ = 	snop  }
0x7: {  	_ = 	snop  }
__scs_overlays_trampoline_lowered:
0x8: {  	[smem:$0x3FAA] =	sst s0  }
0x9: {  	[smem:$0x3FAB] =	sst s1  }
0xa: {  	[smem:$0x3FAC] =	sst s2  }
0xb: {  	[smem:$0x3FAD] =	sst s3  }
0xc: {  	[smem:$0x3FAE] =	sst s4  }
0xd: {  	[smem:$0x3FAF] =	sst s5  }
0xe: {  	[smem:$0x3FB0] =	sst s6  }
0xf: {  	[smem:$0x3FB1] =	sst s7  }
0x10: {  	[smem:$0x3FB2] =	sst s8  }
0x11: {  	[smem:$0x3FB3] =	sst s9;
	s0 =	simm.s32 @!p0 $0x0  }
0x12: {  	s1 =	sld [smem:$0x3F99];
	s0 =	simm.s32 @p0 $0x1  }
0x13: {  	[smem:$0x3FB4] =	sst s0;
	s0 =	simm.s32 @!p1 $0x0  }
0x14: {  	s2 =	sld [smem:$0x3F98];
	s0 =	simm.s32 @p1 $0x1  }
0x15: {  	[smem:$0x3FB5] =	sst s0;
	s0 =	simm.s32 @!p2 $0x0  }
0x16: {  	s3 =	sld [smem:$0x3FDB];
	s0 =	simm.s32 @p2 $0x1  }
0x17: {  	s4 =	simm.s32 $0x1BF5;
	[smem:$0x3FB7] =	sst s0  }
0x18: {  	s0 =	sld [smem:$0x3F9A];
	_ =	swait.ge [sflag:s4], $0x0  }
0x19: {  	s7 =	sld [smem:$0x3F9B]  }
0x1a: {  	s8 =	sadd.s32 $0xFFFFE003, lr  }
0x1b: {  	s9 =	sadd.s32 $0xFFFFFEF7, lr;
	s5 =	simm.s32 $0xFFFFFFFF;
	p2 =	slt.u32 s8, $0xFFFFF086  }
0x1c: {  	p1 =	slt.u32 s9, $0xF7A;
	s5 =	simm.s32 @!p2 $0x0  }
0x1d: {  	s5 =	simm.s32 @p1 $0x1;
	p0 =	seq.s32 s7, s2  }
0x1e: {  	s7 =	smul.u32 @!p0 $0xF7A, s2;
	p2 =	seq.s32 @!p0 s5, $0x0  }
0x1f: {  	s9 =	smul.u32 $0xF7A, s1;
	s8 =	simm.s32 @!p0 $0x1BF5;
	p2 =	por !p2, p0  }
0x20: {  	[sflag:s8] =	ssyncset.s32 @!p0 $0xFFFFF086;
	s6 =	sadd.s32 @!p0 s3, s7;
	s7 =	simm.s32 @!p0 $0x108  }
0x21: {  	s3 =	sadd.s32 s3, s9;
	s6 =	sadd.s32 @!p0 $0x88, s6;
	s7 =	simm.s32 @p2 $0x1082  }
0x22: {  	[simem:s7], [sflag:s8] =	dma.local @!p0 [hbm:s6], $0xF7A  }
0x23: {  	s9 =	sor.u32 $0xD0000000, s2;
	s6 =	simm.s32 $0x108;
	_ =	swait.ge @!p0 [sflag:s8], $0x0  }
0x24: {  	s3 =	sadd.s32 $0x88, s3;
	s6 =	simm.s32 @!p1 $0x1082;
	[sflag:s4] =	ssyncset.s32 $0xFFFFF086  }
0x25: {  	[simem:s6], [sflag:s4] =	dma.local [hbm:s3], $0xF7A  }
0x26: {  	[smem:$0x3F9B] =	sst s1;
	(tag) =	ssettag s2;
	_ =	strace s9  }
0x27: {  	s1 =	sld [smem:$0x3FAB]  }
0x28: {  	s2 =	sld [smem:$0x3FAC]  }
0x29: {  	s4 =	sld [smem:$0x3FAE]  }
0x2a: {  	p0 =	seq.s32 s5, $0x0;
	s5 =	sld [smem:$0x3FAF]  }
0x2b: {  	s6 =	sld [smem:$0x3FB0]  }
0x2c: {  	s7 =	sld [smem:$0x3FB1]  }
0x2d: {  	s3 =	simm.s32 $0x108;
	s8 =	sld [smem:$0x3FB2]  }
0x2e: {  	s3 =	simm.s32 @!p0 $0x1082;
	s9 =	sld [smem:$0x3FB3]  }
0x2f: {  	lr =	sadd.s32 s0, s3;
	s0 =	sld [smem:$0x3FAA]  }
0x30: {  	s3 =	sld [smem:$0x3FAD]  }
0x31: {  	[smem:$0x3FB6] =	sst s10  }
0x32: {  	s10 =	sld [smem:$0x3FB4];
	_ =	sdelay $0x3  }
0x33: {  	p0 =	seq.s32 s10, $0x1;
	s10 =	sld [smem:$0x3FB6];
	_ =	sdelay $0x3  }
0x34: {  	[smem:$0x3FB6] =	sst s10  }
0x35: {  	s10 =	sld [smem:$0x3FB5];
	_ =	sdelay $0x3  }
0x36: {  	p1 =	seq.s32 s10, $0x1;
	s10 =	sld [smem:$0x3FB6];
	_ =	sdelay $0x3  }
0x37: {  	[smem:$0x3FB6] =	sst s10  }
0x38: {  	s10 =	sld [smem:$0x3FB7]  }
0x39: {  	_ = 	snop;
	(pc) =	sbr.ind lr, $3  }
0x3a: {  	_ = 	snop  }
0x3b: {  	_ = 	snop  }
0x3c: {  	p2 =	seq.s32 s10, $0x1;
	s10 =	sld [smem:$0x3FB6]  }
0x3d: {  	_ =	shalt  }
0x3e: {  	_ =	shalt  }
0x3f: {  	_ =	shalt  }
0x40: {  	_ =	shalt  }
0x41: {  	_ =	shalt  }
0x42: {  	_ =	shalt  }
0x43: {  	_ =	shalt  }
0x44: {  	_ =	shalt  }
0x45: {  	_ =	shalt  }
0x46: {  	_ =	shalt  }
0x47: {  	_ =	shalt  }
0x48: {  	_ =	shalt  }
0x49: {  	_ =	shalt  }
0x4a: {  	_ =	shalt  }
0x4b: {  	_ =	shalt  }
0x4c: {  	_ =	shalt  }
0x4d: {  	_ =	shalt  }
0x4e: {  	_ =	shalt  }
0x4f: {  	_ =	shalt  }
0x50: {  	_ =	shalt  }
0x51: {  	_ =	shalt  }
0x52: {  	_ =	shalt  }
0x53: {  	_ =	shalt  }
0x54: {  	_ =	shalt  }
0x55: {  	_ =	shalt  }
0x56: {  	_ =	shalt  }
0x57: {  	_ =	shalt  }
0x58: {  	_ =	shalt  }
0x59: {  	_ =	shalt  }
0x5a: {  	_ =	shalt  }
0x5b: {  	_ =	shalt  }
0x5c: {  	_ =	shalt  }
0x5d: {  	_ =	shalt  }
0x5e: {  	_ =	shalt  }
0x5f: {  	_ =	shalt  }
0x60: {  	_ =	shalt  }
0x61: {  	_ =	shalt  }
0x62: {  	_ =	shalt  }
0x63: {  	_ =	shalt  }
0x64: {  	_ =	shalt  }
0x65: {  	_ =	shalt  }
0x66: {  	_ =	shalt  }
0x67: {  	_ =	shalt  }
0x68: {  	_ =	shalt  }
0x69: {  	_ =	shalt  }
0x6a: {  	_ =	shalt  }
0x6b: {  	_ =	shalt  }
0x6c: {  	_ =	shalt  }
0x6d: {  	_ =	shalt  }
0x6e: {  	_ =	shalt  }
0x6f: {  	_ =	shalt  }
0x70: {  	_ =	shalt  }
0x71: {  	_ =	shalt  }
0x72: {  	_ =	shalt  }
0x73: {  	_ =	shalt  }
0x74: {  	_ =	shalt  }
0x75: {  	_ =	shalt  }
0x76: {  	_ =	shalt  }
0x77: {  	_ =	shalt  }
0x78: {  	_ =	shalt  }
0x79: {  	_ =	shalt  }
0x7a: {  	_ =	shalt  }
0x7b: {  	_ =	shalt  }
0x7c: {  	_ =	shalt  }
0x7d: {  	_ =	shalt  }
0x7e: {  	_ =	shalt  }
0x7f: {  	_ =	shalt  }
0x80: {  	_ =	shalt  }
0x81: {  	_ =	shalt  }
0x82: {  	_ =	shalt  }
0x83: {  	_ =	shalt  }
0x84: {  	_ =	shalt  }
0x85: {  	_ =	shalt  }
0x86: {  	_ =	shalt  }
0x87: {  	_ =	shalt  }
.Lfunc_end0:
.L_simem_size_0:
called_computation.1_lowered:
.L_overlay_start_0:
0x88: {  	s2 =	sld [smem:$0x3FD9]  }
0x89: {  	s3 =	sld [smem:$0x3FFE];
	_ =	sdelay $0x1  }
0x8a: {  	s1 =	srdreg.scid  }
0x8b: {  	s0 =	sand.u32 $0x1, s1  }
0x8c: {  	s17 =	sshll.u32 s0, $0xA;
	s2 =	sadd.s32 s3, s2  }
0x8d: {  	s2 =	sadd.s32 s2, s17  }
0x8e: {  	[smem:$0x3FC2] =	sst s2  }
0x8f: {  	_ = 	snop  }
0x90: {  	s2 =	sld [smem:$0x3FD0];
	(tm) =	ssettm $0x1  }
0x91: {  	s18 =	sld [smem:$0x3FFB];
	_ =	sdelay $0x3  }
0x92: {  	_ =	strace s18  }
0x93: {  	s3 =	sld [smem:$0x3FFC];
	_ =	sdelay $0x3  }
0x94: {  	_ =	strace s3  }
0x95: {  	s3 =	sld [smem:$0x3FFD];
	_ =	sdelay $0x3  }
0x96: {  	_ =	strace s3  }
0x97: {  	_ =	strace $0x8FFFFFFF  }
0x98: {  	s19 =	sld [smem:$0x3FDB];
	_ =	sdelay $0x1  }
0x99: {  	s4 =	simm.s32 $_scs_section_size  }
0x9a: {  	s5 =	simm.s32 $_size__tile_overlayer_lowered;
	s6 =	simm.s32 $_tile_overlayer_lowered  }
0x9b: {  	s22 =	simm.s32 $0x1BFF;
	s21 =	sshll.u32 s6, $0x1;
	s3 =	sadd.s32 s4, s19  }
0x9c: {  	s7 =	simm.s32 $0x0;
	s20 =	sshll.u32 s5, $0x1;
	s5 =	sadd.s32 s21, s3  }
0x9d: {  	[timem:s7], [sflag:s22] =	dma.local [hbm:s5], s20  }
0x9e: {  	_ =	swait.ge [sflag:s22], s20  }
0x9f: {  	s4 =	ssub.s32 $0x0, s20;
	[sflag:s22] =	ssyncset.done $0x0  }
0xa0: {  	[sflag:s22] =	ssyncadd.s32 s4;
	_ =	sdelay $0x1  }
0xa1: {  	s23 =	simm.s32 $0x1B8B  }
0xa2: {  	_ =	swait.ge [sflag:s23], $0x1  }
0xa3: {  	[sflag:s23] =	ssyncset.done $0x0  }
0xa4: {  	s25 =	simm.s32 $0x1B8E;
	s24 =	sld [smem:$0x3FFE];
	[sflag:s23] =	ssyncadd.s32 $0xFFFFFFFF  }
0xa5: {  	s26 =	simm.s32 $execute0_lowered;
	[smem:$0x3FD2] =	sst s25  }
0xa6: {  	s5 =	sshll.u32 s26, $0x1;
	_ =	strace $0x80000049;
	[dreg:$0x1] =	wrdreg $0xFFFFFFFF  }
0xa7: {  	s28 =	simm.s32 $_size_execute0_lowered;
	s3 =	sadd.s32 s3, s5;
	[dreg:$0x0] =	wrdreg $0x0  }
0xa8: {  	s5 =	sshll.u32 s28, $0x1;
	[dreg:$0x2] =	wrdreg s3  }
0xa9: {  	[dreg:$0x3] =	wrdreg s5  }
0xaa: {  	[dreg:$0x4] =	wrdreg $0xC0  }
0xab: {  	_ =	task [dreg:s7], $0x5FFFF  }
0xac: {  	[dreg:$0x1] =	wrdreg $0xFFFFFFFF  }
0xad: {  	[dreg:$0x0] =	wrdreg $0x60  }
0xae: {  	[dreg:$0x2] =	wrdreg s24  }
0xaf: {  	[dreg:$0x3] =	wrdreg s2  }
0xb0: {  	[dreg:$0x4] =	wrdreg $0x114000  }
0xb1: {  	[dreg:$0x5] =	wrdreg $0x9  }
0xb2: {  	_ =	task.clear_ibuf [dreg:s7], $0x6FFFF;
	_ =	strace $0x90000049  }
0xb3: {  	s29 =	simm.s32 $0x9;
	_ =	strace $0x8000004B  }
0xb4: {  	_ =	swait.ge [sflag:s29], $0x1  }
0xb5: {  	[sflag:s29] =	ssyncadd.s32 $0xFFFFFFFF  }
0xb6: {  	_ =	strace $0x9000004B  }
0xb7: {  	_ =	sfence  }
0xb8: {  	s30 =	sld [smem:$0x0];
	_ =	sdelay $0x2  }
0xb9: {  	s31 =	sshll.u32 s1, $0xD;
	s1 =	sshrl.u32 s1, $0x2  }
0xba: {  	s3 =	sand.u32 $0x4000, s31;
	s1 =	sadd.s32 s1, s30  }
0xbb: {  	s0 =	sor.u32 s3, s0;
	s1 =	sshll.u32 s1, $0x11  }
0xbc: {  	s0 =	sor.u32 s1, s0  }
0xbd: {  	s0 =	sadd.s32 $0x8F2B, s0  }
0xbe: {  	[sflag:s0] =	ssyncadd.remote.s32 $0x1  }
0xbf: {  	_ =	sfence.sel $0xFFFF  }
0xc0: {  	[dreg:$0x0] =	wrdreg $0xFFFFFFFF;
	(pc) =	sbr.abs _section_cstart, $3  }
0xc1: {  	[dreg:$0x1] =	wrdreg $0xFFFFFFFF  }
0xc2: {  	_ =	task.clear_ibuf [dreg:s7], $0x2FFFF;
	_ =	strace $0x9FFFFFFF  }
0xc3: {  	(tm) =	ssettm $0x7FFFFFFF  }
tec
execute0_lowered:
.L_overlay_start_1:
0x0: {  	(tag) =	ssettag $0x1  }
0x1: {  	s0 =	rddreg [dreg:$0x0]  }
0x2: {  	s2 =	rddreg [dreg:$0x1]  }
0x3: {  	s3 =	rddreg [dreg:$0x2];
	s4 =	simm.s32 $0x0;
	s16 =	stileid.u32  }
0x4: {  	s1 =	srdreg.scid;
	s28 =	simm.s32 $0x3;
	s29 =	simm.s32 $0x400  }
0x5: {  	s30 =	simm.s32 $0x1000;
	[smem:$0x7FF] =	sst s4;
	s8 =	smul.u32 $0xC400, s16  }
0x6: {  	s9 =	sadd.s32 $0xC6400, s0;
	s10 =	sadd.s32 $0x2E00, s0;
	s11 =	sadd.s32 $0x2AF000, s0  }
0x7: {  	s1 =	sand.u32 $0x1, s1;
	s12 =	sadd.s32 $0x1EBA00, s0;
	s5 =	sadd.s32 $0x189A00, s0  }
0x8: {  	s14 =	smul.u32 $0x186, s16;
	s24 =	smin.u32 s16, $0xA;
	p0 =	slt.u32 s16, $0xA  }
0x9: {  	_ =	strace $0x8000004A;
	s6 =	smul.u32 $0xC4000, s1;
	s13 =	ssub.s32 $0x2, s1  }
0xa: {  	s7 =	sshrl.u32 s8, $0x3;
	s23 =	sshrl.u32 s13, $0x1;
	s25 =	sadd.s32 s24, s14  }
0xb: {  	s6 =	sadd.s32 s8, s6;
	s7 =	sadd.s32 s7, s0;
	s15 =	ssub.s32 s13, s23  }
0xc: {  	s8 =	sadd.s32 s8, s3;
	s26 =	sshll.u32 s25, $0x7;
	s6 =	sshrl.u32 s6, $0x3  }
0xd: {  	s31 =	sadd.s32 s11, s26;
	s13 =	sadd.s32 s10, s26;
	s14 =	sadd.s32 s12, s26  }
0xe: {  	s17 =	sadd.s32 s9, s26;
	s18 =	sadd.s32 $0x80, s26;
	[dreg:$0x8] =	wrdreg s31  }
0xf: {  	s22 =	sadd.s32 $0x100, s26;
	s23 =	sadd.s32 $0x180, s26;
	[dreg:$0x9] =	wrdreg s13  }
0x10: {  	s0 =	sadd.s32 s6, s0;
	s6 =	sadd.s32 $0x1D3200, s7;
	[dreg:$0xa] =	wrdreg s14  }
0x11: {  	s7 =	simm.s32 $0x187;
	[dreg:$0xb] =	wrdreg s17;
	s14 =	smax.u32 s15, $0x1  }
0x12: {  	s19 =	sadd.s32 s11, s18;
	s20 =	sadd.s32 s10, s18;
	s21 =	sadd.s32 s12, s18  }
0x13: {  	s24 =	sadd.s32 s22, s10;
	s10 =	sadd.s32 s23, s10;
	[dreg:$0xc] =	wrdreg s19  }
0x14: {  	s25 =	sadd.s32 s22, s11;
	s26 =	sadd.s32 s22, s9;
	[dreg:$0xd] =	wrdreg s20  }
0x15: {  	s11 =	sadd.s32 s23, s11;
	s15 =	simm.s32 $0x2;
	[dreg:$0xe] =	wrdreg s21  }
0x16: {  	s7 =	simm.s32 @!p0 $0x186;
	p0 =	seq.s32 s1, $0x1;
	[dreg:$0x5] =	wrdreg s24  }
0x17: {  	s13 =	sadd.s32 $0x372600, s0;
	s1 =	sadd.s32 s9, s18;
	[dreg:$0x4] =	wrdreg s25  }
0x18: {  	s10 =	sadd.s32 $0xFFFFFF80, s10;
	[dreg:$0x7] =	wrdreg s26;
	s11 =	sadd.s32 $0xFFFFFF80, s11  }
0x19: {  	s9 =	sadd.s32 s23, s9;
	s0 =	sadd.s32 s22, s12;
	s24 =	simm.s32 $0x5000  }
0x1a: {  	s25 =	simm.s32 $0x4;
	s26 =	simm.s32 $0x800;
	[dreg:$0xf] =	wrdreg s1  }
.Ltmp0:
0x1b: {  	s20 =	simm.s32 $0x0;
	[dreg:$0x10] =	wrdreg s10;
	(pc) =	sbr.rel .LBB2_1-.Ltmp0, $4  }
0x1c: {  	s31 =	sshll.u32 s7, $0x7;
	[dreg:$0x11] =	wrdreg s11;
	s9 =	sadd.s32 $0xFFFFFF80, s9  }
0x1d: {  	s1 =	sadd.s32 s23, s12;
	[dreg:$0x6] =	wrdreg s0;
	s0 =	simm.s32 $0x1  }
0x1e: {  	s12 =	simm.s32 $0x2C00;
	[dreg:$0x12] =	wrdreg s9;
	s1 =	sadd.s32 $0xFFFFFF80, s1  }
0x1f: {  	s21 =	sadd.s32 $0xFFFFFF00, s31;
	[dreg:$0x13] =	wrdreg s1;
	s1 =	simm.s32 $0x80  }
.LBB2_4:
0x20: {  	[spmem:s3] =	stream.indirect.scatter.add.f32 [tilespmem:s19], [sflag:$0x2], $0x8, s23, s1, $0xb8;
	[tilespmem:$0x1D800] =	vst v63  }
0x21: {  	s9 =	sadd.s32 $0x2C00, s16;
	s10 =	sor.u32 $0xB80, s17  }
0x22: {  	[spmem:s3] =	stream.indirect.scatter.add.f32 [tilespmem:s9], [sflag:$0x2], $0x8, s10, s1, $0xb8;
	[tilespmem:$0x1D800] =	vst v63  }
0x23: {  	_ =	swait.ge [sflag:s28], $0x400  }
0x24: {  	[sflag:s28] =	ssyncset.done $0x0  }
0x25: {  	[sflag:s28] =	ssyncadd.s32 $0xFFFFFC00  }
0x26: {  	s23 =	sand.u32 $0x1, s31;
	p1 =	sge.u32 s18, s7;
	_ =	swait.ge [sflag:s28], $0x400  }
0x27: {  	s10 =	sshll.u32 s23, $0xD;
	s9 =	sshll.u32 s23, $0xA;
	[sflag:s28] =	ssyncset.done $0x0  }
0x28: {  	s11 =	sor.u32 $0x1000, s10;
	s17 =	rddreg [dreg:$0x11];
	[sflag:s28] =	ssyncadd.s32 $0xFFFFFC00  }
0x29: {  	[tilespmem:s11], [sflag:$0x1] =	stream.indirect.gather [hbm4b:s2+s29], $0x8, s9, s29, $0xb8;
	[tilespmem:$0x1D800] =	vst v63  }
0x2a: {  	s18 =	simm.s32 @!p1 $0x0;
	s16 =	sxor.u32 @!p1 $0x400, s9;
	s17 =	sadd.s32 @!p1 s22, s17  }
0x2b: {  	[tilespmem:s16], [sflag:$0x3] =	stream.linear.gather @!p1 [hbm4b:s17+s18], $0x400, $0x38;
	[tilespmem:$0x1D800] =	vst v63  }
0x2c: {  	s17 =	rddreg [dreg:$0x10]  }
0x2d: {  	s16 =	sor.u32 @!p1 $0x800, s16;
	s17 =	sadd.s32 @!p1 s22, s17  }
0x2e: {  	[tilespmem:s16], [sflag:$0x3] =	stream.linear.gather @!p1 [hbm4b:s17+s18], $0x400, $0x38;
	[tilespmem:$0x1D800] =	vst v63  }
0x2f: {  	_ =	swait.ge [sflag:s15], $0x400  }
0x30: {  	[sflag:s15] =	ssyncset.done $0x0  }
0x31: {  	[sflag:s15] =	ssyncadd.s32 $0xFFFFFC00  }
0x32: {  	_ =	swait.ge [sflag:s15], $0x400  }
0x33: {  	[sflag:s15] =	ssyncset.done $0x0  }
0x34: {  	[sflag:s15] =	ssyncadd.s32 $0xFFFFFC00  }
0x35: {  	_ =	swait.ge [sflag:s15], $0x400  }
0x36: {  	[sflag:s15] =	ssyncset.done $0x0  }
0x37: {  	[sflag:s15] =	ssyncadd.s32 $0xFFFFFC00  }
0x38: {  	_ =	swait.ge [sflag:s15], $0x400  }
0x39: {  	[sflag:s15] =	ssyncset.done $0x0  }
0x3a: {  	[sflag:s15] =	ssyncadd.s32 $0xFFFFFC00  }
0x3b: {  	_ =	swait.ge [sflag:s15], $0x400  }
0x3c: {  	[sflag:s15] =	ssyncset.done $0x0  }
0x3d: {  	[sflag:s15] =	ssyncadd.s32 $0xFFFFFC00  }
0x3e: {  	_ =	swait.ge [sflag:s15], $0x400  }
0x3f: {  	[sflag:s15] =	ssyncset.done $0x0  }
0x40: {  	[sflag:s15] =	ssyncadd.s32 $0xFFFFFC00  }
0x41: {  	_ =	swait.ge [sflag:s15], $0x400  }
0x42: {  	[sflag:s15] =	ssyncset.done $0x0  }
0x43: {  	[sflag:s15] =	ssyncadd.s32 $0xFFFFFC00  }
0x44: {  	_ =	swait.ge [sflag:s15], $0x400  }
0x45: {  	[sflag:s15] =	ssyncset.done $0x0  }
0x46: {  	[sflag:s15] =	ssyncadd.s32 $0xFFFFFC00  }
0x47: {  	_ =	swait.ge [sflag:s0], $0x2000  }
0x48: {  	[sflag:s0] =	ssyncset.done $0x0  }
0x49: {  	s31 =	sor.u32 $0x800, s9;
	[sflag:s0] =	ssyncadd.s32 $0xFFFFE000  }
0x4a: {  	[spmem:s3] =	stream.indirect.scatter.add.f32 [tilespmem:s11], [sflag:$0x2], $0x8, s31, s1, $0xb8;
	[tilespmem:$0x1D800] =	vst v63  }
0x4b: {  	s17 =	sadd.s32 $0x1400, s10;
	s18 =	sadd.s32 $0x880, s9  }
0x4c: {  	[spmem:s3] =	stream.indirect.scatter.add.f32 [tilespmem:s17], [sflag:$0x2], $0x8, s18, s1, $0xb8;
	[tilespmem:$0x1D800] =	vst v63  }
0x4d: {  	s19 =	sadd.s32 $0x1800, s10;
	s22 =	sadd.s32 $0x900, s9  }
0x4e: {  	[spmem:s3] =	stream.indirect.scatter.add.f32 [tilespmem:s19], [sflag:$0x2], $0x8, s22, s1, $0xb8;
	[tilespmem:$0x1D800] =	vst v63  }
0x4f: {  	s23 =	sadd.s32 $0x1C00, s10;
	s31 =	sadd.s32 $0x980, s9  }
0x50: {  	[spmem:s3] =	stream.indirect.scatter.add.f32 [tilespmem:s23], [sflag:$0x2], $0x8, s31, s1, $0xb8;
	[tilespmem:$0x1D800] =	vst v63  }
0x51: {  	s17 =	sadd.s32 $0x2000, s10;
	s18 =	sadd.s32 $0xA00, s9  }
0x52: {  	[spmem:s3] =	stream.indirect.scatter.add.f32 [tilespmem:s17], [sflag:$0x2], $0x8, s18, s1, $0xb8;
	[tilespmem:$0x1D800] =	vst v63  }
0x53: {  	s19 =	sadd.s32 $0x2400, s10;
	s22 =	sadd.s32 $0xA80, s9  }
0x54: {  	[spmem:s3] =	stream.indirect.scatter.add.f32 [tilespmem:s19], [sflag:$0x2], $0x8, s22, s1, $0xb8;
	[tilespmem:$0x1D800] =	vst v63  }
0x55: {  	s23 =	sadd.s32 $0x2800, s10;
	s31 =	sadd.s32 $0xB00, s9  }
0x56: {  	[spmem:s3] =	stream.indirect.scatter.add.f32 [tilespmem:s23], [sflag:$0x2], $0x8, s31, s1, $0xb8;
	[tilespmem:$0x1D800] =	vst v63  }
0x57: {  	s10 =	sadd.s32 $0x2C00, s10;
	s9 =	sadd.s32 $0xB80, s9  }
0x58: {  	[spmem:s3] =	stream.indirect.scatter.add.f32 [tilespmem:s10], [sflag:$0x2], $0x8, s9, s1, $0xb8;
	[tilespmem:$0x1D800] =	vst v63  }
.LBB2_8:
0x59: {  	_ =	swait.ge [sflag:s15], $0x400  }
0x5a: {  	[sflag:s15] =	ssyncset.done $0x0  }
0x5b: {  	[sflag:s15] =	ssyncadd.s32 $0xFFFFFC00  }
0x5c: {  	_ =	swait.ge [sflag:s15], $0x400  }
0x5d: {  	[sflag:s15] =	ssyncset.done $0x0  }
0x5e: {  	[sflag:s15] =	ssyncadd.s32 $0xFFFFFC00  }
0x5f: {  	_ =	swait.ge [sflag:s15], $0x400  }
0x60: {  	[sflag:s15] =	ssyncset.done $0x0  }
0x61: {  	[sflag:s15] =	ssyncadd.s32 $0xFFFFFC00  }
0x62: {  	_ =	swait.ge [sflag:s15], $0x400  }
0x63: {  	[sflag:s15] =	ssyncset.done $0x0  }
0x64: {  	[sflag:s15] =	ssyncadd.s32 $0xFFFFFC00  }
0x65: {  	_ =	swait.ge [sflag:s15], $0x400  }
0x66: {  	[sflag:s15] =	ssyncset.done $0x0  }
0x67: {  	[sflag:s15] =	ssyncadd.s32 $0xFFFFFC00  }
0x68: {  	_ =	swait.ge [sflag:s15], $0x400  }
0x69: {  	[sflag:s15] =	ssyncset.done $0x0  }
0x6a: {  	[sflag:s15] =	ssyncadd.s32 $0xFFFFFC00  }
0x6b: {  	_ =	swait.ge [sflag:s15], $0x400  }
0x6c: {  	[sflag:s15] =	ssyncset.done $0x0  }
0x6d: {  	[sflag:s15] =	ssyncadd.s32 $0xFFFFFC00  }
0x6e: {  	_ =	swait.ge [sflag:s15], $0x400  }
0x6f: {  	[sflag:s15] =	ssyncset.done $0x0  }
0x70: {  	[sflag:s15] =	ssyncadd.s32 $0xFFFFFC00  }
0x71: {  	[bflag:$0x0] =	sbarrier.arrive $0xFFFF  }
0x72: {  	[tilespmem:s24], [sflag:$0x4] =	stream.linear.gather [spmem:s8], $0xC400, $0x38;
	[tilespmem:$0x1D800] =	vst v63  }
0x73: {  	s20 =	sadd.s32 $0x1, s20;
	_ =	swait.ge [sflag:s25], $0xC400  }
0x74: {  	p1 =	sne.s32 s20, s14;
	[sflag:s25] =	ssyncset.done $0x0  }
.Ltmp1:
0x75: {  	[sflag:s25] =	ssyncadd.s32 $0xFFFF3C00;
	(pc) =	sbr.rel @!p1 .LBB2_9-.Ltmp1, $4  }
0x76: {  	[hbm4b:s13+s4] =	stream.linear.scatter [tilespmem:s24], [sflag:$0x4], $0xC400, $0x38;
	[tilespmem:$0x1D800] =	vst v63  }
0x77: {  	_ =	swait.ge [sflag:s25], $0xC400  }
0x78: {  	[sflag:s25] =	ssyncset.done $0x0  }
0x79: {  	[sflag:s25] =	ssyncadd.s32 $0xFFFF3C00  }
.LBB2_1:
0x7a: {  	[tilespmem:s24], [sflag:$0x4] =	stream.linear.gather [hbm4b:s6+s4], $0xC400, $0x38;
	[tilespmem:$0x1D800] =	vst v63  }
0x7b: {  	_ =	swait.ge [sflag:s25], $0xC400  }
0x7c: {  	[sflag:s25] =	ssyncset.done $0x0  }
0x7d: {  	[sflag:s25] =	ssyncadd.s32 $0xFFFF3C00  }
0x7e: {  	[spmem:s8] =	stream.linear.scatter [tilespmem:s24], [sflag:$0x4], $0xC400, $0x38;
	[tilespmem:$0x1D800] =	vst v63  }
.Ltmp2:
0x7f: {  	_ =	swait.ge [sflag:s25], $0xC400;
	(pc) =	sbr.rel @!p0 .LBB2_2-.Ltmp2, $3  }
0x80: {  	[sflag:s25] =	ssyncset.done $0x0  }
0x81: {  	[sflag:s25] =	ssyncadd.s32 $0xFFFF3C00  }
0x82: {  	[bflag:$0x0] =	sbarrier.arrive $0xFFFF;
	_ =	sdelay $0x1  }
0x83: {  	s9 =	simm.s32 $0x0;
	s10 =	rddreg [dreg:$0xa]  }
0x84: {  	[tilespmem:s9], [sflag:$0x3] =	stream.linear.gather [hbm4b:s10+s9], $0x400, $0x38;
	[tilespmem:$0x1D800] =	vst v63  }
0x85: {  	s17 =	rddreg [dreg:$0xb]  }
0x86: {  	[tilespmem:s26], [sflag:$0x3] =	stream.linear.gather [hbm4b:s17+s9], $0x400, $0x38;
	[tilespmem:$0x1D800] =	vst v63  }
0x87: {  	_ =	swait.ge [sflag:s28], $0x400  }
0x88: {  	[sflag:s28] =	ssyncset.done $0x0  }
0x89: {  	[sflag:s28] =	ssyncadd.s32 $0xFFFFFC00  }
0x8a: {  	_ =	swait.ge [sflag:s28], $0x400  }
0x8b: {  	[sflag:s28] =	ssyncset.done $0x0  }
0x8c: {  	[sflag:s28] =	ssyncadd.s32 $0xFFFFFC00  }
0x8d: {  	[tilespmem:s30], [sflag:$0x1] =	stream.indirect.gather [hbm4b:s5+s29], $0x8, s9, s29, $0xb8;
	[tilespmem:$0x1D800] =	vst v63  }
0x8e: {  	s18 =	rddreg [dreg:$0xe]  }
0x8f: {  	[tilespmem:s29], [sflag:$0x3] =	stream.linear.gather [hbm4b:s18+s9], $0x400, $0x38;
	[tilespmem:$0x1D800] =	vst v63  }
0x90: {  	s11 =	simm.s32 $0xC00;
	s19 =	rddreg [dreg:$0xf]  }
0x91: {  	[tilespmem:s11], [sflag:$0x3] =	stream.linear.gather [hbm4b:s19+s9], $0x400, $0x38;
	[tilespmem:$0x1D800] =	vst v63  }
0x92: {  	_ =	swait.ge [sflag:s0], $0x2000  }
0x93: {  	[sflag:s0] =	ssyncset.done $0x0  }
0x94: {  	[sflag:s0] =	ssyncadd.s32 $0xFFFFE000  }
0x95: {  	[spmem:s3] =	stream.indirect.scatter.add.f32 [tilespmem:s30], [sflag:$0x2], $0x8, s26, s1, $0xb8;
	[tilespmem:$0x1D800] =	vst v63  }
0x96: {  	s22 =	simm.s32 $0x880;
	s23 =	simm.s32 $0x1400  }
0x97: {  	[spmem:s3] =	stream.indirect.scatter.add.f32 [tilespmem:s23], [sflag:$0x2], $0x8, s22, s1, $0xb8;
	[tilespmem:$0x1D800] =	vst v63  }
0x98: {  	s10 =	simm.s32 $0x900;
	s11 =	simm.s32 $0x1800  }
0x99: {  	[spmem:s3] =	stream.indirect.scatter.add.f32 [tilespmem:s11], [sflag:$0x2], $0x8, s10, s1, $0xb8;
	[tilespmem:$0x1D800] =	vst v63  }
0x9a: {  	s16 =	simm.s32 $0x980;
	s17 =	simm.s32 $0x1C00  }
0x9b: {  	[spmem:s3] =	stream.indirect.scatter.add.f32 [tilespmem:s17], [sflag:$0x2], $0x8, s16, s1, $0xb8;
	[tilespmem:$0x1D800] =	vst v63  }
0x9c: {  	s18 =	simm.s32 $0xA00;
	s19 =	simm.s32 $0x2000  }
0x9d: {  	[spmem:s3] =	stream.indirect.scatter.add.f32 [tilespmem:s19], [sflag:$0x2], $0x8, s18, s1, $0xb8;
	[tilespmem:$0x1D800] =	vst v63  }
0x9e: {  	s22 =	simm.s32 $0xA80;
	s23 =	simm.s32 $0x2400  }
0x9f: {  	[spmem:s3] =	stream.indirect.scatter.add.f32 [tilespmem:s23], [sflag:$0x2], $0x8, s22, s1, $0xb8;
	[tilespmem:$0x1D800] =	vst v63  }
0xa0: {  	s11 =	simm.s32 $0xB00;
	s16 =	simm.s32 $0x2800  }
0xa1: {  	[spmem:s3] =	stream.indirect.scatter.add.f32 [tilespmem:s16], [sflag:$0x2], $0x8, s11, s1, $0xb8;
	[tilespmem:$0x1D800] =	vst v63  }
0xa2: {  	s17 =	simm.s32 $0xB80  }
0xa3: {  	[spmem:s3] =	stream.indirect.scatter.add.f32 [tilespmem:s12], [sflag:$0x2], $0x8, s17, s1, $0xb8;
	[tilespmem:$0x1D800] =	vst v63  }
0xa4: {  	_ =	swait.ge [sflag:s28], $0x400  }
0xa5: {  	s18 =	simm.s32 $0x1;
	[sflag:s28] =	ssyncset.done $0x0  }
0xa6: {  	s9 =	sand.u32 $0x1, s18;
	[sflag:s28] =	ssyncadd.s32 $0xFFFFFC00  }
0xa7: {  	s16 =	sshll.u32 s9, $0xD;
	_ =	swait.ge [sflag:s28], $0x400  }
0xa8: {  	s10 =	sor.u32 $0x1000, s16;
	[sflag:s28] =	ssyncset.done $0x0  }
0xa9: {  	s17 =	sshll.u32 s9, $0xA;
	s19 =	rddreg [dreg:$0x6];
	[sflag:s28] =	ssyncadd.s32 $0xFFFFFC00  }
0xaa: {  	[tilespmem:s10], [sflag:$0x1] =	stream.indirect.gather [hbm4b:s5+s29], $0x8, s17, s29, $0xb8;
	[tilespmem:$0x1D800] =	vst v63  }
0xab: {  	s18 =	sxor.u32 $0x400, s17;
	s22 =	rddreg [dreg:$0x7];
	s11 =	sadd.s32 $0x0, s19  }
0xac: {  	[tilespmem:s18], [sflag:$0x3] =	stream.linear.gather [hbm4b:s11+s4], $0x400, $0x38;
	[tilespmem:$0x1D800] =	vst v63  }
0xad: {  	s23 =	sor.u32 $0x800, s18;
	s9 =	sadd.s32 $0x0, s22  }
0xae: {  	[tilespmem:s23], [sflag:$0x3] =	stream.linear.gather [hbm4b:s9+s4], $0x400, $0x38;
	[tilespmem:$0x1D800] =	vst v63  }
0xaf: {  	_ =	swait.ge [sflag:s15], $0x400  }
0xb0: {  	[sflag:s15] =	ssyncset.done $0x0  }
0xb1: {  	[sflag:s15] =	ssyncadd.s32 $0xFFFFFC00  }
0xb2: {  	_ =	swait.ge [sflag:s15], $0x400  }
0xb3: {  	[sflag:s15] =	ssyncset.done $0x0  }
0xb4: {  	[sflag:s15] =	ssyncadd.s32 $0xFFFFFC00  }
0xb5: {  	_ =	swait.ge [sflag:s15], $0x400  }
0xb6: {  	[sflag:s15] =	ssyncset.done $0x0  }
0xb7: {  	[sflag:s15] =	ssyncadd.s32 $0xFFFFFC00  }
0xb8: {  	_ =	swait.ge [sflag:s15], $0x400  }
0xb9: {  	[sflag:s15] =	ssyncset.done $0x0  }
0xba: {  	[sflag:s15] =	ssyncadd.s32 $0xFFFFFC00  }
0xbb: {  	_ =	swait.ge [sflag:s15], $0x400  }
0xbc: {  	[sflag:s15] =	ssyncset.done $0x0  }
0xbd: {  	[sflag:s15] =	ssyncadd.s32 $0xFFFFFC00  }
0xbe: {  	_ =	swait.ge [sflag:s15], $0x400  }
0xbf: {  	[sflag:s15] =	ssyncset.done $0x0  }
0xc0: {  	[sflag:s15] =	ssyncadd.s32 $0xFFFFFC00  }
0xc1: {  	_ =	swait.ge [sflag:s15], $0x400  }
0xc2: {  	[sflag:s15] =	ssyncset.done $0x0  }
0xc3: {  	[sflag:s15] =	ssyncadd.s32 $0xFFFFFC00  }
0xc4: {  	_ =	swait.ge [sflag:s15], $0x400  }
0xc5: {  	[sflag:s15] =	ssyncset.done $0x0  }
0xc6: {  	[sflag:s15] =	ssyncadd.s32 $0xFFFFFC00  }
0xc7: {  	_ =	swait.ge [sflag:s0], $0x2000  }
0xc8: {  	[sflag:s0] =	ssyncset.done $0x0  }
0xc9: {  	s11 =	sor.u32 $0x800, s17;
	[sflag:s0] =	ssyncadd.s32 $0xFFFFE000  }
0xca: {  	[spmem:s3] =	stream.indirect.scatter.add.f32 [tilespmem:s10], [sflag:$0x2], $0x8, s11, s1, $0xb8;
	[tilespmem:$0x1D800] =	vst v63  }
0xcb: {  	s19 =	sor.u32 $0x880, s17;
	s18 =	sor.u32 $0x1400, s16  }
0xcc: {  	[spmem:s3] =	stream.indirect.scatter.add.f32 [tilespmem:s18], [sflag:$0x2], $0x8, s19, s1, $0xb8;
	[tilespmem:$0x1D800] =	vst v63  }
0xcd: {  	s31 =	simm.s32 $0x2;
	s22 =	sor.u32 $0x1800, s16;
	s23 =	sor.u32 $0x900, s17  }
0xce: {  	[spmem:s3] =	stream.indirect.scatter.add.f32 [tilespmem:s22], [sflag:$0x2], $0x8, s23, s1, $0xb8;
	[tilespmem:$0x1D800] =	vst v63  }
0xcf: {  	p1 =	sne.s32 s21, $0x80;
	s10 =	sor.u32 $0x1C00, s16;
	s11 =	sor.u32 $0x980, s17  }
0xd0: {  	[spmem:s3] =	stream.indirect.scatter.add.f32 [tilespmem:s10], [sflag:$0x2], $0x8, s11, s1, $0xb8;
	[tilespmem:$0x1D800] =	vst v63  }
.Ltmp3:
0xd1: {  	s18 =	sadd.s32 $0x2000, s16;
	s19 =	sor.u32 $0xA00, s17;
	(pc) =	sbr.rel @!p1 .LBB2_7-.Ltmp3, $4  }
0xd2: {  	[spmem:s3] =	stream.indirect.scatter.add.f32 [tilespmem:s18], [sflag:$0x2], $0x8, s19, s1, $0xb8;
	[tilespmem:$0x1D800] =	vst v63  }
0xd3: {  	s22 =	sadd.s32 $0x2400, s16;
	s23 =	sor.u32 $0xA80, s17;
	s19 =	sadd.s32 $0x2800, s16  }
0xd4: {  	[spmem:s3] =	stream.indirect.scatter.add.f32 [tilespmem:s22], [sflag:$0x2], $0x8, s23, s1, $0xb8;
	[tilespmem:$0x1D800] =	vst v63  }
0xd5: {  	s18 =	simm.s32 $0x3;
	s22 =	simm.s32 $0x80;
	s23 =	sor.u32 $0xB00, s17  }
.LBB2_6:
0xd6: {  	[spmem:s3] =	stream.indirect.scatter.add.f32 [tilespmem:s19], [sflag:$0x2], $0x8, s23, s1, $0xb8;
	[tilespmem:$0x1D800] =	vst v63  }
0xd7: {  	s9 =	sadd.s32 $0x2C00, s16;
	s10 =	sor.u32 $0xB80, s17  }
0xd8: {  	[spmem:s3] =	stream.indirect.scatter.add.f32 [tilespmem:s9], [sflag:$0x2], $0x8, s10, s1, $0xb8;
	[tilespmem:$0x1D800] =	vst v63  }
0xd9: {  	_ =	swait.ge [sflag:s28], $0x400  }
0xda: {  	[sflag:s28] =	ssyncset.done $0x0  }
0xdb: {  	s23 =	sadd.s32 $0xFFFFFFFF, s18;
	[sflag:s28] =	ssyncadd.s32 $0xFFFFFC00  }
0xdc: {  	s11 =	smov.u32 s22;
	s9 =	sand.u32 $0x1, s23;
	_ =	swait.ge [sflag:s28], $0x400  }
0xdd: {  	s16 =	sshll.u32 s9, $0xD;
	s17 =	sshll.u32 s9, $0xA;
	[sflag:s28] =	ssyncset.done $0x0  }
0xde: {  	s19 =	sor.u32 $0x1000, s16;
	s9 =	rddreg [dreg:$0x6];
	[sflag:s28] =	ssyncadd.s32 $0xFFFFFC00  }
0xdf: {  	[tilespmem:s19], [sflag:$0x1] =	stream.indirect.gather [hbm4b:s5+s29], $0x8, s17, s29, $0xb8;
	[tilespmem:$0x1D800] =	vst v63  }
0xe0: {  	s10 =	sxor.u32 $0x400, s17;
	s23 =	rddreg [dreg:$0x7];
	s9 =	sadd.s32 s11, s9  }
0xe1: {  	[tilespmem:s10], [sflag:$0x3] =	stream.linear.gather [hbm4b:s9+s4], $0x400, $0x38;
	[tilespmem:$0x1D800] =	vst v63  }
0xe2: {  	s11 =	sadd.s32 s11, s23;
	s10 =	sor.u32 $0x800, s10  }
0xe3: {  	[tilespmem:s10], [sflag:$0x3] =	stream.linear.gather [hbm4b:s11+s4], $0x400, $0x38;
	[tilespmem:$0x1D800] =	vst v63  }
0xe4: {  	_ =	swait.ge [sflag:s15], $0x400  }
0xe5: {  	[sflag:s15] =	ssyncset.done $0x0  }
0xe6: {  	[sflag:s15] =	ssyncadd.s32 $0xFFFFFC00  }
0xe7: {  	_ =	swait.ge [sflag:s15], $0x400  }
0xe8: {  	[sflag:s15] =	ssyncset.done $0x0  }
0xe9: {  	[sflag:s15] =	ssyncadd.s32 $0xFFFFFC00  }
0xea: {  	_ =	swait.ge [sflag:s15], $0x400  }
0xeb: {  	[sflag:s15] =	ssyncset.done $0x0  }
0xec: {  	[sflag:s15] =	ssyncadd.s32 $0xFFFFFC00  }
0xed: {  	_ =	swait.ge [sflag:s15], $0x400  }
0xee: {  	[sflag:s15] =	ssyncset.done $0x0  }
0xef: {  	[sflag:s15] =	ssyncadd.s32 $0xFFFFFC00  }
0xf0: {  	_ =	swait.ge [sflag:s15], $0x400  }
0xf1: {  	[sflag:s15] =	ssyncset.done $0x0  }
0xf2: {  	[sflag:s15] =	ssyncadd.s32 $0xFFFFFC00  }
0xf3: {  	_ =	swait.ge [sflag:s15], $0x400  }
0xf4: {  	[sflag:s15] =	ssyncset.done $0x0  }
0xf5: {  	[sflag:s15] =	ssyncadd.s32 $0xFFFFFC00  }
0xf6: {  	_ =	swait.ge [sflag:s15], $0x400  }
0xf7: {  	[sflag:s15] =	ssyncset.done $0x0  }
0xf8: {  	[sflag:s15] =	ssyncadd.s32 $0xFFFFFC00  }
0xf9: {  	_ =	swait.ge [sflag:s15], $0x400  }
0xfa: {  	[sflag:s15] =	ssyncset.done $0x0  }
0xfb: {  	[sflag:s15] =	ssyncadd.s32 $0xFFFFFC00  }
0xfc: {  	_ =	swait.ge [sflag:s0], $0x2000  }
0xfd: {  	[sflag:s0] =	ssyncset.done $0x0  }
0xfe: {  	s23 =	sor.u32 $0x800, s17;
	[sflag:s0] =	ssyncadd.s32 $0xFFFFE000  }
0xff: {  	[spmem:s3] =	stream.indirect.scatter.add.f32 [tilespmem:s19], [sflag:$0x2], $0x8, s23, s1, $0xb8;
	[tilespmem:$0x1D800] =	vst v63  }
0x100: {  	s11 =	sor.u32 $0x1400, s16;
	s19 =	sor.u32 $0x880, s17  }
0x101: {  	[spmem:s3] =	stream.indirect.scatter.add.f32 [tilespmem:s11], [sflag:$0x2], $0x8, s19, s1, $0xb8;
	[tilespmem:$0x1D800] =	vst v63  }
0x102: {  	s22 =	sadd.s32 $0x80, s22;
	s10 =	sor.u32 $0x1800, s16;
	s23 =	sor.u32 $0x900, s17  }
0x103: {  	[spmem:s3] =	stream.indirect.scatter.add.f32 [tilespmem:s10], [sflag:$0x2], $0x8, s23, s1, $0xb8;
	[tilespmem:$0x1D800] =	vst v63  }
0x104: {  	p1 =	sne.s32 s21, s22;
	s9 =	sor.u32 $0x1C00, s16;
	s11 =	sor.u32 $0x980, s17  }
0x105: {  	[spmem:s3] =	stream.indirect.scatter.add.f32 [tilespmem:s9], [sflag:$0x2], $0x8, s11, s1, $0xb8;
	[tilespmem:$0x1D800] =	vst v63  }
.Ltmp4:
0x106: {  	s31 =	smov.u32 s18;
	s18 =	sadd.s32 $0x1, s18;
	(pc) =	sbr.rel @p1 .LBB2_6-.Ltmp4, $4  }
0x107: {  	s19 =	sadd.s32 $0x2000, s16;
	s23 =	sor.u32 $0xA00, s17;
	s9 =	sadd.s32 $0x2400, s16  }
0x108: {  	[spmem:s3] =	stream.indirect.scatter.add.f32 [tilespmem:s19], [sflag:$0x2], $0x8, s23, s1, $0xb8;
	[tilespmem:$0x1D800] =	vst v63  }
0x109: {  	s11 =	sor.u32 $0xA80, s17;
	s19 =	sadd.s32 $0x2800, s16;
	s23 =	sor.u32 $0xB00, s17  }
0x10a: {  	[spmem:s3] =	stream.indirect.scatter.add.f32 [tilespmem:s9], [sflag:$0x2], $0x8, s11, s1, $0xb8;
	[tilespmem:$0x1D800] =	vst v63  }
.LBB2_7:
0x10b: {  	[spmem:s3] =	stream.indirect.scatter.add.f32 [tilespmem:s19], [sflag:$0x2], $0x8, s23, s1, $0xb8;
	[tilespmem:$0x1D800] =	vst v63  }
0x10c: {  	s9 =	sadd.s32 $0x2C00, s16;
	s10 =	sor.u32 $0xB80, s17  }
0x10d: {  	[spmem:s3] =	stream.indirect.scatter.add.f32 [tilespmem:s9], [sflag:$0x2], $0x8, s10, s1, $0xb8;
	[tilespmem:$0x1D800] =	vst v63  }
0x10e: {  	_ =	swait.ge [sflag:s28], $0x400  }
0x10f: {  	[sflag:s28] =	ssyncset.done $0x0  }
0x110: {  	[sflag:s28] =	ssyncadd.s32 $0xFFFFFC00  }
0x111: {  	s23 =	sand.u32 $0x1, s31;
	p1 =	sge.u32 s18, s7;
	_ =	swait.ge [sflag:s28], $0x400  }
0x112: {  	s10 =	sshll.u32 s23, $0xD;
	s9 =	sshll.u32 s23, $0xA;
	[sflag:s28] =	ssyncset.done $0x0  }
0x113: {  	s11 =	sor.u32 $0x1000, s10;
	s17 =	rddreg [dreg:$0x13];
	[sflag:s28] =	ssyncadd.s32 $0xFFFFFC00  }
0x114: {  	[tilespmem:s11], [sflag:$0x1] =	stream.indirect.gather [hbm4b:s5+s29], $0x8, s9, s29, $0xb8;
	[tilespmem:$0x1D800] =	vst v63  }
0x115: {  	s18 =	simm.s32 @!p1 $0x0;
	s16 =	sxor.u32 @!p1 $0x400, s9;
	s17 =	sadd.s32 @!p1 s22, s17  }
0x116: {  	[tilespmem:s16], [sflag:$0x3] =	stream.linear.gather @!p1 [hbm4b:s17+s18], $0x400, $0x38;
	[tilespmem:$0x1D800] =	vst v63  }
0x117: {  	s17 =	rddreg [dreg:$0x12]  }
0x118: {  	s16 =	sor.u32 @!p1 $0x800, s16;
	s17 =	sadd.s32 @!p1 s22, s17  }
0x119: {  	[tilespmem:s16], [sflag:$0x3] =	stream.linear.gather @!p1 [hbm4b:s17+s18], $0x400, $0x38;
	[tilespmem:$0x1D800] =	vst v63  }
0x11a: {  	_ =	swait.ge [sflag:s15], $0x400  }
0x11b: {  	[sflag:s15] =	ssyncset.done $0x0  }
0x11c: {  	[sflag:s15] =	ssyncadd.s32 $0xFFFFFC00  }
0x11d: {  	_ =	swait.ge [sflag:s15], $0x400  }
0x11e: {  	[sflag:s15] =	ssyncset.done $0x0  }
0x11f: {  	[sflag:s15] =	ssyncadd.s32 $0xFFFFFC00  }
0x120: {  	_ =	swait.ge [sflag:s15], $0x400  }
0x121: {  	[sflag:s15] =	ssyncset.done $0x0  }
0x122: {  	[sflag:s15] =	ssyncadd.s32 $0xFFFFFC00  }
0x123: {  	_ =	swait.ge [sflag:s15], $0x400  }
0x124: {  	[sflag:s15] =	ssyncset.done $0x0  }
0x125: {  	[sflag:s15] =	ssyncadd.s32 $0xFFFFFC00  }
0x126: {  	_ =	swait.ge [sflag:s15], $0x400  }
0x127: {  	[sflag:s15] =	ssyncset.done $0x0  }
0x128: {  	[sflag:s15] =	ssyncadd.s32 $0xFFFFFC00  }
0x129: {  	_ =	swait.ge [sflag:s15], $0x400  }
0x12a: {  	[sflag:s15] =	ssyncset.done $0x0  }
0x12b: {  	[sflag:s15] =	ssyncadd.s32 $0xFFFFFC00  }
0x12c: {  	_ =	swait.ge [sflag:s15], $0x400  }
0x12d: {  	[sflag:s15] =	ssyncset.done $0x0  }
0x12e: {  	[sflag:s15] =	ssyncadd.s32 $0xFFFFFC00  }
0x12f: {  	_ =	swait.ge [sflag:s15], $0x400  }
0x130: {  	[sflag:s15] =	ssyncset.done $0x0  }
0x131: {  	[sflag:s15] =	ssyncadd.s32 $0xFFFFFC00  }
0x132: {  	_ =	swait.ge [sflag:s0], $0x2000  }
0x133: {  	[sflag:s0] =	ssyncset.done $0x0  }
0x134: {  	s31 =	sor.u32 $0x800, s9;
	[sflag:s0] =	ssyncadd.s32 $0xFFFFE000  }
0x135: {  	[spmem:s3] =	stream.indirect.scatter.add.f32 [tilespmem:s11], [sflag:$0x2], $0x8, s31, s1, $0xb8;
	[tilespmem:$0x1D800] =	vst v63  }
0x136: {  	s17 =	sadd.s32 $0x1400, s10;
	s18 =	sadd.s32 $0x880, s9  }
0x137: {  	[spmem:s3] =	stream.indirect.scatter.add.f32 [tilespmem:s17], [sflag:$0x2], $0x8, s18, s1, $0xb8;
	[tilespmem:$0x1D800] =	vst v63  }
0x138: {  	s19 =	sadd.s32 $0x1800, s10;
	s22 =	sadd.s32 $0x900, s9  }
0x139: {  	[spmem:s3] =	stream.indirect.scatter.add.f32 [tilespmem:s19], [sflag:$0x2], $0x8, s22, s1, $0xb8;
	[tilespmem:$0x1D800] =	vst v63  }
0x13a: {  	s23 =	sadd.s32 $0x1C00, s10;
	s31 =	sadd.s32 $0x980, s9  }
0x13b: {  	[spmem:s3] =	stream.indirect.scatter.add.f32 [tilespmem:s23], [sflag:$0x2], $0x8, s31, s1, $0xb8;
	[tilespmem:$0x1D800] =	vst v63  }
0x13c: {  	s17 =	sadd.s32 $0x2000, s10;
	s18 =	sadd.s32 $0xA00, s9  }
0x13d: {  	[spmem:s3] =	stream.indirect.scatter.add.f32 [tilespmem:s17], [sflag:$0x2], $0x8, s18, s1, $0xb8;
	[tilespmem:$0x1D800] =	vst v63  }
0x13e: {  	s19 =	sadd.s32 $0x2400, s10;
	s22 =	sadd.s32 $0xA80, s9  }
0x13f: {  	[spmem:s3] =	stream.indirect.scatter.add.f32 [tilespmem:s19], [sflag:$0x2], $0x8, s22, s1, $0xb8;
	[tilespmem:$0x1D800] =	vst v63  }
.Ltmp5:
0x140: {  	_ = 	snop;
	(pc) =	sbr.rel .LBB2_8-.Ltmp5, $4  }
0x141: {  	s23 =	sadd.s32 $0x2800, s10;
	s31 =	sadd.s32 $0xB00, s9  }
0x142: {  	[spmem:s3] =	stream.indirect.scatter.add.f32 [tilespmem:s23], [sflag:$0x2], $0x8, s31, s1, $0xb8;
	[tilespmem:$0x1D800] =	vst v63  }
0x143: {  	s10 =	sadd.s32 $0x2C00, s10;
	s9 =	sadd.s32 $0xB80, s9  }
0x144: {  	[spmem:s3] =	stream.indirect.scatter.add.f32 [tilespmem:s10], [sflag:$0x2], $0x8, s9, s1, $0xb8;
	[tilespmem:$0x1D800] =	vst v63  }
.LBB2_2:
0x145: {  	s16 =	simm.s32 $0x0;
	s9 =	rddreg [dreg:$0x8]  }
0x146: {  	[tilespmem:s16], [sflag:$0x3] =	stream.linear.gather [hbm4b:s9+s16], $0x400, $0x38;
	[tilespmem:$0x1D800] =	vst v63  }
0x147: {  	s19 =	rddreg [dreg:$0x9]  }
0x148: {  	[tilespmem:s26], [sflag:$0x3] =	stream.linear.gather [hbm4b:s19+s16], $0x400, $0x38;
	[tilespmem:$0x1D800] =	vst v63  }
0x149: {  	_ =	swait.ge [sflag:s28], $0x400  }
0x14a: {  	[sflag:s28] =	ssyncset.done $0x0  }
0x14b: {  	[sflag:s28] =	ssyncadd.s32 $0xFFFFFC00  }
0x14c: {  	_ =	swait.ge [sflag:s28], $0x400  }
0x14d: {  	[sflag:s28] =	ssyncset.done $0x0  }
0x14e: {  	[sflag:s28] =	ssyncadd.s32 $0xFFFFFC00  }
0x14f: {  	[tilespmem:s30], [sflag:$0x1] =	stream.indirect.gather [hbm4b:s2+s29], $0x8, s16, s29, $0xb8;
	[tilespmem:$0x1D800] =	vst v63  }
0x150: {  	s22 =	rddreg [dreg:$0xc]  }
0x151: {  	[tilespmem:s29], [sflag:$0x3] =	stream.linear.gather [hbm4b:s22+s16], $0x400, $0x38;
	[tilespmem:$0x1D800] =	vst v63  }
0x152: {  	s10 =	simm.s32 $0xC00;
	s23 =	rddreg [dreg:$0xd]  }
0x153: {  	[tilespmem:s10], [sflag:$0x3] =	stream.linear.gather [hbm4b:s23+s16], $0x400, $0x38;
	[tilespmem:$0x1D800] =	vst v63  }
0x154: {  	_ =	swait.ge [sflag:s0], $0x2000  }
0x155: {  	[sflag:s0] =	ssyncset.done $0x0  }
0x156: {  	[sflag:s0] =	ssyncadd.s32 $0xFFFFE000  }
0x157: {  	[spmem:s3] =	stream.indirect.scatter.add.f32 [tilespmem:s30], [sflag:$0x2], $0x8, s26, s1, $0xb8;
	[tilespmem:$0x1D800] =	vst v63  }
0x158: {  	s11 =	simm.s32 $0x1400;
	s10 =	simm.s32 $0x880  }
0x159: {  	[spmem:s3] =	stream.indirect.scatter.add.f32 [tilespmem:s11], [sflag:$0x2], $0x8, s10, s1, $0xb8;
	[tilespmem:$0x1D800] =	vst v63  }
0x15a: {  	s17 =	simm.s32 $0x1800;
	s16 =	simm.s32 $0x900  }
0x15b: {  	[spmem:s3] =	stream.indirect.scatter.add.f32 [tilespmem:s17], [sflag:$0x2], $0x8, s16, s1, $0xb8;
	[tilespmem:$0x1D800] =	vst v63  }
0x15c: {  	s18 =	simm.s32 $0x980;
	s19 =	simm.s32 $0x1C00  }
0x15d: {  	[spmem:s3] =	stream.indirect.scatter.add.f32 [tilespmem:s19], [sflag:$0x2], $0x8, s18, s1, $0xb8;
	[tilespmem:$0x1D800] =	vst v63  }
0x15e: {  	s22 =	simm.s32 $0xA00;
	s23 =	simm.s32 $0x2000  }
0x15f: {  	[spmem:s3] =	stream.indirect.scatter.add.f32 [tilespmem:s23], [sflag:$0x2], $0x8, s22, s1, $0xb8;
	[tilespmem:$0x1D800] =	vst v63  }
0x160: {  	s11 =	simm.s32 $0xA80;
	s16 =	simm.s32 $0x2400  }
0x161: {  	[spmem:s3] =	stream.indirect.scatter.add.f32 [tilespmem:s16], [sflag:$0x2], $0x8, s11, s1, $0xb8;
	[tilespmem:$0x1D800] =	vst v63  }
0x162: {  	s17 =	simm.s32 $0xB00;
	s18 =	simm.s32 $0x2800  }
0x163: {  	[spmem:s3] =	stream.indirect.scatter.add.f32 [tilespmem:s18], [sflag:$0x2], $0x8, s17, s1, $0xb8;
	[tilespmem:$0x1D800] =	vst v63  }
0x164: {  	s19 =	simm.s32 $0xB80  }
0x165: {  	[spmem:s3] =	stream.indirect.scatter.add.f32 [tilespmem:s12], [sflag:$0x2], $0x8, s19, s1, $0xb8;
	[tilespmem:$0x1D800] =	vst v63  }
0x166: {  	_ =	swait.ge [sflag:s28], $0x400  }
0x167: {  	[sflag:s28] =	ssyncset.done $0x0  }
0x168: {  	s22 =	simm.s32 $0x1;
	[sflag:s28] =	ssyncadd.s32 $0xFFFFFC00  }
0x169: {  	s17 =	sand.u32 $0x1, s22;
	_ =	swait.ge [sflag:s28], $0x400  }
0x16a: {  	s16 =	sshll.u32 s17, $0xD;
	s17 =	sshll.u32 s17, $0xA;
	[sflag:s28] =	ssyncset.done $0x0  }
0x16b: {  	s18 =	sor.u32 $0x1000, s16;
	s19 =	rddreg [dreg:$0x4];
	[sflag:s28] =	ssyncadd.s32 $0xFFFFFC00  }
0x16c: {  	[tilespmem:s18], [sflag:$0x1] =	stream.indirect.gather [hbm4b:s2+s29], $0x8, s17, s29, $0xb8;
	[tilespmem:$0x1D800] =	vst v63  }
0x16d: {  	s23 =	sxor.u32 $0x400, s17;
	s22 =	rddreg [dreg:$0x5];
	s19 =	sadd.s32 $0x0, s19  }
0x16e: {  	[tilespmem:s23], [sflag:$0x3] =	stream.linear.gather [hbm4b:s19+s4], $0x400, $0x38;
	[tilespmem:$0x1D800] =	vst v63  }
0x16f: {  	s22 =	sadd.s32 $0x0, s22;
	s23 =	sor.u32 $0x800, s23  }
0x170: {  	[tilespmem:s23], [sflag:$0x3] =	stream.linear.gather [hbm4b:s22+s4], $0x400, $0x38;
	[tilespmem:$0x1D800] =	vst v63  }
0x171: {  	_ =	swait.ge [sflag:s15], $0x400  }
0x172: {  	[sflag:s15] =	ssyncset.done $0x0  }
0x173: {  	[sflag:s15] =	ssyncadd.s32 $0xFFFFFC00  }
0x174: {  	_ =	swait.ge [sflag:s15], $0x400  }
0x175: {  	[sflag:s15] =	ssyncset.done $0x0  }
0x176: {  	[sflag:s15] =	ssyncadd.s32 $0xFFFFFC00  }
0x177: {  	_ =	swait.ge [sflag:s15], $0x400  }
0x178: {  	[sflag:s15] =	ssyncset.done $0x0  }
0x179: {  	[sflag:s15] =	ssyncadd.s32 $0xFFFFFC00  }
0x17a: {  	_ =	swait.ge [sflag:s15], $0x400  }
0x17b: {  	[sflag:s15] =	ssyncset.done $0x0  }
0x17c: {  	[sflag:s15] =	ssyncadd.s32 $0xFFFFFC00  }
0x17d: {  	_ =	swait.ge [sflag:s15], $0x400  }
0x17e: {  	[sflag:s15] =	ssyncset.done $0x0  }
0x17f: {  	[sflag:s15] =	ssyncadd.s32 $0xFFFFFC00  }
0x180: {  	_ =	swait.ge [sflag:s15], $0x400  }
0x181: {  	[sflag:s15] =	ssyncset.done $0x0  }
0x182: {  	[sflag:s15] =	ssyncadd.s32 $0xFFFFFC00  }
0x183: {  	_ =	swait.ge [sflag:s15], $0x400  }
0x184: {  	[sflag:s15] =	ssyncset.done $0x0  }
0x185: {  	[sflag:s15] =	ssyncadd.s32 $0xFFFFFC00  }
0x186: {  	_ =	swait.ge [sflag:s15], $0x400  }
0x187: {  	[sflag:s15] =	ssyncset.done $0x0  }
0x188: {  	[sflag:s15] =	ssyncadd.s32 $0xFFFFFC00  }
0x189: {  	_ =	swait.ge [sflag:s0], $0x2000  }
0x18a: {  	[sflag:s0] =	ssyncset.done $0x0  }
0x18b: {  	s9 =	sor.u32 $0x800, s17;
	[sflag:s0] =	ssyncadd.s32 $0xFFFFE000  }
0x18c: {  	[spmem:s3] =	stream.indirect.scatter.add.f32 [tilespmem:s18], [sflag:$0x2], $0x8, s9, s1, $0xb8;
	[tilespmem:$0x1D800] =	vst v63  }
0x18d: {  	s10 =	sor.u32 $0x1400, s16;
	s11 =	sor.u32 $0x880, s17  }
0x18e: {  	[spmem:s3] =	stream.indirect.scatter.add.f32 [tilespmem:s10], [sflag:$0x2], $0x8, s11, s1, $0xb8;
	[tilespmem:$0x1D800] =	vst v63  }
0x18f: {  	s31 =	simm.s32 $0x2;
	s19 =	sor.u32 $0x1800, s16;
	s22 =	sor.u32 $0x900, s17  }
0x190: {  	[spmem:s3] =	stream.indirect.scatter.add.f32 [tilespmem:s19], [sflag:$0x2], $0x8, s22, s1, $0xb8;
	[tilespmem:$0x1D800] =	vst v63  }
0x191: {  	p1 =	seq.s32 s21, $0x80;
	s23 =	sor.u32 $0x1C00, s16;
	s9 =	sor.u32 $0x980, s17  }
0x192: {  	[spmem:s3] =	stream.indirect.scatter.add.f32 [tilespmem:s23], [sflag:$0x2], $0x8, s9, s1, $0xb8;
	[tilespmem:$0x1D800] =	vst v63  }
.Ltmp6:
0x193: {  	s10 =	sadd.s32 $0x2000, s16;
	s11 =	sor.u32 $0xA00, s17;
	(pc) =	sbr.rel @p1 .LBB2_4-.Ltmp6, $4  }
0x194: {  	[spmem:s3] =	stream.indirect.scatter.add.f32 [tilespmem:s10], [sflag:$0x2], $0x8, s11, s1, $0xb8;
	[tilespmem:$0x1D800] =	vst v63  }
0x195: {  	s18 =	simm.s32 $0x3;
	s22 =	sadd.s32 $0x2400, s16;
	s23 =	sor.u32 $0xA80, s17  }
0x196: {  	[spmem:s3] =	stream.indirect.scatter.add.f32 [tilespmem:s22], [sflag:$0x2], $0x8, s23, s1, $0xb8;
	[tilespmem:$0x1D800] =	vst v63  }
0x197: {  	s19 =	sadd.s32 $0x2800, s16;
	s22 =	simm.s32 $0x80;
	s23 =	sor.u32 $0xB00, s17  }
.LBB2_3:
0x198: {  	[spmem:s3] =	stream.indirect.scatter.add.f32 [tilespmem:s19], [sflag:$0x2], $0x8, s23, s1, $0xb8;
	[tilespmem:$0x1D800] =	vst v63  }
0x199: {  	s16 =	sadd.s32 $0x2C00, s16;
	s17 =	sor.u32 $0xB80, s17  }
0x19a: {  	[spmem:s3] =	stream.indirect.scatter.add.f32 [tilespmem:s16], [sflag:$0x2], $0x8, s17, s1, $0xb8;
	[tilespmem:$0x1D800] =	vst v63  }
0x19b: {  	_ =	swait.ge [sflag:s28], $0x400  }
0x19c: {  	[sflag:s28] =	ssyncset.done $0x0  }
0x19d: {  	s10 =	sadd.s32 $0xFFFFFFFF, s18;
	[sflag:s28] =	ssyncadd.s32 $0xFFFFFC00  }
0x19e: {  	s9 =	smov.u32 s22;
	s11 =	sand.u32 $0x1, s10;
	_ =	swait.ge [sflag:s28], $0x400  }
0x19f: {  	s16 =	sshll.u32 s11, $0xD;
	s17 =	sshll.u32 s11, $0xA;
	[sflag:s28] =	ssyncset.done $0x0  }
0x1a0: {  	s19 =	sor.u32 $0x1000, s16;
	s23 =	rddreg [dreg:$0x4];
	[sflag:s28] =	ssyncadd.s32 $0xFFFFFC00  }
0x1a1: {  	[tilespmem:s19], [sflag:$0x1] =	stream.indirect.gather [hbm4b:s2+s29], $0x8, s17, s29, $0xb8;
	[tilespmem:$0x1D800] =	vst v63  }
0x1a2: {  	s10 =	sxor.u32 $0x400, s17;
	s11 =	rddreg [dreg:$0x5];
	s23 =	sadd.s32 s9, s23  }
0x1a3: {  	[tilespmem:s10], [sflag:$0x3] =	stream.linear.gather [hbm4b:s23+s4], $0x400, $0x38;
	[tilespmem:$0x1D800] =	vst v63  }
0x1a4: {  	s9 =	sadd.s32 s9, s11;
	s10 =	sor.u32 $0x800, s10  }
0x1a5: {  	[tilespmem:s10], [sflag:$0x3] =	stream.linear.gather [hbm4b:s9+s4], $0x400, $0x38;
	[tilespmem:$0x1D800] =	vst v63  }
0x1a6: {  	_ =	swait.ge [sflag:s15], $0x400  }
0x1a7: {  	[sflag:s15] =	ssyncset.done $0x0  }
0x1a8: {  	[sflag:s15] =	ssyncadd.s32 $0xFFFFFC00  }
0x1a9: {  	_ =	swait.ge [sflag:s15], $0x400  }
0x1aa: {  	[sflag:s15] =	ssyncset.done $0x0  }
0x1ab: {  	[sflag:s15] =	ssyncadd.s32 $0xFFFFFC00  }
0x1ac: {  	_ =	swait.ge [sflag:s15], $0x400  }
0x1ad: {  	[sflag:s15] =	ssyncset.done $0x0  }
0x1ae: {  	[sflag:s15] =	ssyncadd.s32 $0xFFFFFC00  }
0x1af: {  	_ =	swait.ge [sflag:s15], $0x400  }
0x1b0: {  	[sflag:s15] =	ssyncset.done $0x0  }
0x1b1: {  	[sflag:s15] =	ssyncadd.s32 $0xFFFFFC00  }
0x1b2: {  	_ =	swait.ge [sflag:s15], $0x400  }
0x1b3: {  	[sflag:s15] =	ssyncset.done $0x0  }
0x1b4: {  	[sflag:s15] =	ssyncadd.s32 $0xFFFFFC00  }
0x1b5: {  	_ =	swait.ge [sflag:s15], $0x400  }
0x1b6: {  	[sflag:s15] =	ssyncset.done $0x0  }
0x1b7: {  	[sflag:s15] =	ssyncadd.s32 $0xFFFFFC00  }
0x1b8: {  	_ =	swait.ge [sflag:s15], $0x400  }
0x1b9: {  	[sflag:s15] =	ssyncset.done $0x0  }
0x1ba: {  	[sflag:s15] =	ssyncadd.s32 $0xFFFFFC00  }
0x1bb: {  	_ =	swait.ge [sflag:s15], $0x400  }
0x1bc: {  	[sflag:s15] =	ssyncset.done $0x0  }
0x1bd: {  	[sflag:s15] =	ssyncadd.s32 $0xFFFFFC00  }
0x1be: {  	_ =	swait.ge [sflag:s0], $0x2000  }
0x1bf: {  	[sflag:s0] =	ssyncset.done $0x0  }
0x1c0: {  	s23 =	sor.u32 $0x800, s17;
	[sflag:s0] =	ssyncadd.s32 $0xFFFFE000  }
0x1c1: {  	[spmem:s3] =	stream.indirect.scatter.add.f32 [tilespmem:s19], [sflag:$0x2], $0x8, s23, s1, $0xb8;
	[tilespmem:$0x1D800] =	vst v63  }
0x1c2: {  	s11 =	sor.u32 $0x1400, s16;
	s19 =	sor.u32 $0x880, s17  }
0x1c3: {  	[spmem:s3] =	stream.indirect.scatter.add.f32 [tilespmem:s11], [sflag:$0x2], $0x8, s19, s1, $0xb8;
	[tilespmem:$0x1D800] =	vst v63  }
0x1c4: {  	s22 =	sadd.s32 $0x80, s22;
	s10 =	sor.u32 $0x1800, s16;
	s23 =	sor.u32 $0x900, s17  }
0x1c5: {  	[spmem:s3] =	stream.indirect.scatter.add.f32 [tilespmem:s10], [sflag:$0x2], $0x8, s23, s1, $0xb8;
	[tilespmem:$0x1D800] =	vst v63  }
0x1c6: {  	p1 =	seq.s32 s21, s22;
	s9 =	sor.u32 $0x1C00, s16;
	s11 =	sor.u32 $0x980, s17  }
0x1c7: {  	[spmem:s3] =	stream.indirect.scatter.add.f32 [tilespmem:s9], [sflag:$0x2], $0x8, s11, s1, $0xb8;
	[tilespmem:$0x1D800] =	vst v63  }
.Ltmp7:
0x1c8: {  	s31 =	smov.u32 s18;
	s18 =	sadd.s32 $0x1, s18;
	(pc) =	sbr.rel @!p1 .LBB2_3-.Ltmp7, $4  }
0x1c9: {  	s19 =	sadd.s32 $0x2000, s16;
	s23 =	sor.u32 $0xA00, s17;
	s9 =	sadd.s32 $0x2400, s16  }
0x1ca: {  	[spmem:s3] =	stream.indirect.scatter.add.f32 [tilespmem:s19], [sflag:$0x2], $0x8, s23, s1, $0xb8;
	[tilespmem:$0x1D800] =	vst v63  }
0x1cb: {  	s11 =	sor.u32 $0xA80, s17;
	s19 =	sadd.s32 $0x2800, s16;
	s23 =	sor.u32 $0xB00, s17  }
0x1cc: {  	[spmem:s3] =	stream.indirect.scatter.add.f32 [tilespmem:s9], [sflag:$0x2], $0x8, s11, s1, $0xb8;
	[tilespmem:$0x1D800] =	vst v63  }
.Ltmp8:
0x1cd: {  	_ = 	snop;
	(pc) =	sbr.rel .LBB2_4-.Ltmp8, $1  }
0x1ce: {  	_ =	sdelay $0x3  }
.LBB2_9:
0x1cf: {  	_ =	sfence.sel $0x180000  }
0x1d0: {  	[bflag:$0x0] =	sbarrier.arrive $0xFFFF  }
0x1d1: {  	_ =	strace $0x9000004A  }
0x1d2: {  	s0 =	stileid.u32;
	[bflag:$0x2] =	sbarrier.arrive $0xFFFF  }
0x1d3: {  	p0 =	sne.s32 s0, $0x0;
	s0 =	rddreg [dreg:$0x3]  }
0x1d4: {  	s0 =	sadd.s32 @!p0 $0x100000, s0  }
0x1d5: {  	[sflag:s0] =	ssyncadd.tile.s32 @!p0 $0x1;
	_ =	shalt  }
.Lfunc_end2:
_tile_overlayer_lowered:
.L_overlay_start_2:
0x1d6: {  	(tag) =	ssettag $0x2  }
0x1d7: {  	s0 =	rddreg [dreg:$0x0];
	s2 =	stileid.u32  }
0x1d8: {  	s1 =	rddreg [dreg:$0x1];
	p0 =	sne.s32 s2, $0x0  }
0x1d9: {  	s3 =	rddreg [dreg:$0x2];
	[bflag:$0x3] =	sbarrier.arrive $0xFFFF;
	s2 =	simm.s32 @!p0 $0x1C04  }
0x1da: {  	[timem:s3], [sflag:s2] =	dma.local @!p0 [hbm:s0], s1  }
0x1db: {  	s0 =	simm.s32 @!p0 $0x4  }
0x1dc: {  	_ =	swait.ge @!p0 [sflag:s0], s1  }
0x1dd: {  	s1 =	ssub.s32 @!p0 $0x0, s1;
	[sflag:s0] =	ssyncset.done @!p0 $0x0  }
0x1de: {  	[sflag:s0] =	ssyncadd.s32 @!p0 s1  }
0x1df: {  	[bflag:$0x3] =	sbarrier.arrive $0xFFFF  }
0x1e0: {  	_ =	shalt  }

// kernel: kernel.7.cloned.1.call-start
scs
__scs_entry_jumppad:
0x0: {  	(pc) =	sbr.rel $0x88, $3  }
0x1: {  	(tag) =	ssettag $0x0;
	lr =	simm.s32 $0x1  }
0x2: {  	[smem:$0x3F9B] =	sst lr;
	_ =	strace $0xD0000000  }
0x3: {  	_ = 	snop  }
0x4: {  	_ = 	snop  }
0x5: {  	_ = 	snop  }
0x6: {  	_ = 	snop  }
0x7: {  	_ = 	snop  }
__scs_overlays_trampoline_lowered:
0x8: {  	[smem:$0x3FAA] =	sst s0  }
0x9: {  	[smem:$0x3FAB] =	sst s1  }
0xa: {  	[smem:$0x3FAC] =	sst s2  }
0xb: {  	[smem:$0x3FAD] =	sst s3  }
0xc: {  	[smem:$0x3FAE] =	sst s4  }
0xd: {  	[smem:$0x3FAF] =	sst s5  }
0xe: {  	[smem:$0x3FB0] =	sst s6  }
0xf: {  	[smem:$0x3FB1] =	sst s7  }
0x10: {  	[smem:$0x3FB2] =	sst s8  }
0x11: {  	[smem:$0x3FB3] =	sst s9;
	s0 =	simm.s32 @!p0 $0x0  }
0x12: {  	s1 =	sld [smem:$0x3F99];
	s0 =	simm.s32 @p0 $0x1  }
0x13: {  	[smem:$0x3FB4] =	sst s0;
	s0 =	simm.s32 @!p1 $0x0  }
0x14: {  	s2 =	sld [smem:$0x3F98];
	s0 =	simm.s32 @p1 $0x1  }
0x15: {  	[smem:$0x3FB5] =	sst s0;
	s0 =	simm.s32 @!p2 $0x0  }
0x16: {  	s3 =	sld [smem:$0x3FDB];
	s0 =	simm.s32 @p2 $0x1  }
0x17: {  	s4 =	simm.s32 $0x1BF5;
	[smem:$0x3FB7] =	sst s0  }
0x18: {  	s0 =	sld [smem:$0x3F9A];
	_ =	swait.ge [sflag:s4], $0x0  }
0x19: {  	s7 =	sld [smem:$0x3F9B]  }
0x1a: {  	s8 =	sadd.s32 $0xFFFFE003, lr  }
0x1b: {  	s9 =	sadd.s32 $0xFFFFFEF7, lr;
	s5 =	simm.s32 $0xFFFFFFFF;
	p2 =	slt.u32 s8, $0xFFFFF086  }
0x1c: {  	p1 =	slt.u32 s9, $0xF7A;
	s5 =	simm.s32 @!p2 $0x0  }
0x1d: {  	s5 =	simm.s32 @p1 $0x1;
	p0 =	seq.s32 s7, s2  }
0x1e: {  	s7 =	smul.u32 @!p0 $0xF7A, s2;
	p2 =	seq.s32 @!p0 s5, $0x0  }
0x1f: {  	s9 =	smul.u32 $0xF7A, s1;
	s8 =	simm.s32 @!p0 $0x1BF5;
	p2 =	por !p2, p0  }
0x20: {  	[sflag:s8] =	ssyncset.s32 @!p0 $0xFFFFF086;
	s6 =	sadd.s32 @!p0 s3, s7;
	s7 =	simm.s32 @!p0 $0x108  }
0x21: {  	s3 =	sadd.s32 s3, s9;
	s6 =	sadd.s32 @!p0 $0x88, s6;
	s7 =	simm.s32 @p2 $0x1082  }
0x22: {  	[simem:s7], [sflag:s8] =	dma.local @!p0 [hbm:s6], $0xF7A  }
0x23: {  	s9 =	sor.u32 $0xD0000000, s2;
	s6 =	simm.s32 $0x108;
	_ =	swait.ge @!p0 [sflag:s8], $0x0  }
0x24: {  	s3 =	sadd.s32 $0x88, s3;
	s6 =	simm.s32 @!p1 $0x1082;
	[sflag:s4] =	ssyncset.s32 $0xFFFFF086  }
0x25: {  	[simem:s6], [sflag:s4] =	dma.local [hbm:s3], $0xF7A  }
0x26: {  	[smem:$0x3F9B] =	sst s1;
	(tag) =	ssettag s2;
	_ =	strace s9  }
0x27: {  	s1 =	sld [smem:$0x3FAB]  }
0x28: {  	s2 =	sld [smem:$0x3FAC]  }
0x29: {  	s4 =	sld [smem:$0x3FAE]  }
0x2a: {  	p0 =	seq.s32 s5, $0x0;
	s5 =	sld [smem:$0x3FAF]  }
0x2b: {  	s6 =	sld [smem:$0x3FB0]  }
0x2c: {  	s7 =	sld [smem:$0x3FB1]  }
0x2d: {  	s3 =	simm.s32 $0x108;
	s8 =	sld [smem:$0x3FB2]  }
0x2e: {  	s3 =	simm.s32 @!p0 $0x1082;
	s9 =	sld [smem:$0x3FB3]  }
0x2f: {  	lr =	sadd.s32 s0, s3;
	s0 =	sld [smem:$0x3FAA]  }
0x30: {  	s3 =	sld [smem:$0x3FAD]  }
0x31: {  	[smem:$0x3FB6] =	sst s10  }
0x32: {  	s10 =	sld [smem:$0x3FB4];
	_ =	sdelay $0x3  }
0x33: {  	p0 =	seq.s32 s10, $0x1;
	s10 =	sld [smem:$0x3FB6];
	_ =	sdelay $0x3  }
0x34: {  	[smem:$0x3FB6] =	sst s10  }
0x35: {  	s10 =	sld [smem:$0x3FB5];
	_ =	sdelay $0x3  }
0x36: {  	p1 =	seq.s32 s10, $0x1;
	s10 =	sld [smem:$0x3FB6];
	_ =	sdelay $0x3  }
0x37: {  	[smem:$0x3FB6] =	sst s10  }
0x38: {  	s10 =	sld [smem:$0x3FB7]  }
0x39: {  	_ = 	snop;
	(pc) =	sbr.ind lr, $3  }
0x3a: {  	_ = 	snop  }
0x3b: {  	_ = 	snop  }
0x3c: {  	p2 =	seq.s32 s10, $0x1;
	s10 =	sld [smem:$0x3FB6]  }
0x3d: {  	_ =	shalt  }
0x3e: {  	_ =	shalt  }
0x3f: {  	_ =	shalt  }
0x40: {  	_ =	shalt  }
0x41: {  	_ =	shalt  }
0x42: {  	_ =	shalt  }
0x43: {  	_ =	shalt  }
0x44: {  	_ =	shalt  }
0x45: {  	_ =	shalt  }
0x46: {  	_ =	shalt  }
0x47: {  	_ =	shalt  }
0x48: {  	_ =	shalt  }
0x49: {  	_ =	shalt  }
0x4a: {  	_ =	shalt  }
0x4b: {  	_ =	shalt  }
0x4c: {  	_ =	shalt  }
0x4d: {  	_ =	shalt  }
0x4e: {  	_ =	shalt  }
0x4f: {  	_ =	shalt  }
0x50: {  	_ =	shalt  }
0x51: {  	_ =	shalt  }
0x52: {  	_ =	shalt  }
0x53: {  	_ =	shalt  }
0x54: {  	_ =	shalt  }
0x55: {  	_ =	shalt  }
0x56: {  	_ =	shalt  }
0x57: {  	_ =	shalt  }
0x58: {  	_ =	shalt  }
0x59: {  	_ =	shalt  }
0x5a: {  	_ =	shalt  }
0x5b: {  	_ =	shalt  }
0x5c: {  	_ =	shalt  }
0x5d: {  	_ =	shalt  }
0x5e: {  	_ =	shalt  }
0x5f: {  	_ =	shalt  }
0x60: {  	_ =	shalt  }
0x61: {  	_ =	shalt  }
0x62: {  	_ =	shalt  }
0x63: {  	_ =	shalt  }
0x64: {  	_ =	shalt  }
0x65: {  	_ =	shalt  }
0x66: {  	_ =	shalt  }
0x67: {  	_ =	shalt  }
0x68: {  	_ =	shalt  }
0x69: {  	_ =	shalt  }
0x6a: {  	_ =	shalt  }
0x6b: {  	_ =	shalt  }
0x6c: {  	_ =	shalt  }
0x6d: {  	_ =	shalt  }
0x6e: {  	_ =	shalt  }
0x6f: {  	_ =	shalt  }
0x70: {  	_ =	shalt  }
0x71: {  	_ =	shalt  }
0x72: {  	_ =	shalt  }
0x73: {  	_ =	shalt  }
0x74: {  	_ =	shalt  }
0x75: {  	_ =	shalt  }
0x76: {  	_ =	shalt  }
0x77: {  	_ =	shalt  }
0x78: {  	_ =	shalt  }
0x79: {  	_ =	shalt  }
0x7a: {  	_ =	shalt  }
0x7b: {  	_ =	shalt  }
0x7c: {  	_ =	shalt  }
0x7d: {  	_ =	shalt  }
0x7e: {  	_ =	shalt  }
0x7f: {  	_ =	shalt  }
0x80: {  	_ =	shalt  }
0x81: {  	_ =	shalt  }
0x82: {  	_ =	shalt  }
0x83: {  	_ =	shalt  }
0x84: {  	_ =	shalt  }
0x85: {  	_ =	shalt  }
0x86: {  	_ =	shalt  }
0x87: {  	_ =	shalt  }
.Lfunc_end0:
.L_simem_size_0:
called_computation_lowered:
.L_overlay_start_0:
0x88: {  	s2 =	sld [smem:$0x3FD9]  }
0x89: {  	s3 =	sld [smem:$0x3FFE];
	_ =	sdelay $0x1  }
0x8a: {  	s1 =	srdreg.scid  }
0x8b: {  	s0 =	sand.u32 $0x1, s1  }
0x8c: {  	s16 =	sshll.u32 s0, $0xA;
	s2 =	sadd.s32 s3, s2  }
0x8d: {  	s2 =	sadd.s32 s2, s16  }
0x8e: {  	[smem:$0x3FC2] =	sst s2  }
0x8f: {  	_ = 	snop  }
0x90: {  	(tm) =	ssettm $0x1  }
0x91: {  	s17 =	sld [smem:$0x3FFB];
	_ =	sdelay $0x3  }
0x92: {  	_ =	strace s17  }
0x93: {  	s2 =	sld [smem:$0x3FFC];
	_ =	sdelay $0x3  }
0x94: {  	_ =	strace s2  }
0x95: {  	s2 =	sld [smem:$0x3FFD];
	_ =	sdelay $0x3  }
0x96: {  	_ =	strace s2  }
0x97: {  	_ =	strace $0x8FFFFFFF  }
0x98: {  	s18 =	sld [smem:$0x3FDB];
	_ =	sdelay $0x1  }
0x99: {  	s19 =	simm.s32 $_scs_section_size  }
0x9a: {  	s4 =	simm.s32 $_size__tile_overlayer_lowered;
	s5 =	simm.s32 $_tile_overlayer_lowered  }
0x9b: {  	s22 =	simm.s32 $0x1BFF;
	s21 =	sshll.u32 s5, $0x1;
	s2 =	sadd.s32 s19, s18  }
0x9c: {  	s6 =	simm.s32 $0x0;
	s20 =	sshll.u32 s4, $0x1;
	s4 =	sadd.s32 s21, s2  }
0x9d: {  	[timem:s6], [sflag:s22] =	dma.local [hbm:s4], s20  }
0x9e: {  	_ =	swait.ge [sflag:s22], s20  }
0x9f: {  	s3 =	ssub.s32 $0x0, s20;
	[sflag:s22] =	ssyncset.done $0x0  }
0xa0: {  	[sflag:s22] =	ssyncadd.s32 s3;
	_ =	sdelay $0x1  }
0xa1: {  	s23 =	simm.s32 $0x1B8B  }
0xa2: {  	_ =	swait.ge [sflag:s23], $0x1  }
0xa3: {  	[sflag:s23] =	ssyncset.done $0x0  }
0xa4: {  	s25 =	simm.s32 $0x1B8E;
	s24 =	sld [smem:$0x3FFE];
	[sflag:s23] =	ssyncadd.s32 $0xFFFFFFFF  }
0xa5: {  	s26 =	simm.s32 $execute0_lowered;
	[smem:$0x3FD2] =	sst s25  }
0xa6: {  	s4 =	sshll.u32 s26, $0x1;
	_ =	strace $0x80000046;
	[dreg:$0x1] =	wrdreg $0xFFFFFFFF  }
0xa7: {  	s28 =	simm.s32 $_size_execute0_lowered;
	s2 =	sadd.s32 s2, s4;
	[dreg:$0x0] =	wrdreg $0x0  }
0xa8: {  	s4 =	sshll.u32 s28, $0x1;
	[dreg:$0x2] =	wrdreg s2  }
0xa9: {  	[dreg:$0x3] =	wrdreg s4  }
0xaa: {  	[dreg:$0x4] =	wrdreg $0xC0  }
0xab: {  	_ =	task [dreg:s6], $0x5FFFF  }
0xac: {  	[dreg:$0x1] =	wrdreg $0xFFFFFFFF  }
0xad: {  	[dreg:$0x0] =	wrdreg $0x60  }
0xae: {  	[dreg:$0x2] =	wrdreg s24  }
0xaf: {  	[dreg:$0x3] =	wrdreg $0x9  }
0xb0: {  	_ =	task.clear_ibuf [dreg:s6], $0x4FFFF;
	_ =	strace $0x90000046  }
0xb1: {  	s29 =	simm.s32 $0x9;
	_ =	strace $0x80000048  }
0xb2: {  	_ =	swait.ge [sflag:s29], $0x1  }
0xb3: {  	[sflag:s29] =	ssyncadd.s32 $0xFFFFFFFF  }
0xb4: {  	_ =	strace $0x90000048  }
0xb5: {  	_ =	sfence  }
0xb6: {  	s30 =	sld [smem:$0x0];
	_ =	sdelay $0x2  }
0xb7: {  	s31 =	sshll.u32 s1, $0xD;
	s1 =	sshrl.u32 s1, $0x2  }
0xb8: {  	s3 =	sand.u32 $0x4000, s31;
	s1 =	sadd.s32 s1, s30  }
0xb9: {  	s0 =	sor.u32 s3, s0;
	s1 =	sshll.u32 s1, $0x11  }
0xba: {  	s0 =	sor.u32 s1, s0  }
0xbb: {  	s0 =	sadd.s32 $0x8F2B, s0  }
0xbc: {  	[sflag:s0] =	ssyncadd.remote.s32 $0x1  }
0xbd: {  	_ =	sfence.sel $0xFFFF  }
0xbe: {  	[dreg:$0x0] =	wrdreg $0xFFFFFFFF;
	(pc) =	sbr.abs _section_cstart, $3  }
0xbf: {  	[dreg:$0x1] =	wrdreg $0xFFFFFFFF  }
0xc0: {  	_ =	task.clear_ibuf [dreg:s6], $0x2FFFF;
	_ =	strace $0x9FFFFFFF  }
0xc1: {  	(tm) =	ssettm $0x7FFFFFFF  }
tec
execute0_lowered:
.L_overlay_start_1:
0x0: {  	(tag) =	ssettag $0x1  }
0x1: {  	s5 =	rddreg [dreg:$0x0];
	s1 =	srdreg.scid  }
0x2: {  	s0 =	rddreg [dreg:$0x1];
	s2 =	simm.s32 $0x0;
	s13 =	simm.s32 $0x2  }
0x3: {  	s14 =	simm.s32 $0x0;
	s6 =	sand.u32 $0x1, s1;
	[smem:$0x7FF] =	sst s2  }
0x4: {  	s1 =	stileid.u32;
	s3 =	sshll.u32 s6, $0x4;
	_ =	strace $0x80000047  }
0x5: {  	s8 =	ssub.s32 $0x2, s6;
	s10 =	smul.u32 $0x186, s1;
	s28 =	smin.u32 s1, $0xA  }
0x6: {  	p0 =	seq.s32 s6, $0x1;
	p1 =	slt.u32 s1, $0xA;
	s31 =	smul.u32 $0x61800, s1  }
0x7: {  	s4 =	sor.u32 s1, s3;
	s3 =	sadd.s32 $0xC6400, s5;
	s9 =	sshrl.u32 s8, $0x1  }
0x8: {  	s12 =	sshll.u32 s28, $0xA;
	s7 =	smul.u32 $0x3100, s4;
	s4 =	sadd.s32 $0x2E00, s5  }
.Ltmp0:
0x9: {  	s9 =	ssub.s32 s8, s9;
	s29 =	sadd.s32 s28, s10;
	(pc) =	sbr.rel .LBB2_1-.Ltmp0, $4  }
0xa: {  	s10 =	sadd.s32 s12, s31;
	s12 =	simm.s32 $0x800;
	s30 =	sshll.u32 s29, $0x7  }
0xb: {  	s9 =	smax.u32 s9, $0x1;
	s10 =	sadd.s32 $0x400, s10;
	s11 =	sadd.s32 s7, s5  }
0xc: {  	s5 =	simm.s32 $0x187;
	s6 =	sadd.s32 s4, s30;
	s7 =	sadd.s32 s3, s30  }
0xd: {  	v0 =	vimm.f32 $0.0e+00;
	v1 =	vimm.f32 $1.000000000e+00;
	s5 =	simm.s32 @!p1 $0x186;
	s8 =	sadd.s32 $0x189A00, s11;
	s11 =	simm.s32 $0x1  }
.LBB2_8:
0xe: {  	s14 =	sadd.s32 $0x1, s14  }
0xf: {  	p1 =	sne.s32 s14, s9  }
.Ltmp1:
0x10: {  	_ = 	snop;
	(pc) =	sbr.rel @!p1 .LBB2_9-.Ltmp1, $4  }
0x11: {  	[hbm4b:s8+s2] =	stream.linear.scatter [tilespmem:s12], [sflag:$0x2], $0x18800, $0x38;
	[tilespmem:$0x19000] =	vst v63  }
0x12: {  	_ =	swait.ge [sflag:s13], $0x18800  }
0x13: {  	[sflag:s13] =	ssyncset.done $0x0  }
0x14: {  	[sflag:s13] =	ssyncadd.s32 $0xFFFE7800  }
.LBB2_1:
0x15: {  	s15 =	simm.s32 $0x40;
	s16 =	simm.s32 $0x0  }
.LBB2_2:
0x16: {  	p1 =	sne.s32 s15, $0x61FC0;
	[tilespmem:s16+$0x800] =	vst v0;
	s16 =	smov.u32 s15;
	s15 =	sadd.s32 $0x40, s15  }
.Ltmp2:
0x17: {  	(pc) =	sbr.rel @p1 .LBB2_2-.Ltmp2, $2  }
0x18: {  	_ =	sdelay $0x2  }
0x19: {  	s16 =	sshra.s32 s16, $0x2  }
.Ltmp3:
0x1a: {  	(pc) =	sbr.rel @!p0 .LBB2_4-.Ltmp3, $2  }
0x1b: {  	_ =	sdelay $0x2  }
0x1c: {  	[tilespmem:s16+$0x800] =	vst v0;
	s15 =	simm.s32 $0x0  }
0x1d: {  	[tilespmem:s15], [sflag:$0x1] =	stream.linear.gather [hbm4b:s7+s15], $0x400, $0x38;
	[tilespmem:$0x19000] =	vst v63  }
0x1e: {  	s16 =	smov.u32 s10  }
.LBB2_7:
0x1f: {  	_ =	swait.ge [sflag:s11], $0x400  }
0x20: {  	s17 =	sand.u32 $0x1, s15;
	s15 =	sadd.s32 $0x1, s15;
	[sflag:s11] =	ssyncset.done $0x0  }
0x21: {  	p1 =	sge.u32 s15, s5;
	[sflag:s11] =	ssyncadd.s32 $0xFFFFFC00  }
0x22: {  	s18 =	sshll.u32 @!p1 s17, $0xA;
	s19 =	sshrl.u32 @!p1 s16, $0x3;
	s20 =	simm.s32 @!p1 $0x0  }
0x23: {  	s17 =	sshll.u32 s17, $0xA;
	s18 =	sxor.u32 @!p1 $0x400, s18;
	s19 =	sadd.s32 @!p1 s3, s19  }
0x24: {  	[tilespmem:s18], [sflag:$0x1] =	stream.linear.gather @!p1 [hbm4b:s19+s20], $0x400, $0x38;
	[tilespmem:$0x19000] =	vst v63  }
0x25: {  	v2 =	vld [tilespmem:s17+$0x0];
	_ =	sdelay $0x7  }
0x26: {  	[tilespmem:v2+s12+$0x0] =	vst.idx.add.f32.msk $0xffff, v1  }
0x27: {  	v2 =	vld [tilespmem:s17+$0x10];
	_ =	sdelay $0x7  }
0x28: {  	[tilespmem:v2+s12+$0x0] =	vst.idx.add.f32.msk $0xffff, v1  }
0x29: {  	v2 =	vld [tilespmem:s17+$0x20];
	_ =	sdelay $0x7  }
0x2a: {  	[tilespmem:v2+s12+$0x0] =	vst.idx.add.f32.msk $0xffff, v1  }
0x2b: {  	v2 =	vld [tilespmem:s17+$0x30];
	_ =	sdelay $0x7  }
0x2c: {  	[tilespmem:v2+s12+$0x0] =	vst.idx.add.f32.msk $0xffff, v1  }
0x2d: {  	v2 =	vld [tilespmem:s17+$0x40];
	_ =	sdelay $0x7  }
0x2e: {  	[tilespmem:v2+s12+$0x0] =	vst.idx.add.f32.msk $0xffff, v1  }
0x2f: {  	v2 =	vld [tilespmem:s17+$0x50];
	_ =	sdelay $0x7  }
0x30: {  	[tilespmem:v2+s12+$0x0] =	vst.idx.add.f32.msk $0xffff, v1  }
0x31: {  	v2 =	vld [tilespmem:s17+$0x60];
	_ =	sdelay $0x7  }
0x32: {  	[tilespmem:v2+s12+$0x0] =	vst.idx.add.f32.msk $0xffff, v1  }
0x33: {  	v2 =	vld [tilespmem:s17+$0x70];
	_ =	sdelay $0x7  }
0x34: {  	[tilespmem:v2+s12+$0x0] =	vst.idx.add.f32.msk $0xffff, v1  }
0x35: {  	v2 =	vld [tilespmem:s17+$0x80];
	_ =	sdelay $0x7  }
0x36: {  	[tilespmem:v2+s12+$0x0] =	vst.idx.add.f32.msk $0xffff, v1  }
0x37: {  	v2 =	vld [tilespmem:s17+$0x90];
	_ =	sdelay $0x7  }
0x38: {  	[tilespmem:v2+s12+$0x0] =	vst.idx.add.f32.msk $0xffff, v1  }
0x39: {  	v2 =	vld [tilespmem:s17+$0xA0];
	_ =	sdelay $0x7  }
0x3a: {  	[tilespmem:v2+s12+$0x0] =	vst.idx.add.f32.msk $0xffff, v1  }
0x3b: {  	v2 =	vld [tilespmem:s17+$0xB0];
	_ =	sdelay $0x7  }
0x3c: {  	[tilespmem:v2+s12+$0x0] =	vst.idx.add.f32.msk $0xffff, v1  }
0x3d: {  	v2 =	vld [tilespmem:s17+$0xC0];
	_ =	sdelay $0x7  }
0x3e: {  	[tilespmem:v2+s12+$0x0] =	vst.idx.add.f32.msk $0xffff, v1  }
0x3f: {  	v2 =	vld [tilespmem:s17+$0xD0];
	_ =	sdelay $0x7  }
0x40: {  	[tilespmem:v2+s12+$0x0] =	vst.idx.add.f32.msk $0xffff, v1  }
0x41: {  	v2 =	vld [tilespmem:s17+$0xE0];
	_ =	sdelay $0x7  }
0x42: {  	[tilespmem:v2+s12+$0x0] =	vst.idx.add.f32.msk $0xffff, v1  }
0x43: {  	v2 =	vld [tilespmem:s17+$0xF0];
	_ =	sdelay $0x7  }
0x44: {  	[tilespmem:v2+s12+$0x0] =	vst.idx.add.f32.msk $0xffff, v1  }
0x45: {  	v2 =	vld [tilespmem:s17+$0x100];
	_ =	sdelay $0x7  }
0x46: {  	[tilespmem:v2+s12+$0x0] =	vst.idx.add.f32.msk $0xffff, v1  }
0x47: {  	v2 =	vld [tilespmem:s17+$0x110];
	_ =	sdelay $0x7  }
0x48: {  	[tilespmem:v2+s12+$0x0] =	vst.idx.add.f32.msk $0xffff, v1  }
0x49: {  	v2 =	vld [tilespmem:s17+$0x120];
	_ =	sdelay $0x7  }
0x4a: {  	[tilespmem:v2+s12+$0x0] =	vst.idx.add.f32.msk $0xffff, v1  }
0x4b: {  	v2 =	vld [tilespmem:s17+$0x130];
	_ =	sdelay $0x7  }
0x4c: {  	[tilespmem:v2+s12+$0x0] =	vst.idx.add.f32.msk $0xffff, v1  }
0x4d: {  	v2 =	vld [tilespmem:s17+$0x140];
	_ =	sdelay $0x7  }
0x4e: {  	[tilespmem:v2+s12+$0x0] =	vst.idx.add.f32.msk $0xffff, v1  }
0x4f: {  	v2 =	vld [tilespmem:s17+$0x150];
	_ =	sdelay $0x7  }
0x50: {  	[tilespmem:v2+s12+$0x0] =	vst.idx.add.f32.msk $0xffff, v1  }
0x51: {  	v2 =	vld [tilespmem:s17+$0x160];
	_ =	sdelay $0x7  }
0x52: {  	[tilespmem:v2+s12+$0x0] =	vst.idx.add.f32.msk $0xffff, v1  }
0x53: {  	v2 =	vld [tilespmem:s17+$0x170];
	_ =	sdelay $0x7  }
0x54: {  	[tilespmem:v2+s12+$0x0] =	vst.idx.add.f32.msk $0xffff, v1  }
0x55: {  	v2 =	vld [tilespmem:s17+$0x180];
	_ =	sdelay $0x7  }
0x56: {  	[tilespmem:v2+s12+$0x0] =	vst.idx.add.f32.msk $0xffff, v1  }
0x57: {  	v2 =	vld [tilespmem:s17+$0x190];
	_ =	sdelay $0x7  }
0x58: {  	[tilespmem:v2+s12+$0x0] =	vst.idx.add.f32.msk $0xffff, v1  }
0x59: {  	v2 =	vld [tilespmem:s17+$0x1A0];
	_ =	sdelay $0x7  }
0x5a: {  	[tilespmem:v2+s12+$0x0] =	vst.idx.add.f32.msk $0xffff, v1  }
0x5b: {  	v2 =	vld [tilespmem:s17+$0x1B0];
	_ =	sdelay $0x7  }
0x5c: {  	[tilespmem:v2+s12+$0x0] =	vst.idx.add.f32.msk $0xffff, v1  }
0x5d: {  	v2 =	vld [tilespmem:s17+$0x1C0];
	_ =	sdelay $0x7  }
0x5e: {  	[tilespmem:v2+s12+$0x0] =	vst.idx.add.f32.msk $0xffff, v1  }
0x5f: {  	v2 =	vld [tilespmem:s17+$0x1D0];
	_ =	sdelay $0x7  }
0x60: {  	[tilespmem:v2+s12+$0x0] =	vst.idx.add.f32.msk $0xffff, v1  }
0x61: {  	v2 =	vld [tilespmem:s17+$0x1E0];
	_ =	sdelay $0x7  }
0x62: {  	[tilespmem:v2+s12+$0x0] =	vst.idx.add.f32.msk $0xffff, v1  }
0x63: {  	v2 =	vld [tilespmem:s17+$0x1F0];
	_ =	sdelay $0x7  }
0x64: {  	[tilespmem:v2+s12+$0x0] =	vst.idx.add.f32.msk $0xffff, v1  }
0x65: {  	v2 =	vld [tilespmem:s17+$0x200];
	_ =	sdelay $0x7  }
0x66: {  	[tilespmem:v2+s12+$0x0] =	vst.idx.add.f32.msk $0xffff, v1  }
0x67: {  	v2 =	vld [tilespmem:s17+$0x210];
	_ =	sdelay $0x7  }
0x68: {  	[tilespmem:v2+s12+$0x0] =	vst.idx.add.f32.msk $0xffff, v1  }
0x69: {  	v2 =	vld [tilespmem:s17+$0x220];
	_ =	sdelay $0x7  }
0x6a: {  	[tilespmem:v2+s12+$0x0] =	vst.idx.add.f32.msk $0xffff, v1  }
0x6b: {  	v2 =	vld [tilespmem:s17+$0x230];
	_ =	sdelay $0x7  }
0x6c: {  	[tilespmem:v2+s12+$0x0] =	vst.idx.add.f32.msk $0xffff, v1  }
0x6d: {  	v2 =	vld [tilespmem:s17+$0x240];
	_ =	sdelay $0x7  }
0x6e: {  	[tilespmem:v2+s12+$0x0] =	vst.idx.add.f32.msk $0xffff, v1  }
0x6f: {  	v2 =	vld [tilespmem:s17+$0x250];
	_ =	sdelay $0x7  }
0x70: {  	[tilespmem:v2+s12+$0x0] =	vst.idx.add.f32.msk $0xffff, v1  }
0x71: {  	v2 =	vld [tilespmem:s17+$0x260];
	_ =	sdelay $0x7  }
0x72: {  	[tilespmem:v2+s12+$0x0] =	vst.idx.add.f32.msk $0xffff, v1  }
0x73: {  	v2 =	vld [tilespmem:s17+$0x270];
	_ =	sdelay $0x7  }
0x74: {  	[tilespmem:v2+s12+$0x0] =	vst.idx.add.f32.msk $0xffff, v1  }
0x75: {  	v2 =	vld [tilespmem:s17+$0x280];
	_ =	sdelay $0x7  }
0x76: {  	[tilespmem:v2+s12+$0x0] =	vst.idx.add.f32.msk $0xffff, v1  }
0x77: {  	v2 =	vld [tilespmem:s17+$0x290];
	_ =	sdelay $0x7  }
0x78: {  	[tilespmem:v2+s12+$0x0] =	vst.idx.add.f32.msk $0xffff, v1  }
0x79: {  	v2 =	vld [tilespmem:s17+$0x2A0];
	_ =	sdelay $0x7  }
0x7a: {  	[tilespmem:v2+s12+$0x0] =	vst.idx.add.f32.msk $0xffff, v1  }
0x7b: {  	v2 =	vld [tilespmem:s17+$0x2B0];
	_ =	sdelay $0x7  }
0x7c: {  	[tilespmem:v2+s12+$0x0] =	vst.idx.add.f32.msk $0xffff, v1  }
0x7d: {  	v2 =	vld [tilespmem:s17+$0x2C0];
	_ =	sdelay $0x7  }
0x7e: {  	[tilespmem:v2+s12+$0x0] =	vst.idx.add.f32.msk $0xffff, v1  }
0x7f: {  	v2 =	vld [tilespmem:s17+$0x2D0];
	_ =	sdelay $0x7  }
0x80: {  	[tilespmem:v2+s12+$0x0] =	vst.idx.add.f32.msk $0xffff, v1  }
0x81: {  	v2 =	vld [tilespmem:s17+$0x2E0];
	_ =	sdelay $0x7  }
0x82: {  	[tilespmem:v2+s12+$0x0] =	vst.idx.add.f32.msk $0xffff, v1  }
0x83: {  	v2 =	vld [tilespmem:s17+$0x2F0];
	_ =	sdelay $0x7  }
0x84: {  	[tilespmem:v2+s12+$0x0] =	vst.idx.add.f32.msk $0xffff, v1  }
0x85: {  	v2 =	vld [tilespmem:s17+$0x300];
	_ =	sdelay $0x7  }
0x86: {  	[tilespmem:v2+s12+$0x0] =	vst.idx.add.f32.msk $0xffff, v1  }
0x87: {  	v2 =	vld [tilespmem:s17+$0x310];
	_ =	sdelay $0x7  }
0x88: {  	[tilespmem:v2+s12+$0x0] =	vst.idx.add.f32.msk $0xffff, v1  }
0x89: {  	v2 =	vld [tilespmem:s17+$0x320];
	_ =	sdelay $0x7  }
0x8a: {  	[tilespmem:v2+s12+$0x0] =	vst.idx.add.f32.msk $0xffff, v1  }
0x8b: {  	v2 =	vld [tilespmem:s17+$0x330];
	_ =	sdelay $0x7  }
0x8c: {  	[tilespmem:v2+s12+$0x0] =	vst.idx.add.f32.msk $0xffff, v1  }
0x8d: {  	v2 =	vld [tilespmem:s17+$0x340];
	_ =	sdelay $0x7  }
0x8e: {  	[tilespmem:v2+s12+$0x0] =	vst.idx.add.f32.msk $0xffff, v1  }
0x8f: {  	v2 =	vld [tilespmem:s17+$0x350];
	_ =	sdelay $0x7  }
0x90: {  	[tilespmem:v2+s12+$0x0] =	vst.idx.add.f32.msk $0xffff, v1  }
0x91: {  	v2 =	vld [tilespmem:s17+$0x360];
	_ =	sdelay $0x7  }
0x92: {  	[tilespmem:v2+s12+$0x0] =	vst.idx.add.f32.msk $0xffff, v1  }
0x93: {  	v2 =	vld [tilespmem:s17+$0x370];
	_ =	sdelay $0x7  }
0x94: {  	[tilespmem:v2+s12+$0x0] =	vst.idx.add.f32.msk $0xffff, v1  }
0x95: {  	v2 =	vld [tilespmem:s17+$0x380];
	_ =	sdelay $0x7  }
0x96: {  	[tilespmem:v2+s12+$0x0] =	vst.idx.add.f32.msk $0xffff, v1  }
0x97: {  	v2 =	vld [tilespmem:s17+$0x390];
	_ =	sdelay $0x7  }
0x98: {  	[tilespmem:v2+s12+$0x0] =	vst.idx.add.f32.msk $0xffff, v1  }
0x99: {  	v2 =	vld [tilespmem:s17+$0x3A0];
	_ =	sdelay $0x7  }
0x9a: {  	[tilespmem:v2+s12+$0x0] =	vst.idx.add.f32.msk $0xffff, v1  }
0x9b: {  	v2 =	vld [tilespmem:s17+$0x3B0];
	_ =	sdelay $0x7  }
0x9c: {  	[tilespmem:v2+s12+$0x0] =	vst.idx.add.f32.msk $0xffff, v1  }
0x9d: {  	v2 =	vld [tilespmem:s17+$0x3C0];
	_ =	sdelay $0x7  }
0x9e: {  	[tilespmem:v2+s12+$0x0] =	vst.idx.add.f32.msk $0xffff, v1  }
0x9f: {  	v2 =	vld [tilespmem:s17+$0x3D0];
	_ =	sdelay $0x7  }
0xa0: {  	[tilespmem:v2+s12+$0x0] =	vst.idx.add.f32.msk $0xffff, v1  }
0xa1: {  	v2 =	vld [tilespmem:s17+$0x3E0];
	_ =	sdelay $0x7  }
0xa2: {  	[tilespmem:v2+s12+$0x0] =	vst.idx.add.f32.msk $0xffff, v1  }
0xa3: {  	v2 =	vld [tilespmem:s17+$0x3F0];
	_ =	sdelay $0x2  }
0xa4: {  	p1 =	sne.s32 s5, s15  }
.Ltmp4:
0xa5: {  	_ = 	snop;
	(pc) =	sbr.rel @p1 .LBB2_7-.Ltmp4, $2  }
0xa6: {  	_ =	sdelay $0x2  }
0xa7: {  	s16 =	sadd.s32 $0x400, s16;
	[tilespmem:v2+s12+$0x0] =	vst.idx.add.f32.msk $0xffff, v1  }
.Ltmp5:
0xa8: {  	_ = 	snop;
	(pc) =	sbr.rel .LBB2_8-.Ltmp5, $1  }
0xa9: {  	_ =	sdelay $0x3  }
.LBB2_4:
0xaa: {  	[tilespmem:s15], [sflag:$0x1] =	stream.linear.gather [hbm4b:s6+s15], $0x400, $0x38;
	[tilespmem:$0x19000] =	vst v63  }
0xab: {  	s16 =	smov.u32 s10  }
.LBB2_5:
0xac: {  	_ =	swait.ge [sflag:s11], $0x400  }
0xad: {  	s17 =	sand.u32 $0x1, s15;
	s15 =	sadd.s32 $0x1, s15;
	[sflag:s11] =	ssyncset.done $0x0  }
0xae: {  	p1 =	sge.u32 s15, s5;
	[sflag:s11] =	ssyncadd.s32 $0xFFFFFC00  }
0xaf: {  	s18 =	sshll.u32 @!p1 s17, $0xA;
	s19 =	sshrl.u32 @!p1 s16, $0x3;
	s20 =	simm.s32 @!p1 $0x0  }
0xb0: {  	s17 =	sshll.u32 s17, $0xA;
	s18 =	sxor.u32 @!p1 $0x400, s18;
	s19 =	sadd.s32 @!p1 s4, s19  }
0xb1: {  	[tilespmem:s18], [sflag:$0x1] =	stream.linear.gather @!p1 [hbm4b:s19+s20], $0x400, $0x38;
	[tilespmem:$0x19000] =	vst v63  }
0xb2: {  	v2 =	vld [tilespmem:s17+$0x0];
	_ =	sdelay $0x7  }
0xb3: {  	[tilespmem:v2+s12+$0x0] =	vst.idx.add.f32.msk $0xffff, v1  }
0xb4: {  	v2 =	vld [tilespmem:s17+$0x10];
	_ =	sdelay $0x7  }
0xb5: {  	[tilespmem:v2+s12+$0x0] =	vst.idx.add.f32.msk $0xffff, v1  }
0xb6: {  	v2 =	vld [tilespmem:s17+$0x20];
	_ =	sdelay $0x7  }
0xb7: {  	[tilespmem:v2+s12+$0x0] =	vst.idx.add.f32.msk $0xffff, v1  }
0xb8: {  	v2 =	vld [tilespmem:s17+$0x30];
	_ =	sdelay $0x7  }
0xb9: {  	[tilespmem:v2+s12+$0x0] =	vst.idx.add.f32.msk $0xffff, v1  }
0xba: {  	v2 =	vld [tilespmem:s17+$0x40];
	_ =	sdelay $0x7  }
0xbb: {  	[tilespmem:v2+s12+$0x0] =	vst.idx.add.f32.msk $0xffff, v1  }
0xbc: {  	v2 =	vld [tilespmem:s17+$0x50];
	_ =	sdelay $0x7  }
0xbd: {  	[tilespmem:v2+s12+$0x0] =	vst.idx.add.f32.msk $0xffff, v1  }
0xbe: {  	v2 =	vld [tilespmem:s17+$0x60];
	_ =	sdelay $0x7  }
0xbf: {  	[tilespmem:v2+s12+$0x0] =	vst.idx.add.f32.msk $0xffff, v1  }
0xc0: {  	v2 =	vld [tilespmem:s17+$0x70];
	_ =	sdelay $0x7  }
0xc1: {  	[tilespmem:v2+s12+$0x0] =	vst.idx.add.f32.msk $0xffff, v1  }
0xc2: {  	v2 =	vld [tilespmem:s17+$0x80];
	_ =	sdelay $0x7  }
0xc3: {  	[tilespmem:v2+s12+$0x0] =	vst.idx.add.f32.msk $0xffff, v1  }
0xc4: {  	v2 =	vld [tilespmem:s17+$0x90];
	_ =	sdelay $0x7  }
0xc5: {  	[tilespmem:v2+s12+$0x0] =	vst.idx.add.f32.msk $0xffff, v1  }
0xc6: {  	v2 =	vld [tilespmem:s17+$0xA0];
	_ =	sdelay $0x7  }
0xc7: {  	[tilespmem:v2+s12+$0x0] =	vst.idx.add.f32.msk $0xffff, v1  }
0xc8: {  	v2 =	vld [tilespmem:s17+$0xB0];
	_ =	sdelay $0x7  }
0xc9: {  	[tilespmem:v2+s12+$0x0] =	vst.idx.add.f32.msk $0xffff, v1  }
0xca: {  	v2 =	vld [tilespmem:s17+$0xC0];
	_ =	sdelay $0x7  }
0xcb: {  	[tilespmem:v2+s12+$0x0] =	vst.idx.add.f32.msk $0xffff, v1  }
0xcc: {  	v2 =	vld [tilespmem:s17+$0xD0];
	_ =	sdelay $0x7  }
0xcd: {  	[tilespmem:v2+s12+$0x0] =	vst.idx.add.f32.msk $0xffff, v1  }
0xce: {  	v2 =	vld [tilespmem:s17+$0xE0];
	_ =	sdelay $0x7  }
0xcf: {  	[tilespmem:v2+s12+$0x0] =	vst.idx.add.f32.msk $0xffff, v1  }
0xd0: {  	v2 =	vld [tilespmem:s17+$0xF0];
	_ =	sdelay $0x7  }
0xd1: {  	[tilespmem:v2+s12+$0x0] =	vst.idx.add.f32.msk $0xffff, v1  }
0xd2: {  	v2 =	vld [tilespmem:s17+$0x100];
	_ =	sdelay $0x7  }
0xd3: {  	[tilespmem:v2+s12+$0x0] =	vst.idx.add.f32.msk $0xffff, v1  }
0xd4: {  	v2 =	vld [tilespmem:s17+$0x110];
	_ =	sdelay $0x7  }
0xd5: {  	[tilespmem:v2+s12+$0x0] =	vst.idx.add.f32.msk $0xffff, v1  }
0xd6: {  	v2 =	vld [tilespmem:s17+$0x120];
	_ =	sdelay $0x7  }
0xd7: {  	[tilespmem:v2+s12+$0x0] =	vst.idx.add.f32.msk $0xffff, v1  }
0xd8: {  	v2 =	vld [tilespmem:s17+$0x130];
	_ =	sdelay $0x7  }
0xd9: {  	[tilespmem:v2+s12+$0x0] =	vst.idx.add.f32.msk $0xffff, v1  }
0xda: {  	v2 =	vld [tilespmem:s17+$0x140];
	_ =	sdelay $0x7  }
0xdb: {  	[tilespmem:v2+s12+$0x0] =	vst.idx.add.f32.msk $0xffff, v1  }
0xdc: {  	v2 =	vld [tilespmem:s17+$0x150];
	_ =	sdelay $0x7  }
0xdd: {  	[tilespmem:v2+s12+$0x0] =	vst.idx.add.f32.msk $0xffff, v1  }
0xde: {  	v2 =	vld [tilespmem:s17+$0x160];
	_ =	sdelay $0x7  }
0xdf: {  	[tilespmem:v2+s12+$0x0] =	vst.idx.add.f32.msk $0xffff, v1  }
0xe0: {  	v2 =	vld [tilespmem:s17+$0x170];
	_ =	sdelay $0x7  }
0xe1: {  	[tilespmem:v2+s12+$0x0] =	vst.idx.add.f32.msk $0xffff, v1  }
0xe2: {  	v2 =	vld [tilespmem:s17+$0x180];
	_ =	sdelay $0x7  }
0xe3: {  	[tilespmem:v2+s12+$0x0] =	vst.idx.add.f32.msk $0xffff, v1  }
0xe4: {  	v2 =	vld [tilespmem:s17+$0x190];
	_ =	sdelay $0x7  }
0xe5: {  	[tilespmem:v2+s12+$0x0] =	vst.idx.add.f32.msk $0xffff, v1  }
0xe6: {  	v2 =	vld [tilespmem:s17+$0x1A0];
	_ =	sdelay $0x7  }
0xe7: {  	[tilespmem:v2+s12+$0x0] =	vst.idx.add.f32.msk $0xffff, v1  }
0xe8: {  	v2 =	vld [tilespmem:s17+$0x1B0];
	_ =	sdelay $0x7  }
0xe9: {  	[tilespmem:v2+s12+$0x0] =	vst.idx.add.f32.msk $0xffff, v1  }
0xea: {  	v2 =	vld [tilespmem:s17+$0x1C0];
	_ =	sdelay $0x7  }
0xeb: {  	[tilespmem:v2+s12+$0x0] =	vst.idx.add.f32.msk $0xffff, v1  }
0xec: {  	v2 =	vld [tilespmem:s17+$0x1D0];
	_ =	sdelay $0x7  }
0xed: {  	[tilespmem:v2+s12+$0x0] =	vst.idx.add.f32.msk $0xffff, v1  }
0xee: {  	v2 =	vld [tilespmem:s17+$0x1E0];
	_ =	sdelay $0x7  }
0xef: {  	[tilespmem:v2+s12+$0x0] =	vst.idx.add.f32.msk $0xffff, v1  }
0xf0: {  	v2 =	vld [tilespmem:s17+$0x1F0];
	_ =	sdelay $0x7  }
0xf1: {  	[tilespmem:v2+s12+$0x0] =	vst.idx.add.f32.msk $0xffff, v1  }
0xf2: {  	v2 =	vld [tilespmem:s17+$0x200];
	_ =	sdelay $0x7  }
0xf3: {  	[tilespmem:v2+s12+$0x0] =	vst.idx.add.f32.msk $0xffff, v1  }
0xf4: {  	v2 =	vld [tilespmem:s17+$0x210];
	_ =	sdelay $0x7  }
0xf5: {  	[tilespmem:v2+s12+$0x0] =	vst.idx.add.f32.msk $0xffff, v1  }
0xf6: {  	v2 =	vld [tilespmem:s17+$0x220];
	_ =	sdelay $0x7  }
0xf7: {  	[tilespmem:v2+s12+$0x0] =	vst.idx.add.f32.msk $0xffff, v1  }
0xf8: {  	v2 =	vld [tilespmem:s17+$0x230];
	_ =	sdelay $0x7  }
0xf9: {  	[tilespmem:v2+s12+$0x0] =	vst.idx.add.f32.msk $0xffff, v1  }
0xfa: {  	v2 =	vld [tilespmem:s17+$0x240];
	_ =	sdelay $0x7  }
0xfb: {  	[tilespmem:v2+s12+$0x0] =	vst.idx.add.f32.msk $0xffff, v1  }
0xfc: {  	v2 =	vld [tilespmem:s17+$0x250];
	_ =	sdelay $0x7  }
0xfd: {  	[tilespmem:v2+s12+$0x0] =	vst.idx.add.f32.msk $0xffff, v1  }
0xfe: {  	v2 =	vld [tilespmem:s17+$0x260];
	_ =	sdelay $0x7  }
0xff: {  	[tilespmem:v2+s12+$0x0] =	vst.idx.add.f32.msk $0xffff, v1  }
0x100: {  	v2 =	vld [tilespmem:s17+$0x270];
	_ =	sdelay $0x7  }
0x101: {  	[tilespmem:v2+s12+$0x0] =	vst.idx.add.f32.msk $0xffff, v1  }
0x102: {  	v2 =	vld [tilespmem:s17+$0x280];
	_ =	sdelay $0x7  }
0x103: {  	[tilespmem:v2+s12+$0x0] =	vst.idx.add.f32.msk $0xffff, v1  }
0x104: {  	v2 =	vld [tilespmem:s17+$0x290];
	_ =	sdelay $0x7  }
0x105: {  	[tilespmem:v2+s12+$0x0] =	vst.idx.add.f32.msk $0xffff, v1  }
0x106: {  	v2 =	vld [tilespmem:s17+$0x2A0];
	_ =	sdelay $0x7  }
0x107: {  	[tilespmem:v2+s12+$0x0] =	vst.idx.add.f32.msk $0xffff, v1  }
0x108: {  	v2 =	vld [tilespmem:s17+$0x2B0];
	_ =	sdelay $0x7  }
0x109: {  	[tilespmem:v2+s12+$0x0] =	vst.idx.add.f32.msk $0xffff, v1  }
0x10a: {  	v2 =	vld [tilespmem:s17+$0x2C0];
	_ =	sdelay $0x7  }
0x10b: {  	[tilespmem:v2+s12+$0x0] =	vst.idx.add.f32.msk $0xffff, v1  }
0x10c: {  	v2 =	vld [tilespmem:s17+$0x2D0];
	_ =	sdelay $0x7  }
0x10d: {  	[tilespmem:v2+s12+$0x0] =	vst.idx.add.f32.msk $0xffff, v1  }
0x10e: {  	v2 =	vld [tilespmem:s17+$0x2E0];
	_ =	sdelay $0x7  }
0x10f: {  	[tilespmem:v2+s12+$0x0] =	vst.idx.add.f32.msk $0xffff, v1  }
0x110: {  	v2 =	vld [tilespmem:s17+$0x2F0];
	_ =	sdelay $0x7  }
0x111: {  	[tilespmem:v2+s12+$0x0] =	vst.idx.add.f32.msk $0xffff, v1  }
0x112: {  	v2 =	vld [tilespmem:s17+$0x300];
	_ =	sdelay $0x7  }
0x113: {  	[tilespmem:v2+s12+$0x0] =	vst.idx.add.f32.msk $0xffff, v1  }
0x114: {  	v2 =	vld [tilespmem:s17+$0x310];
	_ =	sdelay $0x7  }
0x115: {  	[tilespmem:v2+s12+$0x0] =	vst.idx.add.f32.msk $0xffff, v1  }
0x116: {  	v2 =	vld [tilespmem:s17+$0x320];
	_ =	sdelay $0x7  }
0x117: {  	[tilespmem:v2+s12+$0x0] =	vst.idx.add.f32.msk $0xffff, v1  }
0x118: {  	v2 =	vld [tilespmem:s17+$0x330];
	_ =	sdelay $0x7  }
0x119: {  	[tilespmem:v2+s12+$0x0] =	vst.idx.add.f32.msk $0xffff, v1  }
0x11a: {  	v2 =	vld [tilespmem:s17+$0x340];
	_ =	sdelay $0x7  }
0x11b: {  	[tilespmem:v2+s12+$0x0] =	vst.idx.add.f32.msk $0xffff, v1  }
0x11c: {  	v2 =	vld [tilespmem:s17+$0x350];
	_ =	sdelay $0x7  }
0x11d: {  	[tilespmem:v2+s12+$0x0] =	vst.idx.add.f32.msk $0xffff, v1  }
0x11e: {  	v2 =	vld [tilespmem:s17+$0x360];
	_ =	sdelay $0x7  }
0x11f: {  	[tilespmem:v2+s12+$0x0] =	vst.idx.add.f32.msk $0xffff, v1  }
0x120: {  	v2 =	vld [tilespmem:s17+$0x370];
	_ =	sdelay $0x7  }
0x121: {  	[tilespmem:v2+s12+$0x0] =	vst.idx.add.f32.msk $0xffff, v1  }
0x122: {  	v2 =	vld [tilespmem:s17+$0x380];
	_ =	sdelay $0x7  }
0x123: {  	[tilespmem:v2+s12+$0x0] =	vst.idx.add.f32.msk $0xffff, v1  }
0x124: {  	v2 =	vld [tilespmem:s17+$0x390];
	_ =	sdelay $0x7  }
0x125: {  	[tilespmem:v2+s12+$0x0] =	vst.idx.add.f32.msk $0xffff, v1  }
0x126: {  	v2 =	vld [tilespmem:s17+$0x3A0];
	_ =	sdelay $0x7  }
0x127: {  	[tilespmem:v2+s12+$0x0] =	vst.idx.add.f32.msk $0xffff, v1  }
0x128: {  	v2 =	vld [tilespmem:s17+$0x3B0];
	_ =	sdelay $0x7  }
0x129: {  	[tilespmem:v2+s12+$0x0] =	vst.idx.add.f32.msk $0xffff, v1  }
0x12a: {  	v2 =	vld [tilespmem:s17+$0x3C0];
	_ =	sdelay $0x7  }
0x12b: {  	[tilespmem:v2+s12+$0x0] =	vst.idx.add.f32.msk $0xffff, v1  }
0x12c: {  	v2 =	vld [tilespmem:s17+$0x3D0];
	_ =	sdelay $0x7  }
0x12d: {  	[tilespmem:v2+s12+$0x0] =	vst.idx.add.f32.msk $0xffff, v1  }
0x12e: {  	v2 =	vld [tilespmem:s17+$0x3E0];
	_ =	sdelay $0x7  }
0x12f: {  	[tilespmem:v2+s12+$0x0] =	vst.idx.add.f32.msk $0xffff, v1  }
0x130: {  	v2 =	vld [tilespmem:s17+$0x3F0];
	_ =	sdelay $0x2  }
0x131: {  	p1 =	seq.s32 s5, s15  }
.Ltmp6:
0x132: {  	_ = 	snop;
	(pc) =	sbr.rel @!p1 .LBB2_5-.Ltmp6, $2  }
0x133: {  	_ =	sdelay $0x2  }
0x134: {  	s16 =	sadd.s32 $0x400, s16;
	[tilespmem:v2+s12+$0x0] =	vst.idx.add.f32.msk $0xffff, v1  }
.Ltmp7:
0x135: {  	_ = 	snop;
	(pc) =	sbr.rel .LBB2_8-.Ltmp7, $1  }
0x136: {  	_ =	sdelay $0x3  }
.LBB2_9:
0x137: {  	_ =	sfence.sel $0x180000  }
0x138: {  	[bflag:$0x0] =	sbarrier.arrive $0xFFFF  }
0x139: {  	p0 =	sne.s32 s1, $0x0;
	_ =	strace $0x90000047  }
0x13a: {  	s0 =	sadd.s32 @!p0 $0x100000, s0;
	[bflag:$0x2] =	sbarrier.arrive $0xFFFF  }
0x13b: {  	[sflag:s0] =	ssyncadd.tile.s32 @!p0 $0x1;
	_ =	shalt  }
.Lfunc_end2:
_tile_overlayer_lowered:
.L_overlay_start_2:
0x13c: {  	(tag) =	ssettag $0x2  }
0x13d: {  	s0 =	rddreg [dreg:$0x0];
	s2 =	stileid.u32  }
0x13e: {  	s1 =	rddreg [dreg:$0x1];
	p0 =	sne.s32 s2, $0x0  }
0x13f: {  	s3 =	rddreg [dreg:$0x2];
	[bflag:$0x3] =	sbarrier.arrive $0xFFFF;
	s2 =	simm.s32 @!p0 $0x1C02  }
0x140: {  	[timem:s3], [sflag:s2] =	dma.local @!p0 [hbm:s0], s1  }
0x141: {  	s0 =	simm.s32 @!p0 $0x2  }
0x142: {  	_ =	swait.ge @!p0 [sflag:s0], s1  }
0x143: {  	s1 =	ssub.s32 @!p0 $0x0, s1;
	[sflag:s0] =	ssyncset.done @!p0 $0x0  }
0x144: {  	[sflag:s0] =	ssyncadd.s32 @!p0 s1  }
0x145: {  	[bflag:$0x3] =	sbarrier.arrive $0xFFFF  }
0x146: {  	_ =	shalt  }

</sc_bundles>
